<compile_context>
chip_gen: v7x
topology: tpu7x:2x2x1
jax: 0.10.2.dev20260603
libtpu: 0.0.44.dev20260713+nightly
codegen_flags: <defaults>
</compile_context>

<pallas_src>
import jax
import jax.numpy as jnp
from jax import lax
from jax.experimental import pallas as pl
from jax.experimental.pallas import tpu as pltpu
from jax.experimental.pallas import tpu_sc as plsc

BATCH = 65536
INP = 65536
OUT = 64
NNZ = 4194304

NW = 32
VW_PER_W = 4
NVW = NW * VW_PER_W
ROWS_PER_VW = BATCH // NVW
TRASH = ROWS_PER_VW
B = 512
GCH = 128


def _sc_body(val_hbm, row_hbm, col_hbm, w_hbm, off_hbm, out_hbm,
             colv0, colv1, g0, g1, rows0, rows1, vals0, vals1,
             win, off_v, scol0, scol1, srv0, srv1, sg0, sg1):
    wid = lax.axis_index("s") * 2 + lax.axis_index("c")

    pltpu.sync_copy(off_hbm.at[pl.ds((wid // 2) * 8, 16)], off_v)
    osel = (wid % 2) * VW_PER_W

    iota = lax.iota(jnp.int32, 16)
    zvec = jnp.zeros((16,), jnp.float32)

    def stage_start(b):
        return jnp.minimum(b * B, NNZ - B)

    def issue_col(b, colv, sem):
        pltpu.async_copy(col_hbm.at[pl.ds(stage_start(b), B)], colv, sem)

    def wait_col(colv, sem):
        pltpu.make_async_copy(col_hbm.at[pl.ds(0, B)], colv, sem).wait()

    def issue_rowval(b, rows, vals, sem):
        s = stage_start(b)
        pltpu.async_copy(row_hbm.at[pl.ds(s, B)], rows.at[pl.ds(16, B)], sem)
        pltpu.async_copy(val_hbm.at[pl.ds(s, B)], vals.at[pl.ds(0, B)], sem)

    def wait_rowval(rows, vals, sem):
        pltpu.make_async_copy(row_hbm.at[pl.ds(0, B)],
                              rows.at[pl.ds(16, B)], sem).wait()
        pltpu.make_async_copy(val_hbm.at[pl.ds(0, B)],
                              vals.at[pl.ds(0, B)], sem).wait()

    def fire_gather(colv, g, sem):
        for c in range(B // GCH):
            pltpu.async_copy(w_hbm.at[colv.at[pl.ds(c * GCH, GCH)]],
                             g.at[pl.ds(c * GCH, GCH)], sem)

    def wait_gather(colv, g, sem):
        for c in range(B // GCH):
            pltpu.make_async_copy(w_hbm.at[colv.at[pl.ds(0, GCH)]],
                                  g.at[pl.ds(c * GCH, GCH)], sem).wait()

    def vw_body(i, _):
        row_base = (wid * VW_PER_W + i) * ROWS_PER_VW
        ov = off_v[0:16]
        lo = jnp.sum(jnp.where(iota == osel + i, ov, 0))
        hi = jnp.sum(jnp.where(iota == osel + i + 1, ov, 0))

        def zero_body(zi, _):
            win[zi, 0:16] = zvec
            win[zi, 16:32] = zvec
            win[zi, 32:48] = zvec
            win[zi, 48:64] = zvec
            return 0
        lax.fori_loop(0, ROWS_PER_VW + 1, zero_body, 0)

        k0 = lo // B
        nblk = jnp.maximum((hi + B - 1) // B - k0, 0)
        npair = jnp.maximum((nblk + 1) // 2, 1)

        def compute(b, g, rows, vals, carry):
            lo_j = jnp.clip(lo - b * B, 0, B)
            hi_j = jnp.clip(hi - b * B, 0, B)

            def grp_body(gi, c):
                b0, b1, b2, b3 = c
                j0 = gi * 8
                jv = j0 + iota
                okv = (jv >= lo_j) & (jv < hi_j)
                cur = rows[pl.ds(16 + j0, 16)]
                prv = rows[pl.ds(15 + j0, 16)]
                nxt = rows[pl.ds(17 + j0, 16)]
                keepv = jnp.where(cur == prv, 1.0, 0.0)
                rv_eff = jnp.where(okv, cur - row_base, TRASH)
                vv_eff = jnp.where(okv, vals[pl.ds(j0, 16)], 0.0)
                endv = (cur != nxt) | (jv + 1 >= hi_j)
                rs = jnp.where(endv, rv_eff, TRASH)
                p = []
                for lane in range(8):
                    v = vv_eff[lane]
                    jj = j0 + lane
                    p.append((v * g[jj, 0:16], v * g[jj, 16:32],
                              v * g[jj, 32:48], v * g[jj, 48:64]))
                for lane in range(8):
                    k = keepv[lane]
                    r = rs[lane]
                    b0 = b0 * k + p[lane][0]
                    b1 = b1 * k + p[lane][1]
                    b2 = b2 * k + p[lane][2]
                    b3 = b3 * k + p[lane][3]
                    win[r, 0:16] = b0
                    win[r, 16:32] = b1
                    win[r, 32:48] = b2
                    win[r, 48:64] = b3
                return (b0, b1, b2, b3)

            return plsc.parallel_loop(lo_j // 8, (hi_j + 7) // 8,
                                      carry=carry)(grp_body)

        issue_col(k0, colv0, scol0)
        issue_rowval(k0, rows0, vals0, srv0)
        issue_col(k0 + 1, colv1, scol1)
        issue_rowval(k0 + 1, rows1, vals1, srv1)
        wait_col(colv0, scol0)
        fire_gather(colv0, g0, sg0)
        wait_col(colv1, scol1)
        fire_gather(colv1, g1, sg1)

        def pair_body(t, carry):
            b0 = k0 + 2 * t
            wait_gather(colv0, g0, sg0)
            issue_col(b0 + 2, colv0, scol0)
            wait_rowval(rows0, vals0, srv0)
            carry = compute(b0, g0, rows0, vals0, carry)
            rows1[pl.ds(0, 16)] = rows0[pl.ds(B, 16)]
            issue_rowval(b0 + 2, rows0, vals0, srv0)
            wait_col(colv0, scol0)
            fire_gather(colv0, g0, sg0)
            wait_gather(colv1, g1, sg1)
            issue_col(b0 + 3, colv1, scol1)
            wait_rowval(rows1, vals1, srv1)
            carry = compute(b0 + 1, g1, rows1, vals1, carry)
            rows0[pl.ds(0, 16)] = rows1[pl.ds(B, 16)]
            issue_rowval(b0 + 3, rows1, vals1, srv1)
            wait_col(colv1, scol1)
            fire_gather(colv1, g1, sg1)
            return carry

        lax.fori_loop(0, npair, pair_body, (zvec, zvec, zvec, zvec))

        wait_gather(colv0, g0, sg0)
        wait_gather(colv1, g1, sg1)
        wait_rowval(rows0, vals0, srv0)
        wait_rowval(rows1, vals1, srv1)

        pltpu.sync_copy(win.at[pl.ds(0, ROWS_PER_VW), :],
                        out_hbm.at[pl.ds(row_base, ROWS_PER_VW), :])
        return 0

    lax.fori_loop(0, VW_PER_W, vw_body, 0)


@jax.jit
def _sc_spmm(values, row32, col32, W, off):
    mesh = plsc.VectorSubcoreMesh(core_axis_name="c", subcore_axis_name="s")
    return pl.kernel(
        _sc_body,
        out_type=jax.ShapeDtypeStruct((BATCH, OUT), jnp.float32),
        mesh=mesh,
        compiler_params=pltpu.CompilerParams(use_tc_tiling_on_sc=False,
                                             needs_layout_passes=False),
        scratch_types=[
            pltpu.VMEM((B,), jnp.int32),
            pltpu.VMEM((B,), jnp.int32),
            pltpu.VMEM((B, OUT), jnp.float32),
            pltpu.VMEM((B, OUT), jnp.float32),
            pltpu.VMEM((32 + B,), jnp.int32),
            pltpu.VMEM((32 + B,), jnp.int32),
            pltpu.VMEM((16 + B,), jnp.float32),
            pltpu.VMEM((16 + B,), jnp.float32),
            pltpu.VMEM((ROWS_PER_VW + 1, OUT), jnp.float32),
            pltpu.VMEM((16,), jnp.int32),
            pltpu.SemaphoreType.DMA,
            pltpu.SemaphoreType.DMA,
            pltpu.SemaphoreType.DMA,
            pltpu.SemaphoreType.DMA,
            pltpu.SemaphoreType.DMA,
            pltpu.SemaphoreType.DMA,
        ],
    )(values, row32, col32, W, off)


def kernel(values, row_indices, col_indices, W):
    row32 = row_indices.astype(jnp.int32)
    col32 = col_indices.astype(jnp.int32)
    bounds = jnp.searchsorted(
        row32, (jnp.arange(NVW + 1, dtype=jnp.int32) * ROWS_PER_VW),
        method="scan_unrolled").astype(jnp.int32)
    off = jnp.concatenate(
        [bounds, jnp.full((15,), NNZ, dtype=jnp.int32)])
    return _sc_spmm(values, row32, col32, W, off)

# --- scband reference (transcript-rebuilt; emitter-appended) ---
"""Pipeline reference for scband-sparse-linear-16149077033887 (READ-ONLY COPY).

The authoritative reference and input builder live on the scoring server;
editing this copy changes nothing except your own understanding.
"""

import jax, jax.numpy as jnp
import numpy as np

BATCH = 65536   # number of sparse input rows
INP = 65536     # inp_units
OUT = 64        # out_units
NNZ = 4194304   # density ~0.001


def setup_inputs(seed: int = 0) -> dict:
    key = jax.random.key(seed)
    k1, k2, k3, k4 = jax.random.split(key, 4)
    values = jax.random.normal(k1, (NNZ,), dtype=jnp.float32)
    # SparseTensor indices are lexicographically ordered: sort row indices
    row_indices = jnp.sort(jax.random.randint(k2, (NNZ,), 0, BATCH)).astype(jnp.int64)
    col_indices = jax.random.randint(k3, (NNZ,), 0, INP).astype(jnp.int64)
    # learned weight from build(): shape (inp_units, out_units), random_normal init
    W = jax.random.normal(k4, (INP, OUT), dtype=jnp.float32) * 0.05
    return {"values": values, "row_indices": row_indices, "col_indices": col_indices, "W": W}


def reference(values, row_indices, col_indices, W):
    # tf.sparse.sparse_dense_matmul(sp_inputs, W):
    # out[r, :] = sum over nnz with row==r of values * W[col, :]
    gathered = jnp.take(W, col_indices, axis=0)            # [NNZ, OUT] gather
    contrib = gathered * values[:, None]                   # [NNZ, OUT]
    out = jnp.zeros((BATCH, OUT), dtype=W.dtype).at[row_indices].add(contrib)  # scatter-add
    return out

if __name__ == "__main__":
    import jax
    _d = setup_inputs()
    print(jax.jit(kernel)(*tuple(_d.values())))

</pallas_src>

<mosaic_0001>
#map = affine_map<(d0, d1) -> (0)>
#map1 = affine_map<(d0, d1) -> (0, 0)>
module attributes {stable_mosaic.version = 14 : i64} {
  func.func @_sc_body(%arg0: i32, %arg1: i32, %arg2: memref<4194304xf32, #tpu.memory_space<hbm>>, %arg3: memref<4194304xi32, #tpu.memory_space<hbm>>, %arg4: memref<4194304xi32, #tpu.memory_space<hbm>>, %arg5: memref<65536x64xf32, #tpu.memory_space<hbm>>, %arg6: memref<144xi32, #tpu.memory_space<hbm>>, %arg7: memref<65536x64xf32, #tpu.memory_space<hbm>>, %arg8: memref<512xi32, #tpu.memory_space<vmem>>, %arg9: memref<512xi32, #tpu.memory_space<vmem>>, %arg10: memref<512x64xf32, #tpu.memory_space<vmem>>, %arg11: memref<512x64xf32, #tpu.memory_space<vmem>>, %arg12: memref<544xi32, #tpu.memory_space<vmem>>, %arg13: memref<544xi32, #tpu.memory_space<vmem>>, %arg14: memref<528xf32, #tpu.memory_space<vmem>>, %arg15: memref<528xf32, #tpu.memory_space<vmem>>, %arg16: memref<513x64xf32, #tpu.memory_space<vmem>>, %arg17: memref<16xi32, #tpu.memory_space<vmem>>, %arg18: memref<!tpu.dma_semaphore, #tpu.memory_space<semaphore_mem>>, %arg19: memref<!tpu.dma_semaphore, #tpu.memory_space<semaphore_mem>>, %arg20: memref<!tpu.dma_semaphore, #tpu.memory_space<semaphore_mem>>, %arg21: memref<!tpu.dma_semaphore, #tpu.memory_space<semaphore_mem>>, %arg22: memref<!tpu.dma_semaphore, #tpu.memory_space<semaphore_mem>>, %arg23: memref<!tpu.dma_semaphore, #tpu.memory_space<semaphore_mem>>) attributes {dimension_semantics = [#tpu.dimension_semantics<core_parallel>, #tpu.dimension_semantics<subcore_parallel>], iteration_bounds = array<i64: 2, 16>, scalar_prefetch = 0 : i64, scratch_operands = 16 : i64, tpu.core_type = #tpu.core_type<sc_vector_subcore>, window_params = [{transform_indices = #map}, {transform_indices = #map}, {transform_indices = #map}, {transform_indices = #map1}, {transform_indices = #map}, {transform_indices = #map1}]} {
    %mul3A = arith.constant 2 : i32
    %mul3A_0 = arith.muli %arg1, %mul3A : i32
    %add3A = arith.addi %mul3A_0, %arg0 : i32
    %jit3A = arith.constant 2 : i32
    %div3A = arith.divsi %add3A, %jit3A : i32
    %sign3A = arith.constant 0 : i32
    %sign3A_1 = arith.cmpi sgt, %add3A, %sign3A : i32
    %sign3A_2 = arith.extui %sign3A_1 : i1 to i32
    %sign3A_3 = arith.constant 0 : i32
    %sign3A_4 = arith.cmpi slt, %add3A, %sign3A_3 : i32
    %sign3A_5 = arith.extui %sign3A_4 : i1 to i32
    %sign3A_6 = arith.subi %sign3A_2, %sign3A_5 : i32
    %sign3A_7 = arith.constant 0 : i32
    %sign3A_8 = arith.cmpi sgt, %jit3A, %sign3A_7 : i32
    %sign3A_9 = arith.extui %sign3A_8 : i1 to i32
    %sign3A_10 = arith.constant 0 : i32
    %sign3A_11 = arith.cmpi slt, %jit3A, %sign3A_10 : i32
    %sign3A_12 = arith.extui %sign3A_11 : i1 to i32
    %sign3A_13 = arith.subi %sign3A_9, %sign3A_12 : i32
    %ne3A = arith.cmpi ne, %sign3A_6, %sign3A_13 : i32
    %rem3A = arith.remsi %add3A, %jit3A : i32
    %ne3A_14 = arith.constant 0 : i32
    %ne3A_15 = arith.cmpi ne, %rem3A, %ne3A_14 : i32
    %and3A = arith.andi %ne3A, %ne3A_15 : i1
    %sub3A = arith.constant 1 : i32
    %sub3A_16 = arith.subi %div3A, %sub3A : i32
    %select_n3A = arith.select %and3A, %sub3A_16, %div3A : i32
    %mul3A_17 = arith.constant 8 : i32
    %mul3A_18 = arith.muli %select_n3A, %mul3A_17 : i32
    "tpu.region"() ({
      %run_scoped3A = tpu.sem_alloc : memref<!tpu.dma_semaphore, #tpu.memory_space<semaphore_mem>>
      %dma_start3A = tpu.memref_slice %arg6[%mul3A_18] : memref<144xi32, #tpu.memory_space<hbm>> -> memref<16xi32, #tpu.memory_space<hbm>>
      %dma_start3A_42 = tpu.memref_slice %arg6[%mul3A_18] : memref<144xi32, #tpu.memory_space<hbm>> -> memref<16xi32, #tpu.memory_space<hbm>>
      tpu.enqueue_dma source(%dma_start3A_42 : memref<16xi32, #tpu.memory_space<hbm>>) target(%arg17 : memref<16xi32, #tpu.memory_space<vmem>>) target_semaphore(%run_scoped3A : memref<!tpu.dma_semaphore, #tpu.memory_space<semaphore_mem>>)
      %dma_wait3A = tpu.memref_slice %arg6[%mul3A_18] : memref<144xi32, #tpu.memory_space<hbm>> -> memref<16xi32, #tpu.memory_space<hbm>>
      %dma_wait3A_43 = tpu.memref_slice %arg6[%mul3A_18] : memref<144xi32, #tpu.memory_space<hbm>> -> memref<16xi32, #tpu.memory_space<hbm>>
      tpu.wait_dma2 semaphore(%run_scoped3A : memref<!tpu.dma_semaphore, #tpu.memory_space<semaphore_mem>>) src(%dma_wait3A_43 : memref<16xi32, #tpu.memory_space<hbm>>) dst(%arg17 : memref<16xi32, #tpu.memory_space<vmem>>)
      tpu.yield
    }) : () -> ()
    %jit3A_19 = arith.constant 2 : i32
    %eq3A = arith.constant 0 : i32
    %eq3A_20 = arith.cmpi eq, %jit3A_19, %eq3A : i32
    %jit3A_21 = arith.constant 1 : i32
    %select_n3A_22 = arith.select %eq3A_20, %jit3A_21, %jit3A_19 : i32
    %rem3A_23 = arith.remsi %add3A, %select_n3A_22 : i32
    %ne3A_24 = arith.constant 0 : i32
    %ne3A_25 = arith.cmpi ne, %rem3A_23, %ne3A_24 : i32
    %lt3A = arith.constant 0 : i32
    %lt3A_26 = arith.cmpi slt, %rem3A_23, %lt3A : i32
    %lt3A_27 = arith.constant 0 : i32
    %lt3A_28 = arith.cmpi slt, %select_n3A_22, %lt3A_27 : i32
    %ne3A_29 = arith.xori %lt3A_26, %lt3A_28 : i1
    %and3A_30 = arith.andi %ne3A_29, %ne3A_25 : i1
    %add3A_31 = arith.addi %rem3A_23, %select_n3A_22 : i32
    %select_n3A_32 = arith.select %and3A_30, %add3A_31, %rem3A_23 : i32
    %mul3A_33 = arith.constant 4 : i32
    %mul3A_34 = arith.muli %select_n3A_32, %mul3A_33 : i32
    %iota3A = tpu.iota {dimensions = array<i32: 0>} : vector<16xi32>
    %broadcast_in_dim3A = arith.constant 0.000000e+00 : f32
    %broadcast_in_dim3A_35 = vector.broadcast %broadcast_in_dim3A : f32 to vector<16xf32>
    %scan3A = arith.constant 0 : i32
    %scan3A_36 = arith.constant 0 : i32
    %scan3A_37 = arith.constant 4 : i32
    %scan3A_38 = arith.addi %scan3A_36, %scan3A_37 : i32
    %scan3A_39 = arith.constant 1 : i32
    %scan3A_40 = scf.for %scan3A_42 = %scan3A_36 to %scan3A_38 step %scan3A_39 iter_args(%scan3A_43 = %scan3A) -> (i32)  : i32 {
      %mul3A_44 = arith.constant 4 : i32
      %mul3A_45 = arith.muli %add3A, %mul3A_44 : i32
      %add3A_46 = arith.addi %mul3A_45, %scan3A_42 : i32
      %mul3A_47 = arith.constant 512 : i32
      %mul3A_48 = arith.muli %add3A_46, %mul3A_47 : i32
      %get3A = arith.constant 0 : index
      %get3A_49 = tpu.vector_load %arg17[%get3A] {strides = array<i32>} : memref<16xi32, #tpu.memory_space<vmem>>, vector<16xi32>,
      %add3A_50 = arith.addi %mul3A_34, %scan3A_42 : i32
      %eq3A_51 = vector.broadcast %add3A_50 : i32 to vector<16xi32>
      %eq3A_52 = arith.cmpi eq, %iota3A, %eq3A_51 : vector<16xi32>
      %jit3A_53 = arith.constant 0 : i32
      %broadcast_in_dim3A_54 = vector.broadcast %jit3A_53 : i32 to vector<16xi32>
      %select_n3A_55 = arith.select %eq3A_52, %get3A_49, %broadcast_in_dim3A_54 : vector<16xi1>, vector<16xi32>
      %reduce_sum3A = arith.constant true
      %reduce_sum3A_56 = vector.broadcast %reduce_sum3A : i1 to vector<16xi1>
      %reduce_sum3A_57 = tpu.scan <sum>, %select_n3A_55 masked %reduce_sum3A_56 : vector<16xi32>, vector<16xi1> -> vector<16xi32>
      %reduce_sum3A_58 = vector.extract %reduce_sum3A_57[15] : i32 from vector<16xi32>
      %add3A_59 = arith.addi %mul3A_34, %scan3A_42 : i32
      %add3A_60 = arith.constant 1 : i32
      %add3A_61 = arith.addi %add3A_59, %add3A_60 : i32
      %eq3A_62 = vector.broadcast %add3A_61 : i32 to vector<16xi32>
      %eq3A_63 = arith.cmpi eq, %iota3A, %eq3A_62 : vector<16xi32>
      %jit3A_64 = arith.constant 0 : i32
      %broadcast_in_dim3A_65 = vector.broadcast %jit3A_64 : i32 to vector<16xi32>
      %select_n3A_66 = arith.select %eq3A_63, %get3A_49, %broadcast_in_dim3A_65 : vector<16xi1>, vector<16xi32>
      %reduce_sum3A_67 = arith.constant true
      %reduce_sum3A_68 = vector.broadcast %reduce_sum3A_67 : i1 to vector<16xi1>
      %reduce_sum3A_69 = tpu.scan <sum>, %select_n3A_66 masked %reduce_sum3A_68 : vector<16xi32>, vector<16xi1> -> vector<16xi32>
      %reduce_sum3A_70 = vector.extract %reduce_sum3A_69[15] : i32 from vector<16xi32>
      %scan3A_71 = arith.constant 0 : i32
      %scan3A_72 = arith.constant 0 : i32
      %scan3A_73 = arith.constant 513 : i32
      %scan3A_74 = arith.addi %scan3A_72, %scan3A_73 : i32
      %scan3A_75 = arith.constant 1 : i32
      %scan3A_76 = scf.for %scan3A_384 = %scan3A_72 to %scan3A_74 step %scan3A_75 iter_args(%scan3A_385 = %scan3A_71) -> (i32)  : i32 {
        %swap3A = arith.index_cast %scan3A_384 : i32 to index
        %swap3A_386 = arith.constant 0 : index
        %swap3A_387 = tpu.vector_load %arg16[%swap3A, %swap3A_386] {strides = array<i32>} : memref<513x64xf32, #tpu.memory_space<vmem>>, vector<16xf32>,
        tpu.vector_store %arg16[%swap3A, %swap3A_386], %broadcast_in_dim3A_35 {strides = array<i32>} : memref<513x64xf32, #tpu.memory_space<vmem>>, vector<16xf32>,
        %swap3A_388 = arith.index_cast %scan3A_384 : i32 to index
        %swap3A_389 = arith.constant 16 : index
        %swap3A_390 = tpu.vector_load %arg16[%swap3A_388, %swap3A_389] {strides = array<i32>} : memref<513x64xf32, #tpu.memory_space<vmem>>, vector<16xf32>,
        tpu.vector_store %arg16[%swap3A_388, %swap3A_389], %broadcast_in_dim3A_35 {strides = array<i32>} : memref<513x64xf32, #tpu.memory_space<vmem>>, vector<16xf32>,
        %swap3A_391 = arith.index_cast %scan3A_384 : i32 to index
        %swap3A_392 = arith.constant 32 : index
        %swap3A_393 = tpu.vector_load %arg16[%swap3A_391, %swap3A_392] {strides = array<i32>} : memref<513x64xf32, #tpu.memory_space<vmem>>, vector<16xf32>,
        tpu.vector_store %arg16[%swap3A_391, %swap3A_392], %broadcast_in_dim3A_35 {strides = array<i32>} : memref<513x64xf32, #tpu.memory_space<vmem>>, vector<16xf32>,
        %swap3A_394 = arith.index_cast %scan3A_384 : i32 to index
        %swap3A_395 = arith.constant 48 : index
        %swap3A_396 = tpu.vector_load %arg16[%swap3A_394, %swap3A_395] {strides = array<i32>} : memref<513x64xf32, #tpu.memory_space<vmem>>, vector<16xf32>,
        tpu.vector_store %arg16[%swap3A_394, %swap3A_395], %broadcast_in_dim3A_35 {strides = array<i32>} : memref<513x64xf32, #tpu.memory_space<vmem>>, vector<16xf32>,
        %scan3A_397 = arith.constant 0 : i32
        scf.yield %scan3A_397 : i32
      }
      %scan3A_77 = arith.constant 513 : i32
      %jit3A_78 = arith.constant 512 : i32
      %div3A_79 = arith.divsi %reduce_sum3A_58, %jit3A_78 : i32
      %sign3A_80 = arith.constant 0 : i32
      %sign3A_81 = arith.cmpi sgt, %reduce_sum3A_58, %sign3A_80 : i32
      %sign3A_82 = arith.extui %sign3A_81 : i1 to i32
      %sign3A_83 = arith.constant 0 : i32
      %sign3A_84 = arith.cmpi slt, %reduce_sum3A_58, %sign3A_83 : i32
      %sign3A_85 = arith.extui %sign3A_84 : i1 to i32
      %sign3A_86 = arith.subi %sign3A_82, %sign3A_85 : i32
      %sign3A_87 = arith.constant 0 : i32
      %sign3A_88 = arith.cmpi sgt, %jit3A_78, %sign3A_87 : i32
      %sign3A_89 = arith.extui %sign3A_88 : i1 to i32
      %sign3A_90 = arith.constant 0 : i32
      %sign3A_91 = arith.cmpi slt, %jit3A_78, %sign3A_90 : i32
      %sign3A_92 = arith.extui %sign3A_91 : i1 to i32
      %sign3A_93 = arith.subi %sign3A_89, %sign3A_92 : i32
      %ne3A_94 = arith.cmpi ne, %sign3A_86, %sign3A_93 : i32
      %rem3A_95 = arith.remsi %reduce_sum3A_58, %jit3A_78 : i32
      %ne3A_96 = arith.constant 0 : i32
      %ne3A_97 = arith.cmpi ne, %rem3A_95, %ne3A_96 : i32
      %and3A_98 = arith.andi %ne3A_94, %ne3A_97 : i1
      %sub3A_99 = arith.constant 1 : i32
      %sub3A_100 = arith.subi %div3A_79, %sub3A_99 : i32
      %select_n3A_101 = arith.select %and3A_98, %sub3A_100, %div3A_79 : i32
      %add3A_102 = arith.constant 512 : i32
      %add3A_103 = arith.addi %reduce_sum3A_70, %add3A_102 : i32
      %sub3A_104 = arith.constant 1 : i32
      %sub3A_105 = arith.subi %add3A_103, %sub3A_104 : i32
      %jit3A_106 = arith.constant 512 : i32
      %div3A_107 = arith.divsi %sub3A_105, %jit3A_106 : i32
      %sign3A_108 = arith.constant 0 : i32
      %sign3A_109 = arith.cmpi sgt, %sub3A_105, %sign3A_108 : i32
      %sign3A_110 = arith.extui %sign3A_109 : i1 to i32
      %sign3A_111 = arith.constant 0 : i32
      %sign3A_112 = arith.cmpi slt, %sub3A_105, %sign3A_111 : i32
      %sign3A_113 = arith.extui %sign3A_112 : i1 to i32
      %sign3A_114 = arith.subi %sign3A_110, %sign3A_113 : i32
      %sign3A_115 = arith.constant 0 : i32
      %sign3A_116 = arith.cmpi sgt, %jit3A_106, %sign3A_115 : i32
      %sign3A_117 = arith.extui %sign3A_116 : i1 to i32
      %sign3A_118 = arith.constant 0 : i32
      %sign3A_119 = arith.cmpi slt, %jit3A_106, %sign3A_118 : i32
      %sign3A_120 = arith.extui %sign3A_119 : i1 to i32
      %sign3A_121 = arith.subi %sign3A_117, %sign3A_120 : i32
      %ne3A_122 = arith.cmpi ne, %sign3A_114, %sign3A_121 : i32
      %rem3A_123 = arith.remsi %sub3A_105, %jit3A_106 : i32
      %ne3A_124 = arith.constant 0 : i32
      %ne3A_125 = arith.cmpi ne, %rem3A_123, %ne3A_124 : i32
      %and3A_126 = arith.andi %ne3A_122, %ne3A_125 : i1
      %sub3A_127 = arith.constant 1 : i32
      %sub3A_128 = arith.subi %div3A_107, %sub3A_127 : i32
      %select_n3A_129 = arith.select %and3A_126, %sub3A_128, %div3A_107 : i32
      %sub3A_130 = arith.subi %select_n3A_129, %select_n3A_101 : i32
      %max3A = arith.constant 0 : i32
      %max3A_131 = arith.maxsi %sub3A_130, %max3A : i32
      %add3A_132 = arith.constant 1 : i32
      %add3A_133 = arith.addi %max3A_131, %add3A_132 : i32
      %jit3A_134 = arith.constant 2 : i32
      %div3A_135 = arith.divsi %add3A_133, %jit3A_134 : i32
      %sign3A_136 = arith.constant 0 : i32
      %sign3A_137 = arith.cmpi sgt, %add3A_133, %sign3A_136 : i32
      %sign3A_138 = arith.extui %sign3A_137 : i1 to i32
      %sign3A_139 = arith.constant 0 : i32
      %sign3A_140 = arith.cmpi slt, %add3A_133, %sign3A_139 : i32
      %sign3A_141 = arith.extui %sign3A_140 : i1 to i32
      %sign3A_142 = arith.subi %sign3A_138, %sign3A_141 : i32
      %sign3A_143 = arith.constant 0 : i32
      %sign3A_144 = arith.cmpi sgt, %jit3A_134, %sign3A_143 : i32
      %sign3A_145 = arith.extui %sign3A_144 : i1 to i32
      %sign3A_146 = arith.constant 0 : i32
      %sign3A_147 = arith.cmpi slt, %jit3A_134, %sign3A_146 : i32
      %sign3A_148 = arith.extui %sign3A_147 : i1 to i32
      %sign3A_149 = arith.subi %sign3A_145, %sign3A_148 : i32
      %ne3A_150 = arith.cmpi ne, %sign3A_142, %sign3A_149 : i32
      %rem3A_151 = arith.remsi %add3A_133, %jit3A_134 : i32
      %ne3A_152 = arith.constant 0 : i32
      %ne3A_153 = arith.cmpi ne, %rem3A_151, %ne3A_152 : i32
      %and3A_154 = arith.andi %ne3A_150, %ne3A_153 : i1
      %sub3A_155 = arith.constant 1 : i32
      %sub3A_156 = arith.subi %div3A_135, %sub3A_155 : i32
      %select_n3A_157 = arith.select %and3A_154, %sub3A_156, %div3A_135 : i32
      %max3A_158 = arith.constant 1 : i32
      %max3A_159 = arith.maxsi %select_n3A_157, %max3A_158 : i32
      %mul3A_160 = arith.constant 512 : i32
      %mul3A_161 = arith.muli %select_n3A_101, %mul3A_160 : i32
      %min3A = arith.constant 4193792 : i32
      %min3A_162 = arith.minsi %mul3A_161, %min3A : i32
      %dma_start3A = tpu.memref_slice %arg4[%min3A_162] : memref<4194304xi32, #tpu.memory_space<hbm>> -> memref<512xi32, #tpu.memory_space<hbm>>
      %dma_start3A_163 = tpu.memref_slice %arg4[%min3A_162] : memref<4194304xi32, #tpu.memory_space<hbm>> -> memref<512xi32, #tpu.memory_space<hbm>>
      tpu.enqueue_dma source(%dma_start3A_163 : memref<512xi32, #tpu.memory_space<hbm>>) target(%arg8 : memref<512xi32, #tpu.memory_space<vmem>>) target_semaphore(%arg18 : memref<!tpu.dma_semaphore, #tpu.memory_space<semaphore_mem>>)
      %mul3A_164 = arith.constant 512 : i32
      %mul3A_165 = arith.muli %select_n3A_101, %mul3A_164 : i32
      %min3A_166 = arith.constant 4193792 : i32
      %min3A_167 = arith.minsi %mul3A_165, %min3A_166 : i32
      %dma_start3A_168 = arith.constant 16 : i32
      %dma_start3A_169 = tpu.memref_slice %arg12[%dma_start3A_168] : memref<544xi32, #tpu.memory_space<vmem>> -> memref<512xi32, #tpu.memory_space<vmem>>
      %dma_start3A_170 = tpu.memref_slice %arg3[%min3A_167] : memref<4194304xi32, #tpu.memory_space<hbm>> -> memref<512xi32, #tpu.memory_space<hbm>>
      %dma_start3A_171 = arith.constant 16 : i32
      %dma_start3A_172 = tpu.memref_slice %arg12[%dma_start3A_171] : memref<544xi32, #tpu.memory_space<vmem>> -> memref<512xi32, #tpu.memory_space<vmem>>
      %dma_start3A_173 = tpu.memref_slice %arg3[%min3A_167] : memref<4194304xi32, #tpu.memory_space<hbm>> -> memref<512xi32, #tpu.memory_space<hbm>>
      tpu.enqueue_dma source(%dma_start3A_173 : memref<512xi32, #tpu.memory_space<hbm>>) target(%dma_start3A_172 : memref<512xi32, #tpu.memory_space<vmem>>) target_semaphore(%arg20 : memref<!tpu.dma_semaphore, #tpu.memory_space<semaphore_mem>>)
      %dma_start3A_174 = arith.constant 0 : i32
      %dma_start3A_175 = tpu.memref_slice %arg14[%dma_start3A_174] : memref<528xf32, #tpu.memory_space<vmem>> -> memref<512xf32, #tpu.memory_space<vmem>>
      %dma_start3A_176 = tpu.memref_slice %arg2[%min3A_167] : memref<4194304xf32, #tpu.memory_space<hbm>> -> memref<512xf32, #tpu.memory_space<hbm>>
      %dma_start3A_177 = arith.constant 0 : i32
      %dma_start3A_178 = tpu.memref_slice %arg14[%dma_start3A_177] : memref<528xf32, #tpu.memory_space<vmem>> -> memref<512xf32, #tpu.memory_space<vmem>>
      %dma_start3A_179 = tpu.memref_slice %arg2[%min3A_167] : memref<4194304xf32, #tpu.memory_space<hbm>> -> memref<512xf32, #tpu.memory_space<hbm>>
      tpu.enqueue_dma source(%dma_start3A_179 : memref<512xf32, #tpu.memory_space<hbm>>) target(%dma_start3A_178 : memref<512xf32, #tpu.memory_space<vmem>>) target_semaphore(%arg20 : memref<!tpu.dma_semaphore, #tpu.memory_space<semaphore_mem>>)
      %add3A_180 = arith.constant 1 : i32
      %add3A_181 = arith.addi %select_n3A_101, %add3A_180 : i32
      %mul3A_182 = arith.constant 512 : i32
      %mul3A_183 = arith.muli %add3A_181, %mul3A_182 : i32
      %min3A_184 = arith.constant 4193792 : i32
      %min3A_185 = arith.minsi %mul3A_183, %min3A_184 : i32
      %dma_start3A_186 = tpu.memref_slice %arg4[%min3A_185] : memref<4194304xi32, #tpu.memory_space<hbm>> -> memref<512xi32, #tpu.memory_space<hbm>>
      %dma_start3A_187 = tpu.memref_slice %arg4[%min3A_185] : memref<4194304xi32, #tpu.memory_space<hbm>> -> memref<512xi32, #tpu.memory_space<hbm>>
      tpu.enqueue_dma source(%dma_start3A_187 : memref<512xi32, #tpu.memory_space<hbm>>) target(%arg9 : memref<512xi32, #tpu.memory_space<vmem>>) target_semaphore(%arg19 : memref<!tpu.dma_semaphore, #tpu.memory_space<semaphore_mem>>)
      %add3A_188 = arith.constant 1 : i32
      %add3A_189 = arith.addi %select_n3A_101, %add3A_188 : i32
      %mul3A_190 = arith.constant 512 : i32
      %mul3A_191 = arith.muli %add3A_189, %mul3A_190 : i32
      %min3A_192 = arith.constant 4193792 : i32
      %min3A_193 = arith.minsi %mul3A_191, %min3A_192 : i32
      %dma_start3A_194 = arith.constant 16 : i32
      %dma_start3A_195 = tpu.memref_slice %arg13[%dma_start3A_194] : memref<544xi32, #tpu.memory_space<vmem>> -> memref<512xi32, #tpu.memory_space<vmem>>
      %dma_start3A_196 = tpu.memref_slice %arg3[%min3A_193] : memref<4194304xi32, #tpu.memory_space<hbm>> -> memref<512xi32, #tpu.memory_space<hbm>>
      %dma_start3A_197 = arith.constant 16 : i32
      %dma_start3A_198 = tpu.memref_slice %arg13[%dma_start3A_197] : memref<544xi32, #tpu.memory_space<vmem>> -> memref<512xi32, #tpu.memory_space<vmem>>
      %dma_start3A_199 = tpu.memref_slice %arg3[%min3A_193] : memref<4194304xi32, #tpu.memory_space<hbm>> -> memref<512xi32, #tpu.memory_space<hbm>>
      tpu.enqueue_dma source(%dma_start3A_199 : memref<512xi32, #tpu.memory_space<hbm>>) target(%dma_start3A_198 : memref<512xi32, #tpu.memory_space<vmem>>) target_semaphore(%arg21 : memref<!tpu.dma_semaphore, #tpu.memory_space<semaphore_mem>>)
      %dma_start3A_200 = arith.constant 0 : i32
      %dma_start3A_201 = tpu.memref_slice %arg15[%dma_start3A_200] : memref<528xf32, #tpu.memory_space<vmem>> -> memref<512xf32, #tpu.memory_space<vmem>>
      %dma_start3A_202 = tpu.memref_slice %arg2[%min3A_193] : memref<4194304xf32, #tpu.memory_space<hbm>> -> memref<512xf32, #tpu.memory_space<hbm>>
      %dma_start3A_203 = arith.constant 0 : i32
      %dma_start3A_204 = tpu.memref_slice %arg15[%dma_start3A_203] : memref<528xf32, #tpu.memory_space<vmem>> -> memref<512xf32, #tpu.memory_space<vmem>>
      %dma_start3A_205 = tpu.memref_slice %arg2[%min3A_193] : memref<4194304xf32, #tpu.memory_space<hbm>> -> memref<512xf32, #tpu.memory_space<hbm>>
      tpu.enqueue_dma source(%dma_start3A_205 : memref<512xf32, #tpu.memory_space<hbm>>) target(%dma_start3A_204 : memref<512xf32, #tpu.memory_space<vmem>>) target_semaphore(%arg21 : memref<!tpu.dma_semaphore, #tpu.memory_space<semaphore_mem>>)
      %dma_wait3A = arith.constant 0 : i32
      %dma_wait3A_206 = tpu.memref_slice %arg4[%dma_wait3A] : memref<4194304xi32, #tpu.memory_space<hbm>> -> memref<512xi32, #tpu.memory_space<hbm>>
      %dma_wait3A_207 = arith.constant 0 : i32
      %dma_wait3A_208 = tpu.memref_slice %arg4[%dma_wait3A_207] : memref<4194304xi32, #tpu.memory_space<hbm>> -> memref<512xi32, #tpu.memory_space<hbm>>
      tpu.wait_dma2 semaphore(%arg18 : memref<!tpu.dma_semaphore, #tpu.memory_space<semaphore_mem>>) src(%dma_wait3A_208 : memref<512xi32, #tpu.memory_space<hbm>>) dst(%arg8 : memref<512xi32, #tpu.memory_space<vmem>>)
      %dma_start3A_209 = arith.constant 0 : i32
      %dma_start3A_210 = arith.constant 0 : i32
      %dma_start3A_211 = tpu.memref_slice %arg10[%dma_start3A_209, %dma_start3A_210] : memref<512x64xf32, #tpu.memory_space<vmem>> -> memref<128x64xf32, #tpu.memory_space<vmem>>
      %dma_start3A_212 = arith.constant 0 : i32
      %dma_start3A_213 = tpu.memref_slice %arg8[%dma_start3A_212] : memref<512xi32, #tpu.memory_space<vmem>> -> memref<128xi32, #tpu.memory_space<vmem>>
      %dma_start3A_214 = arith.constant 0 : i32
      %dma_start3A_215 = arith.constant 0 : i32
      %dma_start3A_216 = tpu.memref_slice %arg5[%dma_start3A_214, %dma_start3A_215] : memref<65536x64xf32, #tpu.memory_space<hbm>> -> memref<65536x64xf32, #tpu.memory_space<hbm>>
      tpu.enqueue_indirect_dma source(%dma_start3A_216 : memref<65536x64xf32, #tpu.memory_space<hbm>>) target(%dma_start3A_211 : memref<128x64xf32, #tpu.memory_space<vmem>>) offsets(%dma_start3A_213 : memref<128xi32, #tpu.memory_space<vmem>>) semaphore(%arg22 : memref<!tpu.dma_semaphore, #tpu.memory_space<semaphore_mem>>)
      %dma_start3A_217 = arith.constant 128 : i32
      %dma_start3A_218 = arith.constant 0 : i32
      %dma_start3A_219 = tpu.memref_slice %arg10[%dma_start3A_217, %dma_start3A_218] : memref<512x64xf32, #tpu.memory_space<vmem>> -> memref<128x64xf32, #tpu.memory_space<vmem>>
      %dma_start3A_220 = arith.constant 128 : i32
      %dma_start3A_221 = tpu.memref_slice %arg8[%dma_start3A_220] : memref<512xi32, #tpu.memory_space<vmem>> -> memref<128xi32, #tpu.memory_space<vmem>>
      %dma_start3A_222 = arith.constant 0 : i32
      %dma_start3A_223 = arith.constant 0 : i32
      %dma_start3A_224 = tpu.memref_slice %arg5[%dma_start3A_222, %dma_start3A_223] : memref<65536x64xf32, #tpu.memory_space<hbm>> -> memref<65536x64xf32, #tpu.memory_space<hbm>>
      tpu.enqueue_indirect_dma source(%dma_start3A_224 : memref<65536x64xf32, #tpu.memory_space<hbm>>) target(%dma_start3A_219 : memref<128x64xf32, #tpu.memory_space<vmem>>) offsets(%dma_start3A_221 : memref<128xi32, #tpu.memory_space<vmem>>) semaphore(%arg22 : memref<!tpu.dma_semaphore, #tpu.memory_space<semaphore_mem>>)
      %dma_start3A_225 = arith.constant 256 : i32
      %dma_start3A_226 = arith.constant 0 : i32
      %dma_start3A_227 = tpu.memref_slice %arg10[%dma_start3A_225, %dma_start3A_226] : memref<512x64xf32, #tpu.memory_space<vmem>> -> memref<128x64xf32, #tpu.memory_space<vmem>>
      %dma_start3A_228 = arith.constant 256 : i32
      %dma_start3A_229 = tpu.memref_slice %arg8[%dma_start3A_228] : memref<512xi32, #tpu.memory_space<vmem>> -> memref<128xi32, #tpu.memory_space<vmem>>
      %dma_start3A_230 = arith.constant 0 : i32
      %dma_start3A_231 = arith.constant 0 : i32
      %dma_start3A_232 = tpu.memref_slice %arg5[%dma_start3A_230, %dma_start3A_231] : memref<65536x64xf32, #tpu.memory_space<hbm>> -> memref<65536x64xf32, #tpu.memory_space<hbm>>
      tpu.enqueue_indirect_dma source(%dma_start3A_232 : memref<65536x64xf32, #tpu.memory_space<hbm>>) target(%dma_start3A_227 : memref<128x64xf32, #tpu.memory_space<vmem>>) offsets(%dma_start3A_229 : memref<128xi32, #tpu.memory_space<vmem>>) semaphore(%arg22 : memref<!tpu.dma_semaphore, #tpu.memory_space<semaphore_mem>>)
      %dma_start3A_233 = arith.constant 384 : i32
      %dma_start3A_234 = arith.constant 0 : i32
      %dma_start3A_235 = tpu.memref_slice %arg10[%dma_start3A_233, %dma_start3A_234] : memref<512x64xf32, #tpu.memory_space<vmem>> -> memref<128x64xf32, #tpu.memory_space<vmem>>
      %dma_start3A_236 = arith.constant 384 : i32
      %dma_start3A_237 = tpu.memref_slice %arg8[%dma_start3A_236] : memref<512xi32, #tpu.memory_space<vmem>> -> memref<128xi32, #tpu.memory_space<vmem>>
      %dma_start3A_238 = arith.constant 0 : i32
      %dma_start3A_239 = arith.constant 0 : i32
      %dma_start3A_240 = tpu.memref_slice %arg5[%dma_start3A_238, %dma_start3A_239] : memref<65536x64xf32, #tpu.memory_space<hbm>> -> memref<65536x64xf32, #tpu.memory_space<hbm>>
      tpu.enqueue_indirect_dma source(%dma_start3A_240 : memref<65536x64xf32, #tpu.memory_space<hbm>>) target(%dma_start3A_235 : memref<128x64xf32, #tpu.memory_space<vmem>>) offsets(%dma_start3A_237 : memref<128xi32, #tpu.memory_space<vmem>>) semaphore(%arg22 : memref<!tpu.dma_semaphore, #tpu.memory_space<semaphore_mem>>)
      %dma_wait3A_241 = arith.constant 0 : i32
      %dma_wait3A_242 = tpu.memref_slice %arg4[%dma_wait3A_241] : memref<4194304xi32, #tpu.memory_space<hbm>> -> memref<512xi32, #tpu.memory_space<hbm>>
      %dma_wait3A_243 = arith.constant 0 : i32
      %dma_wait3A_244 = tpu.memref_slice %arg4[%dma_wait3A_243] : memref<4194304xi32, #tpu.memory_space<hbm>> -> memref<512xi32, #tpu.memory_space<hbm>>
      tpu.wait_dma2 semaphore(%arg19 : memref<!tpu.dma_semaphore, #tpu.memory_space<semaphore_mem>>) src(%dma_wait3A_244 : memref<512xi32, #tpu.memory_space<hbm>>) dst(%arg9 : memref<512xi32, #tpu.memory_space<vmem>>)
      %dma_start3A_245 = arith.constant 0 : i32
      %dma_start3A_246 = arith.constant 0 : i32
      %dma_start3A_247 = tpu.memref_slice %arg11[%dma_start3A_245, %dma_start3A_246] : memref<512x64xf32, #tpu.memory_space<vmem>> -> memref<128x64xf32, #tpu.memory_space<vmem>>
      %dma_start3A_248 = arith.constant 0 : i32
      %dma_start3A_249 = tpu.memref_slice %arg9[%dma_start3A_248] : memref<512xi32, #tpu.memory_space<vmem>> -> memref<128xi32, #tpu.memory_space<vmem>>
      %dma_start3A_250 = arith.constant 0 : i32
      %dma_start3A_251 = arith.constant 0 : i32
      %dma_start3A_252 = tpu.memref_slice %arg5[%dma_start3A_250, %dma_start3A_251] : memref<65536x64xf32, #tpu.memory_space<hbm>> -> memref<65536x64xf32, #tpu.memory_space<hbm>>
      tpu.enqueue_indirect_dma source(%dma_start3A_252 : memref<65536x64xf32, #tpu.memory_space<hbm>>) target(%dma_start3A_247 : memref<128x64xf32, #tpu.memory_space<vmem>>) offsets(%dma_start3A_249 : memref<128xi32, #tpu.memory_space<vmem>>) semaphore(%arg23 : memref<!tpu.dma_semaphore, #tpu.memory_space<semaphore_mem>>)
      %dma_start3A_253 = arith.constant 128 : i32
      %dma_start3A_254 = arith.constant 0 : i32
      %dma_start3A_255 = tpu.memref_slice %arg11[%dma_start3A_253, %dma_start3A_254] : memref<512x64xf32, #tpu.memory_space<vmem>> -> memref<128x64xf32, #tpu.memory_space<vmem>>
      %dma_start3A_256 = arith.constant 128 : i32
      %dma_start3A_257 = tpu.memref_slice %arg9[%dma_start3A_256] : memref<512xi32, #tpu.memory_space<vmem>> -> memref<128xi32, #tpu.memory_space<vmem>>
      %dma_start3A_258 = arith.constant 0 : i32
      %dma_start3A_259 = arith.constant 0 : i32
      %dma_start3A_260 = tpu.memref_slice %arg5[%dma_start3A_258, %dma_start3A_259] : memref<65536x64xf32, #tpu.memory_space<hbm>> -> memref<65536x64xf32, #tpu.memory_space<hbm>>
      tpu.enqueue_indirect_dma source(%dma_start3A_260 : memref<65536x64xf32, #tpu.memory_space<hbm>>) target(%dma_start3A_255 : memref<128x64xf32, #tpu.memory_space<vmem>>) offsets(%dma_start3A_257 : memref<128xi32, #tpu.memory_space<vmem>>) semaphore(%arg23 : memref<!tpu.dma_semaphore, #tpu.memory_space<semaphore_mem>>)
      %dma_start3A_261 = arith.constant 256 : i32
      %dma_start3A_262 = arith.constant 0 : i32
      %dma_start3A_263 = tpu.memref_slice %arg11[%dma_start3A_261, %dma_start3A_262] : memref<512x64xf32, #tpu.memory_space<vmem>> -> memref<128x64xf32, #tpu.memory_space<vmem>>
      %dma_start3A_264 = arith.constant 256 : i32
      %dma_start3A_265 = tpu.memref_slice %arg9[%dma_start3A_264] : memref<512xi32, #tpu.memory_space<vmem>> -> memref<128xi32, #tpu.memory_space<vmem>>
      %dma_start3A_266 = arith.constant 0 : i32
      %dma_start3A_267 = arith.constant 0 : i32
      %dma_start3A_268 = tpu.memref_slice %arg5[%dma_start3A_266, %dma_start3A_267] : memref<65536x64xf32, #tpu.memory_space<hbm>> -> memref<65536x64xf32, #tpu.memory_space<hbm>>
      tpu.enqueue_indirect_dma source(%dma_start3A_268 : memref<65536x64xf32, #tpu.memory_space<hbm>>) target(%dma_start3A_263 : memref<128x64xf32, #tpu.memory_space<vmem>>) offsets(%dma_start3A_265 : memref<128xi32, #tpu.memory_space<vmem>>) semaphore(%arg23 : memref<!tpu.dma_semaphore, #tpu.memory_space<semaphore_mem>>)
      %dma_start3A_269 = arith.constant 384 : i32
      %dma_start3A_270 = arith.constant 0 : i32
      %dma_start3A_271 = tpu.memref_slice %arg11[%dma_start3A_269, %dma_start3A_270] : memref<512x64xf32, #tpu.memory_space<vmem>> -> memref<128x64xf32, #tpu.memory_space<vmem>>
      %dma_start3A_272 = arith.constant 384 : i32
      %dma_start3A_273 = tpu.memref_slice %arg9[%dma_start3A_272] : memref<512xi32, #tpu.memory_space<vmem>> -> memref<128xi32, #tpu.memory_space<vmem>>
      %dma_start3A_274 = arith.constant 0 : i32
      %dma_start3A_275 = arith.constant 0 : i32
      %dma_start3A_276 = tpu.memref_slice %arg5[%dma_start3A_274, %dma_start3A_275] : memref<65536x64xf32, #tpu.memory_space<hbm>> -> memref<65536x64xf32, #tpu.memory_space<hbm>>
      tpu.enqueue_indirect_dma source(%dma_start3A_276 : memref<65536x64xf32, #tpu.memory_space<hbm>>) target(%dma_start3A_271 : memref<128x64xf32, #tpu.memory_space<vmem>>) offsets(%dma_start3A_273 : memref<128xi32, #tpu.memory_space<vmem>>) semaphore(%arg23 : memref<!tpu.dma_semaphore, #tpu.memory_space<semaphore_mem>>)
      %while3A = arith.constant 0 : i32
      %while3A_277 = arith.subi %max3A_159, %while3A : i32
      %while3A_278 = arith.addi %while3A, %while3A_277 : i32
      %while3A_279 = arith.constant 1 : i32
      %while3A_280 = arith.divsi %while3A_277, %while3A_279 : i32
      %while3A_281 = arith.muli %while3A_280, %while3A_279 : i32
      %while3A_282 = arith.addi %while3A, %while3A_281 : i32
      %while3A_283 = arith.constant 1 : i32
      %while3A_284:4 = scf.for %while3A_384 = %while3A to %while3A_282 step %while3A_283 iter_args(%while3A_385 = %broadcast_in_dim3A_35, %while3A_386 = %broadcast_in_dim3A_35, %while3A_387 = %broadcast_in_dim3A_35, %while3A_388 = %broadcast_in_dim3A_35) -> (vector<16xf32>, vector<16xf32>, vector<16xf32>, vector<16xf32>)  : i32 {
        %mul3A_389 = arith.constant 2 : i32
        %mul3A_390 = arith.muli %mul3A_389, %while3A_384 : i32
        %add3A_391 = arith.addi %select_n3A_101, %mul3A_390 : i32
        %dma_wait3A_392 = arith.constant 0 : i32
        %dma_wait3A_393 = arith.constant 0 : i32
        %dma_wait3A_394 = tpu.memref_slice %arg10[%dma_wait3A_392, %dma_wait3A_393] : memref<512x64xf32, #tpu.memory_space<vmem>> -> memref<128x64xf32, #tpu.memory_space<vmem>>
        %dma_wait3A_395 = arith.constant 0 : i32
        %dma_wait3A_396 = tpu.memref_slice %arg8[%dma_wait3A_395] : memref<512xi32, #tpu.memory_space<vmem>> -> memref<128xi32, #tpu.memory_space<vmem>>
        %dma_wait3A_397 = arith.constant 0 : i32
        %dma_wait3A_398 = arith.constant 0 : i32
        %dma_wait3A_399 = tpu.memref_slice %arg5[%dma_wait3A_397, %dma_wait3A_398] : memref<65536x64xf32, #tpu.memory_space<hbm>> -> memref<65536x64xf32, #tpu.memory_space<hbm>>
        tpu.wait_indirect_dma semaphore(%arg22 : memref<!tpu.dma_semaphore, #tpu.memory_space<semaphore_mem>>) src(%dma_wait3A_399 : memref<65536x64xf32, #tpu.memory_space<hbm>>) dst(%dma_wait3A_394 : memref<128x64xf32, #tpu.memory_space<vmem>>)
        %dma_wait3A_400 = arith.constant 128 : i32
        %dma_wait3A_401 = arith.constant 0 : i32
        %dma_wait3A_402 = tpu.memref_slice %arg10[%dma_wait3A_400, %dma_wait3A_401] : memref<512x64xf32, #tpu.memory_space<vmem>> -> memref<128x64xf32, #tpu.memory_space<vmem>>
        %dma_wait3A_403 = arith.constant 0 : i32
        %dma_wait3A_404 = tpu.memref_slice %arg8[%dma_wait3A_403] : memref<512xi32, #tpu.memory_space<vmem>> -> memref<128xi32, #tpu.memory_space<vmem>>
        %dma_wait3A_405 = arith.constant 0 : i32
        %dma_wait3A_406 = arith.constant 0 : i32
        %dma_wait3A_407 = tpu.memref_slice %arg5[%dma_wait3A_405, %dma_wait3A_406] : memref<65536x64xf32, #tpu.memory_space<hbm>> -> memref<65536x64xf32, #tpu.memory_space<hbm>>
        tpu.wait_indirect_dma semaphore(%arg22 : memref<!tpu.dma_semaphore, #tpu.memory_space<semaphore_mem>>) src(%dma_wait3A_407 : memref<65536x64xf32, #tpu.memory_space<hbm>>) dst(%dma_wait3A_402 : memref<128x64xf32, #tpu.memory_space<vmem>>)
        %dma_wait3A_408 = arith.constant 256 : i32
        %dma_wait3A_409 = arith.constant 0 : i32
        %dma_wait3A_410 = tpu.memref_slice %arg10[%dma_wait3A_408, %dma_wait3A_409] : memref<512x64xf32, #tpu.memory_space<vmem>> -> memref<128x64xf32, #tpu.memory_space<vmem>>
        %dma_wait3A_411 = arith.constant 0 : i32
        %dma_wait3A_412 = tpu.memref_slice %arg8[%dma_wait3A_411] : memref<512xi32, #tpu.memory_space<vmem>> -> memref<128xi32, #tpu.memory_space<vmem>>
        %dma_wait3A_413 = arith.constant 0 : i32
        %dma_wait3A_414 = arith.constant 0 : i32
        %dma_wait3A_415 = tpu.memref_slice %arg5[%dma_wait3A_413, %dma_wait3A_414] : memref<65536x64xf32, #tpu.memory_space<hbm>> -> memref<65536x64xf32, #tpu.memory_space<hbm>>
        tpu.wait_indirect_dma semaphore(%arg22 : memref<!tpu.dma_semaphore, #tpu.memory_space<semaphore_mem>>) src(%dma_wait3A_415 : memref<65536x64xf32, #tpu.memory_space<hbm>>) dst(%dma_wait3A_410 : memref<128x64xf32, #tpu.memory_space<vmem>>)
        %dma_wait3A_416 = arith.constant 384 : i32
        %dma_wait3A_417 = arith.constant 0 : i32
        %dma_wait3A_418 = tpu.memref_slice %arg10[%dma_wait3A_416, %dma_wait3A_417] : memref<512x64xf32, #tpu.memory_space<vmem>> -> memref<128x64xf32, #tpu.memory_space<vmem>>
        %dma_wait3A_419 = arith.constant 0 : i32
        %dma_wait3A_420 = tpu.memref_slice %arg8[%dma_wait3A_419] : memref<512xi32, #tpu.memory_space<vmem>> -> memref<128xi32, #tpu.memory_space<vmem>>
        %dma_wait3A_421 = arith.constant 0 : i32
        %dma_wait3A_422 = arith.constant 0 : i32
        %dma_wait3A_423 = tpu.memref_slice %arg5[%dma_wait3A_421, %dma_wait3A_422] : memref<65536x64xf32, #tpu.memory_space<hbm>> -> memref<65536x64xf32, #tpu.memory_space<hbm>>
        tpu.wait_indirect_dma semaphore(%arg22 : memref<!tpu.dma_semaphore, #tpu.memory_space<semaphore_mem>>) src(%dma_wait3A_423 : memref<65536x64xf32, #tpu.memory_space<hbm>>) dst(%dma_wait3A_418 : memref<128x64xf32, #tpu.memory_space<vmem>>)
        %add3A_424 = arith.constant 2 : i32
        %add3A_425 = arith.addi %add3A_391, %add3A_424 : i32
        %mul3A_426 = arith.constant 512 : i32
        %mul3A_427 = arith.muli %add3A_425, %mul3A_426 : i32
        %min3A_428 = arith.constant 4193792 : i32
        %min3A_429 = arith.minsi %mul3A_427, %min3A_428 : i32
        %dma_start3A_430 = tpu.memref_slice %arg4[%min3A_429] : memref<4194304xi32, #tpu.memory_space<hbm>> -> memref<512xi32, #tpu.memory_space<hbm>>
        %dma_start3A_431 = tpu.memref_slice %arg4[%min3A_429] : memref<4194304xi32, #tpu.memory_space<hbm>> -> memref<512xi32, #tpu.memory_space<hbm>>
        tpu.enqueue_dma source(%dma_start3A_431 : memref<512xi32, #tpu.memory_space<hbm>>) target(%arg8 : memref<512xi32, #tpu.memory_space<vmem>>) target_semaphore(%arg18 : memref<!tpu.dma_semaphore, #tpu.memory_space<semaphore_mem>>)
        %dma_wait3A_432 = arith.constant 16 : i32
        %dma_wait3A_433 = tpu.memref_slice %arg12[%dma_wait3A_432] : memref<544xi32, #tpu.memory_space<vmem>> -> memref<512xi32, #tpu.memory_space<vmem>>
        %dma_wait3A_434 = arith.constant 0 : i32
        %dma_wait3A_435 = tpu.memref_slice %arg3[%dma_wait3A_434] : memref<4194304xi32, #tpu.memory_space<hbm>> -> memref<512xi32, #tpu.memory_space<hbm>>
        %dma_wait3A_436 = arith.constant 16 : i32
        %dma_wait3A_437 = tpu.memref_slice %arg12[%dma_wait3A_436] : memref<544xi32, #tpu.memory_space<vmem>> -> memref<512xi32, #tpu.memory_space<vmem>>
        %dma_wait3A_438 = arith.constant 0 : i32
        %dma_wait3A_439 = tpu.memref_slice %arg3[%dma_wait3A_438] : memref<4194304xi32, #tpu.memory_space<hbm>> -> memref<512xi32, #tpu.memory_space<hbm>>
        tpu.wait_dma2 semaphore(%arg20 : memref<!tpu.dma_semaphore, #tpu.memory_space<semaphore_mem>>) src(%dma_wait3A_439 : memref<512xi32, #tpu.memory_space<hbm>>) dst(%dma_wait3A_437 : memref<512xi32, #tpu.memory_space<vmem>>)
        %dma_wait3A_440 = arith.constant 0 : i32
        %dma_wait3A_441 = tpu.memref_slice %arg14[%dma_wait3A_440] : memref<528xf32, #tpu.memory_space<vmem>> -> memref<512xf32, #tpu.memory_space<vmem>>
        %dma_wait3A_442 = arith.constant 0 : i32
        %dma_wait3A_443 = tpu.memref_slice %arg2[%dma_wait3A_442] : memref<4194304xf32, #tpu.memory_space<hbm>> -> memref<512xf32, #tpu.memory_space<hbm>>
        %dma_wait3A_444 = arith.constant 0 : i32
        %dma_wait3A_445 = tpu.memref_slice %arg14[%dma_wait3A_444] : memref<528xf32, #tpu.memory_space<vmem>> -> memref<512xf32, #tpu.memory_space<vmem>>
        %dma_wait3A_446 = arith.constant 0 : i32
        %dma_wait3A_447 = tpu.memref_slice %arg2[%dma_wait3A_446] : memref<4194304xf32, #tpu.memory_space<hbm>> -> memref<512xf32, #tpu.memory_space<hbm>>
        tpu.wait_dma2 semaphore(%arg20 : memref<!tpu.dma_semaphore, #tpu.memory_space<semaphore_mem>>) src(%dma_wait3A_447 : memref<512xf32, #tpu.memory_space<hbm>>) dst(%dma_wait3A_445 : memref<512xf32, #tpu.memory_space<vmem>>)
        %mul3A_448 = arith.constant 512 : i32
        %mul3A_449 = arith.muli %add3A_391, %mul3A_448 : i32
        %sub3A_450 = arith.subi %reduce_sum3A_58, %mul3A_449 : i32
        %jit3A_451 = arith.constant 0 : i32
        %jit3A_452 = arith.constant 512 : i32
        %max3A_453 = arith.maxsi %jit3A_451, %sub3A_450 : i32
        %min3A_454 = arith.minsi %jit3A_452, %max3A_453 : i32
        %mul3A_455 = arith.constant 512 : i32
        %mul3A_456 = arith.muli %add3A_391, %mul3A_455 : i32
        %sub3A_457 = arith.subi %reduce_sum3A_70, %mul3A_456 : i32
        %jit3A_458 = arith.constant 0 : i32
        %jit3A_459 = arith.constant 512 : i32
        %max3A_460 = arith.maxsi %jit3A_458, %sub3A_457 : i32
        %min3A_461 = arith.minsi %jit3A_459, %max3A_460 : i32
        %jit3A_462 = arith.constant 8 : i32
        %div3A_463 = arith.divsi %min3A_454, %jit3A_462 : i32
        %sign3A_464 = arith.constant 0 : i32
        %sign3A_465 = arith.cmpi sgt, %min3A_454, %sign3A_464 : i32
        %sign3A_466 = arith.extui %sign3A_465 : i1 to i32
        %sign3A_467 = arith.constant 0 : i32
        %sign3A_468 = arith.cmpi slt, %min3A_454, %sign3A_467 : i32
        %sign3A_469 = arith.extui %sign3A_468 : i1 to i32
        %sign3A_470 = arith.subi %sign3A_466, %sign3A_469 : i32
        %sign3A_471 = arith.constant 0 : i32
        %sign3A_472 = arith.cmpi sgt, %jit3A_462, %sign3A_471 : i32
        %sign3A_473 = arith.extui %sign3A_472 : i1 to i32
        %sign3A_474 = arith.constant 0 : i32
        %sign3A_475 = arith.cmpi slt, %jit3A_462, %sign3A_474 : i32
        %sign3A_476 = arith.extui %sign3A_475 : i1 to i32
        %sign3A_477 = arith.subi %sign3A_473, %sign3A_476 : i32
        %ne3A_478 = arith.cmpi ne, %sign3A_470, %sign3A_477 : i32
        %rem3A_479 = arith.remsi %min3A_454, %jit3A_462 : i32
        %ne3A_480 = arith.constant 0 : i32
        %ne3A_481 = arith.cmpi ne, %rem3A_479, %ne3A_480 : i32
        %and3A_482 = arith.andi %ne3A_478, %ne3A_481 : i1
        %sub3A_483 = arith.constant 1 : i32
        %sub3A_484 = arith.subi %div3A_463, %sub3A_483 : i32
        %select_n3A_485 = arith.select %and3A_482, %sub3A_484, %div3A_463 : i32
        %add3A_486 = arith.constant 7 : i32
        %add3A_487 = arith.addi %min3A_461, %add3A_486 : i32
        %jit3A_488 = arith.constant 8 : i32
        %div3A_489 = arith.divsi %add3A_487, %jit3A_488 : i32
        %sign3A_490 = arith.constant 0 : i32
        %sign3A_491 = arith.cmpi sgt, %add3A_487, %sign3A_490 : i32
        %sign3A_492 = arith.extui %sign3A_491 : i1 to i32
        %sign3A_493 = arith.constant 0 : i32
        %sign3A_494 = arith.cmpi slt, %add3A_487, %sign3A_493 : i32
        %sign3A_495 = arith.extui %sign3A_494 : i1 to i32
        %sign3A_496 = arith.subi %sign3A_492, %sign3A_495 : i32
        %sign3A_497 = arith.constant 0 : i32
        %sign3A_498 = arith.cmpi sgt, %jit3A_488, %sign3A_497 : i32
        %sign3A_499 = arith.extui %sign3A_498 : i1 to i32
        %sign3A_500 = arith.constant 0 : i32
        %sign3A_501 = arith.cmpi slt, %jit3A_488, %sign3A_500 : i32
        %sign3A_502 = arith.extui %sign3A_501 : i1 to i32
        %sign3A_503 = arith.subi %sign3A_499, %sign3A_502 : i32
        %ne3A_504 = arith.cmpi ne, %sign3A_496, %sign3A_503 : i32
        %rem3A_505 = arith.remsi %add3A_487, %jit3A_488 : i32
        %ne3A_506 = arith.constant 0 : i32
        %ne3A_507 = arith.cmpi ne, %rem3A_505, %ne3A_506 : i32
        %and3A_508 = arith.andi %ne3A_504, %ne3A_507 : i1
        %sub3A_509 = arith.constant 1 : i32
        %sub3A_510 = arith.subi %div3A_489, %sub3A_509 : i32
        %select_n3A_511 = arith.select %and3A_508, %sub3A_510, %div3A_489 : i32
        %parallel_loop3A = arith.constant 1 : i32
        %parallel_loop3A_512:4 = scf.for %parallel_loop3A_752 = %select_n3A_485 to %select_n3A_511 step %parallel_loop3A iter_args(%parallel_loop3A_753 = %while3A_385, %parallel_loop3A_754 = %while3A_386, %parallel_loop3A_755 = %while3A_387, %parallel_loop3A_756 = %while3A_388) -> (vector<16xf32>, vector<16xf32>, vector<16xf32>, vector<16xf32>)  : i32 {
          %parallel_loop3A_757 = arith.constant 8 : i32
          %parallel_loop3A_758 = arith.muli %parallel_loop3A_752, %parallel_loop3A_757 : i32
          %parallel_loop3A_759 = vector.broadcast %parallel_loop3A_758 : i32 to vector<16xi32>
          %parallel_loop3A_760 = arith.addi %parallel_loop3A_759, %iota3A : vector<16xi32>
          %parallel_loop3A_761 = vector.broadcast %min3A_454 : i32 to vector<16xi32>
          %parallel_loop3A_762 = arith.cmpi sge, %parallel_loop3A_760, %parallel_loop3A_761 : vector<16xi32>
          %parallel_loop3A_763 = vector.broadcast %min3A_461 : i32 to vector<16xi32>
          %parallel_loop3A_764 = arith.cmpi slt, %parallel_loop3A_760, %parallel_loop3A_763 : vector<16xi32>
          %parallel_loop3A_765 = arith.andi %parallel_loop3A_762, %parallel_loop3A_764 : vector<16xi1>
          %parallel_loop3A_766 = arith.constant 16 : i32
          %parallel_loop3A_767 = arith.addi %parallel_loop3A_766, %parallel_loop3A_758 : i32
          %parallel_loop3A_768 = arith.index_cast %parallel_loop3A_767 : i32 to index
          %parallel_loop3A_769 = tpu.vector_load %arg12[%parallel_loop3A_768] {strides = array<i32>} : memref<544xi32, #tpu.memory_space<vmem>>, vector<16xi32>,
          %parallel_loop3A_770 = arith.constant 15 : i32
          %parallel_loop3A_771 = arith.addi %parallel_loop3A_770, %parallel_loop3A_758 : i32
          %parallel_loop3A_772 = arith.index_cast %parallel_loop3A_771 : i32 to index
          %parallel_loop3A_773 = tpu.vector_load %arg12[%parallel_loop3A_772] {strides = array<i32>} : memref<544xi32, #tpu.memory_space<vmem>>, vector<16xi32>,
          %parallel_loop3A_774 = arith.constant 17 : i32
          %parallel_loop3A_775 = arith.addi %parallel_loop3A_774, %parallel_loop3A_758 : i32
          %parallel_loop3A_776 = arith.index_cast %parallel_loop3A_775 : i32 to index
          %parallel_loop3A_777 = tpu.vector_load %arg12[%parallel_loop3A_776] {strides = array<i32>} : memref<544xi32, #tpu.memory_space<vmem>>, vector<16xi32>,
          %parallel_loop3A_778 = arith.cmpi eq, %parallel_loop3A_769, %parallel_loop3A_773 : vector<16xi32>
          %parallel_loop3A_779 = arith.constant 1.000000e+00 : f32
          %parallel_loop3A_780 = arith.constant 0.000000e+00 : f32
          %parallel_loop3A_781 = vector.broadcast %parallel_loop3A_779 : f32 to vector<16xf32>
          %parallel_loop3A_782 = vector.broadcast %parallel_loop3A_780 : f32 to vector<16xf32>
          %parallel_loop3A_783 = arith.select %parallel_loop3A_778, %parallel_loop3A_781, %parallel_loop3A_782 : vector<16xi1>, vector<16xf32>
          %parallel_loop3A_784 = vector.broadcast %mul3A_48 : i32 to vector<16xi32>
          %parallel_loop3A_785 = arith.subi %parallel_loop3A_769, %parallel_loop3A_784 : vector<16xi32>
          %parallel_loop3A_786 = arith.constant 512 : i32
          %parallel_loop3A_787 = vector.broadcast %parallel_loop3A_786 : i32 to vector<16xi32>
          %parallel_loop3A_788 = arith.select %parallel_loop3A_765, %parallel_loop3A_785, %parallel_loop3A_787 : vector<16xi1>, vector<16xi32>
          %parallel_loop3A_789 = arith.index_cast %parallel_loop3A_758 : i32 to index
          %parallel_loop3A_790 = tpu.vector_load %arg14[%parallel_loop3A_789] {strides = array<i32>} : memref<528xf32, #tpu.memory_space<vmem>>, vector<16xf32>,
          %parallel_loop3A_791 = arith.constant 0.000000e+00 : f32
          %parallel_loop3A_792 = vector.broadcast %parallel_loop3A_791 : f32 to vector<16xf32>
          %parallel_loop3A_793 = arith.select %parallel_loop3A_765, %parallel_loop3A_790, %parallel_loop3A_792 : vector<16xi1>, vector<16xf32>
          %parallel_loop3A_794 = arith.cmpi ne, %parallel_loop3A_769, %parallel_loop3A_777 : vector<16xi32>
          %parallel_loop3A_795 = arith.constant 1 : i32
          %parallel_loop3A_796 = vector.broadcast %parallel_loop3A_795 : i32 to vector<16xi32>
          %parallel_loop3A_797 = arith.addi %parallel_loop3A_760, %parallel_loop3A_796 : vector<16xi32>
          %parallel_loop3A_798 = vector.broadcast %min3A_461 : i32 to vector<16xi32>
          %parallel_loop3A_799 = arith.cmpi sge, %parallel_loop3A_797, %parallel_loop3A_798 : vector<16xi32>
          %parallel_loop3A_800 = arith.ori %parallel_loop3A_794, %parallel_loop3A_799 : vector<16xi1>
          %parallel_loop3A_801 = arith.constant 512 : i32
          %parallel_loop3A_802 = vector.broadcast %parallel_loop3A_801 : i32 to vector<16xi32>
          %parallel_loop3A_803 = arith.select %parallel_loop3A_800, %parallel_loop3A_788, %parallel_loop3A_802 : vector<16xi1>, vector<16xi32>
          %parallel_loop3A_804 = vector.extract_strided_slice %parallel_loop3A_793 {offsets = [0], sizes = [1], strides = [1]} : vector<16xf32> to vector<1xf32>
          %parallel_loop3A_805 = vector.extract %parallel_loop3A_804[0] : f32 from vector<1xf32>
          %parallel_loop3A_806 = arith.constant 0 : i32
          %parallel_loop3A_807 = arith.addi %parallel_loop3A_758, %parallel_loop3A_806 : i32
          %parallel_loop3A_808 = arith.index_cast %parallel_loop3A_807 : i32 to index
          %parallel_loop3A_809 = arith.constant 0 : index
          %parallel_loop3A_810 = tpu.vector_load %arg10[%parallel_loop3A_808, %parallel_loop3A_809] {strides = array<i32>} : memref<512x64xf32, #tpu.memory_space<vmem>>, vector<16xf32>,
          %parallel_loop3A_811 = vector.broadcast %parallel_loop3A_805 : f32 to vector<16xf32>
          %parallel_loop3A_812 = arith.mulf %parallel_loop3A_811, %parallel_loop3A_810 : vector<16xf32>
          %parallel_loop3A_813 = arith.index_cast %parallel_loop3A_807 : i32 to index
          %parallel_loop3A_814 = arith.constant 16 : index
          %parallel_loop3A_815 = tpu.vector_load %arg10[%parallel_loop3A_813, %parallel_loop3A_814] {strides = array<i32>} : memref<512x64xf32, #tpu.memory_space<vmem>>, vector<16xf32>,
          %parallel_loop3A_816 = vector.broadcast %parallel_loop3A_805 : f32 to vector<16xf32>
          %parallel_loop3A_817 = arith.mulf %parallel_loop3A_816, %parallel_loop3A_815 : vector<16xf32>
          %parallel_loop3A_818 = arith.index_cast %parallel_loop3A_807 : i32 to index
          %parallel_loop3A_819 = arith.constant 32 : index
          %parallel_loop3A_820 = tpu.vector_load %arg10[%parallel_loop3A_818, %parallel_loop3A_819] {strides = array<i32>} : memref<512x64xf32, #tpu.memory_space<vmem>>, vector<16xf32>,
          %parallel_loop3A_821 = vector.broadcast %parallel_loop3A_805 : f32 to vector<16xf32>
          %parallel_loop3A_822 = arith.mulf %parallel_loop3A_821, %parallel_loop3A_820 : vector<16xf32>
          %parallel_loop3A_823 = arith.index_cast %parallel_loop3A_807 : i32 to index
          %parallel_loop3A_824 = arith.constant 48 : index
          %parallel_loop3A_825 = tpu.vector_load %arg10[%parallel_loop3A_823, %parallel_loop3A_824] {strides = array<i32>} : memref<512x64xf32, #tpu.memory_space<vmem>>, vector<16xf32>,
          %parallel_loop3A_826 = vector.broadcast %parallel_loop3A_805 : f32 to vector<16xf32>
          %parallel_loop3A_827 = arith.mulf %parallel_loop3A_826, %parallel_loop3A_825 : vector<16xf32>
          %parallel_loop3A_828 = vector.extract_strided_slice %parallel_loop3A_793 {offsets = [1], sizes = [1], strides = [1]} : vector<16xf32> to vector<1xf32>
          %parallel_loop3A_829 = vector.extract %parallel_loop3A_828[0] : f32 from vector<1xf32>
          %parallel_loop3A_830 = arith.constant 1 : i32
          %parallel_loop3A_831 = arith.addi %parallel_loop3A_758, %parallel_loop3A_830 : i32
          %parallel_loop3A_832 = arith.index_cast %parallel_loop3A_831 : i32 to index
          %parallel_loop3A_833 = arith.constant 0 : index
          %parallel_loop3A_834 = tpu.vector_load %arg10[%parallel_loop3A_832, %parallel_loop3A_833] {strides = array<i32>} : memref<512x64xf32, #tpu.memory_space<vmem>>, vector<16xf32>,
          %parallel_loop3A_835 = vector.broadcast %parallel_loop3A_829 : f32 to vector<16xf32>
          %parallel_loop3A_836 = arith.mulf %parallel_loop3A_835, %parallel_loop3A_834 : vector<16xf32>
          %parallel_loop3A_837 = arith.index_cast %parallel_loop3A_831 : i32 to index
          %parallel_loop3A_838 = arith.constant 16 : index
          %parallel_loop3A_839 = tpu.vector_load %arg10[%parallel_loop3A_837, %parallel_loop3A_838] {strides = array<i32>} : memref<512x64xf32, #tpu.memory_space<vmem>>, vector<16xf32>,
          %parallel_loop3A_840 = vector.broadcast %parallel_loop3A_829 : f32 to vector<16xf32>
          %parallel_loop3A_841 = arith.mulf %parallel_loop3A_840, %parallel_loop3A_839 : vector<16xf32>
          %parallel_loop3A_842 = arith.index_cast %parallel_loop3A_831 : i32 to index
          %parallel_loop3A_843 = arith.constant 32 : index
          %parallel_loop3A_844 = tpu.vector_load %arg10[%parallel_loop3A_842, %parallel_loop3A_843] {strides = array<i32>} : memref<512x64xf32, #tpu.memory_space<vmem>>, vector<16xf32>,
          %parallel_loop3A_845 = vector.broadcast %parallel_loop3A_829 : f32 to vector<16xf32>
          %parallel_loop3A_846 = arith.mulf %parallel_loop3A_845, %parallel_loop3A_844 : vector<16xf32>
          %parallel_loop3A_847 = arith.index_cast %parallel_loop3A_831 : i32 to index
          %parallel_loop3A_848 = arith.constant 48 : index
          %parallel_loop3A_849 = tpu.vector_load %arg10[%parallel_loop3A_847, %parallel_loop3A_848] {strides = array<i32>} : memref<512x64xf32, #tpu.memory_space<vmem>>, vector<16xf32>,
          %parallel_loop3A_850 = vector.broadcast %parallel_loop3A_829 : f32 to vector<16xf32>
          %parallel_loop3A_851 = arith.mulf %parallel_loop3A_850, %parallel_loop3A_849 : vector<16xf32>
          %parallel_loop3A_852 = vector.extract_strided_slice %parallel_loop3A_793 {offsets = [2], sizes = [1], strides = [1]} : vector<16xf32> to vector<1xf32>
          %parallel_loop3A_853 = vector.extract %parallel_loop3A_852[0] : f32 from vector<1xf32>
          %parallel_loop3A_854 = arith.constant 2 : i32
          %parallel_loop3A_855 = arith.addi %parallel_loop3A_758, %parallel_loop3A_854 : i32
          %parallel_loop3A_856 = arith.index_cast %parallel_loop3A_855 : i32 to index
          %parallel_loop3A_857 = arith.constant 0 : index
          %parallel_loop3A_858 = tpu.vector_load %arg10[%parallel_loop3A_856, %parallel_loop3A_857] {strides = array<i32>} : memref<512x64xf32, #tpu.memory_space<vmem>>, vector<16xf32>,
          %parallel_loop3A_859 = vector.broadcast %parallel_loop3A_853 : f32 to vector<16xf32>
          %parallel_loop3A_860 = arith.mulf %parallel_loop3A_859, %parallel_loop3A_858 : vector<16xf32>
          %parallel_loop3A_861 = arith.index_cast %parallel_loop3A_855 : i32 to index
          %parallel_loop3A_862 = arith.constant 16 : index
          %parallel_loop3A_863 = tpu.vector_load %arg10[%parallel_loop3A_861, %parallel_loop3A_862] {strides = array<i32>} : memref<512x64xf32, #tpu.memory_space<vmem>>, vector<16xf32>,
          %parallel_loop3A_864 = vector.broadcast %parallel_loop3A_853 : f32 to vector<16xf32>
          %parallel_loop3A_865 = arith.mulf %parallel_loop3A_864, %parallel_loop3A_863 : vector<16xf32>
          %parallel_loop3A_866 = arith.index_cast %parallel_loop3A_855 : i32 to index
          %parallel_loop3A_867 = arith.constant 32 : index
          %parallel_loop3A_868 = tpu.vector_load %arg10[%parallel_loop3A_866, %parallel_loop3A_867] {strides = array<i32>} : memref<512x64xf32, #tpu.memory_space<vmem>>, vector<16xf32>,
          %parallel_loop3A_869 = vector.broadcast %parallel_loop3A_853 : f32 to vector<16xf32>
          %parallel_loop3A_870 = arith.mulf %parallel_loop3A_869, %parallel_loop3A_868 : vector<16xf32>
          %parallel_loop3A_871 = arith.index_cast %parallel_loop3A_855 : i32 to index
          %parallel_loop3A_872 = arith.constant 48 : index
          %parallel_loop3A_873 = tpu.vector_load %arg10[%parallel_loop3A_871, %parallel_loop3A_872] {strides = array<i32>} : memref<512x64xf32, #tpu.memory_space<vmem>>, vector<16xf32>,
          %parallel_loop3A_874 = vector.broadcast %parallel_loop3A_853 : f32 to vector<16xf32>
          %parallel_loop3A_875 = arith.mulf %parallel_loop3A_874, %parallel_loop3A_873 : vector<16xf32>
          %parallel_loop3A_876 = vector.extract_strided_slice %parallel_loop3A_793 {offsets = [3], sizes = [1], strides = [1]} : vector<16xf32> to vector<1xf32>
          %parallel_loop3A_877 = vector.extract %parallel_loop3A_876[0] : f32 from vector<1xf32>
          %parallel_loop3A_878 = arith.constant 3 : i32
          %parallel_loop3A_879 = arith.addi %parallel_loop3A_758, %parallel_loop3A_878 : i32
          %parallel_loop3A_880 = arith.index_cast %parallel_loop3A_879 : i32 to index
          %parallel_loop3A_881 = arith.constant 0 : index
          %parallel_loop3A_882 = tpu.vector_load %arg10[%parallel_loop3A_880, %parallel_loop3A_881] {strides = array<i32>} : memref<512x64xf32, #tpu.memory_space<vmem>>, vector<16xf32>,
          %parallel_loop3A_883 = vector.broadcast %parallel_loop3A_877 : f32 to vector<16xf32>
          %parallel_loop3A_884 = arith.mulf %parallel_loop3A_883, %parallel_loop3A_882 : vector<16xf32>
          %parallel_loop3A_885 = arith.index_cast %parallel_loop3A_879 : i32 to index
          %parallel_loop3A_886 = arith.constant 16 : index
          %parallel_loop3A_887 = tpu.vector_load %arg10[%parallel_loop3A_885, %parallel_loop3A_886] {strides = array<i32>} : memref<512x64xf32, #tpu.memory_space<vmem>>, vector<16xf32>,
          %parallel_loop3A_888 = vector.broadcast %parallel_loop3A_877 : f32 to vector<16xf32>
          %parallel_loop3A_889 = arith.mulf %parallel_loop3A_888, %parallel_loop3A_887 : vector<16xf32>
          %parallel_loop3A_890 = arith.index_cast %parallel_loop3A_879 : i32 to index
          %parallel_loop3A_891 = arith.constant 32 : index
          %parallel_loop3A_892 = tpu.vector_load %arg10[%parallel_loop3A_890, %parallel_loop3A_891] {strides = array<i32>} : memref<512x64xf32, #tpu.memory_space<vmem>>, vector<16xf32>,
          %parallel_loop3A_893 = vector.broadcast %parallel_loop3A_877 : f32 to vector<16xf32>
          %parallel_loop3A_894 = arith.mulf %parallel_loop3A_893, %parallel_loop3A_892 : vector<16xf32>
          %parallel_loop3A_895 = arith.index_cast %parallel_loop3A_879 : i32 to index
          %parallel_loop3A_896 = arith.constant 48 : index
          %parallel_loop3A_897 = tpu.vector_load %arg10[%parallel_loop3A_895, %parallel_loop3A_896] {strides = array<i32>} : memref<512x64xf32, #tpu.memory_space<vmem>>, vector<16xf32>,
          %parallel_loop3A_898 = vector.broadcast %parallel_loop3A_877 : f32 to vector<16xf32>
          %parallel_loop3A_899 = arith.mulf %parallel_loop3A_898, %parallel_loop3A_897 : vector<16xf32>
          %parallel_loop3A_900 = vector.extract_strided_slice %parallel_loop3A_793 {offsets = [4], sizes = [1], strides = [1]} : vector<16xf32> to vector<1xf32>
          %parallel_loop3A_901 = vector.extract %parallel_loop3A_900[0] : f32 from vector<1xf32>
          %parallel_loop3A_902 = arith.constant 4 : i32
          %parallel_loop3A_903 = arith.addi %parallel_loop3A_758, %parallel_loop3A_902 : i32
          %parallel_loop3A_904 = arith.index_cast %parallel_loop3A_903 : i32 to index
          %parallel_loop3A_905 = arith.constant 0 : index
          %parallel_loop3A_906 = tpu.vector_load %arg10[%parallel_loop3A_904, %parallel_loop3A_905] {strides = array<i32>} : memref<512x64xf32, #tpu.memory_space<vmem>>, vector<16xf32>,
          %parallel_loop3A_907 = vector.broadcast %parallel_loop3A_901 : f32 to vector<16xf32>
          %parallel_loop3A_908 = arith.mulf %parallel_loop3A_907, %parallel_loop3A_906 : vector<16xf32>
          %parallel_loop3A_909 = arith.index_cast %parallel_loop3A_903 : i32 to index
          %parallel_loop3A_910 = arith.constant 16 : index
          %parallel_loop3A_911 = tpu.vector_load %arg10[%parallel_loop3A_909, %parallel_loop3A_910] {strides = array<i32>} : memref<512x64xf32, #tpu.memory_space<vmem>>, vector<16xf32>,
          %parallel_loop3A_912 = vector.broadcast %parallel_loop3A_901 : f32 to vector<16xf32>
          %parallel_loop3A_913 = arith.mulf %parallel_loop3A_912, %parallel_loop3A_911 : vector<16xf32>
          %parallel_loop3A_914 = arith.index_cast %parallel_loop3A_903 : i32 to index
          %parallel_loop3A_915 = arith.constant 32 : index
          %parallel_loop3A_916 = tpu.vector_load %arg10[%parallel_loop3A_914, %parallel_loop3A_915] {strides = array<i32>} : memref<512x64xf32, #tpu.memory_space<vmem>>, vector<16xf32>,
          %parallel_loop3A_917 = vector.broadcast %parallel_loop3A_901 : f32 to vector<16xf32>
          %parallel_loop3A_918 = arith.mulf %parallel_loop3A_917, %parallel_loop3A_916 : vector<16xf32>
          %parallel_loop3A_919 = arith.index_cast %parallel_loop3A_903 : i32 to index
          %parallel_loop3A_920 = arith.constant 48 : index
          %parallel_loop3A_921 = tpu.vector_load %arg10[%parallel_loop3A_919, %parallel_loop3A_920] {strides = array<i32>} : memref<512x64xf32, #tpu.memory_space<vmem>>, vector<16xf32>,
          %parallel_loop3A_922 = vector.broadcast %parallel_loop3A_901 : f32 to vector<16xf32>
          %parallel_loop3A_923 = arith.mulf %parallel_loop3A_922, %parallel_loop3A_921 : vector<16xf32>
          %parallel_loop3A_924 = vector.extract_strided_slice %parallel_loop3A_793 {offsets = [5], sizes = [1], strides = [1]} : vector<16xf32> to vector<1xf32>
          %parallel_loop3A_925 = vector.extract %parallel_loop3A_924[0] : f32 from vector<1xf32>
          %parallel_loop3A_926 = arith.constant 5 : i32
          %parallel_loop3A_927 = arith.addi %parallel_loop3A_758, %parallel_loop3A_926 : i32
          %parallel_loop3A_928 = arith.index_cast %parallel_loop3A_927 : i32 to index
          %parallel_loop3A_929 = arith.constant 0 : index
          %parallel_loop3A_930 = tpu.vector_load %arg10[%parallel_loop3A_928, %parallel_loop3A_929] {strides = array<i32>} : memref<512x64xf32, #tpu.memory_space<vmem>>, vector<16xf32>,
          %parallel_loop3A_931 = vector.broadcast %parallel_loop3A_925 : f32 to vector<16xf32>
          %parallel_loop3A_932 = arith.mulf %parallel_loop3A_931, %parallel_loop3A_930 : vector<16xf32>
          %parallel_loop3A_933 = arith.index_cast %parallel_loop3A_927 : i32 to index
          %parallel_loop3A_934 = arith.constant 16 : index
          %parallel_loop3A_935 = tpu.vector_load %arg10[%parallel_loop3A_933, %parallel_loop3A_934] {strides = array<i32>} : memref<512x64xf32, #tpu.memory_space<vmem>>, vector<16xf32>,
          %parallel_loop3A_936 = vector.broadcast %parallel_loop3A_925 : f32 to vector<16xf32>
          %parallel_loop3A_937 = arith.mulf %parallel_loop3A_936, %parallel_loop3A_935 : vector<16xf32>
          %parallel_loop3A_938 = arith.index_cast %parallel_loop3A_927 : i32 to index
          %parallel_loop3A_939 = arith.constant 32 : index
          %parallel_loop3A_940 = tpu.vector_load %arg10[%parallel_loop3A_938, %parallel_loop3A_939] {strides = array<i32>} : memref<512x64xf32, #tpu.memory_space<vmem>>, vector<16xf32>,
          %parallel_loop3A_941 = vector.broadcast %parallel_loop3A_925 : f32 to vector<16xf32>
          %parallel_loop3A_942 = arith.mulf %parallel_loop3A_941, %parallel_loop3A_940 : vector<16xf32>
          %parallel_loop3A_943 = arith.index_cast %parallel_loop3A_927 : i32 to index
          %parallel_loop3A_944 = arith.constant 48 : index
          %parallel_loop3A_945 = tpu.vector_load %arg10[%parallel_loop3A_943, %parallel_loop3A_944] {strides = array<i32>} : memref<512x64xf32, #tpu.memory_space<vmem>>, vector<16xf32>,
          %parallel_loop3A_946 = vector.broadcast %parallel_loop3A_925 : f32 to vector<16xf32>
          %parallel_loop3A_947 = arith.mulf %parallel_loop3A_946, %parallel_loop3A_945 : vector<16xf32>
          %parallel_loop3A_948 = vector.extract_strided_slice %parallel_loop3A_793 {offsets = [6], sizes = [1], strides = [1]} : vector<16xf32> to vector<1xf32>
          %parallel_loop3A_949 = vector.extract %parallel_loop3A_948[0] : f32 from vector<1xf32>
          %parallel_loop3A_950 = arith.constant 6 : i32
          %parallel_loop3A_951 = arith.addi %parallel_loop3A_758, %parallel_loop3A_950 : i32
          %parallel_loop3A_952 = arith.index_cast %parallel_loop3A_951 : i32 to index
          %parallel_loop3A_953 = arith.constant 0 : index
          %parallel_loop3A_954 = tpu.vector_load %arg10[%parallel_loop3A_952, %parallel_loop3A_953] {strides = array<i32>} : memref<512x64xf32, #tpu.memory_space<vmem>>, vector<16xf32>,
          %parallel_loop3A_955 = vector.broadcast %parallel_loop3A_949 : f32 to vector<16xf32>
          %parallel_loop3A_956 = arith.mulf %parallel_loop3A_955, %parallel_loop3A_954 : vector<16xf32>
          %parallel_loop3A_957 = arith.index_cast %parallel_loop3A_951 : i32 to index
          %parallel_loop3A_958 = arith.constant 16 : index
          %parallel_loop3A_959 = tpu.vector_load %arg10[%parallel_loop3A_957, %parallel_loop3A_958] {strides = array<i32>} : memref<512x64xf32, #tpu.memory_space<vmem>>, vector<16xf32>,
          %parallel_loop3A_960 = vector.broadcast %parallel_loop3A_949 : f32 to vector<16xf32>
          %parallel_loop3A_961 = arith.mulf %parallel_loop3A_960, %parallel_loop3A_959 : vector<16xf32>
          %parallel_loop3A_962 = arith.index_cast %parallel_loop3A_951 : i32 to index
          %parallel_loop3A_963 = arith.constant 32 : index
          %parallel_loop3A_964 = tpu.vector_load %arg10[%parallel_loop3A_962, %parallel_loop3A_963] {strides = array<i32>} : memref<512x64xf32, #tpu.memory_space<vmem>>, vector<16xf32>,
          %parallel_loop3A_965 = vector.broadcast %parallel_loop3A_949 : f32 to vector<16xf32>
          %parallel_loop3A_966 = arith.mulf %parallel_loop3A_965, %parallel_loop3A_964 : vector<16xf32>
          %parallel_loop3A_967 = arith.index_cast %parallel_loop3A_951 : i32 to index
          %parallel_loop3A_968 = arith.constant 48 : index
          %parallel_loop3A_969 = tpu.vector_load %arg10[%parallel_loop3A_967, %parallel_loop3A_968] {strides = array<i32>} : memref<512x64xf32, #tpu.memory_space<vmem>>, vector<16xf32>,
          %parallel_loop3A_970 = vector.broadcast %parallel_loop3A_949 : f32 to vector<16xf32>
          %parallel_loop3A_971 = arith.mulf %parallel_loop3A_970, %parallel_loop3A_969 : vector<16xf32>
          %parallel_loop3A_972 = vector.extract_strided_slice %parallel_loop3A_793 {offsets = [7], sizes = [1], strides = [1]} : vector<16xf32> to vector<1xf32>
          %parallel_loop3A_973 = vector.extract %parallel_loop3A_972[0] : f32 from vector<1xf32>
          %parallel_loop3A_974 = arith.constant 7 : i32
          %parallel_loop3A_975 = arith.addi %parallel_loop3A_758, %parallel_loop3A_974 : i32
          %parallel_loop3A_976 = arith.index_cast %parallel_loop3A_975 : i32 to index
          %parallel_loop3A_977 = arith.constant 0 : index
          %parallel_loop3A_978 = tpu.vector_load %arg10[%parallel_loop3A_976, %parallel_loop3A_977] {strides = array<i32>} : memref<512x64xf32, #tpu.memory_space<vmem>>, vector<16xf32>,
          %parallel_loop3A_979 = vector.broadcast %parallel_loop3A_973 : f32 to vector<16xf32>
          %parallel_loop3A_980 = arith.mulf %parallel_loop3A_979, %parallel_loop3A_978 : vector<16xf32>
          %parallel_loop3A_981 = arith.index_cast %parallel_loop3A_975 : i32 to index
          %parallel_loop3A_982 = arith.constant 16 : index
          %parallel_loop3A_983 = tpu.vector_load %arg10[%parallel_loop3A_981, %parallel_loop3A_982] {strides = array<i32>} : memref<512x64xf32, #tpu.memory_space<vmem>>, vector<16xf32>,
          %parallel_loop3A_984 = vector.broadcast %parallel_loop3A_973 : f32 to vector<16xf32>
          %parallel_loop3A_985 = arith.mulf %parallel_loop3A_984, %parallel_loop3A_983 : vector<16xf32>
          %parallel_loop3A_986 = arith.index_cast %parallel_loop3A_975 : i32 to index
          %parallel_loop3A_987 = arith.constant 32 : index
          %parallel_loop3A_988 = tpu.vector_load %arg10[%parallel_loop3A_986, %parallel_loop3A_987] {strides = array<i32>} : memref<512x64xf32, #tpu.memory_space<vmem>>, vector<16xf32>,
          %parallel_loop3A_989 = vector.broadcast %parallel_loop3A_973 : f32 to vector<16xf32>
          %parallel_loop3A_990 = arith.mulf %parallel_loop3A_989, %parallel_loop3A_988 : vector<16xf32>
          %parallel_loop3A_991 = arith.index_cast %parallel_loop3A_975 : i32 to index
          %parallel_loop3A_992 = arith.constant 48 : index
          %parallel_loop3A_993 = tpu.vector_load %arg10[%parallel_loop3A_991, %parallel_loop3A_992] {strides = array<i32>} : memref<512x64xf32, #tpu.memory_space<vmem>>, vector<16xf32>,
          %parallel_loop3A_994 = vector.broadcast %parallel_loop3A_973 : f32 to vector<16xf32>
          %parallel_loop3A_995 = arith.mulf %parallel_loop3A_994, %parallel_loop3A_993 : vector<16xf32>
          %parallel_loop3A_996 = vector.extract_strided_slice %parallel_loop3A_783 {offsets = [0], sizes = [1], strides = [1]} : vector<16xf32> to vector<1xf32>
          %parallel_loop3A_997 = vector.extract %parallel_loop3A_996[0] : f32 from vector<1xf32>
          %parallel_loop3A_998 = vector.extract_strided_slice %parallel_loop3A_803 {offsets = [0], sizes = [1], strides = [1]} : vector<16xi32> to vector<1xi32>
          %parallel_loop3A_999 = vector.extract %parallel_loop3A_998[0] : i32 from vector<1xi32>
          %parallel_loop3A_1000 = vector.broadcast %parallel_loop3A_997 : f32 to vector<16xf32>
          %parallel_loop3A_1001 = arith.mulf %parallel_loop3A_753, %parallel_loop3A_1000 : vector<16xf32>
          %parallel_loop3A_1002 = arith.addf %parallel_loop3A_1001, %parallel_loop3A_812 : vector<16xf32>
          %parallel_loop3A_1003 = vector.broadcast %parallel_loop3A_997 : f32 to vector<16xf32>
          %parallel_loop3A_1004 = arith.mulf %parallel_loop3A_754, %parallel_loop3A_1003 : vector<16xf32>
          %parallel_loop3A_1005 = arith.addf %parallel_loop3A_1004, %parallel_loop3A_817 : vector<16xf32>
          %parallel_loop3A_1006 = vector.broadcast %parallel_loop3A_997 : f32 to vector<16xf32>
          %parallel_loop3A_1007 = arith.mulf %parallel_loop3A_755, %parallel_loop3A_1006 : vector<16xf32>
          %parallel_loop3A_1008 = arith.addf %parallel_loop3A_1007, %parallel_loop3A_822 : vector<16xf32>
          %parallel_loop3A_1009 = vector.broadcast %parallel_loop3A_997 : f32 to vector<16xf32>
          %parallel_loop3A_1010 = arith.mulf %parallel_loop3A_756, %parallel_loop3A_1009 : vector<16xf32>
          %parallel_loop3A_1011 = arith.addf %parallel_loop3A_1010, %parallel_loop3A_827 : vector<16xf32>
          %parallel_loop3A_1012 = arith.index_cast %parallel_loop3A_999 : i32 to index
          %parallel_loop3A_1013 = arith.constant 0 : index
          %parallel_loop3A_1014 = tpu.vector_load %arg16[%parallel_loop3A_1012, %parallel_loop3A_1013] {strides = array<i32>} : memref<513x64xf32, #tpu.memory_space<vmem>>, vector<16xf32>,
          tpu.vector_store %arg16[%parallel_loop3A_1012, %parallel_loop3A_1013], %parallel_loop3A_1002 {strides = array<i32>} : memref<513x64xf32, #tpu.memory_space<vmem>>, vector<16xf32>,
          %parallel_loop3A_1015 = arith.index_cast %parallel_loop3A_999 : i32 to index
          %parallel_loop3A_1016 = arith.constant 16 : index
          %parallel_loop3A_1017 = tpu.vector_load %arg16[%parallel_loop3A_1015, %parallel_loop3A_1016] {strides = array<i32>} : memref<513x64xf32, #tpu.memory_space<vmem>>, vector<16xf32>,
          tpu.vector_store %arg16[%parallel_loop3A_1015, %parallel_loop3A_1016], %parallel_loop3A_1005 {strides = array<i32>} : memref<513x64xf32, #tpu.memory_space<vmem>>, vector<16xf32>,
          %parallel_loop3A_1018 = arith.index_cast %parallel_loop3A_999 : i32 to index
          %parallel_loop3A_1019 = arith.constant 32 : index
          %parallel_loop3A_1020 = tpu.vector_load %arg16[%parallel_loop3A_1018, %parallel_loop3A_1019] {strides = array<i32>} : memref<513x64xf32, #tpu.memory_space<vmem>>, vector<16xf32>,
          tpu.vector_store %arg16[%parallel_loop3A_1018, %parallel_loop3A_1019], %parallel_loop3A_1008 {strides = array<i32>} : memref<513x64xf32, #tpu.memory_space<vmem>>, vector<16xf32>,
          %parallel_loop3A_1021 = arith.index_cast %parallel_loop3A_999 : i32 to index
          %parallel_loop3A_1022 = arith.constant 48 : index
          %parallel_loop3A_1023 = tpu.vector_load %arg16[%parallel_loop3A_1021, %parallel_loop3A_1022] {strides = array<i32>} : memref<513x64xf32, #tpu.memory_space<vmem>>, vector<16xf32>,
          tpu.vector_store %arg16[%parallel_loop3A_1021, %parallel_loop3A_1022], %parallel_loop3A_1011 {strides = array<i32>} : memref<513x64xf32, #tpu.memory_space<vmem>>, vector<16xf32>,
          %parallel_loop3A_1024 = vector.extract_strided_slice %parallel_loop3A_783 {offsets = [1], sizes = [1], strides = [1]} : vector<16xf32> to vector<1xf32>
          %parallel_loop3A_1025 = vector.extract %parallel_loop3A_1024[0] : f32 from vector<1xf32>
          %parallel_loop3A_1026 = vector.extract_strided_slice %parallel_loop3A_803 {offsets = [1], sizes = [1], strides = [1]} : vector<16xi32> to vector<1xi32>
          %parallel_loop3A_1027 = vector.extract %parallel_loop3A_1026[0] : i32 from vector<1xi32>
          %parallel_loop3A_1028 = vector.broadcast %parallel_loop3A_1025 : f32 to vector<16xf32>
          %parallel_loop3A_1029 = arith.mulf %parallel_loop3A_1002, %parallel_loop3A_1028 : vector<16xf32>
          %parallel_loop3A_1030 = arith.addf %parallel_loop3A_1029, %parallel_loop3A_836 : vector<16xf32>
          %parallel_loop3A_1031 = vector.broadcast %parallel_loop3A_1025 : f32 to vector<16xf32>
          %parallel_loop3A_1032 = arith.mulf %parallel_loop3A_1005, %parallel_loop3A_1031 : vector<16xf32>
          %parallel_loop3A_1033 = arith.addf %parallel_loop3A_1032, %parallel_loop3A_841 : vector<16xf32>
          %parallel_loop3A_1034 = vector.broadcast %parallel_loop3A_1025 : f32 to vector<16xf32>
          %parallel_loop3A_1035 = arith.mulf %parallel_loop3A_1008, %parallel_loop3A_1034 : vector<16xf32>
          %parallel_loop3A_1036 = arith.addf %parallel_loop3A_1035, %parallel_loop3A_846 : vector<16xf32>
          %parallel_loop3A_1037 = vector.broadcast %parallel_loop3A_1025 : f32 to vector<16xf32>
          %parallel_loop3A_1038 = arith.mulf %parallel_loop3A_1011, %parallel_loop3A_1037 : vector<16xf32>
          %parallel_loop3A_1039 = arith.addf %parallel_loop3A_1038, %parallel_loop3A_851 : vector<16xf32>
          %parallel_loop3A_1040 = arith.index_cast %parallel_loop3A_1027 : i32 to index
          %parallel_loop3A_1041 = arith.constant 0 : index
          %parallel_loop3A_1042 = tpu.vector_load %arg16[%parallel_loop3A_1040, %parallel_loop3A_1041] {strides = array<i32>} : memref<513x64xf32, #tpu.memory_space<vmem>>, vector<16xf32>,
          tpu.vector_store %arg16[%parallel_loop3A_1040, %parallel_loop3A_1041], %parallel_loop3A_1030 {strides = array<i32>} : memref<513x64xf32, #tpu.memory_space<vmem>>, vector<16xf32>,
          %parallel_loop3A_1043 = arith.index_cast %parallel_loop3A_1027 : i32 to index
          %parallel_loop3A_1044 = arith.constant 16 : index
          %parallel_loop3A_1045 = tpu.vector_load %arg16[%parallel_loop3A_1043, %parallel_loop3A_1044] {strides = array<i32>} : memref<513x64xf32, #tpu.memory_space<vmem>>, vector<16xf32>,
          tpu.vector_store %arg16[%parallel_loop3A_1043, %parallel_loop3A_1044], %parallel_loop3A_1033 {strides = array<i32>} : memref<513x64xf32, #tpu.memory_space<vmem>>, vector<16xf32>,
          %parallel_loop3A_1046 = arith.index_cast %parallel_loop3A_1027 : i32 to index
          %parallel_loop3A_1047 = arith.constant 32 : index
          %parallel_loop3A_1048 = tpu.vector_load %arg16[%parallel_loop3A_1046, %parallel_loop3A_1047] {strides = array<i32>} : memref<513x64xf32, #tpu.memory_space<vmem>>, vector<16xf32>,
          tpu.vector_store %arg16[%parallel_loop3A_1046, %parallel_loop3A_1047], %parallel_loop3A_1036 {strides = array<i32>} : memref<513x64xf32, #tpu.memory_space<vmem>>, vector<16xf32>,
          %parallel_loop3A_1049 = arith.index_cast %parallel_loop3A_1027 : i32 to index
          %parallel_loop3A_1050 = arith.constant 48 : index
          %parallel_loop3A_1051 = tpu.vector_load %arg16[%parallel_loop3A_1049, %parallel_loop3A_1050] {strides = array<i32>} : memref<513x64xf32, #tpu.memory_space<vmem>>, vector<16xf32>,
          tpu.vector_store %arg16[%parallel_loop3A_1049, %parallel_loop3A_1050], %parallel_loop3A_1039 {strides = array<i32>} : memref<513x64xf32, #tpu.memory_space<vmem>>, vector<16xf32>,
          %parallel_loop3A_1052 = vector.extract_strided_slice %parallel_loop3A_783 {offsets = [2], sizes = [1], strides = [1]} : vector<16xf32> to vector<1xf32>
          %parallel_loop3A_1053 = vector.extract %parallel_loop3A_1052[0] : f32 from vector<1xf32>
          %parallel_loop3A_1054 = vector.extract_strided_slice %parallel_loop3A_803 {offsets = [2], sizes = [1], strides = [1]} : vector<16xi32> to vector<1xi32>
          %parallel_loop3A_1055 = vector.extract %parallel_loop3A_1054[0] : i32 from vector<1xi32>
          %parallel_loop3A_1056 = vector.broadcast %parallel_loop3A_1053 : f32 to vector<16xf32>
          %parallel_loop3A_1057 = arith.mulf %parallel_loop3A_1030, %parallel_loop3A_1056 : vector<16xf32>
          %parallel_loop3A_1058 = arith.addf %parallel_loop3A_1057, %parallel_loop3A_860 : vector<16xf32>
          %parallel_loop3A_1059 = vector.broadcast %parallel_loop3A_1053 : f32 to vector<16xf32>
          %parallel_loop3A_1060 = arith.mulf %parallel_loop3A_1033, %parallel_loop3A_1059 : vector<16xf32>
          %parallel_loop3A_1061 = arith.addf %parallel_loop3A_1060, %parallel_loop3A_865 : vector<16xf32>
          %parallel_loop3A_1062 = vector.broadcast %parallel_loop3A_1053 : f32 to vector<16xf32>
          %parallel_loop3A_1063 = arith.mulf %parallel_loop3A_1036, %parallel_loop3A_1062 : vector<16xf32>
          %parallel_loop3A_1064 = arith.addf %parallel_loop3A_1063, %parallel_loop3A_870 : vector<16xf32>
          %parallel_loop3A_1065 = vector.broadcast %parallel_loop3A_1053 : f32 to vector<16xf32>
          %parallel_loop3A_1066 = arith.mulf %parallel_loop3A_1039, %parallel_loop3A_1065 : vector<16xf32>
          %parallel_loop3A_1067 = arith.addf %parallel_loop3A_1066, %parallel_loop3A_875 : vector<16xf32>
          %parallel_loop3A_1068 = arith.index_cast %parallel_loop3A_1055 : i32 to index
          %parallel_loop3A_1069 = arith.constant 0 : index
          %parallel_loop3A_1070 = tpu.vector_load %arg16[%parallel_loop3A_1068, %parallel_loop3A_1069] {strides = array<i32>} : memref<513x64xf32, #tpu.memory_space<vmem>>, vector<16xf32>,
          tpu.vector_store %arg16[%parallel_loop3A_1068, %parallel_loop3A_1069], %parallel_loop3A_1058 {strides = array<i32>} : memref<513x64xf32, #tpu.memory_space<vmem>>, vector<16xf32>,
          %parallel_loop3A_1071 = arith.index_cast %parallel_loop3A_1055 : i32 to index
          %parallel_loop3A_1072 = arith.constant 16 : index
          %parallel_loop3A_1073 = tpu.vector_load %arg16[%parallel_loop3A_1071, %parallel_loop3A_1072] {strides = array<i32>} : memref<513x64xf32, #tpu.memory_space<vmem>>, vector<16xf32>,
          tpu.vector_store %arg16[%parallel_loop3A_1071, %parallel_loop3A_1072], %parallel_loop3A_1061 {strides = array<i32>} : memref<513x64xf32, #tpu.memory_space<vmem>>, vector<16xf32>,
          %parallel_loop3A_1074 = arith.index_cast %parallel_loop3A_1055 : i32 to index
          %parallel_loop3A_1075 = arith.constant 32 : index
          %parallel_loop3A_1076 = tpu.vector_load %arg16[%parallel_loop3A_1074, %parallel_loop3A_1075] {strides = array<i32>} : memref<513x64xf32, #tpu.memory_space<vmem>>, vector<16xf32>,
          tpu.vector_store %arg16[%parallel_loop3A_1074, %parallel_loop3A_1075], %parallel_loop3A_1064 {strides = array<i32>} : memref<513x64xf32, #tpu.memory_space<vmem>>, vector<16xf32>,
          %parallel_loop3A_1077 = arith.index_cast %parallel_loop3A_1055 : i32 to index
          %parallel_loop3A_1078 = arith.constant 48 : index
          %parallel_loop3A_1079 = tpu.vector_load %arg16[%parallel_loop3A_1077, %parallel_loop3A_1078] {strides = array<i32>} : memref<513x64xf32, #tpu.memory_space<vmem>>, vector<16xf32>,
          tpu.vector_store %arg16[%parallel_loop3A_1077, %parallel_loop3A_1078], %parallel_loop3A_1067 {strides = array<i32>} : memref<513x64xf32, #tpu.memory_space<vmem>>, vector<16xf32>,
          %parallel_loop3A_1080 = vector.extract_strided_slice %parallel_loop3A_783 {offsets = [3], sizes = [1], strides = [1]} : vector<16xf32> to vector<1xf32>
          %parallel_loop3A_1081 = vector.extract %parallel_loop3A_1080[0] : f32 from vector<1xf32>
          %parallel_loop3A_1082 = vector.extract_strided_slice %parallel_loop3A_803 {offsets = [3], sizes = [1], strides = [1]} : vector<16xi32> to vector<1xi32>
          %parallel_loop3A_1083 = vector.extract %parallel_loop3A_1082[0] : i32 from vector<1xi32>
          %parallel_loop3A_1084 = vector.broadcast %parallel_loop3A_1081 : f32 to vector<16xf32>
          %parallel_loop3A_1085 = arith.mulf %parallel_loop3A_1058, %parallel_loop3A_1084 : vector<16xf32>
          %parallel_loop3A_1086 = arith.addf %parallel_loop3A_1085, %parallel_loop3A_884 : vector<16xf32>
          %parallel_loop3A_1087 = vector.broadcast %parallel_loop3A_1081 : f32 to vector<16xf32>
          %parallel_loop3A_1088 = arith.mulf %parallel_loop3A_1061, %parallel_loop3A_1087 : vector<16xf32>
          %parallel_loop3A_1089 = arith.addf %parallel_loop3A_1088, %parallel_loop3A_889 : vector<16xf32>
          %parallel_loop3A_1090 = vector.broadcast %parallel_loop3A_1081 : f32 to vector<16xf32>
          %parallel_loop3A_1091 = arith.mulf %parallel_loop3A_1064, %parallel_loop3A_1090 : vector<16xf32>
          %parallel_loop3A_1092 = arith.addf %parallel_loop3A_1091, %parallel_loop3A_894 : vector<16xf32>
          %parallel_loop3A_1093 = vector.broadcast %parallel_loop3A_1081 : f32 to vector<16xf32>
          %parallel_loop3A_1094 = arith.mulf %parallel_loop3A_1067, %parallel_loop3A_1093 : vector<16xf32>
          %parallel_loop3A_1095 = arith.addf %parallel_loop3A_1094, %parallel_loop3A_899 : vector<16xf32>
          %parallel_loop3A_1096 = arith.index_cast %parallel_loop3A_1083 : i32 to index
          %parallel_loop3A_1097 = arith.constant 0 : index
          %parallel_loop3A_1098 = tpu.vector_load %arg16[%parallel_loop3A_1096, %parallel_loop3A_1097] {strides = array<i32>} : memref<513x64xf32, #tpu.memory_space<vmem>>, vector<16xf32>,
          tpu.vector_store %arg16[%parallel_loop3A_1096, %parallel_loop3A_1097], %parallel_loop3A_1086 {strides = array<i32>} : memref<513x64xf32, #tpu.memory_space<vmem>>, vector<16xf32>,
          %parallel_loop3A_1099 = arith.index_cast %parallel_loop3A_1083 : i32 to index
          %parallel_loop3A_1100 = arith.constant 16 : index
          %parallel_loop3A_1101 = tpu.vector_load %arg16[%parallel_loop3A_1099, %parallel_loop3A_1100] {strides = array<i32>} : memref<513x64xf32, #tpu.memory_space<vmem>>, vector<16xf32>,
          tpu.vector_store %arg16[%parallel_loop3A_1099, %parallel_loop3A_1100], %parallel_loop3A_1089 {strides = array<i32>} : memref<513x64xf32, #tpu.memory_space<vmem>>, vector<16xf32>,
          %parallel_loop3A_1102 = arith.index_cast %parallel_loop3A_1083 : i32 to index
          %parallel_loop3A_1103 = arith.constant 32 : index
          %parallel_loop3A_1104 = tpu.vector_load %arg16[%parallel_loop3A_1102, %parallel_loop3A_1103] {strides = array<i32>} : memref<513x64xf32, #tpu.memory_space<vmem>>, vector<16xf32>,
          tpu.vector_store %arg16[%parallel_loop3A_1102, %parallel_loop3A_1103], %parallel_loop3A_1092 {strides = array<i32>} : memref<513x64xf32, #tpu.memory_space<vmem>>, vector<16xf32>,
          %parallel_loop3A_1105 = arith.index_cast %parallel_loop3A_1083 : i32 to index
          %parallel_loop3A_1106 = arith.constant 48 : index
          %parallel_loop3A_1107 = tpu.vector_load %arg16[%parallel_loop3A_1105, %parallel_loop3A_1106] {strides = array<i32>} : memref<513x64xf32, #tpu.memory_space<vmem>>, vector<16xf32>,
          tpu.vector_store %arg16[%parallel_loop3A_1105, %parallel_loop3A_1106], %parallel_loop3A_1095 {strides = array<i32>} : memref<513x64xf32, #tpu.memory_space<vmem>>, vector<16xf32>,
          %parallel_loop3A_1108 = vector.extract_strided_slice %parallel_loop3A_783 {offsets = [4], sizes = [1], strides = [1]} : vector<16xf32> to vector<1xf32>
          %parallel_loop3A_1109 = vector.extract %parallel_loop3A_1108[0] : f32 from vector<1xf32>
          %parallel_loop3A_1110 = vector.extract_strided_slice %parallel_loop3A_803 {offsets = [4], sizes = [1], strides = [1]} : vector<16xi32> to vector<1xi32>
          %parallel_loop3A_1111 = vector.extract %parallel_loop3A_1110[0] : i32 from vector<1xi32>
          %parallel_loop3A_1112 = vector.broadcast %parallel_loop3A_1109 : f32 to vector<16xf32>
          %parallel_loop3A_1113 = arith.mulf %parallel_loop3A_1086, %parallel_loop3A_1112 : vector<16xf32>
          %parallel_loop3A_1114 = arith.addf %parallel_loop3A_1113, %parallel_loop3A_908 : vector<16xf32>
          %parallel_loop3A_1115 = vector.broadcast %parallel_loop3A_1109 : f32 to vector<16xf32>
          %parallel_loop3A_1116 = arith.mulf %parallel_loop3A_1089, %parallel_loop3A_1115 : vector<16xf32>
          %parallel_loop3A_1117 = arith.addf %parallel_loop3A_1116, %parallel_loop3A_913 : vector<16xf32>
          %parallel_loop3A_1118 = vector.broadcast %parallel_loop3A_1109 : f32 to vector<16xf32>
          %parallel_loop3A_1119 = arith.mulf %parallel_loop3A_1092, %parallel_loop3A_1118 : vector<16xf32>
          %parallel_loop3A_1120 = arith.addf %parallel_loop3A_1119, %parallel_loop3A_918 : vector<16xf32>
          %parallel_loop3A_1121 = vector.broadcast %parallel_loop3A_1109 : f32 to vector<16xf32>
          %parallel_loop3A_1122 = arith.mulf %parallel_loop3A_1095, %parallel_loop3A_1121 : vector<16xf32>
          %parallel_loop3A_1123 = arith.addf %parallel_loop3A_1122, %parallel_loop3A_923 : vector<16xf32>
          %parallel_loop3A_1124 = arith.index_cast %parallel_loop3A_1111 : i32 to index
          %parallel_loop3A_1125 = arith.constant 0 : index
          %parallel_loop3A_1126 = tpu.vector_load %arg16[%parallel_loop3A_1124, %parallel_loop3A_1125] {strides = array<i32>} : memref<513x64xf32, #tpu.memory_space<vmem>>, vector<16xf32>,
          tpu.vector_store %arg16[%parallel_loop3A_1124, %parallel_loop3A_1125], %parallel_loop3A_1114 {strides = array<i32>} : memref<513x64xf32, #tpu.memory_space<vmem>>, vector<16xf32>,
          %parallel_loop3A_1127 = arith.index_cast %parallel_loop3A_1111 : i32 to index
          %parallel_loop3A_1128 = arith.constant 16 : index
          %parallel_loop3A_1129 = tpu.vector_load %arg16[%parallel_loop3A_1127, %parallel_loop3A_1128] {strides = array<i32>} : memref<513x64xf32, #tpu.memory_space<vmem>>, vector<16xf32>,
          tpu.vector_store %arg16[%parallel_loop3A_1127, %parallel_loop3A_1128], %parallel_loop3A_1117 {strides = array<i32>} : memref<513x64xf32, #tpu.memory_space<vmem>>, vector<16xf32>,
          %parallel_loop3A_1130 = arith.index_cast %parallel_loop3A_1111 : i32 to index
          %parallel_loop3A_1131 = arith.constant 32 : index
          %parallel_loop3A_1132 = tpu.vector_load %arg16[%parallel_loop3A_1130, %parallel_loop3A_1131] {strides = array<i32>} : memref<513x64xf32, #tpu.memory_space<vmem>>, vector<16xf32>,
          tpu.vector_store %arg16[%parallel_loop3A_1130, %parallel_loop3A_1131], %parallel_loop3A_1120 {strides = array<i32>} : memref<513x64xf32, #tpu.memory_space<vmem>>, vector<16xf32>,
          %parallel_loop3A_1133 = arith.index_cast %parallel_loop3A_1111 : i32 to index
          %parallel_loop3A_1134 = arith.constant 48 : index
          %parallel_loop3A_1135 = tpu.vector_load %arg16[%parallel_loop3A_1133, %parallel_loop3A_1134] {strides = array<i32>} : memref<513x64xf32, #tpu.memory_space<vmem>>, vector<16xf32>,
          tpu.vector_store %arg16[%parallel_loop3A_1133, %parallel_loop3A_1134], %parallel_loop3A_1123 {strides = array<i32>} : memref<513x64xf32, #tpu.memory_space<vmem>>, vector<16xf32>,
          %parallel_loop3A_1136 = vector.extract_strided_slice %parallel_loop3A_783 {offsets = [5], sizes = [1], strides = [1]} : vector<16xf32> to vector<1xf32>
          %parallel_loop3A_1137 = vector.extract %parallel_loop3A_1136[0] : f32 from vector<1xf32>
          %parallel_loop3A_1138 = vector.extract_strided_slice %parallel_loop3A_803 {offsets = [5], sizes = [1], strides = [1]} : vector<16xi32> to vector<1xi32>
          %parallel_loop3A_1139 = vector.extract %parallel_loop3A_1138[0] : i32 from vector<1xi32>
          %parallel_loop3A_1140 = vector.broadcast %parallel_loop3A_1137 : f32 to vector<16xf32>
          %parallel_loop3A_1141 = arith.mulf %parallel_loop3A_1114, %parallel_loop3A_1140 : vector<16xf32>
          %parallel_loop3A_1142 = arith.addf %parallel_loop3A_1141, %parallel_loop3A_932 : vector<16xf32>
          %parallel_loop3A_1143 = vector.broadcast %parallel_loop3A_1137 : f32 to vector<16xf32>
          %parallel_loop3A_1144 = arith.mulf %parallel_loop3A_1117, %parallel_loop3A_1143 : vector<16xf32>
          %parallel_loop3A_1145 = arith.addf %parallel_loop3A_1144, %parallel_loop3A_937 : vector<16xf32>
          %parallel_loop3A_1146 = vector.broadcast %parallel_loop3A_1137 : f32 to vector<16xf32>
          %parallel_loop3A_1147 = arith.mulf %parallel_loop3A_1120, %parallel_loop3A_1146 : vector<16xf32>
          %parallel_loop3A_1148 = arith.addf %parallel_loop3A_1147, %parallel_loop3A_942 : vector<16xf32>
          %parallel_loop3A_1149 = vector.broadcast %parallel_loop3A_1137 : f32 to vector<16xf32>
          %parallel_loop3A_1150 = arith.mulf %parallel_loop3A_1123, %parallel_loop3A_1149 : vector<16xf32>
          %parallel_loop3A_1151 = arith.addf %parallel_loop3A_1150, %parallel_loop3A_947 : vector<16xf32>
          %parallel_loop3A_1152 = arith.index_cast %parallel_loop3A_1139 : i32 to index
          %parallel_loop3A_1153 = arith.constant 0 : index
          %parallel_loop3A_1154 = tpu.vector_load %arg16[%parallel_loop3A_1152, %parallel_loop3A_1153] {strides = array<i32>} : memref<513x64xf32, #tpu.memory_space<vmem>>, vector<16xf32>,
          tpu.vector_store %arg16[%parallel_loop3A_1152, %parallel_loop3A_1153], %parallel_loop3A_1142 {strides = array<i32>} : memref<513x64xf32, #tpu.memory_space<vmem>>, vector<16xf32>,
          %parallel_loop3A_1155 = arith.index_cast %parallel_loop3A_1139 : i32 to index
          %parallel_loop3A_1156 = arith.constant 16 : index
          %parallel_loop3A_1157 = tpu.vector_load %arg16[%parallel_loop3A_1155, %parallel_loop3A_1156] {strides = array<i32>} : memref<513x64xf32, #tpu.memory_space<vmem>>, vector<16xf32>,
          tpu.vector_store %arg16[%parallel_loop3A_1155, %parallel_loop3A_1156], %parallel_loop3A_1145 {strides = array<i32>} : memref<513x64xf32, #tpu.memory_space<vmem>>, vector<16xf32>,
          %parallel_loop3A_1158 = arith.index_cast %parallel_loop3A_1139 : i32 to index
          %parallel_loop3A_1159 = arith.constant 32 : index
          %parallel_loop3A_1160 = tpu.vector_load %arg16[%parallel_loop3A_1158, %parallel_loop3A_1159] {strides = array<i32>} : memref<513x64xf32, #tpu.memory_space<vmem>>, vector<16xf32>,
          tpu.vector_store %arg16[%parallel_loop3A_1158, %parallel_loop3A_1159], %parallel_loop3A_1148 {strides = array<i32>} : memref<513x64xf32, #tpu.memory_space<vmem>>, vector<16xf32>,
          %parallel_loop3A_1161 = arith.index_cast %parallel_loop3A_1139 : i32 to index
          %parallel_loop3A_1162 = arith.constant 48 : index
          %parallel_loop3A_1163 = tpu.vector_load %arg16[%parallel_loop3A_1161, %parallel_loop3A_1162] {strides = array<i32>} : memref<513x64xf32, #tpu.memory_space<vmem>>, vector<16xf32>,
          tpu.vector_store %arg16[%parallel_loop3A_1161, %parallel_loop3A_1162], %parallel_loop3A_1151 {strides = array<i32>} : memref<513x64xf32, #tpu.memory_space<vmem>>, vector<16xf32>,
          %parallel_loop3A_1164 = vector.extract_strided_slice %parallel_loop3A_783 {offsets = [6], sizes = [1], strides = [1]} : vector<16xf32> to vector<1xf32>
          %parallel_loop3A_1165 = vector.extract %parallel_loop3A_1164[0] : f32 from vector<1xf32>
          %parallel_loop3A_1166 = vector.extract_strided_slice %parallel_loop3A_803 {offsets = [6], sizes = [1], strides = [1]} : vector<16xi32> to vector<1xi32>
          %parallel_loop3A_1167 = vector.extract %parallel_loop3A_1166[0] : i32 from vector<1xi32>
          %parallel_loop3A_1168 = vector.broadcast %parallel_loop3A_1165 : f32 to vector<16xf32>
          %parallel_loop3A_1169 = arith.mulf %parallel_loop3A_1142, %parallel_loop3A_1168 : vector<16xf32>
          %parallel_loop3A_1170 = arith.addf %parallel_loop3A_1169, %parallel_loop3A_956 : vector<16xf32>
          %parallel_loop3A_1171 = vector.broadcast %parallel_loop3A_1165 : f32 to vector<16xf32>
          %parallel_loop3A_1172 = arith.mulf %parallel_loop3A_1145, %parallel_loop3A_1171 : vector<16xf32>
          %parallel_loop3A_1173 = arith.addf %parallel_loop3A_1172, %parallel_loop3A_961 : vector<16xf32>
          %parallel_loop3A_1174 = vector.broadcast %parallel_loop3A_1165 : f32 to vector<16xf32>
          %parallel_loop3A_1175 = arith.mulf %parallel_loop3A_1148, %parallel_loop3A_1174 : vector<16xf32>
          %parallel_loop3A_1176 = arith.addf %parallel_loop3A_1175, %parallel_loop3A_966 : vector<16xf32>
          %parallel_loop3A_1177 = vector.broadcast %parallel_loop3A_1165 : f32 to vector<16xf32>
          %parallel_loop3A_1178 = arith.mulf %parallel_loop3A_1151, %parallel_loop3A_1177 : vector<16xf32>
          %parallel_loop3A_1179 = arith.addf %parallel_loop3A_1178, %parallel_loop3A_971 : vector<16xf32>
          %parallel_loop3A_1180 = arith.index_cast %parallel_loop3A_1167 : i32 to index
          %parallel_loop3A_1181 = arith.constant 0 : index
          %parallel_loop3A_1182 = tpu.vector_load %arg16[%parallel_loop3A_1180, %parallel_loop3A_1181] {strides = array<i32>} : memref<513x64xf32, #tpu.memory_space<vmem>>, vector<16xf32>,
          tpu.vector_store %arg16[%parallel_loop3A_1180, %parallel_loop3A_1181], %parallel_loop3A_1170 {strides = array<i32>} : memref<513x64xf32, #tpu.memory_space<vmem>>, vector<16xf32>,
          %parallel_loop3A_1183 = arith.index_cast %parallel_loop3A_1167 : i32 to index
          %parallel_loop3A_1184 = arith.constant 16 : index
          %parallel_loop3A_1185 = tpu.vector_load %arg16[%parallel_loop3A_1183, %parallel_loop3A_1184] {strides = array<i32>} : memref<513x64xf32, #tpu.memory_space<vmem>>, vector<16xf32>,
          tpu.vector_store %arg16[%parallel_loop3A_1183, %parallel_loop3A_1184], %parallel_loop3A_1173 {strides = array<i32>} : memref<513x64xf32, #tpu.memory_space<vmem>>, vector<16xf32>,
          %parallel_loop3A_1186 = arith.index_cast %parallel_loop3A_1167 : i32 to index
          %parallel_loop3A_1187 = arith.constant 32 : index
          %parallel_loop3A_1188 = tpu.vector_load %arg16[%parallel_loop3A_1186, %parallel_loop3A_1187] {strides = array<i32>} : memref<513x64xf32, #tpu.memory_space<vmem>>, vector<16xf32>,
          tpu.vector_store %arg16[%parallel_loop3A_1186, %parallel_loop3A_1187], %parallel_loop3A_1176 {strides = array<i32>} : memref<513x64xf32, #tpu.memory_space<vmem>>, vector<16xf32>,
          %parallel_loop3A_1189 = arith.index_cast %parallel_loop3A_1167 : i32 to index
          %parallel_loop3A_1190 = arith.constant 48 : index
          %parallel_loop3A_1191 = tpu.vector_load %arg16[%parallel_loop3A_1189, %parallel_loop3A_1190] {strides = array<i32>} : memref<513x64xf32, #tpu.memory_space<vmem>>, vector<16xf32>,
          tpu.vector_store %arg16[%parallel_loop3A_1189, %parallel_loop3A_1190], %parallel_loop3A_1179 {strides = array<i32>} : memref<513x64xf32, #tpu.memory_space<vmem>>, vector<16xf32>,
          %parallel_loop3A_1192 = vector.extract_strided_slice %parallel_loop3A_783 {offsets = [7], sizes = [1], strides = [1]} : vector<16xf32> to vector<1xf32>
          %parallel_loop3A_1193 = vector.extract %parallel_loop3A_1192[0] : f32 from vector<1xf32>
          %parallel_loop3A_1194 = vector.extract_strided_slice %parallel_loop3A_803 {offsets = [7], sizes = [1], strides = [1]} : vector<16xi32> to vector<1xi32>
          %parallel_loop3A_1195 = vector.extract %parallel_loop3A_1194[0] : i32 from vector<1xi32>
          %parallel_loop3A_1196 = vector.broadcast %parallel_loop3A_1193 : f32 to vector<16xf32>
          %parallel_loop3A_1197 = arith.mulf %parallel_loop3A_1170, %parallel_loop3A_1196 : vector<16xf32>
          %parallel_loop3A_1198 = arith.addf %parallel_loop3A_1197, %parallel_loop3A_980 : vector<16xf32>
          %parallel_loop3A_1199 = vector.broadcast %parallel_loop3A_1193 : f32 to vector<16xf32>
          %parallel_loop3A_1200 = arith.mulf %parallel_loop3A_1173, %parallel_loop3A_1199 : vector<16xf32>
          %parallel_loop3A_1201 = arith.addf %parallel_loop3A_1200, %parallel_loop3A_985 : vector<16xf32>
          %parallel_loop3A_1202 = vector.broadcast %parallel_loop3A_1193 : f32 to vector<16xf32>
          %parallel_loop3A_1203 = arith.mulf %parallel_loop3A_1176, %parallel_loop3A_1202 : vector<16xf32>
          %parallel_loop3A_1204 = arith.addf %parallel_loop3A_1203, %parallel_loop3A_990 : vector<16xf32>
          %parallel_loop3A_1205 = vector.broadcast %parallel_loop3A_1193 : f32 to vector<16xf32>
          %parallel_loop3A_1206 = arith.mulf %parallel_loop3A_1179, %parallel_loop3A_1205 : vector<16xf32>
          %parallel_loop3A_1207 = arith.addf %parallel_loop3A_1206, %parallel_loop3A_995 : vector<16xf32>
          %parallel_loop3A_1208 = arith.index_cast %parallel_loop3A_1195 : i32 to index
          %parallel_loop3A_1209 = arith.constant 0 : index
          %parallel_loop3A_1210 = tpu.vector_load %arg16[%parallel_loop3A_1208, %parallel_loop3A_1209] {strides = array<i32>} : memref<513x64xf32, #tpu.memory_space<vmem>>, vector<16xf32>,
          tpu.vector_store %arg16[%parallel_loop3A_1208, %parallel_loop3A_1209], %parallel_loop3A_1198 {strides = array<i32>} : memref<513x64xf32, #tpu.memory_space<vmem>>, vector<16xf32>,
          %parallel_loop3A_1211 = arith.index_cast %parallel_loop3A_1195 : i32 to index
          %parallel_loop3A_1212 = arith.constant 16 : index
          %parallel_loop3A_1213 = tpu.vector_load %arg16[%parallel_loop3A_1211, %parallel_loop3A_1212] {strides = array<i32>} : memref<513x64xf32, #tpu.memory_space<vmem>>, vector<16xf32>,
          tpu.vector_store %arg16[%parallel_loop3A_1211, %parallel_loop3A_1212], %parallel_loop3A_1201 {strides = array<i32>} : memref<513x64xf32, #tpu.memory_space<vmem>>, vector<16xf32>,
          %parallel_loop3A_1214 = arith.index_cast %parallel_loop3A_1195 : i32 to index
          %parallel_loop3A_1215 = arith.constant 32 : index
          %parallel_loop3A_1216 = tpu.vector_load %arg16[%parallel_loop3A_1214, %parallel_loop3A_1215] {strides = array<i32>} : memref<513x64xf32, #tpu.memory_space<vmem>>, vector<16xf32>,
          tpu.vector_store %arg16[%parallel_loop3A_1214, %parallel_loop3A_1215], %parallel_loop3A_1204 {strides = array<i32>} : memref<513x64xf32, #tpu.memory_space<vmem>>, vector<16xf32>,
          %parallel_loop3A_1217 = arith.index_cast %parallel_loop3A_1195 : i32 to index
          %parallel_loop3A_1218 = arith.constant 48 : index
          %parallel_loop3A_1219 = tpu.vector_load %arg16[%parallel_loop3A_1217, %parallel_loop3A_1218] {strides = array<i32>} : memref<513x64xf32, #tpu.memory_space<vmem>>, vector<16xf32>,
          tpu.vector_store %arg16[%parallel_loop3A_1217, %parallel_loop3A_1218], %parallel_loop3A_1207 {strides = array<i32>} : memref<513x64xf32, #tpu.memory_space<vmem>>, vector<16xf32>,
          scf.yield %parallel_loop3A_1198, %parallel_loop3A_1201, %parallel_loop3A_1204, %parallel_loop3A_1207 : vector<16xf32>, vector<16xf32>, vector<16xf32>, vector<16xf32>
        } {sc.loop_unroll_factor = 1 : i64, sc.parallel_access}
        %get3A_513 = arith.constant 512 : index
        %get3A_514 = tpu.vector_load %arg12[%get3A_513] {strides = array<i32>} : memref<544xi32, #tpu.memory_space<vmem>>, vector<16xi32>,
        %swap3A = arith.constant 0 : index
        %swap3A_515 = tpu.vector_load %arg13[%swap3A] {strides = array<i32>} : memref<544xi32, #tpu.memory_space<vmem>>, vector<16xi32>,
        tpu.vector_store %arg13[%swap3A], %get3A_514 {strides = array<i32>} : memref<544xi32, #tpu.memory_space<vmem>>, vector<16xi32>,
        %add3A_516 = arith.constant 2 : i32
        %add3A_517 = arith.addi %add3A_391, %add3A_516 : i32
        %mul3A_518 = arith.constant 512 : i32
        %mul3A_519 = arith.muli %add3A_517, %mul3A_518 : i32
        %min3A_520 = arith.constant 4193792 : i32
        %min3A_521 = arith.minsi %mul3A_519, %min3A_520 : i32
        %dma_start3A_522 = arith.constant 16 : i32
        %dma_start3A_523 = tpu.memref_slice %arg12[%dma_start3A_522] : memref<544xi32, #tpu.memory_space<vmem>> -> memref<512xi32, #tpu.memory_space<vmem>>
        %dma_start3A_524 = tpu.memref_slice %arg3[%min3A_521] : memref<4194304xi32, #tpu.memory_space<hbm>> -> memref<512xi32, #tpu.memory_space<hbm>>
        %dma_start3A_525 = arith.constant 16 : i32
        %dma_start3A_526 = tpu.memref_slice %arg12[%dma_start3A_525] : memref<544xi32, #tpu.memory_space<vmem>> -> memref<512xi32, #tpu.memory_space<vmem>>
        %dma_start3A_527 = tpu.memref_slice %arg3[%min3A_521] : memref<4194304xi32, #tpu.memory_space<hbm>> -> memref<512xi32, #tpu.memory_space<hbm>>
        tpu.enqueue_dma source(%dma_start3A_527 : memref<512xi32, #tpu.memory_space<hbm>>) target(%dma_start3A_526 : memref<512xi32, #tpu.memory_space<vmem>>) target_semaphore(%arg20 : memref<!tpu.dma_semaphore, #tpu.memory_space<semaphore_mem>>)
        %dma_start3A_528 = arith.constant 0 : i32
        %dma_start3A_529 = tpu.memref_slice %arg14[%dma_start3A_528] : memref<528xf32, #tpu.memory_space<vmem>> -> memref<512xf32, #tpu.memory_space<vmem>>
        %dma_start3A_530 = tpu.memref_slice %arg2[%min3A_521] : memref<4194304xf32, #tpu.memory_space<hbm>> -> memref<512xf32, #tpu.memory_space<hbm>>
        %dma_start3A_531 = arith.constant 0 : i32
        %dma_start3A_532 = tpu.memref_slice %arg14[%dma_start3A_531] : memref<528xf32, #tpu.memory_space<vmem>> -> memref<512xf32, #tpu.memory_space<vmem>>
        %dma_start3A_533 = tpu.memref_slice %arg2[%min3A_521] : memref<4194304xf32, #tpu.memory_space<hbm>> -> memref<512xf32, #tpu.memory_space<hbm>>
        tpu.enqueue_dma source(%dma_start3A_533 : memref<512xf32, #tpu.memory_space<hbm>>) target(%dma_start3A_532 : memref<512xf32, #tpu.memory_space<vmem>>) target_semaphore(%arg20 : memref<!tpu.dma_semaphore, #tpu.memory_space<semaphore_mem>>)
        %dma_wait3A_534 = arith.constant 0 : i32
        %dma_wait3A_535 = tpu.memref_slice %arg4[%dma_wait3A_534] : memref<4194304xi32, #tpu.memory_space<hbm>> -> memref<512xi32, #tpu.memory_space<hbm>>
        %dma_wait3A_536 = arith.constant 0 : i32
        %dma_wait3A_537 = tpu.memref_slice %arg4[%dma_wait3A_536] : memref<4194304xi32, #tpu.memory_space<hbm>> -> memref<512xi32, #tpu.memory_space<hbm>>
        tpu.wait_dma2 semaphore(%arg18 : memref<!tpu.dma_semaphore, #tpu.memory_space<semaphore_mem>>) src(%dma_wait3A_537 : memref<512xi32, #tpu.memory_space<hbm>>) dst(%arg8 : memref<512xi32, #tpu.memory_space<vmem>>)
        %dma_start3A_538 = arith.constant 0 : i32
        %dma_start3A_539 = arith.constant 0 : i32
        %dma_start3A_540 = tpu.memref_slice %arg10[%dma_start3A_538, %dma_start3A_539] : memref<512x64xf32, #tpu.memory_space<vmem>> -> memref<128x64xf32, #tpu.memory_space<vmem>>
        %dma_start3A_541 = arith.constant 0 : i32
        %dma_start3A_542 = tpu.memref_slice %arg8[%dma_start3A_541] : memref<512xi32, #tpu.memory_space<vmem>> -> memref<128xi32, #tpu.memory_space<vmem>>
        %dma_start3A_543 = arith.constant 0 : i32
        %dma_start3A_544 = arith.constant 0 : i32
        %dma_start3A_545 = tpu.memref_slice %arg5[%dma_start3A_543, %dma_start3A_544] : memref<65536x64xf32, #tpu.memory_space<hbm>> -> memref<65536x64xf32, #tpu.memory_space<hbm>>
        tpu.enqueue_indirect_dma source(%dma_start3A_545 : memref<65536x64xf32, #tpu.memory_space<hbm>>) target(%dma_start3A_540 : memref<128x64xf32, #tpu.memory_space<vmem>>) offsets(%dma_start3A_542 : memref<128xi32, #tpu.memory_space<vmem>>) semaphore(%arg22 : memref<!tpu.dma_semaphore, #tpu.memory_space<semaphore_mem>>)
        %dma_start3A_546 = arith.constant 128 : i32
        %dma_start3A_547 = arith.constant 0 : i32
        %dma_start3A_548 = tpu.memref_slice %arg10[%dma_start3A_546, %dma_start3A_547] : memref<512x64xf32, #tpu.memory_space<vmem>> -> memref<128x64xf32, #tpu.memory_space<vmem>>
        %dma_start3A_549 = arith.constant 128 : i32
        %dma_start3A_550 = tpu.memref_slice %arg8[%dma_start3A_549] : memref<512xi32, #tpu.memory_space<vmem>> -> memref<128xi32, #tpu.memory_space<vmem>>
        %dma_start3A_551 = arith.constant 0 : i32
        %dma_start3A_552 = arith.constant 0 : i32
        %dma_start3A_553 = tpu.memref_slice %arg5[%dma_start3A_551, %dma_start3A_552] : memref<65536x64xf32, #tpu.memory_space<hbm>> -> memref<65536x64xf32, #tpu.memory_space<hbm>>
        tpu.enqueue_indirect_dma source(%dma_start3A_553 : memref<65536x64xf32, #tpu.memory_space<hbm>>) target(%dma_start3A_548 : memref<128x64xf32, #tpu.memory_space<vmem>>) offsets(%dma_start3A_550 : memref<128xi32, #tpu.memory_space<vmem>>) semaphore(%arg22 : memref<!tpu.dma_semaphore, #tpu.memory_space<semaphore_mem>>)
        %dma_start3A_554 = arith.constant 256 : i32
        %dma_start3A_555 = arith.constant 0 : i32
        %dma_start3A_556 = tpu.memref_slice %arg10[%dma_start3A_554, %dma_start3A_555] : memref<512x64xf32, #tpu.memory_space<vmem>> -> memref<128x64xf32, #tpu.memory_space<vmem>>
        %dma_start3A_557 = arith.constant 256 : i32
        %dma_start3A_558 = tpu.memref_slice %arg8[%dma_start3A_557] : memref<512xi32, #tpu.memory_space<vmem>> -> memref<128xi32, #tpu.memory_space<vmem>>
        %dma_start3A_559 = arith.constant 0 : i32
        %dma_start3A_560 = arith.constant 0 : i32
        %dma_start3A_561 = tpu.memref_slice %arg5[%dma_start3A_559, %dma_start3A_560] : memref<65536x64xf32, #tpu.memory_space<hbm>> -> memref<65536x64xf32, #tpu.memory_space<hbm>>
        tpu.enqueue_indirect_dma source(%dma_start3A_561 : memref<65536x64xf32, #tpu.memory_space<hbm>>) target(%dma_start3A_556 : memref<128x64xf32, #tpu.memory_space<vmem>>) offsets(%dma_start3A_558 : memref<128xi32, #tpu.memory_space<vmem>>) semaphore(%arg22 : memref<!tpu.dma_semaphore, #tpu.memory_space<semaphore_mem>>)
        %dma_start3A_562 = arith.constant 384 : i32
        %dma_start3A_563 = arith.constant 0 : i32
        %dma_start3A_564 = tpu.memref_slice %arg10[%dma_start3A_562, %dma_start3A_563] : memref<512x64xf32, #tpu.memory_space<vmem>> -> memref<128x64xf32, #tpu.memory_space<vmem>>
        %dma_start3A_565 = arith.constant 384 : i32
        %dma_start3A_566 = tpu.memref_slice %arg8[%dma_start3A_565] : memref<512xi32, #tpu.memory_space<vmem>> -> memref<128xi32, #tpu.memory_space<vmem>>
        %dma_start3A_567 = arith.constant 0 : i32
        %dma_start3A_568 = arith.constant 0 : i32
        %dma_start3A_569 = tpu.memref_slice %arg5[%dma_start3A_567, %dma_start3A_568] : memref<65536x64xf32, #tpu.memory_space<hbm>> -> memref<65536x64xf32, #tpu.memory_space<hbm>>
        tpu.enqueue_indirect_dma source(%dma_start3A_569 : memref<65536x64xf32, #tpu.memory_space<hbm>>) target(%dma_start3A_564 : memref<128x64xf32, #tpu.memory_space<vmem>>) offsets(%dma_start3A_566 : memref<128xi32, #tpu.memory_space<vmem>>) semaphore(%arg22 : memref<!tpu.dma_semaphore, #tpu.memory_space<semaphore_mem>>)
        %dma_wait3A_570 = arith.constant 0 : i32
        %dma_wait3A_571 = arith.constant 0 : i32
        %dma_wait3A_572 = tpu.memref_slice %arg11[%dma_wait3A_570, %dma_wait3A_571] : memref<512x64xf32, #tpu.memory_space<vmem>> -> memref<128x64xf32, #tpu.memory_space<vmem>>
        %dma_wait3A_573 = arith.constant 0 : i32
        %dma_wait3A_574 = tpu.memref_slice %arg9[%dma_wait3A_573] : memref<512xi32, #tpu.memory_space<vmem>> -> memref<128xi32, #tpu.memory_space<vmem>>
        %dma_wait3A_575 = arith.constant 0 : i32
        %dma_wait3A_576 = arith.constant 0 : i32
        %dma_wait3A_577 = tpu.memref_slice %arg5[%dma_wait3A_575, %dma_wait3A_576] : memref<65536x64xf32, #tpu.memory_space<hbm>> -> memref<65536x64xf32, #tpu.memory_space<hbm>>
        tpu.wait_indirect_dma semaphore(%arg23 : memref<!tpu.dma_semaphore, #tpu.memory_space<semaphore_mem>>) src(%dma_wait3A_577 : memref<65536x64xf32, #tpu.memory_space<hbm>>) dst(%dma_wait3A_572 : memref<128x64xf32, #tpu.memory_space<vmem>>)
        %dma_wait3A_578 = arith.constant 128 : i32
        %dma_wait3A_579 = arith.constant 0 : i32
        %dma_wait3A_580 = tpu.memref_slice %arg11[%dma_wait3A_578, %dma_wait3A_579] : memref<512x64xf32, #tpu.memory_space<vmem>> -> memref<128x64xf32, #tpu.memory_space<vmem>>
        %dma_wait3A_581 = arith.constant 0 : i32
        %dma_wait3A_582 = tpu.memref_slice %arg9[%dma_wait3A_581] : memref<512xi32, #tpu.memory_space<vmem>> -> memref<128xi32, #tpu.memory_space<vmem>>
        %dma_wait3A_583 = arith.constant 0 : i32
        %dma_wait3A_584 = arith.constant 0 : i32
        %dma_wait3A_585 = tpu.memref_slice %arg5[%dma_wait3A_583, %dma_wait3A_584] : memref<65536x64xf32, #tpu.memory_space<hbm>> -> memref<65536x64xf32, #tpu.memory_space<hbm>>
        tpu.wait_indirect_dma semaphore(%arg23 : memref<!tpu.dma_semaphore, #tpu.memory_space<semaphore_mem>>) src(%dma_wait3A_585 : memref<65536x64xf32, #tpu.memory_space<hbm>>) dst(%dma_wait3A_580 : memref<128x64xf32, #tpu.memory_space<vmem>>)
        %dma_wait3A_586 = arith.constant 256 : i32
        %dma_wait3A_587 = arith.constant 0 : i32
        %dma_wait3A_588 = tpu.memref_slice %arg11[%dma_wait3A_586, %dma_wait3A_587] : memref<512x64xf32, #tpu.memory_space<vmem>> -> memref<128x64xf32, #tpu.memory_space<vmem>>
        %dma_wait3A_589 = arith.constant 0 : i32
        %dma_wait3A_590 = tpu.memref_slice %arg9[%dma_wait3A_589] : memref<512xi32, #tpu.memory_space<vmem>> -> memref<128xi32, #tpu.memory_space<vmem>>
        %dma_wait3A_591 = arith.constant 0 : i32
        %dma_wait3A_592 = arith.constant 0 : i32
        %dma_wait3A_593 = tpu.memref_slice %arg5[%dma_wait3A_591, %dma_wait3A_592] : memref<65536x64xf32, #tpu.memory_space<hbm>> -> memref<65536x64xf32, #tpu.memory_space<hbm>>
        tpu.wait_indirect_dma semaphore(%arg23 : memref<!tpu.dma_semaphore, #tpu.memory_space<semaphore_mem>>) src(%dma_wait3A_593 : memref<65536x64xf32, #tpu.memory_space<hbm>>) dst(%dma_wait3A_588 : memref<128x64xf32, #tpu.memory_space<vmem>>)
        %dma_wait3A_594 = arith.constant 384 : i32
        %dma_wait3A_595 = arith.constant 0 : i32
        %dma_wait3A_596 = tpu.memref_slice %arg11[%dma_wait3A_594, %dma_wait3A_595] : memref<512x64xf32, #tpu.memory_space<vmem>> -> memref<128x64xf32, #tpu.memory_space<vmem>>
        %dma_wait3A_597 = arith.constant 0 : i32
        %dma_wait3A_598 = tpu.memref_slice %arg9[%dma_wait3A_597] : memref<512xi32, #tpu.memory_space<vmem>> -> memref<128xi32, #tpu.memory_space<vmem>>
        %dma_wait3A_599 = arith.constant 0 : i32
        %dma_wait3A_600 = arith.constant 0 : i32
        %dma_wait3A_601 = tpu.memref_slice %arg5[%dma_wait3A_599, %dma_wait3A_600] : memref<65536x64xf32, #tpu.memory_space<hbm>> -> memref<65536x64xf32, #tpu.memory_space<hbm>>
        tpu.wait_indirect_dma semaphore(%arg23 : memref<!tpu.dma_semaphore, #tpu.memory_space<semaphore_mem>>) src(%dma_wait3A_601 : memref<65536x64xf32, #tpu.memory_space<hbm>>) dst(%dma_wait3A_596 : memref<128x64xf32, #tpu.memory_space<vmem>>)
        %add3A_602 = arith.constant 3 : i32
        %add3A_603 = arith.addi %add3A_391, %add3A_602 : i32
        %mul3A_604 = arith.constant 512 : i32
        %mul3A_605 = arith.muli %add3A_603, %mul3A_604 : i32
        %min3A_606 = arith.constant 4193792 : i32
        %min3A_607 = arith.minsi %mul3A_605, %min3A_606 : i32
        %dma_start3A_608 = tpu.memref_slice %arg4[%min3A_607] : memref<4194304xi32, #tpu.memory_space<hbm>> -> memref<512xi32, #tpu.memory_space<hbm>>
        %dma_start3A_609 = tpu.memref_slice %arg4[%min3A_607] : memref<4194304xi32, #tpu.memory_space<hbm>> -> memref<512xi32, #tpu.memory_space<hbm>>
        tpu.enqueue_dma source(%dma_start3A_609 : memref<512xi32, #tpu.memory_space<hbm>>) target(%arg9 : memref<512xi32, #tpu.memory_space<vmem>>) target_semaphore(%arg19 : memref<!tpu.dma_semaphore, #tpu.memory_space<semaphore_mem>>)
        %dma_wait3A_610 = arith.constant 16 : i32
        %dma_wait3A_611 = tpu.memref_slice %arg13[%dma_wait3A_610] : memref<544xi32, #tpu.memory_space<vmem>> -> memref<512xi32, #tpu.memory_space<vmem>>
        %dma_wait3A_612 = arith.constant 0 : i32
        %dma_wait3A_613 = tpu.memref_slice %arg3[%dma_wait3A_612] : memref<4194304xi32, #tpu.memory_space<hbm>> -> memref<512xi32, #tpu.memory_space<hbm>>
        %dma_wait3A_614 = arith.constant 16 : i32
        %dma_wait3A_615 = tpu.memref_slice %arg13[%dma_wait3A_614] : memref<544xi32, #tpu.memory_space<vmem>> -> memref<512xi32, #tpu.memory_space<vmem>>
        %dma_wait3A_616 = arith.constant 0 : i32
        %dma_wait3A_617 = tpu.memref_slice %arg3[%dma_wait3A_616] : memref<4194304xi32, #tpu.memory_space<hbm>> -> memref<512xi32, #tpu.memory_space<hbm>>
        tpu.wait_dma2 semaphore(%arg21 : memref<!tpu.dma_semaphore, #tpu.memory_space<semaphore_mem>>) src(%dma_wait3A_617 : memref<512xi32, #tpu.memory_space<hbm>>) dst(%dma_wait3A_615 : memref<512xi32, #tpu.memory_space<vmem>>)
        %dma_wait3A_618 = arith.constant 0 : i32
        %dma_wait3A_619 = tpu.memref_slice %arg15[%dma_wait3A_618] : memref<528xf32, #tpu.memory_space<vmem>> -> memref<512xf32, #tpu.memory_space<vmem>>
        %dma_wait3A_620 = arith.constant 0 : i32
        %dma_wait3A_621 = tpu.memref_slice %arg2[%dma_wait3A_620] : memref<4194304xf32, #tpu.memory_space<hbm>> -> memref<512xf32, #tpu.memory_space<hbm>>
        %dma_wait3A_622 = arith.constant 0 : i32
        %dma_wait3A_623 = tpu.memref_slice %arg15[%dma_wait3A_622] : memref<528xf32, #tpu.memory_space<vmem>> -> memref<512xf32, #tpu.memory_space<vmem>>
        %dma_wait3A_624 = arith.constant 0 : i32
        %dma_wait3A_625 = tpu.memref_slice %arg2[%dma_wait3A_624] : memref<4194304xf32, #tpu.memory_space<hbm>> -> memref<512xf32, #tpu.memory_space<hbm>>
        tpu.wait_dma2 semaphore(%arg21 : memref<!tpu.dma_semaphore, #tpu.memory_space<semaphore_mem>>) src(%dma_wait3A_625 : memref<512xf32, #tpu.memory_space<hbm>>) dst(%dma_wait3A_623 : memref<512xf32, #tpu.memory_space<vmem>>)
        %add3A_626 = arith.constant 1 : i32
        %add3A_627 = arith.addi %add3A_391, %add3A_626 : i32
        %mul3A_628 = arith.constant 512 : i32
        %mul3A_629 = arith.muli %add3A_627, %mul3A_628 : i32
        %sub3A_630 = arith.subi %reduce_sum3A_58, %mul3A_629 : i32
        %jit3A_631 = arith.constant 0 : i32
        %jit3A_632 = arith.constant 512 : i32
        %max3A_633 = arith.maxsi %jit3A_631, %sub3A_630 : i32
        %min3A_634 = arith.minsi %jit3A_632, %max3A_633 : i32
        %mul3A_635 = arith.constant 512 : i32
        %mul3A_636 = arith.muli %add3A_627, %mul3A_635 : i32
        %sub3A_637 = arith.subi %reduce_sum3A_70, %mul3A_636 : i32
        %jit3A_638 = arith.constant 0 : i32
        %jit3A_639 = arith.constant 512 : i32
        %max3A_640 = arith.maxsi %jit3A_638, %sub3A_637 : i32
        %min3A_641 = arith.minsi %jit3A_639, %max3A_640 : i32
        %jit3A_642 = arith.constant 8 : i32
        %div3A_643 = arith.divsi %min3A_634, %jit3A_642 : i32
        %sign3A_644 = arith.constant 0 : i32
        %sign3A_645 = arith.cmpi sgt, %min3A_634, %sign3A_644 : i32
        %sign3A_646 = arith.extui %sign3A_645 : i1 to i32
        %sign3A_647 = arith.constant 0 : i32
        %sign3A_648 = arith.cmpi slt, %min3A_634, %sign3A_647 : i32
        %sign3A_649 = arith.extui %sign3A_648 : i1 to i32
        %sign3A_650 = arith.subi %sign3A_646, %sign3A_649 : i32
        %sign3A_651 = arith.constant 0 : i32
        %sign3A_652 = arith.cmpi sgt, %jit3A_642, %sign3A_651 : i32
        %sign3A_653 = arith.extui %sign3A_652 : i1 to i32
        %sign3A_654 = arith.constant 0 : i32
        %sign3A_655 = arith.cmpi slt, %jit3A_642, %sign3A_654 : i32
        %sign3A_656 = arith.extui %sign3A_655 : i1 to i32
        %sign3A_657 = arith.subi %sign3A_653, %sign3A_656 : i32
        %ne3A_658 = arith.cmpi ne, %sign3A_650, %sign3A_657 : i32
        %rem3A_659 = arith.remsi %min3A_634, %jit3A_642 : i32
        %ne3A_660 = arith.constant 0 : i32
        %ne3A_661 = arith.cmpi ne, %rem3A_659, %ne3A_660 : i32
        %and3A_662 = arith.andi %ne3A_658, %ne3A_661 : i1
        %sub3A_663 = arith.constant 1 : i32
        %sub3A_664 = arith.subi %div3A_643, %sub3A_663 : i32
        %select_n3A_665 = arith.select %and3A_662, %sub3A_664, %div3A_643 : i32
        %add3A_666 = arith.constant 7 : i32
        %add3A_667 = arith.addi %min3A_641, %add3A_666 : i32
        %jit3A_668 = arith.constant 8 : i32
        %div3A_669 = arith.divsi %add3A_667, %jit3A_668 : i32
        %sign3A_670 = arith.constant 0 : i32
        %sign3A_671 = arith.cmpi sgt, %add3A_667, %sign3A_670 : i32
        %sign3A_672 = arith.extui %sign3A_671 : i1 to i32
        %sign3A_673 = arith.constant 0 : i32
        %sign3A_674 = arith.cmpi slt, %add3A_667, %sign3A_673 : i32
        %sign3A_675 = arith.extui %sign3A_674 : i1 to i32
        %sign3A_676 = arith.subi %sign3A_672, %sign3A_675 : i32
        %sign3A_677 = arith.constant 0 : i32
        %sign3A_678 = arith.cmpi sgt, %jit3A_668, %sign3A_677 : i32
        %sign3A_679 = arith.extui %sign3A_678 : i1 to i32
        %sign3A_680 = arith.constant 0 : i32
        %sign3A_681 = arith.cmpi slt, %jit3A_668, %sign3A_680 : i32
        %sign3A_682 = arith.extui %sign3A_681 : i1 to i32
        %sign3A_683 = arith.subi %sign3A_679, %sign3A_682 : i32
        %ne3A_684 = arith.cmpi ne, %sign3A_676, %sign3A_683 : i32
        %rem3A_685 = arith.remsi %add3A_667, %jit3A_668 : i32
        %ne3A_686 = arith.constant 0 : i32
        %ne3A_687 = arith.cmpi ne, %rem3A_685, %ne3A_686 : i32
        %and3A_688 = arith.andi %ne3A_684, %ne3A_687 : i1
        %sub3A_689 = arith.constant 1 : i32
        %sub3A_690 = arith.subi %div3A_669, %sub3A_689 : i32
        %select_n3A_691 = arith.select %and3A_688, %sub3A_690, %div3A_669 : i32
        %parallel_loop3A_692 = arith.constant 1 : i32
        %parallel_loop3A_693:4 = scf.for %parallel_loop3A_752 = %select_n3A_665 to %select_n3A_691 step %parallel_loop3A_692 iter_args(%parallel_loop3A_753 = %parallel_loop3A_512#0, %parallel_loop3A_754 = %parallel_loop3A_512#1, %parallel_loop3A_755 = %parallel_loop3A_512#2, %parallel_loop3A_756 = %parallel_loop3A_512#3) -> (vector<16xf32>, vector<16xf32>, vector<16xf32>, vector<16xf32>)  : i32 {
          %parallel_loop3A_757 = arith.constant 8 : i32
          %parallel_loop3A_758 = arith.muli %parallel_loop3A_752, %parallel_loop3A_757 : i32
          %parallel_loop3A_759 = vector.broadcast %parallel_loop3A_758 : i32 to vector<16xi32>
          %parallel_loop3A_760 = arith.addi %parallel_loop3A_759, %iota3A : vector<16xi32>
          %parallel_loop3A_761 = vector.broadcast %min3A_634 : i32 to vector<16xi32>
          %parallel_loop3A_762 = arith.cmpi sge, %parallel_loop3A_760, %parallel_loop3A_761 : vector<16xi32>
          %parallel_loop3A_763 = vector.broadcast %min3A_641 : i32 to vector<16xi32>
          %parallel_loop3A_764 = arith.cmpi slt, %parallel_loop3A_760, %parallel_loop3A_763 : vector<16xi32>
          %parallel_loop3A_765 = arith.andi %parallel_loop3A_762, %parallel_loop3A_764 : vector<16xi1>
          %parallel_loop3A_766 = arith.constant 16 : i32
          %parallel_loop3A_767 = arith.addi %parallel_loop3A_766, %parallel_loop3A_758 : i32
          %parallel_loop3A_768 = arith.index_cast %parallel_loop3A_767 : i32 to index
          %parallel_loop3A_769 = tpu.vector_load %arg13[%parallel_loop3A_768] {strides = array<i32>} : memref<544xi32, #tpu.memory_space<vmem>>, vector<16xi32>,
          %parallel_loop3A_770 = arith.constant 15 : i32
          %parallel_loop3A_771 = arith.addi %parallel_loop3A_770, %parallel_loop3A_758 : i32
          %parallel_loop3A_772 = arith.index_cast %parallel_loop3A_771 : i32 to index
          %parallel_loop3A_773 = tpu.vector_load %arg13[%parallel_loop3A_772] {strides = array<i32>} : memref<544xi32, #tpu.memory_space<vmem>>, vector<16xi32>,
          %parallel_loop3A_774 = arith.constant 17 : i32
          %parallel_loop3A_775 = arith.addi %parallel_loop3A_774, %parallel_loop3A_758 : i32
          %parallel_loop3A_776 = arith.index_cast %parallel_loop3A_775 : i32 to index
          %parallel_loop3A_777 = tpu.vector_load %arg13[%parallel_loop3A_776] {strides = array<i32>} : memref<544xi32, #tpu.memory_space<vmem>>, vector<16xi32>,
          %parallel_loop3A_778 = arith.cmpi eq, %parallel_loop3A_769, %parallel_loop3A_773 : vector<16xi32>
          %parallel_loop3A_779 = arith.constant 1.000000e+00 : f32
          %parallel_loop3A_780 = arith.constant 0.000000e+00 : f32
          %parallel_loop3A_781 = vector.broadcast %parallel_loop3A_779 : f32 to vector<16xf32>
          %parallel_loop3A_782 = vector.broadcast %parallel_loop3A_780 : f32 to vector<16xf32>
          %parallel_loop3A_783 = arith.select %parallel_loop3A_778, %parallel_loop3A_781, %parallel_loop3A_782 : vector<16xi1>, vector<16xf32>
          %parallel_loop3A_784 = vector.broadcast %mul3A_48 : i32 to vector<16xi32>
          %parallel_loop3A_785 = arith.subi %parallel_loop3A_769, %parallel_loop3A_784 : vector<16xi32>
          %parallel_loop3A_786 = arith.constant 512 : i32
          %parallel_loop3A_787 = vector.broadcast %parallel_loop3A_786 : i32 to vector<16xi32>
          %parallel_loop3A_788 = arith.select %parallel_loop3A_765, %parallel_loop3A_785, %parallel_loop3A_787 : vector<16xi1>, vector<16xi32>
          %parallel_loop3A_789 = arith.index_cast %parallel_loop3A_758 : i32 to index
          %parallel_loop3A_790 = tpu.vector_load %arg15[%parallel_loop3A_789] {strides = array<i32>} : memref<528xf32, #tpu.memory_space<vmem>>, vector<16xf32>,
          %parallel_loop3A_791 = arith.constant 0.000000e+00 : f32
          %parallel_loop3A_792 = vector.broadcast %parallel_loop3A_791 : f32 to vector<16xf32>
          %parallel_loop3A_793 = arith.select %parallel_loop3A_765, %parallel_loop3A_790, %parallel_loop3A_792 : vector<16xi1>, vector<16xf32>
          %parallel_loop3A_794 = arith.cmpi ne, %parallel_loop3A_769, %parallel_loop3A_777 : vector<16xi32>
          %parallel_loop3A_795 = arith.constant 1 : i32
          %parallel_loop3A_796 = vector.broadcast %parallel_loop3A_795 : i32 to vector<16xi32>
          %parallel_loop3A_797 = arith.addi %parallel_loop3A_760, %parallel_loop3A_796 : vector<16xi32>
          %parallel_loop3A_798 = vector.broadcast %min3A_641 : i32 to vector<16xi32>
          %parallel_loop3A_799 = arith.cmpi sge, %parallel_loop3A_797, %parallel_loop3A_798 : vector<16xi32>
          %parallel_loop3A_800 = arith.ori %parallel_loop3A_794, %parallel_loop3A_799 : vector<16xi1>
          %parallel_loop3A_801 = arith.constant 512 : i32
          %parallel_loop3A_802 = vector.broadcast %parallel_loop3A_801 : i32 to vector<16xi32>
          %parallel_loop3A_803 = arith.select %parallel_loop3A_800, %parallel_loop3A_788, %parallel_loop3A_802 : vector<16xi1>, vector<16xi32>
          %parallel_loop3A_804 = vector.extract_strided_slice %parallel_loop3A_793 {offsets = [0], sizes = [1], strides = [1]} : vector<16xf32> to vector<1xf32>
          %parallel_loop3A_805 = vector.extract %parallel_loop3A_804[0] : f32 from vector<1xf32>
          %parallel_loop3A_806 = arith.constant 0 : i32
          %parallel_loop3A_807 = arith.addi %parallel_loop3A_758, %parallel_loop3A_806 : i32
          %parallel_loop3A_808 = arith.index_cast %parallel_loop3A_807 : i32 to index
          %parallel_loop3A_809 = arith.constant 0 : index
          %parallel_loop3A_810 = tpu.vector_load %arg11[%parallel_loop3A_808, %parallel_loop3A_809] {strides = array<i32>} : memref<512x64xf32, #tpu.memory_space<vmem>>, vector<16xf32>,
          %parallel_loop3A_811 = vector.broadcast %parallel_loop3A_805 : f32 to vector<16xf32>
          %parallel_loop3A_812 = arith.mulf %parallel_loop3A_811, %parallel_loop3A_810 : vector<16xf32>
          %parallel_loop3A_813 = arith.index_cast %parallel_loop3A_807 : i32 to index
          %parallel_loop3A_814 = arith.constant 16 : index
          %parallel_loop3A_815 = tpu.vector_load %arg11[%parallel_loop3A_813, %parallel_loop3A_814] {strides = array<i32>} : memref<512x64xf32, #tpu.memory_space<vmem>>, vector<16xf32>,
          %parallel_loop3A_816 = vector.broadcast %parallel_loop3A_805 : f32 to vector<16xf32>
          %parallel_loop3A_817 = arith.mulf %parallel_loop3A_816, %parallel_loop3A_815 : vector<16xf32>
          %parallel_loop3A_818 = arith.index_cast %parallel_loop3A_807 : i32 to index
          %parallel_loop3A_819 = arith.constant 32 : index
          %parallel_loop3A_820 = tpu.vector_load %arg11[%parallel_loop3A_818, %parallel_loop3A_819] {strides = array<i32>} : memref<512x64xf32, #tpu.memory_space<vmem>>, vector<16xf32>,
          %parallel_loop3A_821 = vector.broadcast %parallel_loop3A_805 : f32 to vector<16xf32>
          %parallel_loop3A_822 = arith.mulf %parallel_loop3A_821, %parallel_loop3A_820 : vector<16xf32>
          %parallel_loop3A_823 = arith.index_cast %parallel_loop3A_807 : i32 to index
          %parallel_loop3A_824 = arith.constant 48 : index
          %parallel_loop3A_825 = tpu.vector_load %arg11[%parallel_loop3A_823, %parallel_loop3A_824] {strides = array<i32>} : memref<512x64xf32, #tpu.memory_space<vmem>>, vector<16xf32>,
          %parallel_loop3A_826 = vector.broadcast %parallel_loop3A_805 : f32 to vector<16xf32>
          %parallel_loop3A_827 = arith.mulf %parallel_loop3A_826, %parallel_loop3A_825 : vector<16xf32>
          %parallel_loop3A_828 = vector.extract_strided_slice %parallel_loop3A_793 {offsets = [1], sizes = [1], strides = [1]} : vector<16xf32> to vector<1xf32>
          %parallel_loop3A_829 = vector.extract %parallel_loop3A_828[0] : f32 from vector<1xf32>
          %parallel_loop3A_830 = arith.constant 1 : i32
          %parallel_loop3A_831 = arith.addi %parallel_loop3A_758, %parallel_loop3A_830 : i32
          %parallel_loop3A_832 = arith.index_cast %parallel_loop3A_831 : i32 to index
          %parallel_loop3A_833 = arith.constant 0 : index
          %parallel_loop3A_834 = tpu.vector_load %arg11[%parallel_loop3A_832, %parallel_loop3A_833] {strides = array<i32>} : memref<512x64xf32, #tpu.memory_space<vmem>>, vector<16xf32>,
          %parallel_loop3A_835 = vector.broadcast %parallel_loop3A_829 : f32 to vector<16xf32>
          %parallel_loop3A_836 = arith.mulf %parallel_loop3A_835, %parallel_loop3A_834 : vector<16xf32>
          %parallel_loop3A_837 = arith.index_cast %parallel_loop3A_831 : i32 to index
          %parallel_loop3A_838 = arith.constant 16 : index
          %parallel_loop3A_839 = tpu.vector_load %arg11[%parallel_loop3A_837, %parallel_loop3A_838] {strides = array<i32>} : memref<512x64xf32, #tpu.memory_space<vmem>>, vector<16xf32>,
          %parallel_loop3A_840 = vector.broadcast %parallel_loop3A_829 : f32 to vector<16xf32>
          %parallel_loop3A_841 = arith.mulf %parallel_loop3A_840, %parallel_loop3A_839 : vector<16xf32>
          %parallel_loop3A_842 = arith.index_cast %parallel_loop3A_831 : i32 to index
          %parallel_loop3A_843 = arith.constant 32 : index
          %parallel_loop3A_844 = tpu.vector_load %arg11[%parallel_loop3A_842, %parallel_loop3A_843] {strides = array<i32>} : memref<512x64xf32, #tpu.memory_space<vmem>>, vector<16xf32>,
          %parallel_loop3A_845 = vector.broadcast %parallel_loop3A_829 : f32 to vector<16xf32>
          %parallel_loop3A_846 = arith.mulf %parallel_loop3A_845, %parallel_loop3A_844 : vector<16xf32>
          %parallel_loop3A_847 = arith.index_cast %parallel_loop3A_831 : i32 to index
          %parallel_loop3A_848 = arith.constant 48 : index
          %parallel_loop3A_849 = tpu.vector_load %arg11[%parallel_loop3A_847, %parallel_loop3A_848] {strides = array<i32>} : memref<512x64xf32, #tpu.memory_space<vmem>>, vector<16xf32>,
          %parallel_loop3A_850 = vector.broadcast %parallel_loop3A_829 : f32 to vector<16xf32>
          %parallel_loop3A_851 = arith.mulf %parallel_loop3A_850, %parallel_loop3A_849 : vector<16xf32>
          %parallel_loop3A_852 = vector.extract_strided_slice %parallel_loop3A_793 {offsets = [2], sizes = [1], strides = [1]} : vector<16xf32> to vector<1xf32>
          %parallel_loop3A_853 = vector.extract %parallel_loop3A_852[0] : f32 from vector<1xf32>
          %parallel_loop3A_854 = arith.constant 2 : i32
          %parallel_loop3A_855 = arith.addi %parallel_loop3A_758, %parallel_loop3A_854 : i32
          %parallel_loop3A_856 = arith.index_cast %parallel_loop3A_855 : i32 to index
          %parallel_loop3A_857 = arith.constant 0 : index
          %parallel_loop3A_858 = tpu.vector_load %arg11[%parallel_loop3A_856, %parallel_loop3A_857] {strides = array<i32>} : memref<512x64xf32, #tpu.memory_space<vmem>>, vector<16xf32>,
          %parallel_loop3A_859 = vector.broadcast %parallel_loop3A_853 : f32 to vector<16xf32>
          %parallel_loop3A_860 = arith.mulf %parallel_loop3A_859, %parallel_loop3A_858 : vector<16xf32>
          %parallel_loop3A_861 = arith.index_cast %parallel_loop3A_855 : i32 to index
          %parallel_loop3A_862 = arith.constant 16 : index
          %parallel_loop3A_863 = tpu.vector_load %arg11[%parallel_loop3A_861, %parallel_loop3A_862] {strides = array<i32>} : memref<512x64xf32, #tpu.memory_space<vmem>>, vector<16xf32>,
          %parallel_loop3A_864 = vector.broadcast %parallel_loop3A_853 : f32 to vector<16xf32>
          %parallel_loop3A_865 = arith.mulf %parallel_loop3A_864, %parallel_loop3A_863 : vector<16xf32>
          %parallel_loop3A_866 = arith.index_cast %parallel_loop3A_855 : i32 to index
          %parallel_loop3A_867 = arith.constant 32 : index
          %parallel_loop3A_868 = tpu.vector_load %arg11[%parallel_loop3A_866, %parallel_loop3A_867] {strides = array<i32>} : memref<512x64xf32, #tpu.memory_space<vmem>>, vector<16xf32>,
          %parallel_loop3A_869 = vector.broadcast %parallel_loop3A_853 : f32 to vector<16xf32>
          %parallel_loop3A_870 = arith.mulf %parallel_loop3A_869, %parallel_loop3A_868 : vector<16xf32>
          %parallel_loop3A_871 = arith.index_cast %parallel_loop3A_855 : i32 to index
          %parallel_loop3A_872 = arith.constant 48 : index
          %parallel_loop3A_873 = tpu.vector_load %arg11[%parallel_loop3A_871, %parallel_loop3A_872] {strides = array<i32>} : memref<512x64xf32, #tpu.memory_space<vmem>>, vector<16xf32>,
          %parallel_loop3A_874 = vector.broadcast %parallel_loop3A_853 : f32 to vector<16xf32>
          %parallel_loop3A_875 = arith.mulf %parallel_loop3A_874, %parallel_loop3A_873 : vector<16xf32>
          %parallel_loop3A_876 = vector.extract_strided_slice %parallel_loop3A_793 {offsets = [3], sizes = [1], strides = [1]} : vector<16xf32> to vector<1xf32>
          %parallel_loop3A_877 = vector.extract %parallel_loop3A_876[0] : f32 from vector<1xf32>
          %parallel_loop3A_878 = arith.constant 3 : i32
          %parallel_loop3A_879 = arith.addi %parallel_loop3A_758, %parallel_loop3A_878 : i32
          %parallel_loop3A_880 = arith.index_cast %parallel_loop3A_879 : i32 to index
          %parallel_loop3A_881 = arith.constant 0 : index
          %parallel_loop3A_882 = tpu.vector_load %arg11[%parallel_loop3A_880, %parallel_loop3A_881] {strides = array<i32>} : memref<512x64xf32, #tpu.memory_space<vmem>>, vector<16xf32>,
          %parallel_loop3A_883 = vector.broadcast %parallel_loop3A_877 : f32 to vector<16xf32>
          %parallel_loop3A_884 = arith.mulf %parallel_loop3A_883, %parallel_loop3A_882 : vector<16xf32>
          %parallel_loop3A_885 = arith.index_cast %parallel_loop3A_879 : i32 to index
          %parallel_loop3A_886 = arith.constant 16 : index
          %parallel_loop3A_887 = tpu.vector_load %arg11[%parallel_loop3A_885, %parallel_loop3A_886] {strides = array<i32>} : memref<512x64xf32, #tpu.memory_space<vmem>>, vector<16xf32>,
          %parallel_loop3A_888 = vector.broadcast %parallel_loop3A_877 : f32 to vector<16xf32>
          %parallel_loop3A_889 = arith.mulf %parallel_loop3A_888, %parallel_loop3A_887 : vector<16xf32>
          %parallel_loop3A_890 = arith.index_cast %parallel_loop3A_879 : i32 to index
          %parallel_loop3A_891 = arith.constant 32 : index
          %parallel_loop3A_892 = tpu.vector_load %arg11[%parallel_loop3A_890, %parallel_loop3A_891] {strides = array<i32>} : memref<512x64xf32, #tpu.memory_space<vmem>>, vector<16xf32>,
          %parallel_loop3A_893 = vector.broadcast %parallel_loop3A_877 : f32 to vector<16xf32>
          %parallel_loop3A_894 = arith.mulf %parallel_loop3A_893, %parallel_loop3A_892 : vector<16xf32>
          %parallel_loop3A_895 = arith.index_cast %parallel_loop3A_879 : i32 to index
          %parallel_loop3A_896 = arith.constant 48 : index
          %parallel_loop3A_897 = tpu.vector_load %arg11[%parallel_loop3A_895, %parallel_loop3A_896] {strides = array<i32>} : memref<512x64xf32, #tpu.memory_space<vmem>>, vector<16xf32>,
          %parallel_loop3A_898 = vector.broadcast %parallel_loop3A_877 : f32 to vector<16xf32>
          %parallel_loop3A_899 = arith.mulf %parallel_loop3A_898, %parallel_loop3A_897 : vector<16xf32>
          %parallel_loop3A_900 = vector.extract_strided_slice %parallel_loop3A_793 {offsets = [4], sizes = [1], strides = [1]} : vector<16xf32> to vector<1xf32>
          %parallel_loop3A_901 = vector.extract %parallel_loop3A_900[0] : f32 from vector<1xf32>
          %parallel_loop3A_902 = arith.constant 4 : i32
          %parallel_loop3A_903 = arith.addi %parallel_loop3A_758, %parallel_loop3A_902 : i32
          %parallel_loop3A_904 = arith.index_cast %parallel_loop3A_903 : i32 to index
          %parallel_loop3A_905 = arith.constant 0 : index
          %parallel_loop3A_906 = tpu.vector_load %arg11[%parallel_loop3A_904, %parallel_loop3A_905] {strides = array<i32>} : memref<512x64xf32, #tpu.memory_space<vmem>>, vector<16xf32>,
          %parallel_loop3A_907 = vector.broadcast %parallel_loop3A_901 : f32 to vector<16xf32>
          %parallel_loop3A_908 = arith.mulf %parallel_loop3A_907, %parallel_loop3A_906 : vector<16xf32>
          %parallel_loop3A_909 = arith.index_cast %parallel_loop3A_903 : i32 to index
          %parallel_loop3A_910 = arith.constant 16 : index
          %parallel_loop3A_911 = tpu.vector_load %arg11[%parallel_loop3A_909, %parallel_loop3A_910] {strides = array<i32>} : memref<512x64xf32, #tpu.memory_space<vmem>>, vector<16xf32>,
          %parallel_loop3A_912 = vector.broadcast %parallel_loop3A_901 : f32 to vector<16xf32>
          %parallel_loop3A_913 = arith.mulf %parallel_loop3A_912, %parallel_loop3A_911 : vector<16xf32>
          %parallel_loop3A_914 = arith.index_cast %parallel_loop3A_903 : i32 to index
          %parallel_loop3A_915 = arith.constant 32 : index
          %parallel_loop3A_916 = tpu.vector_load %arg11[%parallel_loop3A_914, %parallel_loop3A_915] {strides = array<i32>} : memref<512x64xf32, #tpu.memory_space<vmem>>, vector<16xf32>,
          %parallel_loop3A_917 = vector.broadcast %parallel_loop3A_901 : f32 to vector<16xf32>
          %parallel_loop3A_918 = arith.mulf %parallel_loop3A_917, %parallel_loop3A_916 : vector<16xf32>
          %parallel_loop3A_919 = arith.index_cast %parallel_loop3A_903 : i32 to index
          %parallel_loop3A_920 = arith.constant 48 : index
          %parallel_loop3A_921 = tpu.vector_load %arg11[%parallel_loop3A_919, %parallel_loop3A_920] {strides = array<i32>} : memref<512x64xf32, #tpu.memory_space<vmem>>, vector<16xf32>,
          %parallel_loop3A_922 = vector.broadcast %parallel_loop3A_901 : f32 to vector<16xf32>
          %parallel_loop3A_923 = arith.mulf %parallel_loop3A_922, %parallel_loop3A_921 : vector<16xf32>
          %parallel_loop3A_924 = vector.extract_strided_slice %parallel_loop3A_793 {offsets = [5], sizes = [1], strides = [1]} : vector<16xf32> to vector<1xf32>
          %parallel_loop3A_925 = vector.extract %parallel_loop3A_924[0] : f32 from vector<1xf32>
          %parallel_loop3A_926 = arith.constant 5 : i32
          %parallel_loop3A_927 = arith.addi %parallel_loop3A_758, %parallel_loop3A_926 : i32
          %parallel_loop3A_928 = arith.index_cast %parallel_loop3A_927 : i32 to index
          %parallel_loop3A_929 = arith.constant 0 : index
          %parallel_loop3A_930 = tpu.vector_load %arg11[%parallel_loop3A_928, %parallel_loop3A_929] {strides = array<i32>} : memref<512x64xf32, #tpu.memory_space<vmem>>, vector<16xf32>,
          %parallel_loop3A_931 = vector.broadcast %parallel_loop3A_925 : f32 to vector<16xf32>
          %parallel_loop3A_932 = arith.mulf %parallel_loop3A_931, %parallel_loop3A_930 : vector<16xf32>
          %parallel_loop3A_933 = arith.index_cast %parallel_loop3A_927 : i32 to index
          %parallel_loop3A_934 = arith.constant 16 : index
          %parallel_loop3A_935 = tpu.vector_load %arg11[%parallel_loop3A_933, %parallel_loop3A_934] {strides = array<i32>} : memref<512x64xf32, #tpu.memory_space<vmem>>, vector<16xf32>,
          %parallel_loop3A_936 = vector.broadcast %parallel_loop3A_925 : f32 to vector<16xf32>
          %parallel_loop3A_937 = arith.mulf %parallel_loop3A_936, %parallel_loop3A_935 : vector<16xf32>
          %parallel_loop3A_938 = arith.index_cast %parallel_loop3A_927 : i32 to index
          %parallel_loop3A_939 = arith.constant 32 : index
          %parallel_loop3A_940 = tpu.vector_load %arg11[%parallel_loop3A_938, %parallel_loop3A_939] {strides = array<i32>} : memref<512x64xf32, #tpu.memory_space<vmem>>, vector<16xf32>,
          %parallel_loop3A_941 = vector.broadcast %parallel_loop3A_925 : f32 to vector<16xf32>
          %parallel_loop3A_942 = arith.mulf %parallel_loop3A_941, %parallel_loop3A_940 : vector<16xf32>
          %parallel_loop3A_943 = arith.index_cast %parallel_loop3A_927 : i32 to index
          %parallel_loop3A_944 = arith.constant 48 : index
          %parallel_loop3A_945 = tpu.vector_load %arg11[%parallel_loop3A_943, %parallel_loop3A_944] {strides = array<i32>} : memref<512x64xf32, #tpu.memory_space<vmem>>, vector<16xf32>,
          %parallel_loop3A_946 = vector.broadcast %parallel_loop3A_925 : f32 to vector<16xf32>
          %parallel_loop3A_947 = arith.mulf %parallel_loop3A_946, %parallel_loop3A_945 : vector<16xf32>
          %parallel_loop3A_948 = vector.extract_strided_slice %parallel_loop3A_793 {offsets = [6], sizes = [1], strides = [1]} : vector<16xf32> to vector<1xf32>
          %parallel_loop3A_949 = vector.extract %parallel_loop3A_948[0] : f32 from vector<1xf32>
          %parallel_loop3A_950 = arith.constant 6 : i32
          %parallel_loop3A_951 = arith.addi %parallel_loop3A_758, %parallel_loop3A_950 : i32
          %parallel_loop3A_952 = arith.index_cast %parallel_loop3A_951 : i32 to index
          %parallel_loop3A_953 = arith.constant 0 : index
          %parallel_loop3A_954 = tpu.vector_load %arg11[%parallel_loop3A_952, %parallel_loop3A_953] {strides = array<i32>} : memref<512x64xf32, #tpu.memory_space<vmem>>, vector<16xf32>,
          %parallel_loop3A_955 = vector.broadcast %parallel_loop3A_949 : f32 to vector<16xf32>
          %parallel_loop3A_956 = arith.mulf %parallel_loop3A_955, %parallel_loop3A_954 : vector<16xf32>
          %parallel_loop3A_957 = arith.index_cast %parallel_loop3A_951 : i32 to index
          %parallel_loop3A_958 = arith.constant 16 : index
          %parallel_loop3A_959 = tpu.vector_load %arg11[%parallel_loop3A_957, %parallel_loop3A_958] {strides = array<i32>} : memref<512x64xf32, #tpu.memory_space<vmem>>, vector<16xf32>,
          %parallel_loop3A_960 = vector.broadcast %parallel_loop3A_949 : f32 to vector<16xf32>
          %parallel_loop3A_961 = arith.mulf %parallel_loop3A_960, %parallel_loop3A_959 : vector<16xf32>
          %parallel_loop3A_962 = arith.index_cast %parallel_loop3A_951 : i32 to index
          %parallel_loop3A_963 = arith.constant 32 : index
          %parallel_loop3A_964 = tpu.vector_load %arg11[%parallel_loop3A_962, %parallel_loop3A_963] {strides = array<i32>} : memref<512x64xf32, #tpu.memory_space<vmem>>, vector<16xf32>,
          %parallel_loop3A_965 = vector.broadcast %parallel_loop3A_949 : f32 to vector<16xf32>
          %parallel_loop3A_966 = arith.mulf %parallel_loop3A_965, %parallel_loop3A_964 : vector<16xf32>
          %parallel_loop3A_967 = arith.index_cast %parallel_loop3A_951 : i32 to index
          %parallel_loop3A_968 = arith.constant 48 : index
          %parallel_loop3A_969 = tpu.vector_load %arg11[%parallel_loop3A_967, %parallel_loop3A_968] {strides = array<i32>} : memref<512x64xf32, #tpu.memory_space<vmem>>, vector<16xf32>,
          %parallel_loop3A_970 = vector.broadcast %parallel_loop3A_949 : f32 to vector<16xf32>
          %parallel_loop3A_971 = arith.mulf %parallel_loop3A_970, %parallel_loop3A_969 : vector<16xf32>
          %parallel_loop3A_972 = vector.extract_strided_slice %parallel_loop3A_793 {offsets = [7], sizes = [1], strides = [1]} : vector<16xf32> to vector<1xf32>
          %parallel_loop3A_973 = vector.extract %parallel_loop3A_972[0] : f32 from vector<1xf32>
          %parallel_loop3A_974 = arith.constant 7 : i32
          %parallel_loop3A_975 = arith.addi %parallel_loop3A_758, %parallel_loop3A_974 : i32
          %parallel_loop3A_976 = arith.index_cast %parallel_loop3A_975 : i32 to index
          %parallel_loop3A_977 = arith.constant 0 : index
          %parallel_loop3A_978 = tpu.vector_load %arg11[%parallel_loop3A_976, %parallel_loop3A_977] {strides = array<i32>} : memref<512x64xf32, #tpu.memory_space<vmem>>, vector<16xf32>,
          %parallel_loop3A_979 = vector.broadcast %parallel_loop3A_973 : f32 to vector<16xf32>
          %parallel_loop3A_980 = arith.mulf %parallel_loop3A_979, %parallel_loop3A_978 : vector<16xf32>
          %parallel_loop3A_981 = arith.index_cast %parallel_loop3A_975 : i32 to index
          %parallel_loop3A_982 = arith.constant 16 : index
          %parallel_loop3A_983 = tpu.vector_load %arg11[%parallel_loop3A_981, %parallel_loop3A_982] {strides = array<i32>} : memref<512x64xf32, #tpu.memory_space<vmem>>, vector<16xf32>,
          %parallel_loop3A_984 = vector.broadcast %parallel_loop3A_973 : f32 to vector<16xf32>
          %parallel_loop3A_985 = arith.mulf %parallel_loop3A_984, %parallel_loop3A_983 : vector<16xf32>
          %parallel_loop3A_986 = arith.index_cast %parallel_loop3A_975 : i32 to index
          %parallel_loop3A_987 = arith.constant 32 : index
          %parallel_loop3A_988 = tpu.vector_load %arg11[%parallel_loop3A_986, %parallel_loop3A_987] {strides = array<i32>} : memref<512x64xf32, #tpu.memory_space<vmem>>, vector<16xf32>,
          %parallel_loop3A_989 = vector.broadcast %parallel_loop3A_973 : f32 to vector<16xf32>
          %parallel_loop3A_990 = arith.mulf %parallel_loop3A_989, %parallel_loop3A_988 : vector<16xf32>
          %parallel_loop3A_991 = arith.index_cast %parallel_loop3A_975 : i32 to index
          %parallel_loop3A_992 = arith.constant 48 : index
          %parallel_loop3A_993 = tpu.vector_load %arg11[%parallel_loop3A_991, %parallel_loop3A_992] {strides = array<i32>} : memref<512x64xf32, #tpu.memory_space<vmem>>, vector<16xf32>,
          %parallel_loop3A_994 = vector.broadcast %parallel_loop3A_973 : f32 to vector<16xf32>
          %parallel_loop3A_995 = arith.mulf %parallel_loop3A_994, %parallel_loop3A_993 : vector<16xf32>
          %parallel_loop3A_996 = vector.extract_strided_slice %parallel_loop3A_783 {offsets = [0], sizes = [1], strides = [1]} : vector<16xf32> to vector<1xf32>
          %parallel_loop3A_997 = vector.extract %parallel_loop3A_996[0] : f32 from vector<1xf32>
          %parallel_loop3A_998 = vector.extract_strided_slice %parallel_loop3A_803 {offsets = [0], sizes = [1], strides = [1]} : vector<16xi32> to vector<1xi32>
          %parallel_loop3A_999 = vector.extract %parallel_loop3A_998[0] : i32 from vector<1xi32>
          %parallel_loop3A_1000 = vector.broadcast %parallel_loop3A_997 : f32 to vector<16xf32>
          %parallel_loop3A_1001 = arith.mulf %parallel_loop3A_753, %parallel_loop3A_1000 : vector<16xf32>
          %parallel_loop3A_1002 = arith.addf %parallel_loop3A_1001, %parallel_loop3A_812 : vector<16xf32>
          %parallel_loop3A_1003 = vector.broadcast %parallel_loop3A_997 : f32 to vector<16xf32>
          %parallel_loop3A_1004 = arith.mulf %parallel_loop3A_754, %parallel_loop3A_1003 : vector<16xf32>
          %parallel_loop3A_1005 = arith.addf %parallel_loop3A_1004, %parallel_loop3A_817 : vector<16xf32>
          %parallel_loop3A_1006 = vector.broadcast %parallel_loop3A_997 : f32 to vector<16xf32>
          %parallel_loop3A_1007 = arith.mulf %parallel_loop3A_755, %parallel_loop3A_1006 : vector<16xf32>
          %parallel_loop3A_1008 = arith.addf %parallel_loop3A_1007, %parallel_loop3A_822 : vector<16xf32>
          %parallel_loop3A_1009 = vector.broadcast %parallel_loop3A_997 : f32 to vector<16xf32>
          %parallel_loop3A_1010 = arith.mulf %parallel_loop3A_756, %parallel_loop3A_1009 : vector<16xf32>
          %parallel_loop3A_1011 = arith.addf %parallel_loop3A_1010, %parallel_loop3A_827 : vector<16xf32>
          %parallel_loop3A_1012 = arith.index_cast %parallel_loop3A_999 : i32 to index
          %parallel_loop3A_1013 = arith.constant 0 : index
          %parallel_loop3A_1014 = tpu.vector_load %arg16[%parallel_loop3A_1012, %parallel_loop3A_1013] {strides = array<i32>} : memref<513x64xf32, #tpu.memory_space<vmem>>, vector<16xf32>,
          tpu.vector_store %arg16[%parallel_loop3A_1012, %parallel_loop3A_1013], %parallel_loop3A_1002 {strides = array<i32>} : memref<513x64xf32, #tpu.memory_space<vmem>>, vector<16xf32>,
          %parallel_loop3A_1015 = arith.index_cast %parallel_loop3A_999 : i32 to index
          %parallel_loop3A_1016 = arith.constant 16 : index
          %parallel_loop3A_1017 = tpu.vector_load %arg16[%parallel_loop3A_1015, %parallel_loop3A_1016] {strides = array<i32>} : memref<513x64xf32, #tpu.memory_space<vmem>>, vector<16xf32>,
          tpu.vector_store %arg16[%parallel_loop3A_1015, %parallel_loop3A_1016], %parallel_loop3A_1005 {strides = array<i32>} : memref<513x64xf32, #tpu.memory_space<vmem>>, vector<16xf32>,
          %parallel_loop3A_1018 = arith.index_cast %parallel_loop3A_999 : i32 to index
          %parallel_loop3A_1019 = arith.constant 32 : index
          %parallel_loop3A_1020 = tpu.vector_load %arg16[%parallel_loop3A_1018, %parallel_loop3A_1019] {strides = array<i32>} : memref<513x64xf32, #tpu.memory_space<vmem>>, vector<16xf32>,
          tpu.vector_store %arg16[%parallel_loop3A_1018, %parallel_loop3A_1019], %parallel_loop3A_1008 {strides = array<i32>} : memref<513x64xf32, #tpu.memory_space<vmem>>, vector<16xf32>,
          %parallel_loop3A_1021 = arith.index_cast %parallel_loop3A_999 : i32 to index
          %parallel_loop3A_1022 = arith.constant 48 : index
          %parallel_loop3A_1023 = tpu.vector_load %arg16[%parallel_loop3A_1021, %parallel_loop3A_1022] {strides = array<i32>} : memref<513x64xf32, #tpu.memory_space<vmem>>, vector<16xf32>,
          tpu.vector_store %arg16[%parallel_loop3A_1021, %parallel_loop3A_1022], %parallel_loop3A_1011 {strides = array<i32>} : memref<513x64xf32, #tpu.memory_space<vmem>>, vector<16xf32>,
          %parallel_loop3A_1024 = vector.extract_strided_slice %parallel_loop3A_783 {offsets = [1], sizes = [1], strides = [1]} : vector<16xf32> to vector<1xf32>
          %parallel_loop3A_1025 = vector.extract %parallel_loop3A_1024[0] : f32 from vector<1xf32>
          %parallel_loop3A_1026 = vector.extract_strided_slice %parallel_loop3A_803 {offsets = [1], sizes = [1], strides = [1]} : vector<16xi32> to vector<1xi32>
          %parallel_loop3A_1027 = vector.extract %parallel_loop3A_1026[0] : i32 from vector<1xi32>
          %parallel_loop3A_1028 = vector.broadcast %parallel_loop3A_1025 : f32 to vector<16xf32>
          %parallel_loop3A_1029 = arith.mulf %parallel_loop3A_1002, %parallel_loop3A_1028 : vector<16xf32>
          %parallel_loop3A_1030 = arith.addf %parallel_loop3A_1029, %parallel_loop3A_836 : vector<16xf32>
          %parallel_loop3A_1031 = vector.broadcast %parallel_loop3A_1025 : f32 to vector<16xf32>
          %parallel_loop3A_1032 = arith.mulf %parallel_loop3A_1005, %parallel_loop3A_1031 : vector<16xf32>
          %parallel_loop3A_1033 = arith.addf %parallel_loop3A_1032, %parallel_loop3A_841 : vector<16xf32>
          %parallel_loop3A_1034 = vector.broadcast %parallel_loop3A_1025 : f32 to vector<16xf32>
          %parallel_loop3A_1035 = arith.mulf %parallel_loop3A_1008, %parallel_loop3A_1034 : vector<16xf32>
          %parallel_loop3A_1036 = arith.addf %parallel_loop3A_1035, %parallel_loop3A_846 : vector<16xf32>
          %parallel_loop3A_1037 = vector.broadcast %parallel_loop3A_1025 : f32 to vector<16xf32>
          %parallel_loop3A_1038 = arith.mulf %parallel_loop3A_1011, %parallel_loop3A_1037 : vector<16xf32>
          %parallel_loop3A_1039 = arith.addf %parallel_loop3A_1038, %parallel_loop3A_851 : vector<16xf32>
          %parallel_loop3A_1040 = arith.index_cast %parallel_loop3A_1027 : i32 to index
          %parallel_loop3A_1041 = arith.constant 0 : index
          %parallel_loop3A_1042 = tpu.vector_load %arg16[%parallel_loop3A_1040, %parallel_loop3A_1041] {strides = array<i32>} : memref<513x64xf32, #tpu.memory_space<vmem>>, vector<16xf32>,
          tpu.vector_store %arg16[%parallel_loop3A_1040, %parallel_loop3A_1041], %parallel_loop3A_1030 {strides = array<i32>} : memref<513x64xf32, #tpu.memory_space<vmem>>, vector<16xf32>,
          %parallel_loop3A_1043 = arith.index_cast %parallel_loop3A_1027 : i32 to index
          %parallel_loop3A_1044 = arith.constant 16 : index
          %parallel_loop3A_1045 = tpu.vector_load %arg16[%parallel_loop3A_1043, %parallel_loop3A_1044] {strides = array<i32>} : memref<513x64xf32, #tpu.memory_space<vmem>>, vector<16xf32>,
          tpu.vector_store %arg16[%parallel_loop3A_1043, %parallel_loop3A_1044], %parallel_loop3A_1033 {strides = array<i32>} : memref<513x64xf32, #tpu.memory_space<vmem>>, vector<16xf32>,
          %parallel_loop3A_1046 = arith.index_cast %parallel_loop3A_1027 : i32 to index
          %parallel_loop3A_1047 = arith.constant 32 : index
          %parallel_loop3A_1048 = tpu.vector_load %arg16[%parallel_loop3A_1046, %parallel_loop3A_1047] {strides = array<i32>} : memref<513x64xf32, #tpu.memory_space<vmem>>, vector<16xf32>,
          tpu.vector_store %arg16[%parallel_loop3A_1046, %parallel_loop3A_1047], %parallel_loop3A_1036 {strides = array<i32>} : memref<513x64xf32, #tpu.memory_space<vmem>>, vector<16xf32>,
          %parallel_loop3A_1049 = arith.index_cast %parallel_loop3A_1027 : i32 to index
          %parallel_loop3A_1050 = arith.constant 48 : index
          %parallel_loop3A_1051 = tpu.vector_load %arg16[%parallel_loop3A_1049, %parallel_loop3A_1050] {strides = array<i32>} : memref<513x64xf32, #tpu.memory_space<vmem>>, vector<16xf32>,
          tpu.vector_store %arg16[%parallel_loop3A_1049, %parallel_loop3A_1050], %parallel_loop3A_1039 {strides = array<i32>} : memref<513x64xf32, #tpu.memory_space<vmem>>, vector<16xf32>,
          %parallel_loop3A_1052 = vector.extract_strided_slice %parallel_loop3A_783 {offsets = [2], sizes = [1], strides = [1]} : vector<16xf32> to vector<1xf32>
          %parallel_loop3A_1053 = vector.extract %parallel_loop3A_1052[0] : f32 from vector<1xf32>
          %parallel_loop3A_1054 = vector.extract_strided_slice %parallel_loop3A_803 {offsets = [2], sizes = [1], strides = [1]} : vector<16xi32> to vector<1xi32>
          %parallel_loop3A_1055 = vector.extract %parallel_loop3A_1054[0] : i32 from vector<1xi32>
          %parallel_loop3A_1056 = vector.broadcast %parallel_loop3A_1053 : f32 to vector<16xf32>
          %parallel_loop3A_1057 = arith.mulf %parallel_loop3A_1030, %parallel_loop3A_1056 : vector<16xf32>
          %parallel_loop3A_1058 = arith.addf %parallel_loop3A_1057, %parallel_loop3A_860 : vector<16xf32>
          %parallel_loop3A_1059 = vector.broadcast %parallel_loop3A_1053 : f32 to vector<16xf32>
          %parallel_loop3A_1060 = arith.mulf %parallel_loop3A_1033, %parallel_loop3A_1059 : vector<16xf32>
          %parallel_loop3A_1061 = arith.addf %parallel_loop3A_1060, %parallel_loop3A_865 : vector<16xf32>
          %parallel_loop3A_1062 = vector.broadcast %parallel_loop3A_1053 : f32 to vector<16xf32>
          %parallel_loop3A_1063 = arith.mulf %parallel_loop3A_1036, %parallel_loop3A_1062 : vector<16xf32>
          %parallel_loop3A_1064 = arith.addf %parallel_loop3A_1063, %parallel_loop3A_870 : vector<16xf32>
          %parallel_loop3A_1065 = vector.broadcast %parallel_loop3A_1053 : f32 to vector<16xf32>
          %parallel_loop3A_1066 = arith.mulf %parallel_loop3A_1039, %parallel_loop3A_1065 : vector<16xf32>
          %parallel_loop3A_1067 = arith.addf %parallel_loop3A_1066, %parallel_loop3A_875 : vector<16xf32>
          %parallel_loop3A_1068 = arith.index_cast %parallel_loop3A_1055 : i32 to index
          %parallel_loop3A_1069 = arith.constant 0 : index
          %parallel_loop3A_1070 = tpu.vector_load %arg16[%parallel_loop3A_1068, %parallel_loop3A_1069] {strides = array<i32>} : memref<513x64xf32, #tpu.memory_space<vmem>>, vector<16xf32>,
          tpu.vector_store %arg16[%parallel_loop3A_1068, %parallel_loop3A_1069], %parallel_loop3A_1058 {strides = array<i32>} : memref<513x64xf32, #tpu.memory_space<vmem>>, vector<16xf32>,
          %parallel_loop3A_1071 = arith.index_cast %parallel_loop3A_1055 : i32 to index
          %parallel_loop3A_1072 = arith.constant 16 : index
          %parallel_loop3A_1073 = tpu.vector_load %arg16[%parallel_loop3A_1071, %parallel_loop3A_1072] {strides = array<i32>} : memref<513x64xf32, #tpu.memory_space<vmem>>, vector<16xf32>,
          tpu.vector_store %arg16[%parallel_loop3A_1071, %parallel_loop3A_1072], %parallel_loop3A_1061 {strides = array<i32>} : memref<513x64xf32, #tpu.memory_space<vmem>>, vector<16xf32>,
          %parallel_loop3A_1074 = arith.index_cast %parallel_loop3A_1055 : i32 to index
          %parallel_loop3A_1075 = arith.constant 32 : index
          %parallel_loop3A_1076 = tpu.vector_load %arg16[%parallel_loop3A_1074, %parallel_loop3A_1075] {strides = array<i32>} : memref<513x64xf32, #tpu.memory_space<vmem>>, vector<16xf32>,
          tpu.vector_store %arg16[%parallel_loop3A_1074, %parallel_loop3A_1075], %parallel_loop3A_1064 {strides = array<i32>} : memref<513x64xf32, #tpu.memory_space<vmem>>, vector<16xf32>,
          %parallel_loop3A_1077 = arith.index_cast %parallel_loop3A_1055 : i32 to index
          %parallel_loop3A_1078 = arith.constant 48 : index
          %parallel_loop3A_1079 = tpu.vector_load %arg16[%parallel_loop3A_1077, %parallel_loop3A_1078] {strides = array<i32>} : memref<513x64xf32, #tpu.memory_space<vmem>>, vector<16xf32>,
          tpu.vector_store %arg16[%parallel_loop3A_1077, %parallel_loop3A_1078], %parallel_loop3A_1067 {strides = array<i32>} : memref<513x64xf32, #tpu.memory_space<vmem>>, vector<16xf32>,
          %parallel_loop3A_1080 = vector.extract_strided_slice %parallel_loop3A_783 {offsets = [3], sizes = [1], strides = [1]} : vector<16xf32> to vector<1xf32>
          %parallel_loop3A_1081 = vector.extract %parallel_loop3A_1080[0] : f32 from vector<1xf32>
          %parallel_loop3A_1082 = vector.extract_strided_slice %parallel_loop3A_803 {offsets = [3], sizes = [1], strides = [1]} : vector<16xi32> to vector<1xi32>
          %parallel_loop3A_1083 = vector.extract %parallel_loop3A_1082[0] : i32 from vector<1xi32>
          %parallel_loop3A_1084 = vector.broadcast %parallel_loop3A_1081 : f32 to vector<16xf32>
          %parallel_loop3A_1085 = arith.mulf %parallel_loop3A_1058, %parallel_loop3A_1084 : vector<16xf32>
          %parallel_loop3A_1086 = arith.addf %parallel_loop3A_1085, %parallel_loop3A_884 : vector<16xf32>
          %parallel_loop3A_1087 = vector.broadcast %parallel_loop3A_1081 : f32 to vector<16xf32>
          %parallel_loop3A_1088 = arith.mulf %parallel_loop3A_1061, %parallel_loop3A_1087 : vector<16xf32>
          %parallel_loop3A_1089 = arith.addf %parallel_loop3A_1088, %parallel_loop3A_889 : vector<16xf32>
          %parallel_loop3A_1090 = vector.broadcast %parallel_loop3A_1081 : f32 to vector<16xf32>
          %parallel_loop3A_1091 = arith.mulf %parallel_loop3A_1064, %parallel_loop3A_1090 : vector<16xf32>
          %parallel_loop3A_1092 = arith.addf %parallel_loop3A_1091, %parallel_loop3A_894 : vector<16xf32>
          %parallel_loop3A_1093 = vector.broadcast %parallel_loop3A_1081 : f32 to vector<16xf32>
          %parallel_loop3A_1094 = arith.mulf %parallel_loop3A_1067, %parallel_loop3A_1093 : vector<16xf32>
          %parallel_loop3A_1095 = arith.addf %parallel_loop3A_1094, %parallel_loop3A_899 : vector<16xf32>
          %parallel_loop3A_1096 = arith.index_cast %parallel_loop3A_1083 : i32 to index
          %parallel_loop3A_1097 = arith.constant 0 : index
          %parallel_loop3A_1098 = tpu.vector_load %arg16[%parallel_loop3A_1096, %parallel_loop3A_1097] {strides = array<i32>} : memref<513x64xf32, #tpu.memory_space<vmem>>, vector<16xf32>,
          tpu.vector_store %arg16[%parallel_loop3A_1096, %parallel_loop3A_1097], %parallel_loop3A_1086 {strides = array<i32>} : memref<513x64xf32, #tpu.memory_space<vmem>>, vector<16xf32>,
          %parallel_loop3A_1099 = arith.index_cast %parallel_loop3A_1083 : i32 to index
          %parallel_loop3A_1100 = arith.constant 16 : index
          %parallel_loop3A_1101 = tpu.vector_load %arg16[%parallel_loop3A_1099, %parallel_loop3A_1100] {strides = array<i32>} : memref<513x64xf32, #tpu.memory_space<vmem>>, vector<16xf32>,
          tpu.vector_store %arg16[%parallel_loop3A_1099, %parallel_loop3A_1100], %parallel_loop3A_1089 {strides = array<i32>} : memref<513x64xf32, #tpu.memory_space<vmem>>, vector<16xf32>,
          %parallel_loop3A_1102 = arith.index_cast %parallel_loop3A_1083 : i32 to index
          %parallel_loop3A_1103 = arith.constant 32 : index
          %parallel_loop3A_1104 = tpu.vector_load %arg16[%parallel_loop3A_1102, %parallel_loop3A_1103] {strides = array<i32>} : memref<513x64xf32, #tpu.memory_space<vmem>>, vector<16xf32>,
          tpu.vector_store %arg16[%parallel_loop3A_1102, %parallel_loop3A_1103], %parallel_loop3A_1092 {strides = array<i32>} : memref<513x64xf32, #tpu.memory_space<vmem>>, vector<16xf32>,
          %parallel_loop3A_1105 = arith.index_cast %parallel_loop3A_1083 : i32 to index
          %parallel_loop3A_1106 = arith.constant 48 : index
          %parallel_loop3A_1107 = tpu.vector_load %arg16[%parallel_loop3A_1105, %parallel_loop3A_1106] {strides = array<i32>} : memref<513x64xf32, #tpu.memory_space<vmem>>, vector<16xf32>,
          tpu.vector_store %arg16[%parallel_loop3A_1105, %parallel_loop3A_1106], %parallel_loop3A_1095 {strides = array<i32>} : memref<513x64xf32, #tpu.memory_space<vmem>>, vector<16xf32>,
          %parallel_loop3A_1108 = vector.extract_strided_slice %parallel_loop3A_783 {offsets = [4], sizes = [1], strides = [1]} : vector<16xf32> to vector<1xf32>
          %parallel_loop3A_1109 = vector.extract %parallel_loop3A_1108[0] : f32 from vector<1xf32>
          %parallel_loop3A_1110 = vector.extract_strided_slice %parallel_loop3A_803 {offsets = [4], sizes = [1], strides = [1]} : vector<16xi32> to vector<1xi32>
          %parallel_loop3A_1111 = vector.extract %parallel_loop3A_1110[0] : i32 from vector<1xi32>
          %parallel_loop3A_1112 = vector.broadcast %parallel_loop3A_1109 : f32 to vector<16xf32>
          %parallel_loop3A_1113 = arith.mulf %parallel_loop3A_1086, %parallel_loop3A_1112 : vector<16xf32>
          %parallel_loop3A_1114 = arith.addf %parallel_loop3A_1113, %parallel_loop3A_908 : vector<16xf32>
          %parallel_loop3A_1115 = vector.broadcast %parallel_loop3A_1109 : f32 to vector<16xf32>
          %parallel_loop3A_1116 = arith.mulf %parallel_loop3A_1089, %parallel_loop3A_1115 : vector<16xf32>
          %parallel_loop3A_1117 = arith.addf %parallel_loop3A_1116, %parallel_loop3A_913 : vector<16xf32>
          %parallel_loop3A_1118 = vector.broadcast %parallel_loop3A_1109 : f32 to vector<16xf32>
          %parallel_loop3A_1119 = arith.mulf %parallel_loop3A_1092, %parallel_loop3A_1118 : vector<16xf32>
          %parallel_loop3A_1120 = arith.addf %parallel_loop3A_1119, %parallel_loop3A_918 : vector<16xf32>
          %parallel_loop3A_1121 = vector.broadcast %parallel_loop3A_1109 : f32 to vector<16xf32>
          %parallel_loop3A_1122 = arith.mulf %parallel_loop3A_1095, %parallel_loop3A_1121 : vector<16xf32>
          %parallel_loop3A_1123 = arith.addf %parallel_loop3A_1122, %parallel_loop3A_923 : vector<16xf32>
          %parallel_loop3A_1124 = arith.index_cast %parallel_loop3A_1111 : i32 to index
          %parallel_loop3A_1125 = arith.constant 0 : index
          %parallel_loop3A_1126 = tpu.vector_load %arg16[%parallel_loop3A_1124, %parallel_loop3A_1125] {strides = array<i32>} : memref<513x64xf32, #tpu.memory_space<vmem>>, vector<16xf32>,
          tpu.vector_store %arg16[%parallel_loop3A_1124, %parallel_loop3A_1125], %parallel_loop3A_1114 {strides = array<i32>} : memref<513x64xf32, #tpu.memory_space<vmem>>, vector<16xf32>,
          %parallel_loop3A_1127 = arith.index_cast %parallel_loop3A_1111 : i32 to index
          %parallel_loop3A_1128 = arith.constant 16 : index
          %parallel_loop3A_1129 = tpu.vector_load %arg16[%parallel_loop3A_1127, %parallel_loop3A_1128] {strides = array<i32>} : memref<513x64xf32, #tpu.memory_space<vmem>>, vector<16xf32>,
          tpu.vector_store %arg16[%parallel_loop3A_1127, %parallel_loop3A_1128], %parallel_loop3A_1117 {strides = array<i32>} : memref<513x64xf32, #tpu.memory_space<vmem>>, vector<16xf32>,
          %parallel_loop3A_1130 = arith.index_cast %parallel_loop3A_1111 : i32 to index
          %parallel_loop3A_1131 = arith.constant 32 : index
          %parallel_loop3A_1132 = tpu.vector_load %arg16[%parallel_loop3A_1130, %parallel_loop3A_1131] {strides = array<i32>} : memref<513x64xf32, #tpu.memory_space<vmem>>, vector<16xf32>,
          tpu.vector_store %arg16[%parallel_loop3A_1130, %parallel_loop3A_1131], %parallel_loop3A_1120 {strides = array<i32>} : memref<513x64xf32, #tpu.memory_space<vmem>>, vector<16xf32>,
          %parallel_loop3A_1133 = arith.index_cast %parallel_loop3A_1111 : i32 to index
          %parallel_loop3A_1134 = arith.constant 48 : index
          %parallel_loop3A_1135 = tpu.vector_load %arg16[%parallel_loop3A_1133, %parallel_loop3A_1134] {strides = array<i32>} : memref<513x64xf32, #tpu.memory_space<vmem>>, vector<16xf32>,
          tpu.vector_store %arg16[%parallel_loop3A_1133, %parallel_loop3A_1134], %parallel_loop3A_1123 {strides = array<i32>} : memref<513x64xf32, #tpu.memory_space<vmem>>, vector<16xf32>,
          %parallel_loop3A_1136 = vector.extract_strided_slice %parallel_loop3A_783 {offsets = [5], sizes = [1], strides = [1]} : vector<16xf32> to vector<1xf32>
          %parallel_loop3A_1137 = vector.extract %parallel_loop3A_1136[0] : f32 from vector<1xf32>
          %parallel_loop3A_1138 = vector.extract_strided_slice %parallel_loop3A_803 {offsets = [5], sizes = [1], strides = [1]} : vector<16xi32> to vector<1xi32>
          %parallel_loop3A_1139 = vector.extract %parallel_loop3A_1138[0] : i32 from vector<1xi32>
          %parallel_loop3A_1140 = vector.broadcast %parallel_loop3A_1137 : f32 to vector<16xf32>
          %parallel_loop3A_1141 = arith.mulf %parallel_loop3A_1114, %parallel_loop3A_1140 : vector<16xf32>
          %parallel_loop3A_1142 = arith.addf %parallel_loop3A_1141, %parallel_loop3A_932 : vector<16xf32>
          %parallel_loop3A_1143 = vector.broadcast %parallel_loop3A_1137 : f32 to vector<16xf32>
          %parallel_loop3A_1144 = arith.mulf %parallel_loop3A_1117, %parallel_loop3A_1143 : vector<16xf32>
          %parallel_loop3A_1145 = arith.addf %parallel_loop3A_1144, %parallel_loop3A_937 : vector<16xf32>
          %parallel_loop3A_1146 = vector.broadcast %parallel_loop3A_1137 : f32 to vector<16xf32>
          %parallel_loop3A_1147 = arith.mulf %parallel_loop3A_1120, %parallel_loop3A_1146 : vector<16xf32>
          %parallel_loop3A_1148 = arith.addf %parallel_loop3A_1147, %parallel_loop3A_942 : vector<16xf32>
          %parallel_loop3A_1149 = vector.broadcast %parallel_loop3A_1137 : f32 to vector<16xf32>
          %parallel_loop3A_1150 = arith.mulf %parallel_loop3A_1123, %parallel_loop3A_1149 : vector<16xf32>
          %parallel_loop3A_1151 = arith.addf %parallel_loop3A_1150, %parallel_loop3A_947 : vector<16xf32>
          %parallel_loop3A_1152 = arith.index_cast %parallel_loop3A_1139 : i32 to index
          %parallel_loop3A_1153 = arith.constant 0 : index
          %parallel_loop3A_1154 = tpu.vector_load %arg16[%parallel_loop3A_1152, %parallel_loop3A_1153] {strides = array<i32>} : memref<513x64xf32, #tpu.memory_space<vmem>>, vector<16xf32>,
          tpu.vector_store %arg16[%parallel_loop3A_1152, %parallel_loop3A_1153], %parallel_loop3A_1142 {strides = array<i32>} : memref<513x64xf32, #tpu.memory_space<vmem>>, vector<16xf32>,
          %parallel_loop3A_1155 = arith.index_cast %parallel_loop3A_1139 : i32 to index
          %parallel_loop3A_1156 = arith.constant 16 : index
          %parallel_loop3A_1157 = tpu.vector_load %arg16[%parallel_loop3A_1155, %parallel_loop3A_1156] {strides = array<i32>} : memref<513x64xf32, #tpu.memory_space<vmem>>, vector<16xf32>,
          tpu.vector_store %arg16[%parallel_loop3A_1155, %parallel_loop3A_1156], %parallel_loop3A_1145 {strides = array<i32>} : memref<513x64xf32, #tpu.memory_space<vmem>>, vector<16xf32>,
          %parallel_loop3A_1158 = arith.index_cast %parallel_loop3A_1139 : i32 to index
          %parallel_loop3A_1159 = arith.constant 32 : index
          %parallel_loop3A_1160 = tpu.vector_load %arg16[%parallel_loop3A_1158, %parallel_loop3A_1159] {strides = array<i32>} : memref<513x64xf32, #tpu.memory_space<vmem>>, vector<16xf32>,
          tpu.vector_store %arg16[%parallel_loop3A_1158, %parallel_loop3A_1159], %parallel_loop3A_1148 {strides = array<i32>} : memref<513x64xf32, #tpu.memory_space<vmem>>, vector<16xf32>,
          %parallel_loop3A_1161 = arith.index_cast %parallel_loop3A_1139 : i32 to index
          %parallel_loop3A_1162 = arith.constant 48 : index
          %parallel_loop3A_1163 = tpu.vector_load %arg16[%parallel_loop3A_1161, %parallel_loop3A_1162] {strides = array<i32>} : memref<513x64xf32, #tpu.memory_space<vmem>>, vector<16xf32>,
          tpu.vector_store %arg16[%parallel_loop3A_1161, %parallel_loop3A_1162], %parallel_loop3A_1151 {strides = array<i32>} : memref<513x64xf32, #tpu.memory_space<vmem>>, vector<16xf32>,
          %parallel_loop3A_1164 = vector.extract_strided_slice %parallel_loop3A_783 {offsets = [6], sizes = [1], strides = [1]} : vector<16xf32> to vector<1xf32>
          %parallel_loop3A_1165 = vector.extract %parallel_loop3A_1164[0] : f32 from vector<1xf32>
          %parallel_loop3A_1166 = vector.extract_strided_slice %parallel_loop3A_803 {offsets = [6], sizes = [1], strides = [1]} : vector<16xi32> to vector<1xi32>
          %parallel_loop3A_1167 = vector.extract %parallel_loop3A_1166[0] : i32 from vector<1xi32>
          %parallel_loop3A_1168 = vector.broadcast %parallel_loop3A_1165 : f32 to vector<16xf32>
          %parallel_loop3A_1169 = arith.mulf %parallel_loop3A_1142, %parallel_loop3A_1168 : vector<16xf32>
          %parallel_loop3A_1170 = arith.addf %parallel_loop3A_1169, %parallel_loop3A_956 : vector<16xf32>
          %parallel_loop3A_1171 = vector.broadcast %parallel_loop3A_1165 : f32 to vector<16xf32>
          %parallel_loop3A_1172 = arith.mulf %parallel_loop3A_1145, %parallel_loop3A_1171 : vector<16xf32>
          %parallel_loop3A_1173 = arith.addf %parallel_loop3A_1172, %parallel_loop3A_961 : vector<16xf32>
          %parallel_loop3A_1174 = vector.broadcast %parallel_loop3A_1165 : f32 to vector<16xf32>
          %parallel_loop3A_1175 = arith.mulf %parallel_loop3A_1148, %parallel_loop3A_1174 : vector<16xf32>
          %parallel_loop3A_1176 = arith.addf %parallel_loop3A_1175, %parallel_loop3A_966 : vector<16xf32>
          %parallel_loop3A_1177 = vector.broadcast %parallel_loop3A_1165 : f32 to vector<16xf32>
          %parallel_loop3A_1178 = arith.mulf %parallel_loop3A_1151, %parallel_loop3A_1177 : vector<16xf32>
          %parallel_loop3A_1179 = arith.addf %parallel_loop3A_1178, %parallel_loop3A_971 : vector<16xf32>
          %parallel_loop3A_1180 = arith.index_cast %parallel_loop3A_1167 : i32 to index
          %parallel_loop3A_1181 = arith.constant 0 : index
          %parallel_loop3A_1182 = tpu.vector_load %arg16[%parallel_loop3A_1180, %parallel_loop3A_1181] {strides = array<i32>} : memref<513x64xf32, #tpu.memory_space<vmem>>, vector<16xf32>,
          tpu.vector_store %arg16[%parallel_loop3A_1180, %parallel_loop3A_1181], %parallel_loop3A_1170 {strides = array<i32>} : memref<513x64xf32, #tpu.memory_space<vmem>>, vector<16xf32>,
          %parallel_loop3A_1183 = arith.index_cast %parallel_loop3A_1167 : i32 to index
          %parallel_loop3A_1184 = arith.constant 16 : index
          %parallel_loop3A_1185 = tpu.vector_load %arg16[%parallel_loop3A_1183, %parallel_loop3A_1184] {strides = array<i32>} : memref<513x64xf32, #tpu.memory_space<vmem>>, vector<16xf32>,
          tpu.vector_store %arg16[%parallel_loop3A_1183, %parallel_loop3A_1184], %parallel_loop3A_1173 {strides = array<i32>} : memref<513x64xf32, #tpu.memory_space<vmem>>, vector<16xf32>,
          %parallel_loop3A_1186 = arith.index_cast %parallel_loop3A_1167 : i32 to index
          %parallel_loop3A_1187 = arith.constant 32 : index
          %parallel_loop3A_1188 = tpu.vector_load %arg16[%parallel_loop3A_1186, %parallel_loop3A_1187] {strides = array<i32>} : memref<513x64xf32, #tpu.memory_space<vmem>>, vector<16xf32>,
          tpu.vector_store %arg16[%parallel_loop3A_1186, %parallel_loop3A_1187], %parallel_loop3A_1176 {strides = array<i32>} : memref<513x64xf32, #tpu.memory_space<vmem>>, vector<16xf32>,
          %parallel_loop3A_1189 = arith.index_cast %parallel_loop3A_1167 : i32 to index
          %parallel_loop3A_1190 = arith.constant 48 : index
          %parallel_loop3A_1191 = tpu.vector_load %arg16[%parallel_loop3A_1189, %parallel_loop3A_1190] {strides = array<i32>} : memref<513x64xf32, #tpu.memory_space<vmem>>, vector<16xf32>,
          tpu.vector_store %arg16[%parallel_loop3A_1189, %parallel_loop3A_1190], %parallel_loop3A_1179 {strides = array<i32>} : memref<513x64xf32, #tpu.memory_space<vmem>>, vector<16xf32>,
          %parallel_loop3A_1192 = vector.extract_strided_slice %parallel_loop3A_783 {offsets = [7], sizes = [1], strides = [1]} : vector<16xf32> to vector<1xf32>
          %parallel_loop3A_1193 = vector.extract %parallel_loop3A_1192[0] : f32 from vector<1xf32>
          %parallel_loop3A_1194 = vector.extract_strided_slice %parallel_loop3A_803 {offsets = [7], sizes = [1], strides = [1]} : vector<16xi32> to vector<1xi32>
          %parallel_loop3A_1195 = vector.extract %parallel_loop3A_1194[0] : i32 from vector<1xi32>
          %parallel_loop3A_1196 = vector.broadcast %parallel_loop3A_1193 : f32 to vector<16xf32>
          %parallel_loop3A_1197 = arith.mulf %parallel_loop3A_1170, %parallel_loop3A_1196 : vector<16xf32>
          %parallel_loop3A_1198 = arith.addf %parallel_loop3A_1197, %parallel_loop3A_980 : vector<16xf32>
          %parallel_loop3A_1199 = vector.broadcast %parallel_loop3A_1193 : f32 to vector<16xf32>
          %parallel_loop3A_1200 = arith.mulf %parallel_loop3A_1173, %parallel_loop3A_1199 : vector<16xf32>
          %parallel_loop3A_1201 = arith.addf %parallel_loop3A_1200, %parallel_loop3A_985 : vector<16xf32>
          %parallel_loop3A_1202 = vector.broadcast %parallel_loop3A_1193 : f32 to vector<16xf32>
          %parallel_loop3A_1203 = arith.mulf %parallel_loop3A_1176, %parallel_loop3A_1202 : vector<16xf32>
          %parallel_loop3A_1204 = arith.addf %parallel_loop3A_1203, %parallel_loop3A_990 : vector<16xf32>
          %parallel_loop3A_1205 = vector.broadcast %parallel_loop3A_1193 : f32 to vector<16xf32>
          %parallel_loop3A_1206 = arith.mulf %parallel_loop3A_1179, %parallel_loop3A_1205 : vector<16xf32>
          %parallel_loop3A_1207 = arith.addf %parallel_loop3A_1206, %parallel_loop3A_995 : vector<16xf32>
          %parallel_loop3A_1208 = arith.index_cast %parallel_loop3A_1195 : i32 to index
          %parallel_loop3A_1209 = arith.constant 0 : index
          %parallel_loop3A_1210 = tpu.vector_load %arg16[%parallel_loop3A_1208, %parallel_loop3A_1209] {strides = array<i32>} : memref<513x64xf32, #tpu.memory_space<vmem>>, vector<16xf32>,
          tpu.vector_store %arg16[%parallel_loop3A_1208, %parallel_loop3A_1209], %parallel_loop3A_1198 {strides = array<i32>} : memref<513x64xf32, #tpu.memory_space<vmem>>, vector<16xf32>,
          %parallel_loop3A_1211 = arith.index_cast %parallel_loop3A_1195 : i32 to index
          %parallel_loop3A_1212 = arith.constant 16 : index
          %parallel_loop3A_1213 = tpu.vector_load %arg16[%parallel_loop3A_1211, %parallel_loop3A_1212] {strides = array<i32>} : memref<513x64xf32, #tpu.memory_space<vmem>>, vector<16xf32>,
          tpu.vector_store %arg16[%parallel_loop3A_1211, %parallel_loop3A_1212], %parallel_loop3A_1201 {strides = array<i32>} : memref<513x64xf32, #tpu.memory_space<vmem>>, vector<16xf32>,
          %parallel_loop3A_1214 = arith.index_cast %parallel_loop3A_1195 : i32 to index
          %parallel_loop3A_1215 = arith.constant 32 : index
          %parallel_loop3A_1216 = tpu.vector_load %arg16[%parallel_loop3A_1214, %parallel_loop3A_1215] {strides = array<i32>} : memref<513x64xf32, #tpu.memory_space<vmem>>, vector<16xf32>,
          tpu.vector_store %arg16[%parallel_loop3A_1214, %parallel_loop3A_1215], %parallel_loop3A_1204 {strides = array<i32>} : memref<513x64xf32, #tpu.memory_space<vmem>>, vector<16xf32>,
          %parallel_loop3A_1217 = arith.index_cast %parallel_loop3A_1195 : i32 to index
          %parallel_loop3A_1218 = arith.constant 48 : index
          %parallel_loop3A_1219 = tpu.vector_load %arg16[%parallel_loop3A_1217, %parallel_loop3A_1218] {strides = array<i32>} : memref<513x64xf32, #tpu.memory_space<vmem>>, vector<16xf32>,
          tpu.vector_store %arg16[%parallel_loop3A_1217, %parallel_loop3A_1218], %parallel_loop3A_1207 {strides = array<i32>} : memref<513x64xf32, #tpu.memory_space<vmem>>, vector<16xf32>,
          scf.yield %parallel_loop3A_1198, %parallel_loop3A_1201, %parallel_loop3A_1204, %parallel_loop3A_1207 : vector<16xf32>, vector<16xf32>, vector<16xf32>, vector<16xf32>
        } {sc.loop_unroll_factor = 1 : i64, sc.parallel_access}
        %get3A_694 = arith.constant 512 : index
        %get3A_695 = tpu.vector_load %arg13[%get3A_694] {strides = array<i32>} : memref<544xi32, #tpu.memory_space<vmem>>, vector<16xi32>,
        %swap3A_696 = arith.constant 0 : index
        %swap3A_697 = tpu.vector_load %arg12[%swap3A_696] {strides = array<i32>} : memref<544xi32, #tpu.memory_space<vmem>>, vector<16xi32>,
        tpu.vector_store %arg12[%swap3A_696], %get3A_695 {strides = array<i32>} : memref<544xi32, #tpu.memory_space<vmem>>, vector<16xi32>,
        %add3A_698 = arith.constant 3 : i32
        %add3A_699 = arith.addi %add3A_391, %add3A_698 : i32
        %mul3A_700 = arith.constant 512 : i32
        %mul3A_701 = arith.muli %add3A_699, %mul3A_700 : i32
        %min3A_702 = arith.constant 4193792 : i32
        %min3A_703 = arith.minsi %mul3A_701, %min3A_702 : i32
        %dma_start3A_704 = arith.constant 16 : i32
        %dma_start3A_705 = tpu.memref_slice %arg13[%dma_start3A_704] : memref<544xi32, #tpu.memory_space<vmem>> -> memref<512xi32, #tpu.memory_space<vmem>>
        %dma_start3A_706 = tpu.memref_slice %arg3[%min3A_703] : memref<4194304xi32, #tpu.memory_space<hbm>> -> memref<512xi32, #tpu.memory_space<hbm>>
        %dma_start3A_707 = arith.constant 16 : i32
        %dma_start3A_708 = tpu.memref_slice %arg13[%dma_start3A_707] : memref<544xi32, #tpu.memory_space<vmem>> -> memref<512xi32, #tpu.memory_space<vmem>>
        %dma_start3A_709 = tpu.memref_slice %arg3[%min3A_703] : memref<4194304xi32, #tpu.memory_space<hbm>> -> memref<512xi32, #tpu.memory_space<hbm>>
        tpu.enqueue_dma source(%dma_start3A_709 : memref<512xi32, #tpu.memory_space<hbm>>) target(%dma_start3A_708 : memref<512xi32, #tpu.memory_space<vmem>>) target_semaphore(%arg21 : memref<!tpu.dma_semaphore, #tpu.memory_space<semaphore_mem>>)
        %dma_start3A_710 = arith.constant 0 : i32
        %dma_start3A_711 = tpu.memref_slice %arg15[%dma_start3A_710] : memref<528xf32, #tpu.memory_space<vmem>> -> memref<512xf32, #tpu.memory_space<vmem>>
        %dma_start3A_712 = tpu.memref_slice %arg2[%min3A_703] : memref<4194304xf32, #tpu.memory_space<hbm>> -> memref<512xf32, #tpu.memory_space<hbm>>
        %dma_start3A_713 = arith.constant 0 : i32
        %dma_start3A_714 = tpu.memref_slice %arg15[%dma_start3A_713] : memref<528xf32, #tpu.memory_space<vmem>> -> memref<512xf32, #tpu.memory_space<vmem>>
        %dma_start3A_715 = tpu.memref_slice %arg2[%min3A_703] : memref<4194304xf32, #tpu.memory_space<hbm>> -> memref<512xf32, #tpu.memory_space<hbm>>
        tpu.enqueue_dma source(%dma_start3A_715 : memref<512xf32, #tpu.memory_space<hbm>>) target(%dma_start3A_714 : memref<512xf32, #tpu.memory_space<vmem>>) target_semaphore(%arg21 : memref<!tpu.dma_semaphore, #tpu.memory_space<semaphore_mem>>)
        %dma_wait3A_716 = arith.constant 0 : i32
        %dma_wait3A_717 = tpu.memref_slice %arg4[%dma_wait3A_716] : memref<4194304xi32, #tpu.memory_space<hbm>> -> memref<512xi32, #tpu.memory_space<hbm>>
        %dma_wait3A_718 = arith.constant 0 : i32
        %dma_wait3A_719 = tpu.memref_slice %arg4[%dma_wait3A_718] : memref<4194304xi32, #tpu.memory_space<hbm>> -> memref<512xi32, #tpu.memory_space<hbm>>
        tpu.wait_dma2 semaphore(%arg19 : memref<!tpu.dma_semaphore, #tpu.memory_space<semaphore_mem>>) src(%dma_wait3A_719 : memref<512xi32, #tpu.memory_space<hbm>>) dst(%arg9 : memref<512xi32, #tpu.memory_space<vmem>>)
        %dma_start3A_720 = arith.constant 0 : i32
        %dma_start3A_721 = arith.constant 0 : i32
        %dma_start3A_722 = tpu.memref_slice %arg11[%dma_start3A_720, %dma_start3A_721] : memref<512x64xf32, #tpu.memory_space<vmem>> -> memref<128x64xf32, #tpu.memory_space<vmem>>
        %dma_start3A_723 = arith.constant 0 : i32
        %dma_start3A_724 = tpu.memref_slice %arg9[%dma_start3A_723] : memref<512xi32, #tpu.memory_space<vmem>> -> memref<128xi32, #tpu.memory_space<vmem>>
        %dma_start3A_725 = arith.constant 0 : i32
        %dma_start3A_726 = arith.constant 0 : i32
        %dma_start3A_727 = tpu.memref_slice %arg5[%dma_start3A_725, %dma_start3A_726] : memref<65536x64xf32, #tpu.memory_space<hbm>> -> memref<65536x64xf32, #tpu.memory_space<hbm>>
        tpu.enqueue_indirect_dma source(%dma_start3A_727 : memref<65536x64xf32, #tpu.memory_space<hbm>>) target(%dma_start3A_722 : memref<128x64xf32, #tpu.memory_space<vmem>>) offsets(%dma_start3A_724 : memref<128xi32, #tpu.memory_space<vmem>>) semaphore(%arg23 : memref<!tpu.dma_semaphore, #tpu.memory_space<semaphore_mem>>)
        %dma_start3A_728 = arith.constant 128 : i32
        %dma_start3A_729 = arith.constant 0 : i32
        %dma_start3A_730 = tpu.memref_slice %arg11[%dma_start3A_728, %dma_start3A_729] : memref<512x64xf32, #tpu.memory_space<vmem>> -> memref<128x64xf32, #tpu.memory_space<vmem>>
        %dma_start3A_731 = arith.constant 128 : i32
        %dma_start3A_732 = tpu.memref_slice %arg9[%dma_start3A_731] : memref<512xi32, #tpu.memory_space<vmem>> -> memref<128xi32, #tpu.memory_space<vmem>>
        %dma_start3A_733 = arith.constant 0 : i32
        %dma_start3A_734 = arith.constant 0 : i32
        %dma_start3A_735 = tpu.memref_slice %arg5[%dma_start3A_733, %dma_start3A_734] : memref<65536x64xf32, #tpu.memory_space<hbm>> -> memref<65536x64xf32, #tpu.memory_space<hbm>>
        tpu.enqueue_indirect_dma source(%dma_start3A_735 : memref<65536x64xf32, #tpu.memory_space<hbm>>) target(%dma_start3A_730 : memref<128x64xf32, #tpu.memory_space<vmem>>) offsets(%dma_start3A_732 : memref<128xi32, #tpu.memory_space<vmem>>) semaphore(%arg23 : memref<!tpu.dma_semaphore, #tpu.memory_space<semaphore_mem>>)
        %dma_start3A_736 = arith.constant 256 : i32
        %dma_start3A_737 = arith.constant 0 : i32
        %dma_start3A_738 = tpu.memref_slice %arg11[%dma_start3A_736, %dma_start3A_737] : memref<512x64xf32, #tpu.memory_space<vmem>> -> memref<128x64xf32, #tpu.memory_space<vmem>>
        %dma_start3A_739 = arith.constant 256 : i32
        %dma_start3A_740 = tpu.memref_slice %arg9[%dma_start3A_739] : memref<512xi32, #tpu.memory_space<vmem>> -> memref<128xi32, #tpu.memory_space<vmem>>
        %dma_start3A_741 = arith.constant 0 : i32
        %dma_start3A_742 = arith.constant 0 : i32
        %dma_start3A_743 = tpu.memref_slice %arg5[%dma_start3A_741, %dma_start3A_742] : memref<65536x64xf32, #tpu.memory_space<hbm>> -> memref<65536x64xf32, #tpu.memory_space<hbm>>
        tpu.enqueue_indirect_dma source(%dma_start3A_743 : memref<65536x64xf32, #tpu.memory_space<hbm>>) target(%dma_start3A_738 : memref<128x64xf32, #tpu.memory_space<vmem>>) offsets(%dma_start3A_740 : memref<128xi32, #tpu.memory_space<vmem>>) semaphore(%arg23 : memref<!tpu.dma_semaphore, #tpu.memory_space<semaphore_mem>>)
        %dma_start3A_744 = arith.constant 384 : i32
        %dma_start3A_745 = arith.constant 0 : i32
        %dma_start3A_746 = tpu.memref_slice %arg11[%dma_start3A_744, %dma_start3A_745] : memref<512x64xf32, #tpu.memory_space<vmem>> -> memref<128x64xf32, #tpu.memory_space<vmem>>
        %dma_start3A_747 = arith.constant 384 : i32
        %dma_start3A_748 = tpu.memref_slice %arg9[%dma_start3A_747] : memref<512xi32, #tpu.memory_space<vmem>> -> memref<128xi32, #tpu.memory_space<vmem>>
        %dma_start3A_749 = arith.constant 0 : i32
        %dma_start3A_750 = arith.constant 0 : i32
        %dma_start3A_751 = tpu.memref_slice %arg5[%dma_start3A_749, %dma_start3A_750] : memref<65536x64xf32, #tpu.memory_space<hbm>> -> memref<65536x64xf32, #tpu.memory_space<hbm>>
        tpu.enqueue_indirect_dma source(%dma_start3A_751 : memref<65536x64xf32, #tpu.memory_space<hbm>>) target(%dma_start3A_746 : memref<128x64xf32, #tpu.memory_space<vmem>>) offsets(%dma_start3A_748 : memref<128xi32, #tpu.memory_space<vmem>>) semaphore(%arg23 : memref<!tpu.dma_semaphore, #tpu.memory_space<semaphore_mem>>)
        scf.yield %parallel_loop3A_693#0, %parallel_loop3A_693#1, %parallel_loop3A_693#2, %parallel_loop3A_693#3 : vector<16xf32>, vector<16xf32>, vector<16xf32>, vector<16xf32>
      }
      %while3A_285 = arith.constant 1 : i32
      %while3A_286:4 = scf.for %while3A_384 = %while3A_282 to %while3A_278 step %while3A_285 iter_args(%while3A_385 = %while3A_284#0, %while3A_386 = %while3A_284#1, %while3A_387 = %while3A_284#2, %while3A_388 = %while3A_284#3) -> (vector<16xf32>, vector<16xf32>, vector<16xf32>, vector<16xf32>)  : i32 {
        %mul3A_389 = arith.constant 2 : i32
        %mul3A_390 = arith.muli %mul3A_389, %while3A_384 : i32
        %add3A_391 = arith.addi %select_n3A_101, %mul3A_390 : i32
        %dma_wait3A_392 = arith.constant 0 : i32
        %dma_wait3A_393 = arith.constant 0 : i32
        %dma_wait3A_394 = tpu.memref_slice %arg10[%dma_wait3A_392, %dma_wait3A_393] : memref<512x64xf32, #tpu.memory_space<vmem>> -> memref<128x64xf32, #tpu.memory_space<vmem>>
        %dma_wait3A_395 = arith.constant 0 : i32
        %dma_wait3A_396 = tpu.memref_slice %arg8[%dma_wait3A_395] : memref<512xi32, #tpu.memory_space<vmem>> -> memref<128xi32, #tpu.memory_space<vmem>>
        %dma_wait3A_397 = arith.constant 0 : i32
        %dma_wait3A_398 = arith.constant 0 : i32
        %dma_wait3A_399 = tpu.memref_slice %arg5[%dma_wait3A_397, %dma_wait3A_398] : memref<65536x64xf32, #tpu.memory_space<hbm>> -> memref<65536x64xf32, #tpu.memory_space<hbm>>
        tpu.wait_indirect_dma semaphore(%arg22 : memref<!tpu.dma_semaphore, #tpu.memory_space<semaphore_mem>>) src(%dma_wait3A_399 : memref<65536x64xf32, #tpu.memory_space<hbm>>) dst(%dma_wait3A_394 : memref<128x64xf32, #tpu.memory_space<vmem>>)
        %dma_wait3A_400 = arith.constant 128 : i32
        %dma_wait3A_401 = arith.constant 0 : i32
        %dma_wait3A_402 = tpu.memref_slice %arg10[%dma_wait3A_400, %dma_wait3A_401] : memref<512x64xf32, #tpu.memory_space<vmem>> -> memref<128x64xf32, #tpu.memory_space<vmem>>
        %dma_wait3A_403 = arith.constant 0 : i32
        %dma_wait3A_404 = tpu.memref_slice %arg8[%dma_wait3A_403] : memref<512xi32, #tpu.memory_space<vmem>> -> memref<128xi32, #tpu.memory_space<vmem>>
        %dma_wait3A_405 = arith.constant 0 : i32
        %dma_wait3A_406 = arith.constant 0 : i32
        %dma_wait3A_407 = tpu.memref_slice %arg5[%dma_wait3A_405, %dma_wait3A_406] : memref<65536x64xf32, #tpu.memory_space<hbm>> -> memref<65536x64xf32, #tpu.memory_space<hbm>>
        tpu.wait_indirect_dma semaphore(%arg22 : memref<!tpu.dma_semaphore, #tpu.memory_space<semaphore_mem>>) src(%dma_wait3A_407 : memref<65536x64xf32, #tpu.memory_space<hbm>>) dst(%dma_wait3A_402 : memref<128x64xf32, #tpu.memory_space<vmem>>)
        %dma_wait3A_408 = arith.constant 256 : i32
        %dma_wait3A_409 = arith.constant 0 : i32
        %dma_wait3A_410 = tpu.memref_slice %arg10[%dma_wait3A_408, %dma_wait3A_409] : memref<512x64xf32, #tpu.memory_space<vmem>> -> memref<128x64xf32, #tpu.memory_space<vmem>>
        %dma_wait3A_411 = arith.constant 0 : i32
        %dma_wait3A_412 = tpu.memref_slice %arg8[%dma_wait3A_411] : memref<512xi32, #tpu.memory_space<vmem>> -> memref<128xi32, #tpu.memory_space<vmem>>
        %dma_wait3A_413 = arith.constant 0 : i32
        %dma_wait3A_414 = arith.constant 0 : i32
        %dma_wait3A_415 = tpu.memref_slice %arg5[%dma_wait3A_413, %dma_wait3A_414] : memref<65536x64xf32, #tpu.memory_space<hbm>> -> memref<65536x64xf32, #tpu.memory_space<hbm>>
        tpu.wait_indirect_dma semaphore(%arg22 : memref<!tpu.dma_semaphore, #tpu.memory_space<semaphore_mem>>) src(%dma_wait3A_415 : memref<65536x64xf32, #tpu.memory_space<hbm>>) dst(%dma_wait3A_410 : memref<128x64xf32, #tpu.memory_space<vmem>>)
        %dma_wait3A_416 = arith.constant 384 : i32
        %dma_wait3A_417 = arith.constant 0 : i32
        %dma_wait3A_418 = tpu.memref_slice %arg10[%dma_wait3A_416, %dma_wait3A_417] : memref<512x64xf32, #tpu.memory_space<vmem>> -> memref<128x64xf32, #tpu.memory_space<vmem>>
        %dma_wait3A_419 = arith.constant 0 : i32
        %dma_wait3A_420 = tpu.memref_slice %arg8[%dma_wait3A_419] : memref<512xi32, #tpu.memory_space<vmem>> -> memref<128xi32, #tpu.memory_space<vmem>>
        %dma_wait3A_421 = arith.constant 0 : i32
        %dma_wait3A_422 = arith.constant 0 : i32
        %dma_wait3A_423 = tpu.memref_slice %arg5[%dma_wait3A_421, %dma_wait3A_422] : memref<65536x64xf32, #tpu.memory_space<hbm>> -> memref<65536x64xf32, #tpu.memory_space<hbm>>
        tpu.wait_indirect_dma semaphore(%arg22 : memref<!tpu.dma_semaphore, #tpu.memory_space<semaphore_mem>>) src(%dma_wait3A_423 : memref<65536x64xf32, #tpu.memory_space<hbm>>) dst(%dma_wait3A_418 : memref<128x64xf32, #tpu.memory_space<vmem>>)
        %add3A_424 = arith.constant 2 : i32
        %add3A_425 = arith.addi %add3A_391, %add3A_424 : i32
        %mul3A_426 = arith.constant 512 : i32
        %mul3A_427 = arith.muli %add3A_425, %mul3A_426 : i32
        %min3A_428 = arith.constant 4193792 : i32
        %min3A_429 = arith.minsi %mul3A_427, %min3A_428 : i32
        %dma_start3A_430 = tpu.memref_slice %arg4[%min3A_429] : memref<4194304xi32, #tpu.memory_space<hbm>> -> memref<512xi32, #tpu.memory_space<hbm>>
        %dma_start3A_431 = tpu.memref_slice %arg4[%min3A_429] : memref<4194304xi32, #tpu.memory_space<hbm>> -> memref<512xi32, #tpu.memory_space<hbm>>
        tpu.enqueue_dma source(%dma_start3A_431 : memref<512xi32, #tpu.memory_space<hbm>>) target(%arg8 : memref<512xi32, #tpu.memory_space<vmem>>) target_semaphore(%arg18 : memref<!tpu.dma_semaphore, #tpu.memory_space<semaphore_mem>>)
        %dma_wait3A_432 = arith.constant 16 : i32
        %dma_wait3A_433 = tpu.memref_slice %arg12[%dma_wait3A_432] : memref<544xi32, #tpu.memory_space<vmem>> -> memref<512xi32, #tpu.memory_space<vmem>>
        %dma_wait3A_434 = arith.constant 0 : i32
        %dma_wait3A_435 = tpu.memref_slice %arg3[%dma_wait3A_434] : memref<4194304xi32, #tpu.memory_space<hbm>> -> memref<512xi32, #tpu.memory_space<hbm>>
        %dma_wait3A_436 = arith.constant 16 : i32
        %dma_wait3A_437 = tpu.memref_slice %arg12[%dma_wait3A_436] : memref<544xi32, #tpu.memory_space<vmem>> -> memref<512xi32, #tpu.memory_space<vmem>>
        %dma_wait3A_438 = arith.constant 0 : i32
        %dma_wait3A_439 = tpu.memref_slice %arg3[%dma_wait3A_438] : memref<4194304xi32, #tpu.memory_space<hbm>> -> memref<512xi32, #tpu.memory_space<hbm>>
        tpu.wait_dma2 semaphore(%arg20 : memref<!tpu.dma_semaphore, #tpu.memory_space<semaphore_mem>>) src(%dma_wait3A_439 : memref<512xi32, #tpu.memory_space<hbm>>) dst(%dma_wait3A_437 : memref<512xi32, #tpu.memory_space<vmem>>)
        %dma_wait3A_440 = arith.constant 0 : i32
        %dma_wait3A_441 = tpu.memref_slice %arg14[%dma_wait3A_440] : memref<528xf32, #tpu.memory_space<vmem>> -> memref<512xf32, #tpu.memory_space<vmem>>
        %dma_wait3A_442 = arith.constant 0 : i32
        %dma_wait3A_443 = tpu.memref_slice %arg2[%dma_wait3A_442] : memref<4194304xf32, #tpu.memory_space<hbm>> -> memref<512xf32, #tpu.memory_space<hbm>>
        %dma_wait3A_444 = arith.constant 0 : i32
        %dma_wait3A_445 = tpu.memref_slice %arg14[%dma_wait3A_444] : memref<528xf32, #tpu.memory_space<vmem>> -> memref<512xf32, #tpu.memory_space<vmem>>
        %dma_wait3A_446 = arith.constant 0 : i32
        %dma_wait3A_447 = tpu.memref_slice %arg2[%dma_wait3A_446] : memref<4194304xf32, #tpu.memory_space<hbm>> -> memref<512xf32, #tpu.memory_space<hbm>>
        tpu.wait_dma2 semaphore(%arg20 : memref<!tpu.dma_semaphore, #tpu.memory_space<semaphore_mem>>) src(%dma_wait3A_447 : memref<512xf32, #tpu.memory_space<hbm>>) dst(%dma_wait3A_445 : memref<512xf32, #tpu.memory_space<vmem>>)
        %mul3A_448 = arith.constant 512 : i32
        %mul3A_449 = arith.muli %add3A_391, %mul3A_448 : i32
        %sub3A_450 = arith.subi %reduce_sum3A_58, %mul3A_449 : i32
        %jit3A_451 = arith.constant 0 : i32
        %jit3A_452 = arith.constant 512 : i32
        %max3A_453 = arith.maxsi %jit3A_451, %sub3A_450 : i32
        %min3A_454 = arith.minsi %jit3A_452, %max3A_453 : i32
        %mul3A_455 = arith.constant 512 : i32
        %mul3A_456 = arith.muli %add3A_391, %mul3A_455 : i32
        %sub3A_457 = arith.subi %reduce_sum3A_70, %mul3A_456 : i32
        %jit3A_458 = arith.constant 0 : i32
        %jit3A_459 = arith.constant 512 : i32
        %max3A_460 = arith.maxsi %jit3A_458, %sub3A_457 : i32
        %min3A_461 = arith.minsi %jit3A_459, %max3A_460 : i32
        %jit3A_462 = arith.constant 8 : i32
        %div3A_463 = arith.divsi %min3A_454, %jit3A_462 : i32
        %sign3A_464 = arith.constant 0 : i32
        %sign3A_465 = arith.cmpi sgt, %min3A_454, %sign3A_464 : i32
        %sign3A_466 = arith.extui %sign3A_465 : i1 to i32
        %sign3A_467 = arith.constant 0 : i32
        %sign3A_468 = arith.cmpi slt, %min3A_454, %sign3A_467 : i32
        %sign3A_469 = arith.extui %sign3A_468 : i1 to i32
        %sign3A_470 = arith.subi %sign3A_466, %sign3A_469 : i32
        %sign3A_471 = arith.constant 0 : i32
        %sign3A_472 = arith.cmpi sgt, %jit3A_462, %sign3A_471 : i32
        %sign3A_473 = arith.extui %sign3A_472 : i1 to i32
        %sign3A_474 = arith.constant 0 : i32
        %sign3A_475 = arith.cmpi slt, %jit3A_462, %sign3A_474 : i32
        %sign3A_476 = arith.extui %sign3A_475 : i1 to i32
        %sign3A_477 = arith.subi %sign3A_473, %sign3A_476 : i32
        %ne3A_478 = arith.cmpi ne, %sign3A_470, %sign3A_477 : i32
        %rem3A_479 = arith.remsi %min3A_454, %jit3A_462 : i32
        %ne3A_480 = arith.constant 0 : i32
        %ne3A_481 = arith.cmpi ne, %rem3A_479, %ne3A_480 : i32
        %and3A_482 = arith.andi %ne3A_478, %ne3A_481 : i1
        %sub3A_483 = arith.constant 1 : i32
        %sub3A_484 = arith.subi %div3A_463, %sub3A_483 : i32
        %select_n3A_485 = arith.select %and3A_482, %sub3A_484, %div3A_463 : i32
        %add3A_486 = arith.constant 7 : i32
        %add3A_487 = arith.addi %min3A_461, %add3A_486 : i32
        %jit3A_488 = arith.constant 8 : i32
        %div3A_489 = arith.divsi %add3A_487, %jit3A_488 : i32
        %sign3A_490 = arith.constant 0 : i32
        %sign3A_491 = arith.cmpi sgt, %add3A_487, %sign3A_490 : i32
        %sign3A_492 = arith.extui %sign3A_491 : i1 to i32
        %sign3A_493 = arith.constant 0 : i32
        %sign3A_494 = arith.cmpi slt, %add3A_487, %sign3A_493 : i32
        %sign3A_495 = arith.extui %sign3A_494 : i1 to i32
        %sign3A_496 = arith.subi %sign3A_492, %sign3A_495 : i32
        %sign3A_497 = arith.constant 0 : i32
        %sign3A_498 = arith.cmpi sgt, %jit3A_488, %sign3A_497 : i32
        %sign3A_499 = arith.extui %sign3A_498 : i1 to i32
        %sign3A_500 = arith.constant 0 : i32
        %sign3A_501 = arith.cmpi slt, %jit3A_488, %sign3A_500 : i32
        %sign3A_502 = arith.extui %sign3A_501 : i1 to i32
        %sign3A_503 = arith.subi %sign3A_499, %sign3A_502 : i32
        %ne3A_504 = arith.cmpi ne, %sign3A_496, %sign3A_503 : i32
        %rem3A_505 = arith.remsi %add3A_487, %jit3A_488 : i32
        %ne3A_506 = arith.constant 0 : i32
        %ne3A_507 = arith.cmpi ne, %rem3A_505, %ne3A_506 : i32
        %and3A_508 = arith.andi %ne3A_504, %ne3A_507 : i1
        %sub3A_509 = arith.constant 1 : i32
        %sub3A_510 = arith.subi %div3A_489, %sub3A_509 : i32
        %select_n3A_511 = arith.select %and3A_508, %sub3A_510, %div3A_489 : i32
        %parallel_loop3A = arith.constant 1 : i32
        %parallel_loop3A_512:4 = scf.for %parallel_loop3A_752 = %select_n3A_485 to %select_n3A_511 step %parallel_loop3A iter_args(%parallel_loop3A_753 = %while3A_385, %parallel_loop3A_754 = %while3A_386, %parallel_loop3A_755 = %while3A_387, %parallel_loop3A_756 = %while3A_388) -> (vector<16xf32>, vector<16xf32>, vector<16xf32>, vector<16xf32>)  : i32 {
          %parallel_loop3A_757 = arith.constant 8 : i32
          %parallel_loop3A_758 = arith.muli %parallel_loop3A_752, %parallel_loop3A_757 : i32
          %parallel_loop3A_759 = vector.broadcast %parallel_loop3A_758 : i32 to vector<16xi32>
          %parallel_loop3A_760 = arith.addi %parallel_loop3A_759, %iota3A : vector<16xi32>
          %parallel_loop3A_761 = vector.broadcast %min3A_454 : i32 to vector<16xi32>
          %parallel_loop3A_762 = arith.cmpi sge, %parallel_loop3A_760, %parallel_loop3A_761 : vector<16xi32>
          %parallel_loop3A_763 = vector.broadcast %min3A_461 : i32 to vector<16xi32>
          %parallel_loop3A_764 = arith.cmpi slt, %parallel_loop3A_760, %parallel_loop3A_763 : vector<16xi32>
          %parallel_loop3A_765 = arith.andi %parallel_loop3A_762, %parallel_loop3A_764 : vector<16xi1>
          %parallel_loop3A_766 = arith.constant 16 : i32
          %parallel_loop3A_767 = arith.addi %parallel_loop3A_766, %parallel_loop3A_758 : i32
          %parallel_loop3A_768 = arith.index_cast %parallel_loop3A_767 : i32 to index
          %parallel_loop3A_769 = tpu.vector_load %arg12[%parallel_loop3A_768] {strides = array<i32>} : memref<544xi32, #tpu.memory_space<vmem>>, vector<16xi32>,
          %parallel_loop3A_770 = arith.constant 15 : i32
          %parallel_loop3A_771 = arith.addi %parallel_loop3A_770, %parallel_loop3A_758 : i32
          %parallel_loop3A_772 = arith.index_cast %parallel_loop3A_771 : i32 to index
          %parallel_loop3A_773 = tpu.vector_load %arg12[%parallel_loop3A_772] {strides = array<i32>} : memref<544xi32, #tpu.memory_space<vmem>>, vector<16xi32>,
          %parallel_loop3A_774 = arith.constant 17 : i32
          %parallel_loop3A_775 = arith.addi %parallel_loop3A_774, %parallel_loop3A_758 : i32
          %parallel_loop3A_776 = arith.index_cast %parallel_loop3A_775 : i32 to index
          %parallel_loop3A_777 = tpu.vector_load %arg12[%parallel_loop3A_776] {strides = array<i32>} : memref<544xi32, #tpu.memory_space<vmem>>, vector<16xi32>,
          %parallel_loop3A_778 = arith.cmpi eq, %parallel_loop3A_769, %parallel_loop3A_773 : vector<16xi32>
          %parallel_loop3A_779 = arith.constant 1.000000e+00 : f32
          %parallel_loop3A_780 = arith.constant 0.000000e+00 : f32
          %parallel_loop3A_781 = vector.broadcast %parallel_loop3A_779 : f32 to vector<16xf32>
          %parallel_loop3A_782 = vector.broadcast %parallel_loop3A_780 : f32 to vector<16xf32>
          %parallel_loop3A_783 = arith.select %parallel_loop3A_778, %parallel_loop3A_781, %parallel_loop3A_782 : vector<16xi1>, vector<16xf32>
          %parallel_loop3A_784 = vector.broadcast %mul3A_48 : i32 to vector<16xi32>
          %parallel_loop3A_785 = arith.subi %parallel_loop3A_769, %parallel_loop3A_784 : vector<16xi32>
          %parallel_loop3A_786 = arith.constant 512 : i32
          %parallel_loop3A_787 = vector.broadcast %parallel_loop3A_786 : i32 to vector<16xi32>
          %parallel_loop3A_788 = arith.select %parallel_loop3A_765, %parallel_loop3A_785, %parallel_loop3A_787 : vector<16xi1>, vector<16xi32>
          %parallel_loop3A_789 = arith.index_cast %parallel_loop3A_758 : i32 to index
          %parallel_loop3A_790 = tpu.vector_load %arg14[%parallel_loop3A_789] {strides = array<i32>} : memref<528xf32, #tpu.memory_space<vmem>>, vector<16xf32>,
          %parallel_loop3A_791 = arith.constant 0.000000e+00 : f32
          %parallel_loop3A_792 = vector.broadcast %parallel_loop3A_791 : f32 to vector<16xf32>
          %parallel_loop3A_793 = arith.select %parallel_loop3A_765, %parallel_loop3A_790, %parallel_loop3A_792 : vector<16xi1>, vector<16xf32>
          %parallel_loop3A_794 = arith.cmpi ne, %parallel_loop3A_769, %parallel_loop3A_777 : vector<16xi32>
          %parallel_loop3A_795 = arith.constant 1 : i32
          %parallel_loop3A_796 = vector.broadcast %parallel_loop3A_795 : i32 to vector<16xi32>
          %parallel_loop3A_797 = arith.addi %parallel_loop3A_760, %parallel_loop3A_796 : vector<16xi32>
          %parallel_loop3A_798 = vector.broadcast %min3A_461 : i32 to vector<16xi32>
          %parallel_loop3A_799 = arith.cmpi sge, %parallel_loop3A_797, %parallel_loop3A_798 : vector<16xi32>
          %parallel_loop3A_800 = arith.ori %parallel_loop3A_794, %parallel_loop3A_799 : vector<16xi1>
          %parallel_loop3A_801 = arith.constant 512 : i32
          %parallel_loop3A_802 = vector.broadcast %parallel_loop3A_801 : i32 to vector<16xi32>
          %parallel_loop3A_803 = arith.select %parallel_loop3A_800, %parallel_loop3A_788, %parallel_loop3A_802 : vector<16xi1>, vector<16xi32>
          %parallel_loop3A_804 = vector.extract_strided_slice %parallel_loop3A_793 {offsets = [0], sizes = [1], strides = [1]} : vector<16xf32> to vector<1xf32>
          %parallel_loop3A_805 = vector.extract %parallel_loop3A_804[0] : f32 from vector<1xf32>
          %parallel_loop3A_806 = arith.constant 0 : i32
          %parallel_loop3A_807 = arith.addi %parallel_loop3A_758, %parallel_loop3A_806 : i32
          %parallel_loop3A_808 = arith.index_cast %parallel_loop3A_807 : i32 to index
          %parallel_loop3A_809 = arith.constant 0 : index
          %parallel_loop3A_810 = tpu.vector_load %arg10[%parallel_loop3A_808, %parallel_loop3A_809] {strides = array<i32>} : memref<512x64xf32, #tpu.memory_space<vmem>>, vector<16xf32>,
          %parallel_loop3A_811 = vector.broadcast %parallel_loop3A_805 : f32 to vector<16xf32>
          %parallel_loop3A_812 = arith.mulf %parallel_loop3A_811, %parallel_loop3A_810 : vector<16xf32>
          %parallel_loop3A_813 = arith.index_cast %parallel_loop3A_807 : i32 to index
          %parallel_loop3A_814 = arith.constant 16 : index
          %parallel_loop3A_815 = tpu.vector_load %arg10[%parallel_loop3A_813, %parallel_loop3A_814] {strides = array<i32>} : memref<512x64xf32, #tpu.memory_space<vmem>>, vector<16xf32>,
          %parallel_loop3A_816 = vector.broadcast %parallel_loop3A_805 : f32 to vector<16xf32>
          %parallel_loop3A_817 = arith.mulf %parallel_loop3A_816, %parallel_loop3A_815 : vector<16xf32>
          %parallel_loop3A_818 = arith.index_cast %parallel_loop3A_807 : i32 to index
          %parallel_loop3A_819 = arith.constant 32 : index
          %parallel_loop3A_820 = tpu.vector_load %arg10[%parallel_loop3A_818, %parallel_loop3A_819] {strides = array<i32>} : memref<512x64xf32, #tpu.memory_space<vmem>>, vector<16xf32>,
          %parallel_loop3A_821 = vector.broadcast %parallel_loop3A_805 : f32 to vector<16xf32>
          %parallel_loop3A_822 = arith.mulf %parallel_loop3A_821, %parallel_loop3A_820 : vector<16xf32>
          %parallel_loop3A_823 = arith.index_cast %parallel_loop3A_807 : i32 to index
          %parallel_loop3A_824 = arith.constant 48 : index
          %parallel_loop3A_825 = tpu.vector_load %arg10[%parallel_loop3A_823, %parallel_loop3A_824] {strides = array<i32>} : memref<512x64xf32, #tpu.memory_space<vmem>>, vector<16xf32>,
          %parallel_loop3A_826 = vector.broadcast %parallel_loop3A_805 : f32 to vector<16xf32>
          %parallel_loop3A_827 = arith.mulf %parallel_loop3A_826, %parallel_loop3A_825 : vector<16xf32>
          %parallel_loop3A_828 = vector.extract_strided_slice %parallel_loop3A_793 {offsets = [1], sizes = [1], strides = [1]} : vector<16xf32> to vector<1xf32>
          %parallel_loop3A_829 = vector.extract %parallel_loop3A_828[0] : f32 from vector<1xf32>
          %parallel_loop3A_830 = arith.constant 1 : i32
          %parallel_loop3A_831 = arith.addi %parallel_loop3A_758, %parallel_loop3A_830 : i32
          %parallel_loop3A_832 = arith.index_cast %parallel_loop3A_831 : i32 to index
          %parallel_loop3A_833 = arith.constant 0 : index
          %parallel_loop3A_834 = tpu.vector_load %arg10[%parallel_loop3A_832, %parallel_loop3A_833] {strides = array<i32>} : memref<512x64xf32, #tpu.memory_space<vmem>>, vector<16xf32>,
          %parallel_loop3A_835 = vector.broadcast %parallel_loop3A_829 : f32 to vector<16xf32>
          %parallel_loop3A_836 = arith.mulf %parallel_loop3A_835, %parallel_loop3A_834 : vector<16xf32>
          %parallel_loop3A_837 = arith.index_cast %parallel_loop3A_831 : i32 to index
          %parallel_loop3A_838 = arith.constant 16 : index
          %parallel_loop3A_839 = tpu.vector_load %arg10[%parallel_loop3A_837, %parallel_loop3A_838] {strides = array<i32>} : memref<512x64xf32, #tpu.memory_space<vmem>>, vector<16xf32>,
          %parallel_loop3A_840 = vector.broadcast %parallel_loop3A_829 : f32 to vector<16xf32>
          %parallel_loop3A_841 = arith.mulf %parallel_loop3A_840, %parallel_loop3A_839 : vector<16xf32>
          %parallel_loop3A_842 = arith.index_cast %parallel_loop3A_831 : i32 to index
          %parallel_loop3A_843 = arith.constant 32 : index
          %parallel_loop3A_844 = tpu.vector_load %arg10[%parallel_loop3A_842, %parallel_loop3A_843] {strides = array<i32>} : memref<512x64xf32, #tpu.memory_space<vmem>>, vector<16xf32>,
          %parallel_loop3A_845 = vector.broadcast %parallel_loop3A_829 : f32 to vector<16xf32>
          %parallel_loop3A_846 = arith.mulf %parallel_loop3A_845, %parallel_loop3A_844 : vector<16xf32>
          %parallel_loop3A_847 = arith.index_cast %parallel_loop3A_831 : i32 to index
          %parallel_loop3A_848 = arith.constant 48 : index
          %parallel_loop3A_849 = tpu.vector_load %arg10[%parallel_loop3A_847, %parallel_loop3A_848] {strides = array<i32>} : memref<512x64xf32, #tpu.memory_space<vmem>>, vector<16xf32>,
          %parallel_loop3A_850 = vector.broadcast %parallel_loop3A_829 : f32 to vector<16xf32>
          %parallel_loop3A_851 = arith.mulf %parallel_loop3A_850, %parallel_loop3A_849 : vector<16xf32>
          %parallel_loop3A_852 = vector.extract_strided_slice %parallel_loop3A_793 {offsets = [2], sizes = [1], strides = [1]} : vector<16xf32> to vector<1xf32>
          %parallel_loop3A_853 = vector.extract %parallel_loop3A_852[0] : f32 from vector<1xf32>
          %parallel_loop3A_854 = arith.constant 2 : i32
          %parallel_loop3A_855 = arith.addi %parallel_loop3A_758, %parallel_loop3A_854 : i32
          %parallel_loop3A_856 = arith.index_cast %parallel_loop3A_855 : i32 to index
          %parallel_loop3A_857 = arith.constant 0 : index
          %parallel_loop3A_858 = tpu.vector_load %arg10[%parallel_loop3A_856, %parallel_loop3A_857] {strides = array<i32>} : memref<512x64xf32, #tpu.memory_space<vmem>>, vector<16xf32>,
          %parallel_loop3A_859 = vector.broadcast %parallel_loop3A_853 : f32 to vector<16xf32>
          %parallel_loop3A_860 = arith.mulf %parallel_loop3A_859, %parallel_loop3A_858 : vector<16xf32>
          %parallel_loop3A_861 = arith.index_cast %parallel_loop3A_855 : i32 to index
          %parallel_loop3A_862 = arith.constant 16 : index
          %parallel_loop3A_863 = tpu.vector_load %arg10[%parallel_loop3A_861, %parallel_loop3A_862] {strides = array<i32>} : memref<512x64xf32, #tpu.memory_space<vmem>>, vector<16xf32>,
          %parallel_loop3A_864 = vector.broadcast %parallel_loop3A_853 : f32 to vector<16xf32>
          %parallel_loop3A_865 = arith.mulf %parallel_loop3A_864, %parallel_loop3A_863 : vector<16xf32>
          %parallel_loop3A_866 = arith.index_cast %parallel_loop3A_855 : i32 to index
          %parallel_loop3A_867 = arith.constant 32 : index
          %parallel_loop3A_868 = tpu.vector_load %arg10[%parallel_loop3A_866, %parallel_loop3A_867] {strides = array<i32>} : memref<512x64xf32, #tpu.memory_space<vmem>>, vector<16xf32>,
          %parallel_loop3A_869 = vector.broadcast %parallel_loop3A_853 : f32 to vector<16xf32>
          %parallel_loop3A_870 = arith.mulf %parallel_loop3A_869, %parallel_loop3A_868 : vector<16xf32>
          %parallel_loop3A_871 = arith.index_cast %parallel_loop3A_855 : i32 to index
          %parallel_loop3A_872 = arith.constant 48 : index
          %parallel_loop3A_873 = tpu.vector_load %arg10[%parallel_loop3A_871, %parallel_loop3A_872] {strides = array<i32>} : memref<512x64xf32, #tpu.memory_space<vmem>>, vector<16xf32>,
          %parallel_loop3A_874 = vector.broadcast %parallel_loop3A_853 : f32 to vector<16xf32>
          %parallel_loop3A_875 = arith.mulf %parallel_loop3A_874, %parallel_loop3A_873 : vector<16xf32>
          %parallel_loop3A_876 = vector.extract_strided_slice %parallel_loop3A_793 {offsets = [3], sizes = [1], strides = [1]} : vector<16xf32> to vector<1xf32>
          %parallel_loop3A_877 = vector.extract %parallel_loop3A_876[0] : f32 from vector<1xf32>
          %parallel_loop3A_878 = arith.constant 3 : i32
          %parallel_loop3A_879 = arith.addi %parallel_loop3A_758, %parallel_loop3A_878 : i32
          %parallel_loop3A_880 = arith.index_cast %parallel_loop3A_879 : i32 to index
          %parallel_loop3A_881 = arith.constant 0 : index
          %parallel_loop3A_882 = tpu.vector_load %arg10[%parallel_loop3A_880, %parallel_loop3A_881] {strides = array<i32>} : memref<512x64xf32, #tpu.memory_space<vmem>>, vector<16xf32>,
          %parallel_loop3A_883 = vector.broadcast %parallel_loop3A_877 : f32 to vector<16xf32>
          %parallel_loop3A_884 = arith.mulf %parallel_loop3A_883, %parallel_loop3A_882 : vector<16xf32>
          %parallel_loop3A_885 = arith.index_cast %parallel_loop3A_879 : i32 to index
          %parallel_loop3A_886 = arith.constant 16 : index
          %parallel_loop3A_887 = tpu.vector_load %arg10[%parallel_loop3A_885, %parallel_loop3A_886] {strides = array<i32>} : memref<512x64xf32, #tpu.memory_space<vmem>>, vector<16xf32>,
          %parallel_loop3A_888 = vector.broadcast %parallel_loop3A_877 : f32 to vector<16xf32>
          %parallel_loop3A_889 = arith.mulf %parallel_loop3A_888, %parallel_loop3A_887 : vector<16xf32>
          %parallel_loop3A_890 = arith.index_cast %parallel_loop3A_879 : i32 to index
          %parallel_loop3A_891 = arith.constant 32 : index
          %parallel_loop3A_892 = tpu.vector_load %arg10[%parallel_loop3A_890, %parallel_loop3A_891] {strides = array<i32>} : memref<512x64xf32, #tpu.memory_space<vmem>>, vector<16xf32>,
          %parallel_loop3A_893 = vector.broadcast %parallel_loop3A_877 : f32 to vector<16xf32>
          %parallel_loop3A_894 = arith.mulf %parallel_loop3A_893, %parallel_loop3A_892 : vector<16xf32>
          %parallel_loop3A_895 = arith.index_cast %parallel_loop3A_879 : i32 to index
          %parallel_loop3A_896 = arith.constant 48 : index
          %parallel_loop3A_897 = tpu.vector_load %arg10[%parallel_loop3A_895, %parallel_loop3A_896] {strides = array<i32>} : memref<512x64xf32, #tpu.memory_space<vmem>>, vector<16xf32>,
          %parallel_loop3A_898 = vector.broadcast %parallel_loop3A_877 : f32 to vector<16xf32>
          %parallel_loop3A_899 = arith.mulf %parallel_loop3A_898, %parallel_loop3A_897 : vector<16xf32>
          %parallel_loop3A_900 = vector.extract_strided_slice %parallel_loop3A_793 {offsets = [4], sizes = [1], strides = [1]} : vector<16xf32> to vector<1xf32>
          %parallel_loop3A_901 = vector.extract %parallel_loop3A_900[0] : f32 from vector<1xf32>
          %parallel_loop3A_902 = arith.constant 4 : i32
          %parallel_loop3A_903 = arith.addi %parallel_loop3A_758, %parallel_loop3A_902 : i32
          %parallel_loop3A_904 = arith.index_cast %parallel_loop3A_903 : i32 to index
          %parallel_loop3A_905 = arith.constant 0 : index
          %parallel_loop3A_906 = tpu.vector_load %arg10[%parallel_loop3A_904, %parallel_loop3A_905] {strides = array<i32>} : memref<512x64xf32, #tpu.memory_space<vmem>>, vector<16xf32>,
          %parallel_loop3A_907 = vector.broadcast %parallel_loop3A_901 : f32 to vector<16xf32>
          %parallel_loop3A_908 = arith.mulf %parallel_loop3A_907, %parallel_loop3A_906 : vector<16xf32>
          %parallel_loop3A_909 = arith.index_cast %parallel_loop3A_903 : i32 to index
          %parallel_loop3A_910 = arith.constant 16 : index
          %parallel_loop3A_911 = tpu.vector_load %arg10[%parallel_loop3A_909, %parallel_loop3A_910] {strides = array<i32>} : memref<512x64xf32, #tpu.memory_space<vmem>>, vector<16xf32>,
          %parallel_loop3A_912 = vector.broadcast %parallel_loop3A_901 : f32 to vector<16xf32>
          %parallel_loop3A_913 = arith.mulf %parallel_loop3A_912, %parallel_loop3A_911 : vector<16xf32>
          %parallel_loop3A_914 = arith.index_cast %parallel_loop3A_903 : i32 to index
          %parallel_loop3A_915 = arith.constant 32 : index
          %parallel_loop3A_916 = tpu.vector_load %arg10[%parallel_loop3A_914, %parallel_loop3A_915] {strides = array<i32>} : memref<512x64xf32, #tpu.memory_space<vmem>>, vector<16xf32>,
          %parallel_loop3A_917 = vector.broadcast %parallel_loop3A_901 : f32 to vector<16xf32>
          %parallel_loop3A_918 = arith.mulf %parallel_loop3A_917, %parallel_loop3A_916 : vector<16xf32>
          %parallel_loop3A_919 = arith.index_cast %parallel_loop3A_903 : i32 to index
          %parallel_loop3A_920 = arith.constant 48 : index
          %parallel_loop3A_921 = tpu.vector_load %arg10[%parallel_loop3A_919, %parallel_loop3A_920] {strides = array<i32>} : memref<512x64xf32, #tpu.memory_space<vmem>>, vector<16xf32>,
          %parallel_loop3A_922 = vector.broadcast %parallel_loop3A_901 : f32 to vector<16xf32>
          %parallel_loop3A_923 = arith.mulf %parallel_loop3A_922, %parallel_loop3A_921 : vector<16xf32>
          %parallel_loop3A_924 = vector.extract_strided_slice %parallel_loop3A_793 {offsets = [5], sizes = [1], strides = [1]} : vector<16xf32> to vector<1xf32>
          %parallel_loop3A_925 = vector.extract %parallel_loop3A_924[0] : f32 from vector<1xf32>
          %parallel_loop3A_926 = arith.constant 5 : i32
          %parallel_loop3A_927 = arith.addi %parallel_loop3A_758, %parallel_loop3A_926 : i32
          %parallel_loop3A_928 = arith.index_cast %parallel_loop3A_927 : i32 to index
          %parallel_loop3A_929 = arith.constant 0 : index
          %parallel_loop3A_930 = tpu.vector_load %arg10[%parallel_loop3A_928, %parallel_loop3A_929] {strides = array<i32>} : memref<512x64xf32, #tpu.memory_space<vmem>>, vector<16xf32>,
          %parallel_loop3A_931 = vector.broadcast %parallel_loop3A_925 : f32 to vector<16xf32>
          %parallel_loop3A_932 = arith.mulf %parallel_loop3A_931, %parallel_loop3A_930 : vector<16xf32>
          %parallel_loop3A_933 = arith.index_cast %parallel_loop3A_927 : i32 to index
          %parallel_loop3A_934 = arith.constant 16 : index
          %parallel_loop3A_935 = tpu.vector_load %arg10[%parallel_loop3A_933, %parallel_loop3A_934] {strides = array<i32>} : memref<512x64xf32, #tpu.memory_space<vmem>>, vector<16xf32>,
          %parallel_loop3A_936 = vector.broadcast %parallel_loop3A_925 : f32 to vector<16xf32>
          %parallel_loop3A_937 = arith.mulf %parallel_loop3A_936, %parallel_loop3A_935 : vector<16xf32>
          %parallel_loop3A_938 = arith.index_cast %parallel_loop3A_927 : i32 to index
          %parallel_loop3A_939 = arith.constant 32 : index
          %parallel_loop3A_940 = tpu.vector_load %arg10[%parallel_loop3A_938, %parallel_loop3A_939] {strides = array<i32>} : memref<512x64xf32, #tpu.memory_space<vmem>>, vector<16xf32>,
          %parallel_loop3A_941 = vector.broadcast %parallel_loop3A_925 : f32 to vector<16xf32>
          %parallel_loop3A_942 = arith.mulf %parallel_loop3A_941, %parallel_loop3A_940 : vector<16xf32>
          %parallel_loop3A_943 = arith.index_cast %parallel_loop3A_927 : i32 to index
          %parallel_loop3A_944 = arith.constant 48 : index
          %parallel_loop3A_945 = tpu.vector_load %arg10[%parallel_loop3A_943, %parallel_loop3A_944] {strides = array<i32>} : memref<512x64xf32, #tpu.memory_space<vmem>>, vector<16xf32>,
          %parallel_loop3A_946 = vector.broadcast %parallel_loop3A_925 : f32 to vector<16xf32>
          %parallel_loop3A_947 = arith.mulf %parallel_loop3A_946, %parallel_loop3A_945 : vector<16xf32>
          %parallel_loop3A_948 = vector.extract_strided_slice %parallel_loop3A_793 {offsets = [6], sizes = [1], strides = [1]} : vector<16xf32> to vector<1xf32>
          %parallel_loop3A_949 = vector.extract %parallel_loop3A_948[0] : f32 from vector<1xf32>
          %parallel_loop3A_950 = arith.constant 6 : i32
          %parallel_loop3A_951 = arith.addi %parallel_loop3A_758, %parallel_loop3A_950 : i32
          %parallel_loop3A_952 = arith.index_cast %parallel_loop3A_951 : i32 to index
          %parallel_loop3A_953 = arith.constant 0 : index
          %parallel_loop3A_954 = tpu.vector_load %arg10[%parallel_loop3A_952, %parallel_loop3A_953] {strides = array<i32>} : memref<512x64xf32, #tpu.memory_space<vmem>>, vector<16xf32>,
          %parallel_loop3A_955 = vector.broadcast %parallel_loop3A_949 : f32 to vector<16xf32>
          %parallel_loop3A_956 = arith.mulf %parallel_loop3A_955, %parallel_loop3A_954 : vector<16xf32>
          %parallel_loop3A_957 = arith.index_cast %parallel_loop3A_951 : i32 to index
          %parallel_loop3A_958 = arith.constant 16 : index
          %parallel_loop3A_959 = tpu.vector_load %arg10[%parallel_loop3A_957, %parallel_loop3A_958] {strides = array<i32>} : memref<512x64xf32, #tpu.memory_space<vmem>>, vector<16xf32>,
          %parallel_loop3A_960 = vector.broadcast %parallel_loop3A_949 : f32 to vector<16xf32>
          %parallel_loop3A_961 = arith.mulf %parallel_loop3A_960, %parallel_loop3A_959 : vector<16xf32>
          %parallel_loop3A_962 = arith.index_cast %parallel_loop3A_951 : i32 to index
          %parallel_loop3A_963 = arith.constant 32 : index
          %parallel_loop3A_964 = tpu.vector_load %arg10[%parallel_loop3A_962, %parallel_loop3A_963] {strides = array<i32>} : memref<512x64xf32, #tpu.memory_space<vmem>>, vector<16xf32>,
          %parallel_loop3A_965 = vector.broadcast %parallel_loop3A_949 : f32 to vector<16xf32>
          %parallel_loop3A_966 = arith.mulf %parallel_loop3A_965, %parallel_loop3A_964 : vector<16xf32>
          %parallel_loop3A_967 = arith.index_cast %parallel_loop3A_951 : i32 to index
          %parallel_loop3A_968 = arith.constant 48 : index
          %parallel_loop3A_969 = tpu.vector_load %arg10[%parallel_loop3A_967, %parallel_loop3A_968] {strides = array<i32>} : memref<512x64xf32, #tpu.memory_space<vmem>>, vector<16xf32>,
          %parallel_loop3A_970 = vector.broadcast %parallel_loop3A_949 : f32 to vector<16xf32>
          %parallel_loop3A_971 = arith.mulf %parallel_loop3A_970, %parallel_loop3A_969 : vector<16xf32>
          %parallel_loop3A_972 = vector.extract_strided_slice %parallel_loop3A_793 {offsets = [7], sizes = [1], strides = [1]} : vector<16xf32> to vector<1xf32>
          %parallel_loop3A_973 = vector.extract %parallel_loop3A_972[0] : f32 from vector<1xf32>
          %parallel_loop3A_974 = arith.constant 7 : i32
          %parallel_loop3A_975 = arith.addi %parallel_loop3A_758, %parallel_loop3A_974 : i32
          %parallel_loop3A_976 = arith.index_cast %parallel_loop3A_975 : i32 to index
          %parallel_loop3A_977 = arith.constant 0 : index
          %parallel_loop3A_978 = tpu.vector_load %arg10[%parallel_loop3A_976, %parallel_loop3A_977] {strides = array<i32>} : memref<512x64xf32, #tpu.memory_space<vmem>>, vector<16xf32>,
          %parallel_loop3A_979 = vector.broadcast %parallel_loop3A_973 : f32 to vector<16xf32>
          %parallel_loop3A_980 = arith.mulf %parallel_loop3A_979, %parallel_loop3A_978 : vector<16xf32>
          %parallel_loop3A_981 = arith.index_cast %parallel_loop3A_975 : i32 to index
          %parallel_loop3A_982 = arith.constant 16 : index
          %parallel_loop3A_983 = tpu.vector_load %arg10[%parallel_loop3A_981, %parallel_loop3A_982] {strides = array<i32>} : memref<512x64xf32, #tpu.memory_space<vmem>>, vector<16xf32>,
          %parallel_loop3A_984 = vector.broadcast %parallel_loop3A_973 : f32 to vector<16xf32>
          %parallel_loop3A_985 = arith.mulf %parallel_loop3A_984, %parallel_loop3A_983 : vector<16xf32>
          %parallel_loop3A_986 = arith.index_cast %parallel_loop3A_975 : i32 to index
          %parallel_loop3A_987 = arith.constant 32 : index
          %parallel_loop3A_988 = tpu.vector_load %arg10[%parallel_loop3A_986, %parallel_loop3A_987] {strides = array<i32>} : memref<512x64xf32, #tpu.memory_space<vmem>>, vector<16xf32>,
          %parallel_loop3A_989 = vector.broadcast %parallel_loop3A_973 : f32 to vector<16xf32>
          %parallel_loop3A_990 = arith.mulf %parallel_loop3A_989, %parallel_loop3A_988 : vector<16xf32>
          %parallel_loop3A_991 = arith.index_cast %parallel_loop3A_975 : i32 to index
          %parallel_loop3A_992 = arith.constant 48 : index
          %parallel_loop3A_993 = tpu.vector_load %arg10[%parallel_loop3A_991, %parallel_loop3A_992] {strides = array<i32>} : memref<512x64xf32, #tpu.memory_space<vmem>>, vector<16xf32>,
          %parallel_loop3A_994 = vector.broadcast %parallel_loop3A_973 : f32 to vector<16xf32>
          %parallel_loop3A_995 = arith.mulf %parallel_loop3A_994, %parallel_loop3A_993 : vector<16xf32>
          %parallel_loop3A_996 = vector.extract_strided_slice %parallel_loop3A_783 {offsets = [0], sizes = [1], strides = [1]} : vector<16xf32> to vector<1xf32>
          %parallel_loop3A_997 = vector.extract %parallel_loop3A_996[0] : f32 from vector<1xf32>
          %parallel_loop3A_998 = vector.extract_strided_slice %parallel_loop3A_803 {offsets = [0], sizes = [1], strides = [1]} : vector<16xi32> to vector<1xi32>
          %parallel_loop3A_999 = vector.extract %parallel_loop3A_998[0] : i32 from vector<1xi32>
          %parallel_loop3A_1000 = vector.broadcast %parallel_loop3A_997 : f32 to vector<16xf32>
          %parallel_loop3A_1001 = arith.mulf %parallel_loop3A_753, %parallel_loop3A_1000 : vector<16xf32>
          %parallel_loop3A_1002 = arith.addf %parallel_loop3A_1001, %parallel_loop3A_812 : vector<16xf32>
          %parallel_loop3A_1003 = vector.broadcast %parallel_loop3A_997 : f32 to vector<16xf32>
          %parallel_loop3A_1004 = arith.mulf %parallel_loop3A_754, %parallel_loop3A_1003 : vector<16xf32>
          %parallel_loop3A_1005 = arith.addf %parallel_loop3A_1004, %parallel_loop3A_817 : vector<16xf32>
          %parallel_loop3A_1006 = vector.broadcast %parallel_loop3A_997 : f32 to vector<16xf32>
          %parallel_loop3A_1007 = arith.mulf %parallel_loop3A_755, %parallel_loop3A_1006 : vector<16xf32>
          %parallel_loop3A_1008 = arith.addf %parallel_loop3A_1007, %parallel_loop3A_822 : vector<16xf32>
          %parallel_loop3A_1009 = vector.broadcast %parallel_loop3A_997 : f32 to vector<16xf32>
          %parallel_loop3A_1010 = arith.mulf %parallel_loop3A_756, %parallel_loop3A_1009 : vector<16xf32>
          %parallel_loop3A_1011 = arith.addf %parallel_loop3A_1010, %parallel_loop3A_827 : vector<16xf32>
          %parallel_loop3A_1012 = arith.index_cast %parallel_loop3A_999 : i32 to index
          %parallel_loop3A_1013 = arith.constant 0 : index
          %parallel_loop3A_1014 = tpu.vector_load %arg16[%parallel_loop3A_1012, %parallel_loop3A_1013] {strides = array<i32>} : memref<513x64xf32, #tpu.memory_space<vmem>>, vector<16xf32>,
          tpu.vector_store %arg16[%parallel_loop3A_1012, %parallel_loop3A_1013], %parallel_loop3A_1002 {strides = array<i32>} : memref<513x64xf32, #tpu.memory_space<vmem>>, vector<16xf32>,
          %parallel_loop3A_1015 = arith.index_cast %parallel_loop3A_999 : i32 to index
          %parallel_loop3A_1016 = arith.constant 16 : index
          %parallel_loop3A_1017 = tpu.vector_load %arg16[%parallel_loop3A_1015, %parallel_loop3A_1016] {strides = array<i32>} : memref<513x64xf32, #tpu.memory_space<vmem>>, vector<16xf32>,
          tpu.vector_store %arg16[%parallel_loop3A_1015, %parallel_loop3A_1016], %parallel_loop3A_1005 {strides = array<i32>} : memref<513x64xf32, #tpu.memory_space<vmem>>, vector<16xf32>,
          %parallel_loop3A_1018 = arith.index_cast %parallel_loop3A_999 : i32 to index
          %parallel_loop3A_1019 = arith.constant 32 : index
          %parallel_loop3A_1020 = tpu.vector_load %arg16[%parallel_loop3A_1018, %parallel_loop3A_1019] {strides = array<i32>} : memref<513x64xf32, #tpu.memory_space<vmem>>, vector<16xf32>,
          tpu.vector_store %arg16[%parallel_loop3A_1018, %parallel_loop3A_1019], %parallel_loop3A_1008 {strides = array<i32>} : memref<513x64xf32, #tpu.memory_space<vmem>>, vector<16xf32>,
          %parallel_loop3A_1021 = arith.index_cast %parallel_loop3A_999 : i32 to index
          %parallel_loop3A_1022 = arith.constant 48 : index
          %parallel_loop3A_1023 = tpu.vector_load %arg16[%parallel_loop3A_1021, %parallel_loop3A_1022] {strides = array<i32>} : memref<513x64xf32, #tpu.memory_space<vmem>>, vector<16xf32>,
          tpu.vector_store %arg16[%parallel_loop3A_1021, %parallel_loop3A_1022], %parallel_loop3A_1011 {strides = array<i32>} : memref<513x64xf32, #tpu.memory_space<vmem>>, vector<16xf32>,
          %parallel_loop3A_1024 = vector.extract_strided_slice %parallel_loop3A_783 {offsets = [1], sizes = [1], strides = [1]} : vector<16xf32> to vector<1xf32>
          %parallel_loop3A_1025 = vector.extract %parallel_loop3A_1024[0] : f32 from vector<1xf32>
          %parallel_loop3A_1026 = vector.extract_strided_slice %parallel_loop3A_803 {offsets = [1], sizes = [1], strides = [1]} : vector<16xi32> to vector<1xi32>
          %parallel_loop3A_1027 = vector.extract %parallel_loop3A_1026[0] : i32 from vector<1xi32>
          %parallel_loop3A_1028 = vector.broadcast %parallel_loop3A_1025 : f32 to vector<16xf32>
          %parallel_loop3A_1029 = arith.mulf %parallel_loop3A_1002, %parallel_loop3A_1028 : vector<16xf32>
          %parallel_loop3A_1030 = arith.addf %parallel_loop3A_1029, %parallel_loop3A_836 : vector<16xf32>
          %parallel_loop3A_1031 = vector.broadcast %parallel_loop3A_1025 : f32 to vector<16xf32>
          %parallel_loop3A_1032 = arith.mulf %parallel_loop3A_1005, %parallel_loop3A_1031 : vector<16xf32>
          %parallel_loop3A_1033 = arith.addf %parallel_loop3A_1032, %parallel_loop3A_841 : vector<16xf32>
          %parallel_loop3A_1034 = vector.broadcast %parallel_loop3A_1025 : f32 to vector<16xf32>
          %parallel_loop3A_1035 = arith.mulf %parallel_loop3A_1008, %parallel_loop3A_1034 : vector<16xf32>
          %parallel_loop3A_1036 = arith.addf %parallel_loop3A_1035, %parallel_loop3A_846 : vector<16xf32>
          %parallel_loop3A_1037 = vector.broadcast %parallel_loop3A_1025 : f32 to vector<16xf32>
          %parallel_loop3A_1038 = arith.mulf %parallel_loop3A_1011, %parallel_loop3A_1037 : vector<16xf32>
          %parallel_loop3A_1039 = arith.addf %parallel_loop3A_1038, %parallel_loop3A_851 : vector<16xf32>
          %parallel_loop3A_1040 = arith.index_cast %parallel_loop3A_1027 : i32 to index
          %parallel_loop3A_1041 = arith.constant 0 : index
          %parallel_loop3A_1042 = tpu.vector_load %arg16[%parallel_loop3A_1040, %parallel_loop3A_1041] {strides = array<i32>} : memref<513x64xf32, #tpu.memory_space<vmem>>, vector<16xf32>,
          tpu.vector_store %arg16[%parallel_loop3A_1040, %parallel_loop3A_1041], %parallel_loop3A_1030 {strides = array<i32>} : memref<513x64xf32, #tpu.memory_space<vmem>>, vector<16xf32>,
          %parallel_loop3A_1043 = arith.index_cast %parallel_loop3A_1027 : i32 to index
          %parallel_loop3A_1044 = arith.constant 16 : index
          %parallel_loop3A_1045 = tpu.vector_load %arg16[%parallel_loop3A_1043, %parallel_loop3A_1044] {strides = array<i32>} : memref<513x64xf32, #tpu.memory_space<vmem>>, vector<16xf32>,
          tpu.vector_store %arg16[%parallel_loop3A_1043, %parallel_loop3A_1044], %parallel_loop3A_1033 {strides = array<i32>} : memref<513x64xf32, #tpu.memory_space<vmem>>, vector<16xf32>,
          %parallel_loop3A_1046 = arith.index_cast %parallel_loop3A_1027 : i32 to index
          %parallel_loop3A_1047 = arith.constant 32 : index
          %parallel_loop3A_1048 = tpu.vector_load %arg16[%parallel_loop3A_1046, %parallel_loop3A_1047] {strides = array<i32>} : memref<513x64xf32, #tpu.memory_space<vmem>>, vector<16xf32>,
          tpu.vector_store %arg16[%parallel_loop3A_1046, %parallel_loop3A_1047], %parallel_loop3A_1036 {strides = array<i32>} : memref<513x64xf32, #tpu.memory_space<vmem>>, vector<16xf32>,
          %parallel_loop3A_1049 = arith.index_cast %parallel_loop3A_1027 : i32 to index
          %parallel_loop3A_1050 = arith.constant 48 : index
          %parallel_loop3A_1051 = tpu.vector_load %arg16[%parallel_loop3A_1049, %parallel_loop3A_1050] {strides = array<i32>} : memref<513x64xf32, #tpu.memory_space<vmem>>, vector<16xf32>,
          tpu.vector_store %arg16[%parallel_loop3A_1049, %parallel_loop3A_1050], %parallel_loop3A_1039 {strides = array<i32>} : memref<513x64xf32, #tpu.memory_space<vmem>>, vector<16xf32>,
          %parallel_loop3A_1052 = vector.extract_strided_slice %parallel_loop3A_783 {offsets = [2], sizes = [1], strides = [1]} : vector<16xf32> to vector<1xf32>
          %parallel_loop3A_1053 = vector.extract %parallel_loop3A_1052[0] : f32 from vector<1xf32>
          %parallel_loop3A_1054 = vector.extract_strided_slice %parallel_loop3A_803 {offsets = [2], sizes = [1], strides = [1]} : vector<16xi32> to vector<1xi32>
          %parallel_loop3A_1055 = vector.extract %parallel_loop3A_1054[0] : i32 from vector<1xi32>
          %parallel_loop3A_1056 = vector.broadcast %parallel_loop3A_1053 : f32 to vector<16xf32>
          %parallel_loop3A_1057 = arith.mulf %parallel_loop3A_1030, %parallel_loop3A_1056 : vector<16xf32>
          %parallel_loop3A_1058 = arith.addf %parallel_loop3A_1057, %parallel_loop3A_860 : vector<16xf32>
          %parallel_loop3A_1059 = vector.broadcast %parallel_loop3A_1053 : f32 to vector<16xf32>
          %parallel_loop3A_1060 = arith.mulf %parallel_loop3A_1033, %parallel_loop3A_1059 : vector<16xf32>
          %parallel_loop3A_1061 = arith.addf %parallel_loop3A_1060, %parallel_loop3A_865 : vector<16xf32>
          %parallel_loop3A_1062 = vector.broadcast %parallel_loop3A_1053 : f32 to vector<16xf32>
          %parallel_loop3A_1063 = arith.mulf %parallel_loop3A_1036, %parallel_loop3A_1062 : vector<16xf32>
          %parallel_loop3A_1064 = arith.addf %parallel_loop3A_1063, %parallel_loop3A_870 : vector<16xf32>
          %parallel_loop3A_1065 = vector.broadcast %parallel_loop3A_1053 : f32 to vector<16xf32>
          %parallel_loop3A_1066 = arith.mulf %parallel_loop3A_1039, %parallel_loop3A_1065 : vector<16xf32>
          %parallel_loop3A_1067 = arith.addf %parallel_loop3A_1066, %parallel_loop3A_875 : vector<16xf32>
          %parallel_loop3A_1068 = arith.index_cast %parallel_loop3A_1055 : i32 to index
          %parallel_loop3A_1069 = arith.constant 0 : index
          %parallel_loop3A_1070 = tpu.vector_load %arg16[%parallel_loop3A_1068, %parallel_loop3A_1069] {strides = array<i32>} : memref<513x64xf32, #tpu.memory_space<vmem>>, vector<16xf32>,
          tpu.vector_store %arg16[%parallel_loop3A_1068, %parallel_loop3A_1069], %parallel_loop3A_1058 {strides = array<i32>} : memref<513x64xf32, #tpu.memory_space<vmem>>, vector<16xf32>,
          %parallel_loop3A_1071 = arith.index_cast %parallel_loop3A_1055 : i32 to index
          %parallel_loop3A_1072 = arith.constant 16 : index
          %parallel_loop3A_1073 = tpu.vector_load %arg16[%parallel_loop3A_1071, %parallel_loop3A_1072] {strides = array<i32>} : memref<513x64xf32, #tpu.memory_space<vmem>>, vector<16xf32>,
          tpu.vector_store %arg16[%parallel_loop3A_1071, %parallel_loop3A_1072], %parallel_loop3A_1061 {strides = array<i32>} : memref<513x64xf32, #tpu.memory_space<vmem>>, vector<16xf32>,
          %parallel_loop3A_1074 = arith.index_cast %parallel_loop3A_1055 : i32 to index
          %parallel_loop3A_1075 = arith.constant 32 : index
          %parallel_loop3A_1076 = tpu.vector_load %arg16[%parallel_loop3A_1074, %parallel_loop3A_1075] {strides = array<i32>} : memref<513x64xf32, #tpu.memory_space<vmem>>, vector<16xf32>,
          tpu.vector_store %arg16[%parallel_loop3A_1074, %parallel_loop3A_1075], %parallel_loop3A_1064 {strides = array<i32>} : memref<513x64xf32, #tpu.memory_space<vmem>>, vector<16xf32>,
          %parallel_loop3A_1077 = arith.index_cast %parallel_loop3A_1055 : i32 to index
          %parallel_loop3A_1078 = arith.constant 48 : index
          %parallel_loop3A_1079 = tpu.vector_load %arg16[%parallel_loop3A_1077, %parallel_loop3A_1078] {strides = array<i32>} : memref<513x64xf32, #tpu.memory_space<vmem>>, vector<16xf32>,
          tpu.vector_store %arg16[%parallel_loop3A_1077, %parallel_loop3A_1078], %parallel_loop3A_1067 {strides = array<i32>} : memref<513x64xf32, #tpu.memory_space<vmem>>, vector<16xf32>,
          %parallel_loop3A_1080 = vector.extract_strided_slice %parallel_loop3A_783 {offsets = [3], sizes = [1], strides = [1]} : vector<16xf32> to vector<1xf32>
          %parallel_loop3A_1081 = vector.extract %parallel_loop3A_1080[0] : f32 from vector<1xf32>
          %parallel_loop3A_1082 = vector.extract_strided_slice %parallel_loop3A_803 {offsets = [3], sizes = [1], strides = [1]} : vector<16xi32> to vector<1xi32>
          %parallel_loop3A_1083 = vector.extract %parallel_loop3A_1082[0] : i32 from vector<1xi32>
          %parallel_loop3A_1084 = vector.broadcast %parallel_loop3A_1081 : f32 to vector<16xf32>
          %parallel_loop3A_1085 = arith.mulf %parallel_loop3A_1058, %parallel_loop3A_1084 : vector<16xf32>
          %parallel_loop3A_1086 = arith.addf %parallel_loop3A_1085, %parallel_loop3A_884 : vector<16xf32>
          %parallel_loop3A_1087 = vector.broadcast %parallel_loop3A_1081 : f32 to vector<16xf32>
          %parallel_loop3A_1088 = arith.mulf %parallel_loop3A_1061, %parallel_loop3A_1087 : vector<16xf32>
          %parallel_loop3A_1089 = arith.addf %parallel_loop3A_1088, %parallel_loop3A_889 : vector<16xf32>
          %parallel_loop3A_1090 = vector.broadcast %parallel_loop3A_1081 : f32 to vector<16xf32>
          %parallel_loop3A_1091 = arith.mulf %parallel_loop3A_1064, %parallel_loop3A_1090 : vector<16xf32>
          %parallel_loop3A_1092 = arith.addf %parallel_loop3A_1091, %parallel_loop3A_894 : vector<16xf32>
          %parallel_loop3A_1093 = vector.broadcast %parallel_loop3A_1081 : f32 to vector<16xf32>
          %parallel_loop3A_1094 = arith.mulf %parallel_loop3A_1067, %parallel_loop3A_1093 : vector<16xf32>
          %parallel_loop3A_1095 = arith.addf %parallel_loop3A_1094, %parallel_loop3A_899 : vector<16xf32>
          %parallel_loop3A_1096 = arith.index_cast %parallel_loop3A_1083 : i32 to index
          %parallel_loop3A_1097 = arith.constant 0 : index
          %parallel_loop3A_1098 = tpu.vector_load %arg16[%parallel_loop3A_1096, %parallel_loop3A_1097] {strides = array<i32>} : memref<513x64xf32, #tpu.memory_space<vmem>>, vector<16xf32>,
          tpu.vector_store %arg16[%parallel_loop3A_1096, %parallel_loop3A_1097], %parallel_loop3A_1086 {strides = array<i32>} : memref<513x64xf32, #tpu.memory_space<vmem>>, vector<16xf32>,
          %parallel_loop3A_1099 = arith.index_cast %parallel_loop3A_1083 : i32 to index
          %parallel_loop3A_1100 = arith.constant 16 : index
          %parallel_loop3A_1101 = tpu.vector_load %arg16[%parallel_loop3A_1099, %parallel_loop3A_1100] {strides = array<i32>} : memref<513x64xf32, #tpu.memory_space<vmem>>, vector<16xf32>,
          tpu.vector_store %arg16[%parallel_loop3A_1099, %parallel_loop3A_1100], %parallel_loop3A_1089 {strides = array<i32>} : memref<513x64xf32, #tpu.memory_space<vmem>>, vector<16xf32>,
          %parallel_loop3A_1102 = arith.index_cast %parallel_loop3A_1083 : i32 to index
          %parallel_loop3A_1103 = arith.constant 32 : index
          %parallel_loop3A_1104 = tpu.vector_load %arg16[%parallel_loop3A_1102, %parallel_loop3A_1103] {strides = array<i32>} : memref<513x64xf32, #tpu.memory_space<vmem>>, vector<16xf32>,
          tpu.vector_store %arg16[%parallel_loop3A_1102, %parallel_loop3A_1103], %parallel_loop3A_1092 {strides = array<i32>} : memref<513x64xf32, #tpu.memory_space<vmem>>, vector<16xf32>,
          %parallel_loop3A_1105 = arith.index_cast %parallel_loop3A_1083 : i32 to index
          %parallel_loop3A_1106 = arith.constant 48 : index
          %parallel_loop3A_1107 = tpu.vector_load %arg16[%parallel_loop3A_1105, %parallel_loop3A_1106] {strides = array<i32>} : memref<513x64xf32, #tpu.memory_space<vmem>>, vector<16xf32>,
          tpu.vector_store %arg16[%parallel_loop3A_1105, %parallel_loop3A_1106], %parallel_loop3A_1095 {strides = array<i32>} : memref<513x64xf32, #tpu.memory_space<vmem>>, vector<16xf32>,
          %parallel_loop3A_1108 = vector.extract_strided_slice %parallel_loop3A_783 {offsets = [4], sizes = [1], strides = [1]} : vector<16xf32> to vector<1xf32>
          %parallel_loop3A_1109 = vector.extract %parallel_loop3A_1108[0] : f32 from vector<1xf32>
          %parallel_loop3A_1110 = vector.extract_strided_slice %parallel_loop3A_803 {offsets = [4], sizes = [1], strides = [1]} : vector<16xi32> to vector<1xi32>
          %parallel_loop3A_1111 = vector.extract %parallel_loop3A_1110[0] : i32 from vector<1xi32>
          %parallel_loop3A_1112 = vector.broadcast %parallel_loop3A_1109 : f32 to vector<16xf32>
          %parallel_loop3A_1113 = arith.mulf %parallel_loop3A_1086, %parallel_loop3A_1112 : vector<16xf32>
          %parallel_loop3A_1114 = arith.addf %parallel_loop3A_1113, %parallel_loop3A_908 : vector<16xf32>
          %parallel_loop3A_1115 = vector.broadcast %parallel_loop3A_1109 : f32 to vector<16xf32>
          %parallel_loop3A_1116 = arith.mulf %parallel_loop3A_1089, %parallel_loop3A_1115 : vector<16xf32>
          %parallel_loop3A_1117 = arith.addf %parallel_loop3A_1116, %parallel_loop3A_913 : vector<16xf32>
          %parallel_loop3A_1118 = vector.broadcast %parallel_loop3A_1109 : f32 to vector<16xf32>
          %parallel_loop3A_1119 = arith.mulf %parallel_loop3A_1092, %parallel_loop3A_1118 : vector<16xf32>
          %parallel_loop3A_1120 = arith.addf %parallel_loop3A_1119, %parallel_loop3A_918 : vector<16xf32>
          %parallel_loop3A_1121 = vector.broadcast %parallel_loop3A_1109 : f32 to vector<16xf32>
          %parallel_loop3A_1122 = arith.mulf %parallel_loop3A_1095, %parallel_loop3A_1121 : vector<16xf32>
          %parallel_loop3A_1123 = arith.addf %parallel_loop3A_1122, %parallel_loop3A_923 : vector<16xf32>
          %parallel_loop3A_1124 = arith.index_cast %parallel_loop3A_1111 : i32 to index
          %parallel_loop3A_1125 = arith.constant 0 : index
          %parallel_loop3A_1126 = tpu.vector_load %arg16[%parallel_loop3A_1124, %parallel_loop3A_1125] {strides = array<i32>} : memref<513x64xf32, #tpu.memory_space<vmem>>, vector<16xf32>,
          tpu.vector_store %arg16[%parallel_loop3A_1124, %parallel_loop3A_1125], %parallel_loop3A_1114 {strides = array<i32>} : memref<513x64xf32, #tpu.memory_space<vmem>>, vector<16xf32>,
          %parallel_loop3A_1127 = arith.index_cast %parallel_loop3A_1111 : i32 to index
          %parallel_loop3A_1128 = arith.constant 16 : index
          %parallel_loop3A_1129 = tpu.vector_load %arg16[%parallel_loop3A_1127, %parallel_loop3A_1128] {strides = array<i32>} : memref<513x64xf32, #tpu.memory_space<vmem>>, vector<16xf32>,
          tpu.vector_store %arg16[%parallel_loop3A_1127, %parallel_loop3A_1128], %parallel_loop3A_1117 {strides = array<i32>} : memref<513x64xf32, #tpu.memory_space<vmem>>, vector<16xf32>,
          %parallel_loop3A_1130 = arith.index_cast %parallel_loop3A_1111 : i32 to index
          %parallel_loop3A_1131 = arith.constant 32 : index
          %parallel_loop3A_1132 = tpu.vector_load %arg16[%parallel_loop3A_1130, %parallel_loop3A_1131] {strides = array<i32>} : memref<513x64xf32, #tpu.memory_space<vmem>>, vector<16xf32>,
          tpu.vector_store %arg16[%parallel_loop3A_1130, %parallel_loop3A_1131], %parallel_loop3A_1120 {strides = array<i32>} : memref<513x64xf32, #tpu.memory_space<vmem>>, vector<16xf32>,
          %parallel_loop3A_1133 = arith.index_cast %parallel_loop3A_1111 : i32 to index
          %parallel_loop3A_1134 = arith.constant 48 : index
          %parallel_loop3A_1135 = tpu.vector_load %arg16[%parallel_loop3A_1133, %parallel_loop3A_1134] {strides = array<i32>} : memref<513x64xf32, #tpu.memory_space<vmem>>, vector<16xf32>,
          tpu.vector_store %arg16[%parallel_loop3A_1133, %parallel_loop3A_1134], %parallel_loop3A_1123 {strides = array<i32>} : memref<513x64xf32, #tpu.memory_space<vmem>>, vector<16xf32>,
          %parallel_loop3A_1136 = vector.extract_strided_slice %parallel_loop3A_783 {offsets = [5], sizes = [1], strides = [1]} : vector<16xf32> to vector<1xf32>
          %parallel_loop3A_1137 = vector.extract %parallel_loop3A_1136[0] : f32 from vector<1xf32>
          %parallel_loop3A_1138 = vector.extract_strided_slice %parallel_loop3A_803 {offsets = [5], sizes = [1], strides = [1]} : vector<16xi32> to vector<1xi32>
          %parallel_loop3A_1139 = vector.extract %parallel_loop3A_1138[0] : i32 from vector<1xi32>
          %parallel_loop3A_1140 = vector.broadcast %parallel_loop3A_1137 : f32 to vector<16xf32>
          %parallel_loop3A_1141 = arith.mulf %parallel_loop3A_1114, %parallel_loop3A_1140 : vector<16xf32>
          %parallel_loop3A_1142 = arith.addf %parallel_loop3A_1141, %parallel_loop3A_932 : vector<16xf32>
          %parallel_loop3A_1143 = vector.broadcast %parallel_loop3A_1137 : f32 to vector<16xf32>
          %parallel_loop3A_1144 = arith.mulf %parallel_loop3A_1117, %parallel_loop3A_1143 : vector<16xf32>
          %parallel_loop3A_1145 = arith.addf %parallel_loop3A_1144, %parallel_loop3A_937 : vector<16xf32>
          %parallel_loop3A_1146 = vector.broadcast %parallel_loop3A_1137 : f32 to vector<16xf32>
          %parallel_loop3A_1147 = arith.mulf %parallel_loop3A_1120, %parallel_loop3A_1146 : vector<16xf32>
          %parallel_loop3A_1148 = arith.addf %parallel_loop3A_1147, %parallel_loop3A_942 : vector<16xf32>
          %parallel_loop3A_1149 = vector.broadcast %parallel_loop3A_1137 : f32 to vector<16xf32>
          %parallel_loop3A_1150 = arith.mulf %parallel_loop3A_1123, %parallel_loop3A_1149 : vector<16xf32>
          %parallel_loop3A_1151 = arith.addf %parallel_loop3A_1150, %parallel_loop3A_947 : vector<16xf32>
          %parallel_loop3A_1152 = arith.index_cast %parallel_loop3A_1139 : i32 to index
          %parallel_loop3A_1153 = arith.constant 0 : index
          %parallel_loop3A_1154 = tpu.vector_load %arg16[%parallel_loop3A_1152, %parallel_loop3A_1153] {strides = array<i32>} : memref<513x64xf32, #tpu.memory_space<vmem>>, vector<16xf32>,
          tpu.vector_store %arg16[%parallel_loop3A_1152, %parallel_loop3A_1153], %parallel_loop3A_1142 {strides = array<i32>} : memref<513x64xf32, #tpu.memory_space<vmem>>, vector<16xf32>,
          %parallel_loop3A_1155 = arith.index_cast %parallel_loop3A_1139 : i32 to index
          %parallel_loop3A_1156 = arith.constant 16 : index
          %parallel_loop3A_1157 = tpu.vector_load %arg16[%parallel_loop3A_1155, %parallel_loop3A_1156] {strides = array<i32>} : memref<513x64xf32, #tpu.memory_space<vmem>>, vector<16xf32>,
          tpu.vector_store %arg16[%parallel_loop3A_1155, %parallel_loop3A_1156], %parallel_loop3A_1145 {strides = array<i32>} : memref<513x64xf32, #tpu.memory_space<vmem>>, vector<16xf32>,
          %parallel_loop3A_1158 = arith.index_cast %parallel_loop3A_1139 : i32 to index
          %parallel_loop3A_1159 = arith.constant 32 : index
          %parallel_loop3A_1160 = tpu.vector_load %arg16[%parallel_loop3A_1158, %parallel_loop3A_1159] {strides = array<i32>} : memref<513x64xf32, #tpu.memory_space<vmem>>, vector<16xf32>,
          tpu.vector_store %arg16[%parallel_loop3A_1158, %parallel_loop3A_1159], %parallel_loop3A_1148 {strides = array<i32>} : memref<513x64xf32, #tpu.memory_space<vmem>>, vector<16xf32>,
          %parallel_loop3A_1161 = arith.index_cast %parallel_loop3A_1139 : i32 to index
          %parallel_loop3A_1162 = arith.constant 48 : index
          %parallel_loop3A_1163 = tpu.vector_load %arg16[%parallel_loop3A_1161, %parallel_loop3A_1162] {strides = array<i32>} : memref<513x64xf32, #tpu.memory_space<vmem>>, vector<16xf32>,
          tpu.vector_store %arg16[%parallel_loop3A_1161, %parallel_loop3A_1162], %parallel_loop3A_1151 {strides = array<i32>} : memref<513x64xf32, #tpu.memory_space<vmem>>, vector<16xf32>,
          %parallel_loop3A_1164 = vector.extract_strided_slice %parallel_loop3A_783 {offsets = [6], sizes = [1], strides = [1]} : vector<16xf32> to vector<1xf32>
          %parallel_loop3A_1165 = vector.extract %parallel_loop3A_1164[0] : f32 from vector<1xf32>
          %parallel_loop3A_1166 = vector.extract_strided_slice %parallel_loop3A_803 {offsets = [6], sizes = [1], strides = [1]} : vector<16xi32> to vector<1xi32>
          %parallel_loop3A_1167 = vector.extract %parallel_loop3A_1166[0] : i32 from vector<1xi32>
          %parallel_loop3A_1168 = vector.broadcast %parallel_loop3A_1165 : f32 to vector<16xf32>
          %parallel_loop3A_1169 = arith.mulf %parallel_loop3A_1142, %parallel_loop3A_1168 : vector<16xf32>
          %parallel_loop3A_1170 = arith.addf %parallel_loop3A_1169, %parallel_loop3A_956 : vector<16xf32>
          %parallel_loop3A_1171 = vector.broadcast %parallel_loop3A_1165 : f32 to vector<16xf32>
          %parallel_loop3A_1172 = arith.mulf %parallel_loop3A_1145, %parallel_loop3A_1171 : vector<16xf32>
          %parallel_loop3A_1173 = arith.addf %parallel_loop3A_1172, %parallel_loop3A_961 : vector<16xf32>
          %parallel_loop3A_1174 = vector.broadcast %parallel_loop3A_1165 : f32 to vector<16xf32>
          %parallel_loop3A_1175 = arith.mulf %parallel_loop3A_1148, %parallel_loop3A_1174 : vector<16xf32>
          %parallel_loop3A_1176 = arith.addf %parallel_loop3A_1175, %parallel_loop3A_966 : vector<16xf32>
          %parallel_loop3A_1177 = vector.broadcast %parallel_loop3A_1165 : f32 to vector<16xf32>
          %parallel_loop3A_1178 = arith.mulf %parallel_loop3A_1151, %parallel_loop3A_1177 : vector<16xf32>
          %parallel_loop3A_1179 = arith.addf %parallel_loop3A_1178, %parallel_loop3A_971 : vector<16xf32>
          %parallel_loop3A_1180 = arith.index_cast %parallel_loop3A_1167 : i32 to index
          %parallel_loop3A_1181 = arith.constant 0 : index
          %parallel_loop3A_1182 = tpu.vector_load %arg16[%parallel_loop3A_1180, %parallel_loop3A_1181] {strides = array<i32>} : memref<513x64xf32, #tpu.memory_space<vmem>>, vector<16xf32>,
          tpu.vector_store %arg16[%parallel_loop3A_1180, %parallel_loop3A_1181], %parallel_loop3A_1170 {strides = array<i32>} : memref<513x64xf32, #tpu.memory_space<vmem>>, vector<16xf32>,
          %parallel_loop3A_1183 = arith.index_cast %parallel_loop3A_1167 : i32 to index
          %parallel_loop3A_1184 = arith.constant 16 : index
          %parallel_loop3A_1185 = tpu.vector_load %arg16[%parallel_loop3A_1183, %parallel_loop3A_1184] {strides = array<i32>} : memref<513x64xf32, #tpu.memory_space<vmem>>, vector<16xf32>,
          tpu.vector_store %arg16[%parallel_loop3A_1183, %parallel_loop3A_1184], %parallel_loop3A_1173 {strides = array<i32>} : memref<513x64xf32, #tpu.memory_space<vmem>>, vector<16xf32>,
          %parallel_loop3A_1186 = arith.index_cast %parallel_loop3A_1167 : i32 to index
          %parallel_loop3A_1187 = arith.constant 32 : index
          %parallel_loop3A_1188 = tpu.vector_load %arg16[%parallel_loop3A_1186, %parallel_loop3A_1187] {strides = array<i32>} : memref<513x64xf32, #tpu.memory_space<vmem>>, vector<16xf32>,
          tpu.vector_store %arg16[%parallel_loop3A_1186, %parallel_loop3A_1187], %parallel_loop3A_1176 {strides = array<i32>} : memref<513x64xf32, #tpu.memory_space<vmem>>, vector<16xf32>,
          %parallel_loop3A_1189 = arith.index_cast %parallel_loop3A_1167 : i32 to index
          %parallel_loop3A_1190 = arith.constant 48 : index
          %parallel_loop3A_1191 = tpu.vector_load %arg16[%parallel_loop3A_1189, %parallel_loop3A_1190] {strides = array<i32>} : memref<513x64xf32, #tpu.memory_space<vmem>>, vector<16xf32>,
          tpu.vector_store %arg16[%parallel_loop3A_1189, %parallel_loop3A_1190], %parallel_loop3A_1179 {strides = array<i32>} : memref<513x64xf32, #tpu.memory_space<vmem>>, vector<16xf32>,
          %parallel_loop3A_1192 = vector.extract_strided_slice %parallel_loop3A_783 {offsets = [7], sizes = [1], strides = [1]} : vector<16xf32> to vector<1xf32>
          %parallel_loop3A_1193 = vector.extract %parallel_loop3A_1192[0] : f32 from vector<1xf32>
          %parallel_loop3A_1194 = vector.extract_strided_slice %parallel_loop3A_803 {offsets = [7], sizes = [1], strides = [1]} : vector<16xi32> to vector<1xi32>
          %parallel_loop3A_1195 = vector.extract %parallel_loop3A_1194[0] : i32 from vector<1xi32>
          %parallel_loop3A_1196 = vector.broadcast %parallel_loop3A_1193 : f32 to vector<16xf32>
          %parallel_loop3A_1197 = arith.mulf %parallel_loop3A_1170, %parallel_loop3A_1196 : vector<16xf32>
          %parallel_loop3A_1198 = arith.addf %parallel_loop3A_1197, %parallel_loop3A_980 : vector<16xf32>
          %parallel_loop3A_1199 = vector.broadcast %parallel_loop3A_1193 : f32 to vector<16xf32>
          %parallel_loop3A_1200 = arith.mulf %parallel_loop3A_1173, %parallel_loop3A_1199 : vector<16xf32>
          %parallel_loop3A_1201 = arith.addf %parallel_loop3A_1200, %parallel_loop3A_985 : vector<16xf32>
          %parallel_loop3A_1202 = vector.broadcast %parallel_loop3A_1193 : f32 to vector<16xf32>
          %parallel_loop3A_1203 = arith.mulf %parallel_loop3A_1176, %parallel_loop3A_1202 : vector<16xf32>
          %parallel_loop3A_1204 = arith.addf %parallel_loop3A_1203, %parallel_loop3A_990 : vector<16xf32>
          %parallel_loop3A_1205 = vector.broadcast %parallel_loop3A_1193 : f32 to vector<16xf32>
          %parallel_loop3A_1206 = arith.mulf %parallel_loop3A_1179, %parallel_loop3A_1205 : vector<16xf32>
          %parallel_loop3A_1207 = arith.addf %parallel_loop3A_1206, %parallel_loop3A_995 : vector<16xf32>
          %parallel_loop3A_1208 = arith.index_cast %parallel_loop3A_1195 : i32 to index
          %parallel_loop3A_1209 = arith.constant 0 : index
          %parallel_loop3A_1210 = tpu.vector_load %arg16[%parallel_loop3A_1208, %parallel_loop3A_1209] {strides = array<i32>} : memref<513x64xf32, #tpu.memory_space<vmem>>, vector<16xf32>,
          tpu.vector_store %arg16[%parallel_loop3A_1208, %parallel_loop3A_1209], %parallel_loop3A_1198 {strides = array<i32>} : memref<513x64xf32, #tpu.memory_space<vmem>>, vector<16xf32>,
          %parallel_loop3A_1211 = arith.index_cast %parallel_loop3A_1195 : i32 to index
          %parallel_loop3A_1212 = arith.constant 16 : index
          %parallel_loop3A_1213 = tpu.vector_load %arg16[%parallel_loop3A_1211, %parallel_loop3A_1212] {strides = array<i32>} : memref<513x64xf32, #tpu.memory_space<vmem>>, vector<16xf32>,
          tpu.vector_store %arg16[%parallel_loop3A_1211, %parallel_loop3A_1212], %parallel_loop3A_1201 {strides = array<i32>} : memref<513x64xf32, #tpu.memory_space<vmem>>, vector<16xf32>,
          %parallel_loop3A_1214 = arith.index_cast %parallel_loop3A_1195 : i32 to index
          %parallel_loop3A_1215 = arith.constant 32 : index
          %parallel_loop3A_1216 = tpu.vector_load %arg16[%parallel_loop3A_1214, %parallel_loop3A_1215] {strides = array<i32>} : memref<513x64xf32, #tpu.memory_space<vmem>>, vector<16xf32>,
          tpu.vector_store %arg16[%parallel_loop3A_1214, %parallel_loop3A_1215], %parallel_loop3A_1204 {strides = array<i32>} : memref<513x64xf32, #tpu.memory_space<vmem>>, vector<16xf32>,
          %parallel_loop3A_1217 = arith.index_cast %parallel_loop3A_1195 : i32 to index
          %parallel_loop3A_1218 = arith.constant 48 : index
          %parallel_loop3A_1219 = tpu.vector_load %arg16[%parallel_loop3A_1217, %parallel_loop3A_1218] {strides = array<i32>} : memref<513x64xf32, #tpu.memory_space<vmem>>, vector<16xf32>,
          tpu.vector_store %arg16[%parallel_loop3A_1217, %parallel_loop3A_1218], %parallel_loop3A_1207 {strides = array<i32>} : memref<513x64xf32, #tpu.memory_space<vmem>>, vector<16xf32>,
          scf.yield %parallel_loop3A_1198, %parallel_loop3A_1201, %parallel_loop3A_1204, %parallel_loop3A_1207 : vector<16xf32>, vector<16xf32>, vector<16xf32>, vector<16xf32>
        } {sc.loop_unroll_factor = 1 : i64, sc.parallel_access}
        %get3A_513 = arith.constant 512 : index
        %get3A_514 = tpu.vector_load %arg12[%get3A_513] {strides = array<i32>} : memref<544xi32, #tpu.memory_space<vmem>>, vector<16xi32>,
        %swap3A = arith.constant 0 : index
        %swap3A_515 = tpu.vector_load %arg13[%swap3A] {strides = array<i32>} : memref<544xi32, #tpu.memory_space<vmem>>, vector<16xi32>,
        tpu.vector_store %arg13[%swap3A], %get3A_514 {strides = array<i32>} : memref<544xi32, #tpu.memory_space<vmem>>, vector<16xi32>,
        %add3A_516 = arith.constant 2 : i32
        %add3A_517 = arith.addi %add3A_391, %add3A_516 : i32
        %mul3A_518 = arith.constant 512 : i32
        %mul3A_519 = arith.muli %add3A_517, %mul3A_518 : i32
        %min3A_520 = arith.constant 4193792 : i32
        %min3A_521 = arith.minsi %mul3A_519, %min3A_520 : i32
        %dma_start3A_522 = arith.constant 16 : i32
        %dma_start3A_523 = tpu.memref_slice %arg12[%dma_start3A_522] : memref<544xi32, #tpu.memory_space<vmem>> -> memref<512xi32, #tpu.memory_space<vmem>>
        %dma_start3A_524 = tpu.memref_slice %arg3[%min3A_521] : memref<4194304xi32, #tpu.memory_space<hbm>> -> memref<512xi32, #tpu.memory_space<hbm>>
        %dma_start3A_525 = arith.constant 16 : i32
        %dma_start3A_526 = tpu.memref_slice %arg12[%dma_start3A_525] : memref<544xi32, #tpu.memory_space<vmem>> -> memref<512xi32, #tpu.memory_space<vmem>>
        %dma_start3A_527 = tpu.memref_slice %arg3[%min3A_521] : memref<4194304xi32, #tpu.memory_space<hbm>> -> memref<512xi32, #tpu.memory_space<hbm>>
        tpu.enqueue_dma source(%dma_start3A_527 : memref<512xi32, #tpu.memory_space<hbm>>) target(%dma_start3A_526 : memref<512xi32, #tpu.memory_space<vmem>>) target_semaphore(%arg20 : memref<!tpu.dma_semaphore, #tpu.memory_space<semaphore_mem>>)
        %dma_start3A_528 = arith.constant 0 : i32
        %dma_start3A_529 = tpu.memref_slice %arg14[%dma_start3A_528] : memref<528xf32, #tpu.memory_space<vmem>> -> memref<512xf32, #tpu.memory_space<vmem>>
        %dma_start3A_530 = tpu.memref_slice %arg2[%min3A_521] : memref<4194304xf32, #tpu.memory_space<hbm>> -> memref<512xf32, #tpu.memory_space<hbm>>
        %dma_start3A_531 = arith.constant 0 : i32
        %dma_start3A_532 = tpu.memref_slice %arg14[%dma_start3A_531] : memref<528xf32, #tpu.memory_space<vmem>> -> memref<512xf32, #tpu.memory_space<vmem>>
        %dma_start3A_533 = tpu.memref_slice %arg2[%min3A_521] : memref<4194304xf32, #tpu.memory_space<hbm>> -> memref<512xf32, #tpu.memory_space<hbm>>
        tpu.enqueue_dma source(%dma_start3A_533 : memref<512xf32, #tpu.memory_space<hbm>>) target(%dma_start3A_532 : memref<512xf32, #tpu.memory_space<vmem>>) target_semaphore(%arg20 : memref<!tpu.dma_semaphore, #tpu.memory_space<semaphore_mem>>)
        %dma_wait3A_534 = arith.constant 0 : i32
        %dma_wait3A_535 = tpu.memref_slice %arg4[%dma_wait3A_534] : memref<4194304xi32, #tpu.memory_space<hbm>> -> memref<512xi32, #tpu.memory_space<hbm>>
        %dma_wait3A_536 = arith.constant 0 : i32
        %dma_wait3A_537 = tpu.memref_slice %arg4[%dma_wait3A_536] : memref<4194304xi32, #tpu.memory_space<hbm>> -> memref<512xi32, #tpu.memory_space<hbm>>
        tpu.wait_dma2 semaphore(%arg18 : memref<!tpu.dma_semaphore, #tpu.memory_space<semaphore_mem>>) src(%dma_wait3A_537 : memref<512xi32, #tpu.memory_space<hbm>>) dst(%arg8 : memref<512xi32, #tpu.memory_space<vmem>>)
        %dma_start3A_538 = arith.constant 0 : i32
        %dma_start3A_539 = arith.constant 0 : i32
        %dma_start3A_540 = tpu.memref_slice %arg10[%dma_start3A_538, %dma_start3A_539] : memref<512x64xf32, #tpu.memory_space<vmem>> -> memref<128x64xf32, #tpu.memory_space<vmem>>
        %dma_start3A_541 = arith.constant 0 : i32
        %dma_start3A_542 = tpu.memref_slice %arg8[%dma_start3A_541] : memref<512xi32, #tpu.memory_space<vmem>> -> memref<128xi32, #tpu.memory_space<vmem>>
        %dma_start3A_543 = arith.constant 0 : i32
        %dma_start3A_544 = arith.constant 0 : i32
        %dma_start3A_545 = tpu.memref_slice %arg5[%dma_start3A_543, %dma_start3A_544] : memref<65536x64xf32, #tpu.memory_space<hbm>> -> memref<65536x64xf32, #tpu.memory_space<hbm>>
        tpu.enqueue_indirect_dma source(%dma_start3A_545 : memref<65536x64xf32, #tpu.memory_space<hbm>>) target(%dma_start3A_540 : memref<128x64xf32, #tpu.memory_space<vmem>>) offsets(%dma_start3A_542 : memref<128xi32, #tpu.memory_space<vmem>>) semaphore(%arg22 : memref<!tpu.dma_semaphore, #tpu.memory_space<semaphore_mem>>)
        %dma_start3A_546 = arith.constant 128 : i32
        %dma_start3A_547 = arith.constant 0 : i32
        %dma_start3A_548 = tpu.memref_slice %arg10[%dma_start3A_546, %dma_start3A_547] : memref<512x64xf32, #tpu.memory_space<vmem>> -> memref<128x64xf32, #tpu.memory_space<vmem>>
        %dma_start3A_549 = arith.constant 128 : i32
        %dma_start3A_550 = tpu.memref_slice %arg8[%dma_start3A_549] : memref<512xi32, #tpu.memory_space<vmem>> -> memref<128xi32, #tpu.memory_space<vmem>>
        %dma_start3A_551 = arith.constant 0 : i32
        %dma_start3A_552 = arith.constant 0 : i32
        %dma_start3A_553 = tpu.memref_slice %arg5[%dma_start3A_551, %dma_start3A_552] : memref<65536x64xf32, #tpu.memory_space<hbm>> -> memref<65536x64xf32, #tpu.memory_space<hbm>>
        tpu.enqueue_indirect_dma source(%dma_start3A_553 : memref<65536x64xf32, #tpu.memory_space<hbm>>) target(%dma_start3A_548 : memref<128x64xf32, #tpu.memory_space<vmem>>) offsets(%dma_start3A_550 : memref<128xi32, #tpu.memory_space<vmem>>) semaphore(%arg22 : memref<!tpu.dma_semaphore, #tpu.memory_space<semaphore_mem>>)
        %dma_start3A_554 = arith.constant 256 : i32
        %dma_start3A_555 = arith.constant 0 : i32
        %dma_start3A_556 = tpu.memref_slice %arg10[%dma_start3A_554, %dma_start3A_555] : memref<512x64xf32, #tpu.memory_space<vmem>> -> memref<128x64xf32, #tpu.memory_space<vmem>>
        %dma_start3A_557 = arith.constant 256 : i32
        %dma_start3A_558 = tpu.memref_slice %arg8[%dma_start3A_557] : memref<512xi32, #tpu.memory_space<vmem>> -> memref<128xi32, #tpu.memory_space<vmem>>
        %dma_start3A_559 = arith.constant 0 : i32
        %dma_start3A_560 = arith.constant 0 : i32
        %dma_start3A_561 = tpu.memref_slice %arg5[%dma_start3A_559, %dma_start3A_560] : memref<65536x64xf32, #tpu.memory_space<hbm>> -> memref<65536x64xf32, #tpu.memory_space<hbm>>
        tpu.enqueue_indirect_dma source(%dma_start3A_561 : memref<65536x64xf32, #tpu.memory_space<hbm>>) target(%dma_start3A_556 : memref<128x64xf32, #tpu.memory_space<vmem>>) offsets(%dma_start3A_558 : memref<128xi32, #tpu.memory_space<vmem>>) semaphore(%arg22 : memref<!tpu.dma_semaphore, #tpu.memory_space<semaphore_mem>>)
        %dma_start3A_562 = arith.constant 384 : i32
        %dma_start3A_563 = arith.constant 0 : i32
        %dma_start3A_564 = tpu.memref_slice %arg10[%dma_start3A_562, %dma_start3A_563] : memref<512x64xf32, #tpu.memory_space<vmem>> -> memref<128x64xf32, #tpu.memory_space<vmem>>
        %dma_start3A_565 = arith.constant 384 : i32
        %dma_start3A_566 = tpu.memref_slice %arg8[%dma_start3A_565] : memref<512xi32, #tpu.memory_space<vmem>> -> memref<128xi32, #tpu.memory_space<vmem>>
        %dma_start3A_567 = arith.constant 0 : i32
        %dma_start3A_568 = arith.constant 0 : i32
        %dma_start3A_569 = tpu.memref_slice %arg5[%dma_start3A_567, %dma_start3A_568] : memref<65536x64xf32, #tpu.memory_space<hbm>> -> memref<65536x64xf32, #tpu.memory_space<hbm>>
        tpu.enqueue_indirect_dma source(%dma_start3A_569 : memref<65536x64xf32, #tpu.memory_space<hbm>>) target(%dma_start3A_564 : memref<128x64xf32, #tpu.memory_space<vmem>>) offsets(%dma_start3A_566 : memref<128xi32, #tpu.memory_space<vmem>>) semaphore(%arg22 : memref<!tpu.dma_semaphore, #tpu.memory_space<semaphore_mem>>)
        %dma_wait3A_570 = arith.constant 0 : i32
        %dma_wait3A_571 = arith.constant 0 : i32
        %dma_wait3A_572 = tpu.memref_slice %arg11[%dma_wait3A_570, %dma_wait3A_571] : memref<512x64xf32, #tpu.memory_space<vmem>> -> memref<128x64xf32, #tpu.memory_space<vmem>>
        %dma_wait3A_573 = arith.constant 0 : i32
        %dma_wait3A_574 = tpu.memref_slice %arg9[%dma_wait3A_573] : memref<512xi32, #tpu.memory_space<vmem>> -> memref<128xi32, #tpu.memory_space<vmem>>
        %dma_wait3A_575 = arith.constant 0 : i32
        %dma_wait3A_576 = arith.constant 0 : i32
        %dma_wait3A_577 = tpu.memref_slice %arg5[%dma_wait3A_575, %dma_wait3A_576] : memref<65536x64xf32, #tpu.memory_space<hbm>> -> memref<65536x64xf32, #tpu.memory_space<hbm>>
        tpu.wait_indirect_dma semaphore(%arg23 : memref<!tpu.dma_semaphore, #tpu.memory_space<semaphore_mem>>) src(%dma_wait3A_577 : memref<65536x64xf32, #tpu.memory_space<hbm>>) dst(%dma_wait3A_572 : memref<128x64xf32, #tpu.memory_space<vmem>>)
        %dma_wait3A_578 = arith.constant 128 : i32
        %dma_wait3A_579 = arith.constant 0 : i32
        %dma_wait3A_580 = tpu.memref_slice %arg11[%dma_wait3A_578, %dma_wait3A_579] : memref<512x64xf32, #tpu.memory_space<vmem>> -> memref<128x64xf32, #tpu.memory_space<vmem>>
        %dma_wait3A_581 = arith.constant 0 : i32
        %dma_wait3A_582 = tpu.memref_slice %arg9[%dma_wait3A_581] : memref<512xi32, #tpu.memory_space<vmem>> -> memref<128xi32, #tpu.memory_space<vmem>>
        %dma_wait3A_583 = arith.constant 0 : i32
        %dma_wait3A_584 = arith.constant 0 : i32
        %dma_wait3A_585 = tpu.memref_slice %arg5[%dma_wait3A_583, %dma_wait3A_584] : memref<65536x64xf32, #tpu.memory_space<hbm>> -> memref<65536x64xf32, #tpu.memory_space<hbm>>
        tpu.wait_indirect_dma semaphore(%arg23 : memref<!tpu.dma_semaphore, #tpu.memory_space<semaphore_mem>>) src(%dma_wait3A_585 : memref<65536x64xf32, #tpu.memory_space<hbm>>) dst(%dma_wait3A_580 : memref<128x64xf32, #tpu.memory_space<vmem>>)
        %dma_wait3A_586 = arith.constant 256 : i32
        %dma_wait3A_587 = arith.constant 0 : i32
        %dma_wait3A_588 = tpu.memref_slice %arg11[%dma_wait3A_586, %dma_wait3A_587] : memref<512x64xf32, #tpu.memory_space<vmem>> -> memref<128x64xf32, #tpu.memory_space<vmem>>
        %dma_wait3A_589 = arith.constant 0 : i32
        %dma_wait3A_590 = tpu.memref_slice %arg9[%dma_wait3A_589] : memref<512xi32, #tpu.memory_space<vmem>> -> memref<128xi32, #tpu.memory_space<vmem>>
        %dma_wait3A_591 = arith.constant 0 : i32
        %dma_wait3A_592 = arith.constant 0 : i32
        %dma_wait3A_593 = tpu.memref_slice %arg5[%dma_wait3A_591, %dma_wait3A_592] : memref<65536x64xf32, #tpu.memory_space<hbm>> -> memref<65536x64xf32, #tpu.memory_space<hbm>>
        tpu.wait_indirect_dma semaphore(%arg23 : memref<!tpu.dma_semaphore, #tpu.memory_space<semaphore_mem>>) src(%dma_wait3A_593 : memref<65536x64xf32, #tpu.memory_space<hbm>>) dst(%dma_wait3A_588 : memref<128x64xf32, #tpu.memory_space<vmem>>)
        %dma_wait3A_594 = arith.constant 384 : i32
        %dma_wait3A_595 = arith.constant 0 : i32
        %dma_wait3A_596 = tpu.memref_slice %arg11[%dma_wait3A_594, %dma_wait3A_595] : memref<512x64xf32, #tpu.memory_space<vmem>> -> memref<128x64xf32, #tpu.memory_space<vmem>>
        %dma_wait3A_597 = arith.constant 0 : i32
        %dma_wait3A_598 = tpu.memref_slice %arg9[%dma_wait3A_597] : memref<512xi32, #tpu.memory_space<vmem>> -> memref<128xi32, #tpu.memory_space<vmem>>
        %dma_wait3A_599 = arith.constant 0 : i32
        %dma_wait3A_600 = arith.constant 0 : i32
        %dma_wait3A_601 = tpu.memref_slice %arg5[%dma_wait3A_599, %dma_wait3A_600] : memref<65536x64xf32, #tpu.memory_space<hbm>> -> memref<65536x64xf32, #tpu.memory_space<hbm>>
        tpu.wait_indirect_dma semaphore(%arg23 : memref<!tpu.dma_semaphore, #tpu.memory_space<semaphore_mem>>) src(%dma_wait3A_601 : memref<65536x64xf32, #tpu.memory_space<hbm>>) dst(%dma_wait3A_596 : memref<128x64xf32, #tpu.memory_space<vmem>>)
        %add3A_602 = arith.constant 3 : i32
        %add3A_603 = arith.addi %add3A_391, %add3A_602 : i32
        %mul3A_604 = arith.constant 512 : i32
        %mul3A_605 = arith.muli %add3A_603, %mul3A_604 : i32
        %min3A_606 = arith.constant 4193792 : i32
        %min3A_607 = arith.minsi %mul3A_605, %min3A_606 : i32
        %dma_start3A_608 = tpu.memref_slice %arg4[%min3A_607] : memref<4194304xi32, #tpu.memory_space<hbm>> -> memref<512xi32, #tpu.memory_space<hbm>>
        %dma_start3A_609 = tpu.memref_slice %arg4[%min3A_607] : memref<4194304xi32, #tpu.memory_space<hbm>> -> memref<512xi32, #tpu.memory_space<hbm>>
        tpu.enqueue_dma source(%dma_start3A_609 : memref<512xi32, #tpu.memory_space<hbm>>) target(%arg9 : memref<512xi32, #tpu.memory_space<vmem>>) target_semaphore(%arg19 : memref<!tpu.dma_semaphore, #tpu.memory_space<semaphore_mem>>)
        %dma_wait3A_610 = arith.constant 16 : i32
        %dma_wait3A_611 = tpu.memref_slice %arg13[%dma_wait3A_610] : memref<544xi32, #tpu.memory_space<vmem>> -> memref<512xi32, #tpu.memory_space<vmem>>
        %dma_wait3A_612 = arith.constant 0 : i32
        %dma_wait3A_613 = tpu.memref_slice %arg3[%dma_wait3A_612] : memref<4194304xi32, #tpu.memory_space<hbm>> -> memref<512xi32, #tpu.memory_space<hbm>>
        %dma_wait3A_614 = arith.constant 16 : i32
        %dma_wait3A_615 = tpu.memref_slice %arg13[%dma_wait3A_614] : memref<544xi32, #tpu.memory_space<vmem>> -> memref<512xi32, #tpu.memory_space<vmem>>
        %dma_wait3A_616 = arith.constant 0 : i32
        %dma_wait3A_617 = tpu.memref_slice %arg3[%dma_wait3A_616] : memref<4194304xi32, #tpu.memory_space<hbm>> -> memref<512xi32, #tpu.memory_space<hbm>>
        tpu.wait_dma2 semaphore(%arg21 : memref<!tpu.dma_semaphore, #tpu.memory_space<semaphore_mem>>) src(%dma_wait3A_617 : memref<512xi32, #tpu.memory_space<hbm>>) dst(%dma_wait3A_615 : memref<512xi32, #tpu.memory_space<vmem>>)
        %dma_wait3A_618 = arith.constant 0 : i32
        %dma_wait3A_619 = tpu.memref_slice %arg15[%dma_wait3A_618] : memref<528xf32, #tpu.memory_space<vmem>> -> memref<512xf32, #tpu.memory_space<vmem>>
        %dma_wait3A_620 = arith.constant 0 : i32
        %dma_wait3A_621 = tpu.memref_slice %arg2[%dma_wait3A_620] : memref<4194304xf32, #tpu.memory_space<hbm>> -> memref<512xf32, #tpu.memory_space<hbm>>
        %dma_wait3A_622 = arith.constant 0 : i32
        %dma_wait3A_623 = tpu.memref_slice %arg15[%dma_wait3A_622] : memref<528xf32, #tpu.memory_space<vmem>> -> memref<512xf32, #tpu.memory_space<vmem>>
        %dma_wait3A_624 = arith.constant 0 : i32
        %dma_wait3A_625 = tpu.memref_slice %arg2[%dma_wait3A_624] : memref<4194304xf32, #tpu.memory_space<hbm>> -> memref<512xf32, #tpu.memory_space<hbm>>
        tpu.wait_dma2 semaphore(%arg21 : memref<!tpu.dma_semaphore, #tpu.memory_space<semaphore_mem>>) src(%dma_wait3A_625 : memref<512xf32, #tpu.memory_space<hbm>>) dst(%dma_wait3A_623 : memref<512xf32, #tpu.memory_space<vmem>>)
        %add3A_626 = arith.constant 1 : i32
        %add3A_627 = arith.addi %add3A_391, %add3A_626 : i32
        %mul3A_628 = arith.constant 512 : i32
        %mul3A_629 = arith.muli %add3A_627, %mul3A_628 : i32
        %sub3A_630 = arith.subi %reduce_sum3A_58, %mul3A_629 : i32
        %jit3A_631 = arith.constant 0 : i32
        %jit3A_632 = arith.constant 512 : i32
        %max3A_633 = arith.maxsi %jit3A_631, %sub3A_630 : i32
        %min3A_634 = arith.minsi %jit3A_632, %max3A_633 : i32
        %mul3A_635 = arith.constant 512 : i32
        %mul3A_636 = arith.muli %add3A_627, %mul3A_635 : i32
        %sub3A_637 = arith.subi %reduce_sum3A_70, %mul3A_636 : i32
        %jit3A_638 = arith.constant 0 : i32
        %jit3A_639 = arith.constant 512 : i32
        %max3A_640 = arith.maxsi %jit3A_638, %sub3A_637 : i32
        %min3A_641 = arith.minsi %jit3A_639, %max3A_640 : i32
        %jit3A_642 = arith.constant 8 : i32
        %div3A_643 = arith.divsi %min3A_634, %jit3A_642 : i32
        %sign3A_644 = arith.constant 0 : i32
        %sign3A_645 = arith.cmpi sgt, %min3A_634, %sign3A_644 : i32
        %sign3A_646 = arith.extui %sign3A_645 : i1 to i32
        %sign3A_647 = arith.constant 0 : i32
        %sign3A_648 = arith.cmpi slt, %min3A_634, %sign3A_647 : i32
        %sign3A_649 = arith.extui %sign3A_648 : i1 to i32
        %sign3A_650 = arith.subi %sign3A_646, %sign3A_649 : i32
        %sign3A_651 = arith.constant 0 : i32
        %sign3A_652 = arith.cmpi sgt, %jit3A_642, %sign3A_651 : i32
        %sign3A_653 = arith.extui %sign3A_652 : i1 to i32
        %sign3A_654 = arith.constant 0 : i32
        %sign3A_655 = arith.cmpi slt, %jit3A_642, %sign3A_654 : i32
        %sign3A_656 = arith.extui %sign3A_655 : i1 to i32
        %sign3A_657 = arith.subi %sign3A_653, %sign3A_656 : i32
        %ne3A_658 = arith.cmpi ne, %sign3A_650, %sign3A_657 : i32
        %rem3A_659 = arith.remsi %min3A_634, %jit3A_642 : i32
        %ne3A_660 = arith.constant 0 : i32
        %ne3A_661 = arith.cmpi ne, %rem3A_659, %ne3A_660 : i32
        %and3A_662 = arith.andi %ne3A_658, %ne3A_661 : i1
        %sub3A_663 = arith.constant 1 : i32
        %sub3A_664 = arith.subi %div3A_643, %sub3A_663 : i32
        %select_n3A_665 = arith.select %and3A_662, %sub3A_664, %div3A_643 : i32
        %add3A_666 = arith.constant 7 : i32
        %add3A_667 = arith.addi %min3A_641, %add3A_666 : i32
        %jit3A_668 = arith.constant 8 : i32
        %div3A_669 = arith.divsi %add3A_667, %jit3A_668 : i32
        %sign3A_670 = arith.constant 0 : i32
        %sign3A_671 = arith.cmpi sgt, %add3A_667, %sign3A_670 : i32
        %sign3A_672 = arith.extui %sign3A_671 : i1 to i32
        %sign3A_673 = arith.constant 0 : i32
        %sign3A_674 = arith.cmpi slt, %add3A_667, %sign3A_673 : i32
        %sign3A_675 = arith.extui %sign3A_674 : i1 to i32
        %sign3A_676 = arith.subi %sign3A_672, %sign3A_675 : i32
        %sign3A_677 = arith.constant 0 : i32
        %sign3A_678 = arith.cmpi sgt, %jit3A_668, %sign3A_677 : i32
        %sign3A_679 = arith.extui %sign3A_678 : i1 to i32
        %sign3A_680 = arith.constant 0 : i32
        %sign3A_681 = arith.cmpi slt, %jit3A_668, %sign3A_680 : i32
        %sign3A_682 = arith.extui %sign3A_681 : i1 to i32
        %sign3A_683 = arith.subi %sign3A_679, %sign3A_682 : i32
        %ne3A_684 = arith.cmpi ne, %sign3A_676, %sign3A_683 : i32
        %rem3A_685 = arith.remsi %add3A_667, %jit3A_668 : i32
        %ne3A_686 = arith.constant 0 : i32
        %ne3A_687 = arith.cmpi ne, %rem3A_685, %ne3A_686 : i32
        %and3A_688 = arith.andi %ne3A_684, %ne3A_687 : i1
        %sub3A_689 = arith.constant 1 : i32
        %sub3A_690 = arith.subi %div3A_669, %sub3A_689 : i32
        %select_n3A_691 = arith.select %and3A_688, %sub3A_690, %div3A_669 : i32
        %parallel_loop3A_692 = arith.constant 1 : i32
        %parallel_loop3A_693:4 = scf.for %parallel_loop3A_752 = %select_n3A_665 to %select_n3A_691 step %parallel_loop3A_692 iter_args(%parallel_loop3A_753 = %parallel_loop3A_512#0, %parallel_loop3A_754 = %parallel_loop3A_512#1, %parallel_loop3A_755 = %parallel_loop3A_512#2, %parallel_loop3A_756 = %parallel_loop3A_512#3) -> (vector<16xf32>, vector<16xf32>, vector<16xf32>, vector<16xf32>)  : i32 {
          %parallel_loop3A_757 = arith.constant 8 : i32
          %parallel_loop3A_758 = arith.muli %parallel_loop3A_752, %parallel_loop3A_757 : i32
          %parallel_loop3A_759 = vector.broadcast %parallel_loop3A_758 : i32 to vector<16xi32>
          %parallel_loop3A_760 = arith.addi %parallel_loop3A_759, %iota3A : vector<16xi32>
          %parallel_loop3A_761 = vector.broadcast %min3A_634 : i32 to vector<16xi32>
          %parallel_loop3A_762 = arith.cmpi sge, %parallel_loop3A_760, %parallel_loop3A_761 : vector<16xi32>
          %parallel_loop3A_763 = vector.broadcast %min3A_641 : i32 to vector<16xi32>
          %parallel_loop3A_764 = arith.cmpi slt, %parallel_loop3A_760, %parallel_loop3A_763 : vector<16xi32>
          %parallel_loop3A_765 = arith.andi %parallel_loop3A_762, %parallel_loop3A_764 : vector<16xi1>
          %parallel_loop3A_766 = arith.constant 16 : i32
          %parallel_loop3A_767 = arith.addi %parallel_loop3A_766, %parallel_loop3A_758 : i32
          %parallel_loop3A_768 = arith.index_cast %parallel_loop3A_767 : i32 to index
          %parallel_loop3A_769 = tpu.vector_load %arg13[%parallel_loop3A_768] {strides = array<i32>} : memref<544xi32, #tpu.memory_space<vmem>>, vector<16xi32>,
          %parallel_loop3A_770 = arith.constant 15 : i32
          %parallel_loop3A_771 = arith.addi %parallel_loop3A_770, %parallel_loop3A_758 : i32
          %parallel_loop3A_772 = arith.index_cast %parallel_loop3A_771 : i32 to index
          %parallel_loop3A_773 = tpu.vector_load %arg13[%parallel_loop3A_772] {strides = array<i32>} : memref<544xi32, #tpu.memory_space<vmem>>, vector<16xi32>,
          %parallel_loop3A_774 = arith.constant 17 : i32
          %parallel_loop3A_775 = arith.addi %parallel_loop3A_774, %parallel_loop3A_758 : i32
          %parallel_loop3A_776 = arith.index_cast %parallel_loop3A_775 : i32 to index
          %parallel_loop3A_777 = tpu.vector_load %arg13[%parallel_loop3A_776] {strides = array<i32>} : memref<544xi32, #tpu.memory_space<vmem>>, vector<16xi32>,
          %parallel_loop3A_778 = arith.cmpi eq, %parallel_loop3A_769, %parallel_loop3A_773 : vector<16xi32>
          %parallel_loop3A_779 = arith.constant 1.000000e+00 : f32
          %parallel_loop3A_780 = arith.constant 0.000000e+00 : f32
          %parallel_loop3A_781 = vector.broadcast %parallel_loop3A_779 : f32 to vector<16xf32>
          %parallel_loop3A_782 = vector.broadcast %parallel_loop3A_780 : f32 to vector<16xf32>
          %parallel_loop3A_783 = arith.select %parallel_loop3A_778, %parallel_loop3A_781, %parallel_loop3A_782 : vector<16xi1>, vector<16xf32>
          %parallel_loop3A_784 = vector.broadcast %mul3A_48 : i32 to vector<16xi32>
          %parallel_loop3A_785 = arith.subi %parallel_loop3A_769, %parallel_loop3A_784 : vector<16xi32>
          %parallel_loop3A_786 = arith.constant 512 : i32
          %parallel_loop3A_787 = vector.broadcast %parallel_loop3A_786 : i32 to vector<16xi32>
          %parallel_loop3A_788 = arith.select %parallel_loop3A_765, %parallel_loop3A_785, %parallel_loop3A_787 : vector<16xi1>, vector<16xi32>
          %parallel_loop3A_789 = arith.index_cast %parallel_loop3A_758 : i32 to index
          %parallel_loop3A_790 = tpu.vector_load %arg15[%parallel_loop3A_789] {strides = array<i32>} : memref<528xf32, #tpu.memory_space<vmem>>, vector<16xf32>,
          %parallel_loop3A_791 = arith.constant 0.000000e+00 : f32
          %parallel_loop3A_792 = vector.broadcast %parallel_loop3A_791 : f32 to vector<16xf32>
          %parallel_loop3A_793 = arith.select %parallel_loop3A_765, %parallel_loop3A_790, %parallel_loop3A_792 : vector<16xi1>, vector<16xf32>
          %parallel_loop3A_794 = arith.cmpi ne, %parallel_loop3A_769, %parallel_loop3A_777 : vector<16xi32>
          %parallel_loop3A_795 = arith.constant 1 : i32
          %parallel_loop3A_796 = vector.broadcast %parallel_loop3A_795 : i32 to vector<16xi32>
          %parallel_loop3A_797 = arith.addi %parallel_loop3A_760, %parallel_loop3A_796 : vector<16xi32>
          %parallel_loop3A_798 = vector.broadcast %min3A_641 : i32 to vector<16xi32>
          %parallel_loop3A_799 = arith.cmpi sge, %parallel_loop3A_797, %parallel_loop3A_798 : vector<16xi32>
          %parallel_loop3A_800 = arith.ori %parallel_loop3A_794, %parallel_loop3A_799 : vector<16xi1>
          %parallel_loop3A_801 = arith.constant 512 : i32
          %parallel_loop3A_802 = vector.broadcast %parallel_loop3A_801 : i32 to vector<16xi32>
          %parallel_loop3A_803 = arith.select %parallel_loop3A_800, %parallel_loop3A_788, %parallel_loop3A_802 : vector<16xi1>, vector<16xi32>
          %parallel_loop3A_804 = vector.extract_strided_slice %parallel_loop3A_793 {offsets = [0], sizes = [1], strides = [1]} : vector<16xf32> to vector<1xf32>
          %parallel_loop3A_805 = vector.extract %parallel_loop3A_804[0] : f32 from vector<1xf32>
          %parallel_loop3A_806 = arith.constant 0 : i32
          %parallel_loop3A_807 = arith.addi %parallel_loop3A_758, %parallel_loop3A_806 : i32
          %parallel_loop3A_808 = arith.index_cast %parallel_loop3A_807 : i32 to index
          %parallel_loop3A_809 = arith.constant 0 : index
          %parallel_loop3A_810 = tpu.vector_load %arg11[%parallel_loop3A_808, %parallel_loop3A_809] {strides = array<i32>} : memref<512x64xf32, #tpu.memory_space<vmem>>, vector<16xf32>,
          %parallel_loop3A_811 = vector.broadcast %parallel_loop3A_805 : f32 to vector<16xf32>
          %parallel_loop3A_812 = arith.mulf %parallel_loop3A_811, %parallel_loop3A_810 : vector<16xf32>
          %parallel_loop3A_813 = arith.index_cast %parallel_loop3A_807 : i32 to index
          %parallel_loop3A_814 = arith.constant 16 : index
          %parallel_loop3A_815 = tpu.vector_load %arg11[%parallel_loop3A_813, %parallel_loop3A_814] {strides = array<i32>} : memref<512x64xf32, #tpu.memory_space<vmem>>, vector<16xf32>,
          %parallel_loop3A_816 = vector.broadcast %parallel_loop3A_805 : f32 to vector<16xf32>
          %parallel_loop3A_817 = arith.mulf %parallel_loop3A_816, %parallel_loop3A_815 : vector<16xf32>
          %parallel_loop3A_818 = arith.index_cast %parallel_loop3A_807 : i32 to index
          %parallel_loop3A_819 = arith.constant 32 : index
          %parallel_loop3A_820 = tpu.vector_load %arg11[%parallel_loop3A_818, %parallel_loop3A_819] {strides = array<i32>} : memref<512x64xf32, #tpu.memory_space<vmem>>, vector<16xf32>,
          %parallel_loop3A_821 = vector.broadcast %parallel_loop3A_805 : f32 to vector<16xf32>
          %parallel_loop3A_822 = arith.mulf %parallel_loop3A_821, %parallel_loop3A_820 : vector<16xf32>
          %parallel_loop3A_823 = arith.index_cast %parallel_loop3A_807 : i32 to index
          %parallel_loop3A_824 = arith.constant 48 : index
          %parallel_loop3A_825 = tpu.vector_load %arg11[%parallel_loop3A_823, %parallel_loop3A_824] {strides = array<i32>} : memref<512x64xf32, #tpu.memory_space<vmem>>, vector<16xf32>,
          %parallel_loop3A_826 = vector.broadcast %parallel_loop3A_805 : f32 to vector<16xf32>
          %parallel_loop3A_827 = arith.mulf %parallel_loop3A_826, %parallel_loop3A_825 : vector<16xf32>
          %parallel_loop3A_828 = vector.extract_strided_slice %parallel_loop3A_793 {offsets = [1], sizes = [1], strides = [1]} : vector<16xf32> to vector<1xf32>
          %parallel_loop3A_829 = vector.extract %parallel_loop3A_828[0] : f32 from vector<1xf32>
          %parallel_loop3A_830 = arith.constant 1 : i32
          %parallel_loop3A_831 = arith.addi %parallel_loop3A_758, %parallel_loop3A_830 : i32
          %parallel_loop3A_832 = arith.index_cast %parallel_loop3A_831 : i32 to index
          %parallel_loop3A_833 = arith.constant 0 : index
          %parallel_loop3A_834 = tpu.vector_load %arg11[%parallel_loop3A_832, %parallel_loop3A_833] {strides = array<i32>} : memref<512x64xf32, #tpu.memory_space<vmem>>, vector<16xf32>,
          %parallel_loop3A_835 = vector.broadcast %parallel_loop3A_829 : f32 to vector<16xf32>
          %parallel_loop3A_836 = arith.mulf %parallel_loop3A_835, %parallel_loop3A_834 : vector<16xf32>
          %parallel_loop3A_837 = arith.index_cast %parallel_loop3A_831 : i32 to index
          %parallel_loop3A_838 = arith.constant 16 : index
          %parallel_loop3A_839 = tpu.vector_load %arg11[%parallel_loop3A_837, %parallel_loop3A_838] {strides = array<i32>} : memref<512x64xf32, #tpu.memory_space<vmem>>, vector<16xf32>,
          %parallel_loop3A_840 = vector.broadcast %parallel_loop3A_829 : f32 to vector<16xf32>
          %parallel_loop3A_841 = arith.mulf %parallel_loop3A_840, %parallel_loop3A_839 : vector<16xf32>
          %parallel_loop3A_842 = arith.index_cast %parallel_loop3A_831 : i32 to index
          %parallel_loop3A_843 = arith.constant 32 : index
          %parallel_loop3A_844 = tpu.vector_load %arg11[%parallel_loop3A_842, %parallel_loop3A_843] {strides = array<i32>} : memref<512x64xf32, #tpu.memory_space<vmem>>, vector<16xf32>,
          %parallel_loop3A_845 = vector.broadcast %parallel_loop3A_829 : f32 to vector<16xf32>
          %parallel_loop3A_846 = arith.mulf %parallel_loop3A_845, %parallel_loop3A_844 : vector<16xf32>
          %parallel_loop3A_847 = arith.index_cast %parallel_loop3A_831 : i32 to index
          %parallel_loop3A_848 = arith.constant 48 : index
          %parallel_loop3A_849 = tpu.vector_load %arg11[%parallel_loop3A_847, %parallel_loop3A_848] {strides = array<i32>} : memref<512x64xf32, #tpu.memory_space<vmem>>, vector<16xf32>,
          %parallel_loop3A_850 = vector.broadcast %parallel_loop3A_829 : f32 to vector<16xf32>
          %parallel_loop3A_851 = arith.mulf %parallel_loop3A_850, %parallel_loop3A_849 : vector<16xf32>
          %parallel_loop3A_852 = vector.extract_strided_slice %parallel_loop3A_793 {offsets = [2], sizes = [1], strides = [1]} : vector<16xf32> to vector<1xf32>
          %parallel_loop3A_853 = vector.extract %parallel_loop3A_852[0] : f32 from vector<1xf32>
          %parallel_loop3A_854 = arith.constant 2 : i32
          %parallel_loop3A_855 = arith.addi %parallel_loop3A_758, %parallel_loop3A_854 : i32
          %parallel_loop3A_856 = arith.index_cast %parallel_loop3A_855 : i32 to index
          %parallel_loop3A_857 = arith.constant 0 : index
          %parallel_loop3A_858 = tpu.vector_load %arg11[%parallel_loop3A_856, %parallel_loop3A_857] {strides = array<i32>} : memref<512x64xf32, #tpu.memory_space<vmem>>, vector<16xf32>,
          %parallel_loop3A_859 = vector.broadcast %parallel_loop3A_853 : f32 to vector<16xf32>
          %parallel_loop3A_860 = arith.mulf %parallel_loop3A_859, %parallel_loop3A_858 : vector<16xf32>
          %parallel_loop3A_861 = arith.index_cast %parallel_loop3A_855 : i32 to index
          %parallel_loop3A_862 = arith.constant 16 : index
          %parallel_loop3A_863 = tpu.vector_load %arg11[%parallel_loop3A_861, %parallel_loop3A_862] {strides = array<i32>} : memref<512x64xf32, #tpu.memory_space<vmem>>, vector<16xf32>,
          %parallel_loop3A_864 = vector.broadcast %parallel_loop3A_853 : f32 to vector<16xf32>
          %parallel_loop3A_865 = arith.mulf %parallel_loop3A_864, %parallel_loop3A_863 : vector<16xf32>
          %parallel_loop3A_866 = arith.index_cast %parallel_loop3A_855 : i32 to index
          %parallel_loop3A_867 = arith.constant 32 : index
          %parallel_loop3A_868 = tpu.vector_load %arg11[%parallel_loop3A_866, %parallel_loop3A_867] {strides = array<i32>} : memref<512x64xf32, #tpu.memory_space<vmem>>, vector<16xf32>,
          %parallel_loop3A_869 = vector.broadcast %parallel_loop3A_853 : f32 to vector<16xf32>
          %parallel_loop3A_870 = arith.mulf %parallel_loop3A_869, %parallel_loop3A_868 : vector<16xf32>
          %parallel_loop3A_871 = arith.index_cast %parallel_loop3A_855 : i32 to index
          %parallel_loop3A_872 = arith.constant 48 : index
          %parallel_loop3A_873 = tpu.vector_load %arg11[%parallel_loop3A_871, %parallel_loop3A_872] {strides = array<i32>} : memref<512x64xf32, #tpu.memory_space<vmem>>, vector<16xf32>,
          %parallel_loop3A_874 = vector.broadcast %parallel_loop3A_853 : f32 to vector<16xf32>
          %parallel_loop3A_875 = arith.mulf %parallel_loop3A_874, %parallel_loop3A_873 : vector<16xf32>
          %parallel_loop3A_876 = vector.extract_strided_slice %parallel_loop3A_793 {offsets = [3], sizes = [1], strides = [1]} : vector<16xf32> to vector<1xf32>
          %parallel_loop3A_877 = vector.extract %parallel_loop3A_876[0] : f32 from vector<1xf32>
          %parallel_loop3A_878 = arith.constant 3 : i32
          %parallel_loop3A_879 = arith.addi %parallel_loop3A_758, %parallel_loop3A_878 : i32
          %parallel_loop3A_880 = arith.index_cast %parallel_loop3A_879 : i32 to index
          %parallel_loop3A_881 = arith.constant 0 : index
          %parallel_loop3A_882 = tpu.vector_load %arg11[%parallel_loop3A_880, %parallel_loop3A_881] {strides = array<i32>} : memref<512x64xf32, #tpu.memory_space<vmem>>, vector<16xf32>,
          %parallel_loop3A_883 = vector.broadcast %parallel_loop3A_877 : f32 to vector<16xf32>
          %parallel_loop3A_884 = arith.mulf %parallel_loop3A_883, %parallel_loop3A_882 : vector<16xf32>
          %parallel_loop3A_885 = arith.index_cast %parallel_loop3A_879 : i32 to index
          %parallel_loop3A_886 = arith.constant 16 : index
          %parallel_loop3A_887 = tpu.vector_load %arg11[%parallel_loop3A_885, %parallel_loop3A_886] {strides = array<i32>} : memref<512x64xf32, #tpu.memory_space<vmem>>, vector<16xf32>,
          %parallel_loop3A_888 = vector.broadcast %parallel_loop3A_877 : f32 to vector<16xf32>
          %parallel_loop3A_889 = arith.mulf %parallel_loop3A_888, %parallel_loop3A_887 : vector<16xf32>
          %parallel_loop3A_890 = arith.index_cast %parallel_loop3A_879 : i32 to index
          %parallel_loop3A_891 = arith.constant 32 : index
          %parallel_loop3A_892 = tpu.vector_load %arg11[%parallel_loop3A_890, %parallel_loop3A_891] {strides = array<i32>} : memref<512x64xf32, #tpu.memory_space<vmem>>, vector<16xf32>,
          %parallel_loop3A_893 = vector.broadcast %parallel_loop3A_877 : f32 to vector<16xf32>
          %parallel_loop3A_894 = arith.mulf %parallel_loop3A_893, %parallel_loop3A_892 : vector<16xf32>
          %parallel_loop3A_895 = arith.index_cast %parallel_loop3A_879 : i32 to index
          %parallel_loop3A_896 = arith.constant 48 : index
          %parallel_loop3A_897 = tpu.vector_load %arg11[%parallel_loop3A_895, %parallel_loop3A_896] {strides = array<i32>} : memref<512x64xf32, #tpu.memory_space<vmem>>, vector<16xf32>,
          %parallel_loop3A_898 = vector.broadcast %parallel_loop3A_877 : f32 to vector<16xf32>
          %parallel_loop3A_899 = arith.mulf %parallel_loop3A_898, %parallel_loop3A_897 : vector<16xf32>
          %parallel_loop3A_900 = vector.extract_strided_slice %parallel_loop3A_793 {offsets = [4], sizes = [1], strides = [1]} : vector<16xf32> to vector<1xf32>
          %parallel_loop3A_901 = vector.extract %parallel_loop3A_900[0] : f32 from vector<1xf32>
          %parallel_loop3A_902 = arith.constant 4 : i32
          %parallel_loop3A_903 = arith.addi %parallel_loop3A_758, %parallel_loop3A_902 : i32
          %parallel_loop3A_904 = arith.index_cast %parallel_loop3A_903 : i32 to index
          %parallel_loop3A_905 = arith.constant 0 : index
          %parallel_loop3A_906 = tpu.vector_load %arg11[%parallel_loop3A_904, %parallel_loop3A_905] {strides = array<i32>} : memref<512x64xf32, #tpu.memory_space<vmem>>, vector<16xf32>,
          %parallel_loop3A_907 = vector.broadcast %parallel_loop3A_901 : f32 to vector<16xf32>
          %parallel_loop3A_908 = arith.mulf %parallel_loop3A_907, %parallel_loop3A_906 : vector<16xf32>
          %parallel_loop3A_909 = arith.index_cast %parallel_loop3A_903 : i32 to index
          %parallel_loop3A_910 = arith.constant 16 : index
          %parallel_loop3A_911 = tpu.vector_load %arg11[%parallel_loop3A_909, %parallel_loop3A_910] {strides = array<i32>} : memref<512x64xf32, #tpu.memory_space<vmem>>, vector<16xf32>,
          %parallel_loop3A_912 = vector.broadcast %parallel_loop3A_901 : f32 to vector<16xf32>
          %parallel_loop3A_913 = arith.mulf %parallel_loop3A_912, %parallel_loop3A_911 : vector<16xf32>
          %parallel_loop3A_914 = arith.index_cast %parallel_loop3A_903 : i32 to index
          %parallel_loop3A_915 = arith.constant 32 : index
          %parallel_loop3A_916 = tpu.vector_load %arg11[%parallel_loop3A_914, %parallel_loop3A_915] {strides = array<i32>} : memref<512x64xf32, #tpu.memory_space<vmem>>, vector<16xf32>,
          %parallel_loop3A_917 = vector.broadcast %parallel_loop3A_901 : f32 to vector<16xf32>
          %parallel_loop3A_918 = arith.mulf %parallel_loop3A_917, %parallel_loop3A_916 : vector<16xf32>
          %parallel_loop3A_919 = arith.index_cast %parallel_loop3A_903 : i32 to index
          %parallel_loop3A_920 = arith.constant 48 : index
          %parallel_loop3A_921 = tpu.vector_load %arg11[%parallel_loop3A_919, %parallel_loop3A_920] {strides = array<i32>} : memref<512x64xf32, #tpu.memory_space<vmem>>, vector<16xf32>,
          %parallel_loop3A_922 = vector.broadcast %parallel_loop3A_901 : f32 to vector<16xf32>
          %parallel_loop3A_923 = arith.mulf %parallel_loop3A_922, %parallel_loop3A_921 : vector<16xf32>
          %parallel_loop3A_924 = vector.extract_strided_slice %parallel_loop3A_793 {offsets = [5], sizes = [1], strides = [1]} : vector<16xf32> to vector<1xf32>
          %parallel_loop3A_925 = vector.extract %parallel_loop3A_924[0] : f32 from vector<1xf32>
          %parallel_loop3A_926 = arith.constant 5 : i32
          %parallel_loop3A_927 = arith.addi %parallel_loop3A_758, %parallel_loop3A_926 : i32
          %parallel_loop3A_928 = arith.index_cast %parallel_loop3A_927 : i32 to index
          %parallel_loop3A_929 = arith.constant 0 : index
          %parallel_loop3A_930 = tpu.vector_load %arg11[%parallel_loop3A_928, %parallel_loop3A_929] {strides = array<i32>} : memref<512x64xf32, #tpu.memory_space<vmem>>, vector<16xf32>,
          %parallel_loop3A_931 = vector.broadcast %parallel_loop3A_925 : f32 to vector<16xf32>
          %parallel_loop3A_932 = arith.mulf %parallel_loop3A_931, %parallel_loop3A_930 : vector<16xf32>
          %parallel_loop3A_933 = arith.index_cast %parallel_loop3A_927 : i32 to index
          %parallel_loop3A_934 = arith.constant 16 : index
          %parallel_loop3A_935 = tpu.vector_load %arg11[%parallel_loop3A_933, %parallel_loop3A_934] {strides = array<i32>} : memref<512x64xf32, #tpu.memory_space<vmem>>, vector<16xf32>,
          %parallel_loop3A_936 = vector.broadcast %parallel_loop3A_925 : f32 to vector<16xf32>
          %parallel_loop3A_937 = arith.mulf %parallel_loop3A_936, %parallel_loop3A_935 : vector<16xf32>
          %parallel_loop3A_938 = arith.index_cast %parallel_loop3A_927 : i32 to index
          %parallel_loop3A_939 = arith.constant 32 : index
          %parallel_loop3A_940 = tpu.vector_load %arg11[%parallel_loop3A_938, %parallel_loop3A_939] {strides = array<i32>} : memref<512x64xf32, #tpu.memory_space<vmem>>, vector<16xf32>,
          %parallel_loop3A_941 = vector.broadcast %parallel_loop3A_925 : f32 to vector<16xf32>
          %parallel_loop3A_942 = arith.mulf %parallel_loop3A_941, %parallel_loop3A_940 : vector<16xf32>
          %parallel_loop3A_943 = arith.index_cast %parallel_loop3A_927 : i32 to index
          %parallel_loop3A_944 = arith.constant 48 : index
          %parallel_loop3A_945 = tpu.vector_load %arg11[%parallel_loop3A_943, %parallel_loop3A_944] {strides = array<i32>} : memref<512x64xf32, #tpu.memory_space<vmem>>, vector<16xf32>,
          %parallel_loop3A_946 = vector.broadcast %parallel_loop3A_925 : f32 to vector<16xf32>
          %parallel_loop3A_947 = arith.mulf %parallel_loop3A_946, %parallel_loop3A_945 : vector<16xf32>
          %parallel_loop3A_948 = vector.extract_strided_slice %parallel_loop3A_793 {offsets = [6], sizes = [1], strides = [1]} : vector<16xf32> to vector<1xf32>
          %parallel_loop3A_949 = vector.extract %parallel_loop3A_948[0] : f32 from vector<1xf32>
          %parallel_loop3A_950 = arith.constant 6 : i32
          %parallel_loop3A_951 = arith.addi %parallel_loop3A_758, %parallel_loop3A_950 : i32
          %parallel_loop3A_952 = arith.index_cast %parallel_loop3A_951 : i32 to index
          %parallel_loop3A_953 = arith.constant 0 : index
          %parallel_loop3A_954 = tpu.vector_load %arg11[%parallel_loop3A_952, %parallel_loop3A_953] {strides = array<i32>} : memref<512x64xf32, #tpu.memory_space<vmem>>, vector<16xf32>,
          %parallel_loop3A_955 = vector.broadcast %parallel_loop3A_949 : f32 to vector<16xf32>
          %parallel_loop3A_956 = arith.mulf %parallel_loop3A_955, %parallel_loop3A_954 : vector<16xf32>
          %parallel_loop3A_957 = arith.index_cast %parallel_loop3A_951 : i32 to index
          %parallel_loop3A_958 = arith.constant 16 : index
          %parallel_loop3A_959 = tpu.vector_load %arg11[%parallel_loop3A_957, %parallel_loop3A_958] {strides = array<i32>} : memref<512x64xf32, #tpu.memory_space<vmem>>, vector<16xf32>,
          %parallel_loop3A_960 = vector.broadcast %parallel_loop3A_949 : f32 to vector<16xf32>
          %parallel_loop3A_961 = arith.mulf %parallel_loop3A_960, %parallel_loop3A_959 : vector<16xf32>
          %parallel_loop3A_962 = arith.index_cast %parallel_loop3A_951 : i32 to index
          %parallel_loop3A_963 = arith.constant 32 : index
          %parallel_loop3A_964 = tpu.vector_load %arg11[%parallel_loop3A_962, %parallel_loop3A_963] {strides = array<i32>} : memref<512x64xf32, #tpu.memory_space<vmem>>, vector<16xf32>,
          %parallel_loop3A_965 = vector.broadcast %parallel_loop3A_949 : f32 to vector<16xf32>
          %parallel_loop3A_966 = arith.mulf %parallel_loop3A_965, %parallel_loop3A_964 : vector<16xf32>
          %parallel_loop3A_967 = arith.index_cast %parallel_loop3A_951 : i32 to index
          %parallel_loop3A_968 = arith.constant 48 : index
          %parallel_loop3A_969 = tpu.vector_load %arg11[%parallel_loop3A_967, %parallel_loop3A_968] {strides = array<i32>} : memref<512x64xf32, #tpu.memory_space<vmem>>, vector<16xf32>,
          %parallel_loop3A_970 = vector.broadcast %parallel_loop3A_949 : f32 to vector<16xf32>
          %parallel_loop3A_971 = arith.mulf %parallel_loop3A_970, %parallel_loop3A_969 : vector<16xf32>
          %parallel_loop3A_972 = vector.extract_strided_slice %parallel_loop3A_793 {offsets = [7], sizes = [1], strides = [1]} : vector<16xf32> to vector<1xf32>
          %parallel_loop3A_973 = vector.extract %parallel_loop3A_972[0] : f32 from vector<1xf32>
          %parallel_loop3A_974 = arith.constant 7 : i32
          %parallel_loop3A_975 = arith.addi %parallel_loop3A_758, %parallel_loop3A_974 : i32
          %parallel_loop3A_976 = arith.index_cast %parallel_loop3A_975 : i32 to index
          %parallel_loop3A_977 = arith.constant 0 : index
          %parallel_loop3A_978 = tpu.vector_load %arg11[%parallel_loop3A_976, %parallel_loop3A_977] {strides = array<i32>} : memref<512x64xf32, #tpu.memory_space<vmem>>, vector<16xf32>,
          %parallel_loop3A_979 = vector.broadcast %parallel_loop3A_973 : f32 to vector<16xf32>
          %parallel_loop3A_980 = arith.mulf %parallel_loop3A_979, %parallel_loop3A_978 : vector<16xf32>
          %parallel_loop3A_981 = arith.index_cast %parallel_loop3A_975 : i32 to index
          %parallel_loop3A_982 = arith.constant 16 : index
          %parallel_loop3A_983 = tpu.vector_load %arg11[%parallel_loop3A_981, %parallel_loop3A_982] {strides = array<i32>} : memref<512x64xf32, #tpu.memory_space<vmem>>, vector<16xf32>,
          %parallel_loop3A_984 = vector.broadcast %parallel_loop3A_973 : f32 to vector<16xf32>
          %parallel_loop3A_985 = arith.mulf %parallel_loop3A_984, %parallel_loop3A_983 : vector<16xf32>
          %parallel_loop3A_986 = arith.index_cast %parallel_loop3A_975 : i32 to index
          %parallel_loop3A_987 = arith.constant 32 : index
          %parallel_loop3A_988 = tpu.vector_load %arg11[%parallel_loop3A_986, %parallel_loop3A_987] {strides = array<i32>} : memref<512x64xf32, #tpu.memory_space<vmem>>, vector<16xf32>,
          %parallel_loop3A_989 = vector.broadcast %parallel_loop3A_973 : f32 to vector<16xf32>
          %parallel_loop3A_990 = arith.mulf %parallel_loop3A_989, %parallel_loop3A_988 : vector<16xf32>
          %parallel_loop3A_991 = arith.index_cast %parallel_loop3A_975 : i32 to index
          %parallel_loop3A_992 = arith.constant 48 : index
          %parallel_loop3A_993 = tpu.vector_load %arg11[%parallel_loop3A_991, %parallel_loop3A_992] {strides = array<i32>} : memref<512x64xf32, #tpu.memory_space<vmem>>, vector<16xf32>,
          %parallel_loop3A_994 = vector.broadcast %parallel_loop3A_973 : f32 to vector<16xf32>
          %parallel_loop3A_995 = arith.mulf %parallel_loop3A_994, %parallel_loop3A_993 : vector<16xf32>
          %parallel_loop3A_996 = vector.extract_strided_slice %parallel_loop3A_783 {offsets = [0], sizes = [1], strides = [1]} : vector<16xf32> to vector<1xf32>
          %parallel_loop3A_997 = vector.extract %parallel_loop3A_996[0] : f32 from vector<1xf32>
          %parallel_loop3A_998 = vector.extract_strided_slice %parallel_loop3A_803 {offsets = [0], sizes = [1], strides = [1]} : vector<16xi32> to vector<1xi32>
          %parallel_loop3A_999 = vector.extract %parallel_loop3A_998[0] : i32 from vector<1xi32>
          %parallel_loop3A_1000 = vector.broadcast %parallel_loop3A_997 : f32 to vector<16xf32>
          %parallel_loop3A_1001 = arith.mulf %parallel_loop3A_753, %parallel_loop3A_1000 : vector<16xf32>
          %parallel_loop3A_1002 = arith.addf %parallel_loop3A_1001, %parallel_loop3A_812 : vector<16xf32>
          %parallel_loop3A_1003 = vector.broadcast %parallel_loop3A_997 : f32 to vector<16xf32>
          %parallel_loop3A_1004 = arith.mulf %parallel_loop3A_754, %parallel_loop3A_1003 : vector<16xf32>
          %parallel_loop3A_1005 = arith.addf %parallel_loop3A_1004, %parallel_loop3A_817 : vector<16xf32>
          %parallel_loop3A_1006 = vector.broadcast %parallel_loop3A_997 : f32 to vector<16xf32>
          %parallel_loop3A_1007 = arith.mulf %parallel_loop3A_755, %parallel_loop3A_1006 : vector<16xf32>
          %parallel_loop3A_1008 = arith.addf %parallel_loop3A_1007, %parallel_loop3A_822 : vector<16xf32>
          %parallel_loop3A_1009 = vector.broadcast %parallel_loop3A_997 : f32 to vector<16xf32>
          %parallel_loop3A_1010 = arith.mulf %parallel_loop3A_756, %parallel_loop3A_1009 : vector<16xf32>
          %parallel_loop3A_1011 = arith.addf %parallel_loop3A_1010, %parallel_loop3A_827 : vector<16xf32>
          %parallel_loop3A_1012 = arith.index_cast %parallel_loop3A_999 : i32 to index
          %parallel_loop3A_1013 = arith.constant 0 : index
          %parallel_loop3A_1014 = tpu.vector_load %arg16[%parallel_loop3A_1012, %parallel_loop3A_1013] {strides = array<i32>} : memref<513x64xf32, #tpu.memory_space<vmem>>, vector<16xf32>,
          tpu.vector_store %arg16[%parallel_loop3A_1012, %parallel_loop3A_1013], %parallel_loop3A_1002 {strides = array<i32>} : memref<513x64xf32, #tpu.memory_space<vmem>>, vector<16xf32>,
          %parallel_loop3A_1015 = arith.index_cast %parallel_loop3A_999 : i32 to index
          %parallel_loop3A_1016 = arith.constant 16 : index
          %parallel_loop3A_1017 = tpu.vector_load %arg16[%parallel_loop3A_1015, %parallel_loop3A_1016] {strides = array<i32>} : memref<513x64xf32, #tpu.memory_space<vmem>>, vector<16xf32>,
          tpu.vector_store %arg16[%parallel_loop3A_1015, %parallel_loop3A_1016], %parallel_loop3A_1005 {strides = array<i32>} : memref<513x64xf32, #tpu.memory_space<vmem>>, vector<16xf32>,
          %parallel_loop3A_1018 = arith.index_cast %parallel_loop3A_999 : i32 to index
          %parallel_loop3A_1019 = arith.constant 32 : index
          %parallel_loop3A_1020 = tpu.vector_load %arg16[%parallel_loop3A_1018, %parallel_loop3A_1019] {strides = array<i32>} : memref<513x64xf32, #tpu.memory_space<vmem>>, vector<16xf32>,
          tpu.vector_store %arg16[%parallel_loop3A_1018, %parallel_loop3A_1019], %parallel_loop3A_1008 {strides = array<i32>} : memref<513x64xf32, #tpu.memory_space<vmem>>, vector<16xf32>,
          %parallel_loop3A_1021 = arith.index_cast %parallel_loop3A_999 : i32 to index
          %parallel_loop3A_1022 = arith.constant 48 : index
          %parallel_loop3A_1023 = tpu.vector_load %arg16[%parallel_loop3A_1021, %parallel_loop3A_1022] {strides = array<i32>} : memref<513x64xf32, #tpu.memory_space<vmem>>, vector<16xf32>,
          tpu.vector_store %arg16[%parallel_loop3A_1021, %parallel_loop3A_1022], %parallel_loop3A_1011 {strides = array<i32>} : memref<513x64xf32, #tpu.memory_space<vmem>>, vector<16xf32>,
          %parallel_loop3A_1024 = vector.extract_strided_slice %parallel_loop3A_783 {offsets = [1], sizes = [1], strides = [1]} : vector<16xf32> to vector<1xf32>
          %parallel_loop3A_1025 = vector.extract %parallel_loop3A_1024[0] : f32 from vector<1xf32>
          %parallel_loop3A_1026 = vector.extract_strided_slice %parallel_loop3A_803 {offsets = [1], sizes = [1], strides = [1]} : vector<16xi32> to vector<1xi32>
          %parallel_loop3A_1027 = vector.extract %parallel_loop3A_1026[0] : i32 from vector<1xi32>
          %parallel_loop3A_1028 = vector.broadcast %parallel_loop3A_1025 : f32 to vector<16xf32>
          %parallel_loop3A_1029 = arith.mulf %parallel_loop3A_1002, %parallel_loop3A_1028 : vector<16xf32>
          %parallel_loop3A_1030 = arith.addf %parallel_loop3A_1029, %parallel_loop3A_836 : vector<16xf32>
          %parallel_loop3A_1031 = vector.broadcast %parallel_loop3A_1025 : f32 to vector<16xf32>
          %parallel_loop3A_1032 = arith.mulf %parallel_loop3A_1005, %parallel_loop3A_1031 : vector<16xf32>
          %parallel_loop3A_1033 = arith.addf %parallel_loop3A_1032, %parallel_loop3A_841 : vector<16xf32>
          %parallel_loop3A_1034 = vector.broadcast %parallel_loop3A_1025 : f32 to vector<16xf32>
          %parallel_loop3A_1035 = arith.mulf %parallel_loop3A_1008, %parallel_loop3A_1034 : vector<16xf32>
          %parallel_loop3A_1036 = arith.addf %parallel_loop3A_1035, %parallel_loop3A_846 : vector<16xf32>
          %parallel_loop3A_1037 = vector.broadcast %parallel_loop3A_1025 : f32 to vector<16xf32>
          %parallel_loop3A_1038 = arith.mulf %parallel_loop3A_1011, %parallel_loop3A_1037 : vector<16xf32>
          %parallel_loop3A_1039 = arith.addf %parallel_loop3A_1038, %parallel_loop3A_851 : vector<16xf32>
          %parallel_loop3A_1040 = arith.index_cast %parallel_loop3A_1027 : i32 to index
          %parallel_loop3A_1041 = arith.constant 0 : index
          %parallel_loop3A_1042 = tpu.vector_load %arg16[%parallel_loop3A_1040, %parallel_loop3A_1041] {strides = array<i32>} : memref<513x64xf32, #tpu.memory_space<vmem>>, vector<16xf32>,
          tpu.vector_store %arg16[%parallel_loop3A_1040, %parallel_loop3A_1041], %parallel_loop3A_1030 {strides = array<i32>} : memref<513x64xf32, #tpu.memory_space<vmem>>, vector<16xf32>,
          %parallel_loop3A_1043 = arith.index_cast %parallel_loop3A_1027 : i32 to index
          %parallel_loop3A_1044 = arith.constant 16 : index
          %parallel_loop3A_1045 = tpu.vector_load %arg16[%parallel_loop3A_1043, %parallel_loop3A_1044] {strides = array<i32>} : memref<513x64xf32, #tpu.memory_space<vmem>>, vector<16xf32>,
          tpu.vector_store %arg16[%parallel_loop3A_1043, %parallel_loop3A_1044], %parallel_loop3A_1033 {strides = array<i32>} : memref<513x64xf32, #tpu.memory_space<vmem>>, vector<16xf32>,
          %parallel_loop3A_1046 = arith.index_cast %parallel_loop3A_1027 : i32 to index
          %parallel_loop3A_1047 = arith.constant 32 : index
          %parallel_loop3A_1048 = tpu.vector_load %arg16[%parallel_loop3A_1046, %parallel_loop3A_1047] {strides = array<i32>} : memref<513x64xf32, #tpu.memory_space<vmem>>, vector<16xf32>,
          tpu.vector_store %arg16[%parallel_loop3A_1046, %parallel_loop3A_1047], %parallel_loop3A_1036 {strides = array<i32>} : memref<513x64xf32, #tpu.memory_space<vmem>>, vector<16xf32>,
          %parallel_loop3A_1049 = arith.index_cast %parallel_loop3A_1027 : i32 to index
          %parallel_loop3A_1050 = arith.constant 48 : index
          %parallel_loop3A_1051 = tpu.vector_load %arg16[%parallel_loop3A_1049, %parallel_loop3A_1050] {strides = array<i32>} : memref<513x64xf32, #tpu.memory_space<vmem>>, vector<16xf32>,
          tpu.vector_store %arg16[%parallel_loop3A_1049, %parallel_loop3A_1050], %parallel_loop3A_1039 {strides = array<i32>} : memref<513x64xf32, #tpu.memory_space<vmem>>, vector<16xf32>,
          %parallel_loop3A_1052 = vector.extract_strided_slice %parallel_loop3A_783 {offsets = [2], sizes = [1], strides = [1]} : vector<16xf32> to vector<1xf32>
          %parallel_loop3A_1053 = vector.extract %parallel_loop3A_1052[0] : f32 from vector<1xf32>
          %parallel_loop3A_1054 = vector.extract_strided_slice %parallel_loop3A_803 {offsets = [2], sizes = [1], strides = [1]} : vector<16xi32> to vector<1xi32>
          %parallel_loop3A_1055 = vector.extract %parallel_loop3A_1054[0] : i32 from vector<1xi32>
          %parallel_loop3A_1056 = vector.broadcast %parallel_loop3A_1053 : f32 to vector<16xf32>
          %parallel_loop3A_1057 = arith.mulf %parallel_loop3A_1030, %parallel_loop3A_1056 : vector<16xf32>
          %parallel_loop3A_1058 = arith.addf %parallel_loop3A_1057, %parallel_loop3A_860 : vector<16xf32>
          %parallel_loop3A_1059 = vector.broadcast %parallel_loop3A_1053 : f32 to vector<16xf32>
          %parallel_loop3A_1060 = arith.mulf %parallel_loop3A_1033, %parallel_loop3A_1059 : vector<16xf32>
          %parallel_loop3A_1061 = arith.addf %parallel_loop3A_1060, %parallel_loop3A_865 : vector<16xf32>
          %parallel_loop3A_1062 = vector.broadcast %parallel_loop3A_1053 : f32 to vector<16xf32>
          %parallel_loop3A_1063 = arith.mulf %parallel_loop3A_1036, %parallel_loop3A_1062 : vector<16xf32>
          %parallel_loop3A_1064 = arith.addf %parallel_loop3A_1063, %parallel_loop3A_870 : vector<16xf32>
          %parallel_loop3A_1065 = vector.broadcast %parallel_loop3A_1053 : f32 to vector<16xf32>
          %parallel_loop3A_1066 = arith.mulf %parallel_loop3A_1039, %parallel_loop3A_1065 : vector<16xf32>
          %parallel_loop3A_1067 = arith.addf %parallel_loop3A_1066, %parallel_loop3A_875 : vector<16xf32>
          %parallel_loop3A_1068 = arith.index_cast %parallel_loop3A_1055 : i32 to index
          %parallel_loop3A_1069 = arith.constant 0 : index
          %parallel_loop3A_1070 = tpu.vector_load %arg16[%parallel_loop3A_1068, %parallel_loop3A_1069] {strides = array<i32>} : memref<513x64xf32, #tpu.memory_space<vmem>>, vector<16xf32>,
          tpu.vector_store %arg16[%parallel_loop3A_1068, %parallel_loop3A_1069], %parallel_loop3A_1058 {strides = array<i32>} : memref<513x64xf32, #tpu.memory_space<vmem>>, vector<16xf32>,
          %parallel_loop3A_1071 = arith.index_cast %parallel_loop3A_1055 : i32 to index
          %parallel_loop3A_1072 = arith.constant 16 : index
          %parallel_loop3A_1073 = tpu.vector_load %arg16[%parallel_loop3A_1071, %parallel_loop3A_1072] {strides = array<i32>} : memref<513x64xf32, #tpu.memory_space<vmem>>, vector<16xf32>,
          tpu.vector_store %arg16[%parallel_loop3A_1071, %parallel_loop3A_1072], %parallel_loop3A_1061 {strides = array<i32>} : memref<513x64xf32, #tpu.memory_space<vmem>>, vector<16xf32>,
          %parallel_loop3A_1074 = arith.index_cast %parallel_loop3A_1055 : i32 to index
          %parallel_loop3A_1075 = arith.constant 32 : index
          %parallel_loop3A_1076 = tpu.vector_load %arg16[%parallel_loop3A_1074, %parallel_loop3A_1075] {strides = array<i32>} : memref<513x64xf32, #tpu.memory_space<vmem>>, vector<16xf32>,
          tpu.vector_store %arg16[%parallel_loop3A_1074, %parallel_loop3A_1075], %parallel_loop3A_1064 {strides = array<i32>} : memref<513x64xf32, #tpu.memory_space<vmem>>, vector<16xf32>,
          %parallel_loop3A_1077 = arith.index_cast %parallel_loop3A_1055 : i32 to index
          %parallel_loop3A_1078 = arith.constant 48 : index
          %parallel_loop3A_1079 = tpu.vector_load %arg16[%parallel_loop3A_1077, %parallel_loop3A_1078] {strides = array<i32>} : memref<513x64xf32, #tpu.memory_space<vmem>>, vector<16xf32>,
          tpu.vector_store %arg16[%parallel_loop3A_1077, %parallel_loop3A_1078], %parallel_loop3A_1067 {strides = array<i32>} : memref<513x64xf32, #tpu.memory_space<vmem>>, vector<16xf32>,
          %parallel_loop3A_1080 = vector.extract_strided_slice %parallel_loop3A_783 {offsets = [3], sizes = [1], strides = [1]} : vector<16xf32> to vector<1xf32>
          %parallel_loop3A_1081 = vector.extract %parallel_loop3A_1080[0] : f32 from vector<1xf32>
          %parallel_loop3A_1082 = vector.extract_strided_slice %parallel_loop3A_803 {offsets = [3], sizes = [1], strides = [1]} : vector<16xi32> to vector<1xi32>
          %parallel_loop3A_1083 = vector.extract %parallel_loop3A_1082[0] : i32 from vector<1xi32>
          %parallel_loop3A_1084 = vector.broadcast %parallel_loop3A_1081 : f32 to vector<16xf32>
          %parallel_loop3A_1085 = arith.mulf %parallel_loop3A_1058, %parallel_loop3A_1084 : vector<16xf32>
          %parallel_loop3A_1086 = arith.addf %parallel_loop3A_1085, %parallel_loop3A_884 : vector<16xf32>
          %parallel_loop3A_1087 = vector.broadcast %parallel_loop3A_1081 : f32 to vector<16xf32>
          %parallel_loop3A_1088 = arith.mulf %parallel_loop3A_1061, %parallel_loop3A_1087 : vector<16xf32>
          %parallel_loop3A_1089 = arith.addf %parallel_loop3A_1088, %parallel_loop3A_889 : vector<16xf32>
          %parallel_loop3A_1090 = vector.broadcast %parallel_loop3A_1081 : f32 to vector<16xf32>
          %parallel_loop3A_1091 = arith.mulf %parallel_loop3A_1064, %parallel_loop3A_1090 : vector<16xf32>
          %parallel_loop3A_1092 = arith.addf %parallel_loop3A_1091, %parallel_loop3A_894 : vector<16xf32>
          %parallel_loop3A_1093 = vector.broadcast %parallel_loop3A_1081 : f32 to vector<16xf32>
          %parallel_loop3A_1094 = arith.mulf %parallel_loop3A_1067, %parallel_loop3A_1093 : vector<16xf32>
          %parallel_loop3A_1095 = arith.addf %parallel_loop3A_1094, %parallel_loop3A_899 : vector<16xf32>
          %parallel_loop3A_1096 = arith.index_cast %parallel_loop3A_1083 : i32 to index
          %parallel_loop3A_1097 = arith.constant 0 : index
          %parallel_loop3A_1098 = tpu.vector_load %arg16[%parallel_loop3A_1096, %parallel_loop3A_1097] {strides = array<i32>} : memref<513x64xf32, #tpu.memory_space<vmem>>, vector<16xf32>,
          tpu.vector_store %arg16[%parallel_loop3A_1096, %parallel_loop3A_1097], %parallel_loop3A_1086 {strides = array<i32>} : memref<513x64xf32, #tpu.memory_space<vmem>>, vector<16xf32>,
          %parallel_loop3A_1099 = arith.index_cast %parallel_loop3A_1083 : i32 to index
          %parallel_loop3A_1100 = arith.constant 16 : index
          %parallel_loop3A_1101 = tpu.vector_load %arg16[%parallel_loop3A_1099, %parallel_loop3A_1100] {strides = array<i32>} : memref<513x64xf32, #tpu.memory_space<vmem>>, vector<16xf32>,
          tpu.vector_store %arg16[%parallel_loop3A_1099, %parallel_loop3A_1100], %parallel_loop3A_1089 {strides = array<i32>} : memref<513x64xf32, #tpu.memory_space<vmem>>, vector<16xf32>,
          %parallel_loop3A_1102 = arith.index_cast %parallel_loop3A_1083 : i32 to index
          %parallel_loop3A_1103 = arith.constant 32 : index
          %parallel_loop3A_1104 = tpu.vector_load %arg16[%parallel_loop3A_1102, %parallel_loop3A_1103] {strides = array<i32>} : memref<513x64xf32, #tpu.memory_space<vmem>>, vector<16xf32>,
          tpu.vector_store %arg16[%parallel_loop3A_1102, %parallel_loop3A_1103], %parallel_loop3A_1092 {strides = array<i32>} : memref<513x64xf32, #tpu.memory_space<vmem>>, vector<16xf32>,
          %parallel_loop3A_1105 = arith.index_cast %parallel_loop3A_1083 : i32 to index
          %parallel_loop3A_1106 = arith.constant 48 : index
          %parallel_loop3A_1107 = tpu.vector_load %arg16[%parallel_loop3A_1105, %parallel_loop3A_1106] {strides = array<i32>} : memref<513x64xf32, #tpu.memory_space<vmem>>, vector<16xf32>,
          tpu.vector_store %arg16[%parallel_loop3A_1105, %parallel_loop3A_1106], %parallel_loop3A_1095 {strides = array<i32>} : memref<513x64xf32, #tpu.memory_space<vmem>>, vector<16xf32>,
          %parallel_loop3A_1108 = vector.extract_strided_slice %parallel_loop3A_783 {offsets = [4], sizes = [1], strides = [1]} : vector<16xf32> to vector<1xf32>
          %parallel_loop3A_1109 = vector.extract %parallel_loop3A_1108[0] : f32 from vector<1xf32>
          %parallel_loop3A_1110 = vector.extract_strided_slice %parallel_loop3A_803 {offsets = [4], sizes = [1], strides = [1]} : vector<16xi32> to vector<1xi32>
          %parallel_loop3A_1111 = vector.extract %parallel_loop3A_1110[0] : i32 from vector<1xi32>
          %parallel_loop3A_1112 = vector.broadcast %parallel_loop3A_1109 : f32 to vector<16xf32>
          %parallel_loop3A_1113 = arith.mulf %parallel_loop3A_1086, %parallel_loop3A_1112 : vector<16xf32>
          %parallel_loop3A_1114 = arith.addf %parallel_loop3A_1113, %parallel_loop3A_908 : vector<16xf32>
          %parallel_loop3A_1115 = vector.broadcast %parallel_loop3A_1109 : f32 to vector<16xf32>
          %parallel_loop3A_1116 = arith.mulf %parallel_loop3A_1089, %parallel_loop3A_1115 : vector<16xf32>
          %parallel_loop3A_1117 = arith.addf %parallel_loop3A_1116, %parallel_loop3A_913 : vector<16xf32>
          %parallel_loop3A_1118 = vector.broadcast %parallel_loop3A_1109 : f32 to vector<16xf32>
          %parallel_loop3A_1119 = arith.mulf %parallel_loop3A_1092, %parallel_loop3A_1118 : vector<16xf32>
          %parallel_loop3A_1120 = arith.addf %parallel_loop3A_1119, %parallel_loop3A_918 : vector<16xf32>
          %parallel_loop3A_1121 = vector.broadcast %parallel_loop3A_1109 : f32 to vector<16xf32>
          %parallel_loop3A_1122 = arith.mulf %parallel_loop3A_1095, %parallel_loop3A_1121 : vector<16xf32>
          %parallel_loop3A_1123 = arith.addf %parallel_loop3A_1122, %parallel_loop3A_923 : vector<16xf32>
          %parallel_loop3A_1124 = arith.index_cast %parallel_loop3A_1111 : i32 to index
          %parallel_loop3A_1125 = arith.constant 0 : index
          %parallel_loop3A_1126 = tpu.vector_load %arg16[%parallel_loop3A_1124, %parallel_loop3A_1125] {strides = array<i32>} : memref<513x64xf32, #tpu.memory_space<vmem>>, vector<16xf32>,
          tpu.vector_store %arg16[%parallel_loop3A_1124, %parallel_loop3A_1125], %parallel_loop3A_1114 {strides = array<i32>} : memref<513x64xf32, #tpu.memory_space<vmem>>, vector<16xf32>,
          %parallel_loop3A_1127 = arith.index_cast %parallel_loop3A_1111 : i32 to index
          %parallel_loop3A_1128 = arith.constant 16 : index
          %parallel_loop3A_1129 = tpu.vector_load %arg16[%parallel_loop3A_1127, %parallel_loop3A_1128] {strides = array<i32>} : memref<513x64xf32, #tpu.memory_space<vmem>>, vector<16xf32>,
          tpu.vector_store %arg16[%parallel_loop3A_1127, %parallel_loop3A_1128], %parallel_loop3A_1117 {strides = array<i32>} : memref<513x64xf32, #tpu.memory_space<vmem>>, vector<16xf32>,
          %parallel_loop3A_1130 = arith.index_cast %parallel_loop3A_1111 : i32 to index
          %parallel_loop3A_1131 = arith.constant 32 : index
          %parallel_loop3A_1132 = tpu.vector_load %arg16[%parallel_loop3A_1130, %parallel_loop3A_1131] {strides = array<i32>} : memref<513x64xf32, #tpu.memory_space<vmem>>, vector<16xf32>,
          tpu.vector_store %arg16[%parallel_loop3A_1130, %parallel_loop3A_1131], %parallel_loop3A_1120 {strides = array<i32>} : memref<513x64xf32, #tpu.memory_space<vmem>>, vector<16xf32>,
          %parallel_loop3A_1133 = arith.index_cast %parallel_loop3A_1111 : i32 to index
          %parallel_loop3A_1134 = arith.constant 48 : index
          %parallel_loop3A_1135 = tpu.vector_load %arg16[%parallel_loop3A_1133, %parallel_loop3A_1134] {strides = array<i32>} : memref<513x64xf32, #tpu.memory_space<vmem>>, vector<16xf32>,
          tpu.vector_store %arg16[%parallel_loop3A_1133, %parallel_loop3A_1134], %parallel_loop3A_1123 {strides = array<i32>} : memref<513x64xf32, #tpu.memory_space<vmem>>, vector<16xf32>,
          %parallel_loop3A_1136 = vector.extract_strided_slice %parallel_loop3A_783 {offsets = [5], sizes = [1], strides = [1]} : vector<16xf32> to vector<1xf32>
          %parallel_loop3A_1137 = vector.extract %parallel_loop3A_1136[0] : f32 from vector<1xf32>
          %parallel_loop3A_1138 = vector.extract_strided_slice %parallel_loop3A_803 {offsets = [5], sizes = [1], strides = [1]} : vector<16xi32> to vector<1xi32>
          %parallel_loop3A_1139 = vector.extract %parallel_loop3A_1138[0] : i32 from vector<1xi32>
          %parallel_loop3A_1140 = vector.broadcast %parallel_loop3A_1137 : f32 to vector<16xf32>
          %parallel_loop3A_1141 = arith.mulf %parallel_loop3A_1114, %parallel_loop3A_1140 : vector<16xf32>
          %parallel_loop3A_1142 = arith.addf %parallel_loop3A_1141, %parallel_loop3A_932 : vector<16xf32>
          %parallel_loop3A_1143 = vector.broadcast %parallel_loop3A_1137 : f32 to vector<16xf32>
          %parallel_loop3A_1144 = arith.mulf %parallel_loop3A_1117, %parallel_loop3A_1143 : vector<16xf32>
          %parallel_loop3A_1145 = arith.addf %parallel_loop3A_1144, %parallel_loop3A_937 : vector<16xf32>
          %parallel_loop3A_1146 = vector.broadcast %parallel_loop3A_1137 : f32 to vector<16xf32>
          %parallel_loop3A_1147 = arith.mulf %parallel_loop3A_1120, %parallel_loop3A_1146 : vector<16xf32>
          %parallel_loop3A_1148 = arith.addf %parallel_loop3A_1147, %parallel_loop3A_942 : vector<16xf32>
          %parallel_loop3A_1149 = vector.broadcast %parallel_loop3A_1137 : f32 to vector<16xf32>
          %parallel_loop3A_1150 = arith.mulf %parallel_loop3A_1123, %parallel_loop3A_1149 : vector<16xf32>
          %parallel_loop3A_1151 = arith.addf %parallel_loop3A_1150, %parallel_loop3A_947 : vector<16xf32>
          %parallel_loop3A_1152 = arith.index_cast %parallel_loop3A_1139 : i32 to index
          %parallel_loop3A_1153 = arith.constant 0 : index
          %parallel_loop3A_1154 = tpu.vector_load %arg16[%parallel_loop3A_1152, %parallel_loop3A_1153] {strides = array<i32>} : memref<513x64xf32, #tpu.memory_space<vmem>>, vector<16xf32>,
          tpu.vector_store %arg16[%parallel_loop3A_1152, %parallel_loop3A_1153], %parallel_loop3A_1142 {strides = array<i32>} : memref<513x64xf32, #tpu.memory_space<vmem>>, vector<16xf32>,
          %parallel_loop3A_1155 = arith.index_cast %parallel_loop3A_1139 : i32 to index
          %parallel_loop3A_1156 = arith.constant 16 : index
          %parallel_loop3A_1157 = tpu.vector_load %arg16[%parallel_loop3A_1155, %parallel_loop3A_1156] {strides = array<i32>} : memref<513x64xf32, #tpu.memory_space<vmem>>, vector<16xf32>,
          tpu.vector_store %arg16[%parallel_loop3A_1155, %parallel_loop3A_1156], %parallel_loop3A_1145 {strides = array<i32>} : memref<513x64xf32, #tpu.memory_space<vmem>>, vector<16xf32>,
          %parallel_loop3A_1158 = arith.index_cast %parallel_loop3A_1139 : i32 to index
          %parallel_loop3A_1159 = arith.constant 32 : index
          %parallel_loop3A_1160 = tpu.vector_load %arg16[%parallel_loop3A_1158, %parallel_loop3A_1159] {strides = array<i32>} : memref<513x64xf32, #tpu.memory_space<vmem>>, vector<16xf32>,
          tpu.vector_store %arg16[%parallel_loop3A_1158, %parallel_loop3A_1159], %parallel_loop3A_1148 {strides = array<i32>} : memref<513x64xf32, #tpu.memory_space<vmem>>, vector<16xf32>,
          %parallel_loop3A_1161 = arith.index_cast %parallel_loop3A_1139 : i32 to index
          %parallel_loop3A_1162 = arith.constant 48 : index
          %parallel_loop3A_1163 = tpu.vector_load %arg16[%parallel_loop3A_1161, %parallel_loop3A_1162] {strides = array<i32>} : memref<513x64xf32, #tpu.memory_space<vmem>>, vector<16xf32>,
          tpu.vector_store %arg16[%parallel_loop3A_1161, %parallel_loop3A_1162], %parallel_loop3A_1151 {strides = array<i32>} : memref<513x64xf32, #tpu.memory_space<vmem>>, vector<16xf32>,
          %parallel_loop3A_1164 = vector.extract_strided_slice %parallel_loop3A_783 {offsets = [6], sizes = [1], strides = [1]} : vector<16xf32> to vector<1xf32>
          %parallel_loop3A_1165 = vector.extract %parallel_loop3A_1164[0] : f32 from vector<1xf32>
          %parallel_loop3A_1166 = vector.extract_strided_slice %parallel_loop3A_803 {offsets = [6], sizes = [1], strides = [1]} : vector<16xi32> to vector<1xi32>
          %parallel_loop3A_1167 = vector.extract %parallel_loop3A_1166[0] : i32 from vector<1xi32>
          %parallel_loop3A_1168 = vector.broadcast %parallel_loop3A_1165 : f32 to vector<16xf32>
          %parallel_loop3A_1169 = arith.mulf %parallel_loop3A_1142, %parallel_loop3A_1168 : vector<16xf32>
          %parallel_loop3A_1170 = arith.addf %parallel_loop3A_1169, %parallel_loop3A_956 : vector<16xf32>
          %parallel_loop3A_1171 = vector.broadcast %parallel_loop3A_1165 : f32 to vector<16xf32>
          %parallel_loop3A_1172 = arith.mulf %parallel_loop3A_1145, %parallel_loop3A_1171 : vector<16xf32>
          %parallel_loop3A_1173 = arith.addf %parallel_loop3A_1172, %parallel_loop3A_961 : vector<16xf32>
          %parallel_loop3A_1174 = vector.broadcast %parallel_loop3A_1165 : f32 to vector<16xf32>
          %parallel_loop3A_1175 = arith.mulf %parallel_loop3A_1148, %parallel_loop3A_1174 : vector<16xf32>
          %parallel_loop3A_1176 = arith.addf %parallel_loop3A_1175, %parallel_loop3A_966 : vector<16xf32>
          %parallel_loop3A_1177 = vector.broadcast %parallel_loop3A_1165 : f32 to vector<16xf32>
          %parallel_loop3A_1178 = arith.mulf %parallel_loop3A_1151, %parallel_loop3A_1177 : vector<16xf32>
          %parallel_loop3A_1179 = arith.addf %parallel_loop3A_1178, %parallel_loop3A_971 : vector<16xf32>
          %parallel_loop3A_1180 = arith.index_cast %parallel_loop3A_1167 : i32 to index
          %parallel_loop3A_1181 = arith.constant 0 : index
          %parallel_loop3A_1182 = tpu.vector_load %arg16[%parallel_loop3A_1180, %parallel_loop3A_1181] {strides = array<i32>} : memref<513x64xf32, #tpu.memory_space<vmem>>, vector<16xf32>,
          tpu.vector_store %arg16[%parallel_loop3A_1180, %parallel_loop3A_1181], %parallel_loop3A_1170 {strides = array<i32>} : memref<513x64xf32, #tpu.memory_space<vmem>>, vector<16xf32>,
          %parallel_loop3A_1183 = arith.index_cast %parallel_loop3A_1167 : i32 to index
          %parallel_loop3A_1184 = arith.constant 16 : index
          %parallel_loop3A_1185 = tpu.vector_load %arg16[%parallel_loop3A_1183, %parallel_loop3A_1184] {strides = array<i32>} : memref<513x64xf32, #tpu.memory_space<vmem>>, vector<16xf32>,
          tpu.vector_store %arg16[%parallel_loop3A_1183, %parallel_loop3A_1184], %parallel_loop3A_1173 {strides = array<i32>} : memref<513x64xf32, #tpu.memory_space<vmem>>, vector<16xf32>,
          %parallel_loop3A_1186 = arith.index_cast %parallel_loop3A_1167 : i32 to index
          %parallel_loop3A_1187 = arith.constant 32 : index
          %parallel_loop3A_1188 = tpu.vector_load %arg16[%parallel_loop3A_1186, %parallel_loop3A_1187] {strides = array<i32>} : memref<513x64xf32, #tpu.memory_space<vmem>>, vector<16xf32>,
          tpu.vector_store %arg16[%parallel_loop3A_1186, %parallel_loop3A_1187], %parallel_loop3A_1176 {strides = array<i32>} : memref<513x64xf32, #tpu.memory_space<vmem>>, vector<16xf32>,
          %parallel_loop3A_1189 = arith.index_cast %parallel_loop3A_1167 : i32 to index
          %parallel_loop3A_1190 = arith.constant 48 : index
          %parallel_loop3A_1191 = tpu.vector_load %arg16[%parallel_loop3A_1189, %parallel_loop3A_1190] {strides = array<i32>} : memref<513x64xf32, #tpu.memory_space<vmem>>, vector<16xf32>,
          tpu.vector_store %arg16[%parallel_loop3A_1189, %parallel_loop3A_1190], %parallel_loop3A_1179 {strides = array<i32>} : memref<513x64xf32, #tpu.memory_space<vmem>>, vector<16xf32>,
          %parallel_loop3A_1192 = vector.extract_strided_slice %parallel_loop3A_783 {offsets = [7], sizes = [1], strides = [1]} : vector<16xf32> to vector<1xf32>
          %parallel_loop3A_1193 = vector.extract %parallel_loop3A_1192[0] : f32 from vector<1xf32>
          %parallel_loop3A_1194 = vector.extract_strided_slice %parallel_loop3A_803 {offsets = [7], sizes = [1], strides = [1]} : vector<16xi32> to vector<1xi32>
          %parallel_loop3A_1195 = vector.extract %parallel_loop3A_1194[0] : i32 from vector<1xi32>
          %parallel_loop3A_1196 = vector.broadcast %parallel_loop3A_1193 : f32 to vector<16xf32>
          %parallel_loop3A_1197 = arith.mulf %parallel_loop3A_1170, %parallel_loop3A_1196 : vector<16xf32>
          %parallel_loop3A_1198 = arith.addf %parallel_loop3A_1197, %parallel_loop3A_980 : vector<16xf32>
          %parallel_loop3A_1199 = vector.broadcast %parallel_loop3A_1193 : f32 to vector<16xf32>
          %parallel_loop3A_1200 = arith.mulf %parallel_loop3A_1173, %parallel_loop3A_1199 : vector<16xf32>
          %parallel_loop3A_1201 = arith.addf %parallel_loop3A_1200, %parallel_loop3A_985 : vector<16xf32>
          %parallel_loop3A_1202 = vector.broadcast %parallel_loop3A_1193 : f32 to vector<16xf32>
          %parallel_loop3A_1203 = arith.mulf %parallel_loop3A_1176, %parallel_loop3A_1202 : vector<16xf32>
          %parallel_loop3A_1204 = arith.addf %parallel_loop3A_1203, %parallel_loop3A_990 : vector<16xf32>
          %parallel_loop3A_1205 = vector.broadcast %parallel_loop3A_1193 : f32 to vector<16xf32>
          %parallel_loop3A_1206 = arith.mulf %parallel_loop3A_1179, %parallel_loop3A_1205 : vector<16xf32>
          %parallel_loop3A_1207 = arith.addf %parallel_loop3A_1206, %parallel_loop3A_995 : vector<16xf32>
          %parallel_loop3A_1208 = arith.index_cast %parallel_loop3A_1195 : i32 to index
          %parallel_loop3A_1209 = arith.constant 0 : index
          %parallel_loop3A_1210 = tpu.vector_load %arg16[%parallel_loop3A_1208, %parallel_loop3A_1209] {strides = array<i32>} : memref<513x64xf32, #tpu.memory_space<vmem>>, vector<16xf32>,
          tpu.vector_store %arg16[%parallel_loop3A_1208, %parallel_loop3A_1209], %parallel_loop3A_1198 {strides = array<i32>} : memref<513x64xf32, #tpu.memory_space<vmem>>, vector<16xf32>,
          %parallel_loop3A_1211 = arith.index_cast %parallel_loop3A_1195 : i32 to index
          %parallel_loop3A_1212 = arith.constant 16 : index
          %parallel_loop3A_1213 = tpu.vector_load %arg16[%parallel_loop3A_1211, %parallel_loop3A_1212] {strides = array<i32>} : memref<513x64xf32, #tpu.memory_space<vmem>>, vector<16xf32>,
          tpu.vector_store %arg16[%parallel_loop3A_1211, %parallel_loop3A_1212], %parallel_loop3A_1201 {strides = array<i32>} : memref<513x64xf32, #tpu.memory_space<vmem>>, vector<16xf32>,
          %parallel_loop3A_1214 = arith.index_cast %parallel_loop3A_1195 : i32 to index
          %parallel_loop3A_1215 = arith.constant 32 : index
          %parallel_loop3A_1216 = tpu.vector_load %arg16[%parallel_loop3A_1214, %parallel_loop3A_1215] {strides = array<i32>} : memref<513x64xf32, #tpu.memory_space<vmem>>, vector<16xf32>,
          tpu.vector_store %arg16[%parallel_loop3A_1214, %parallel_loop3A_1215], %parallel_loop3A_1204 {strides = array<i32>} : memref<513x64xf32, #tpu.memory_space<vmem>>, vector<16xf32>,
          %parallel_loop3A_1217 = arith.index_cast %parallel_loop3A_1195 : i32 to index
          %parallel_loop3A_1218 = arith.constant 48 : index
          %parallel_loop3A_1219 = tpu.vector_load %arg16[%parallel_loop3A_1217, %parallel_loop3A_1218] {strides = array<i32>} : memref<513x64xf32, #tpu.memory_space<vmem>>, vector<16xf32>,
          tpu.vector_store %arg16[%parallel_loop3A_1217, %parallel_loop3A_1218], %parallel_loop3A_1207 {strides = array<i32>} : memref<513x64xf32, #tpu.memory_space<vmem>>, vector<16xf32>,
          scf.yield %parallel_loop3A_1198, %parallel_loop3A_1201, %parallel_loop3A_1204, %parallel_loop3A_1207 : vector<16xf32>, vector<16xf32>, vector<16xf32>, vector<16xf32>
        } {sc.loop_unroll_factor = 1 : i64, sc.parallel_access}
        %get3A_694 = arith.constant 512 : index
        %get3A_695 = tpu.vector_load %arg13[%get3A_694] {strides = array<i32>} : memref<544xi32, #tpu.memory_space<vmem>>, vector<16xi32>,
        %swap3A_696 = arith.constant 0 : index
        %swap3A_697 = tpu.vector_load %arg12[%swap3A_696] {strides = array<i32>} : memref<544xi32, #tpu.memory_space<vmem>>, vector<16xi32>,
        tpu.vector_store %arg12[%swap3A_696], %get3A_695 {strides = array<i32>} : memref<544xi32, #tpu.memory_space<vmem>>, vector<16xi32>,
        %add3A_698 = arith.constant 3 : i32
        %add3A_699 = arith.addi %add3A_391, %add3A_698 : i32
        %mul3A_700 = arith.constant 512 : i32
        %mul3A_701 = arith.muli %add3A_699, %mul3A_700 : i32
        %min3A_702 = arith.constant 4193792 : i32
        %min3A_703 = arith.minsi %mul3A_701, %min3A_702 : i32
        %dma_start3A_704 = arith.constant 16 : i32
        %dma_start3A_705 = tpu.memref_slice %arg13[%dma_start3A_704] : memref<544xi32, #tpu.memory_space<vmem>> -> memref<512xi32, #tpu.memory_space<vmem>>
        %dma_start3A_706 = tpu.memref_slice %arg3[%min3A_703] : memref<4194304xi32, #tpu.memory_space<hbm>> -> memref<512xi32, #tpu.memory_space<hbm>>
        %dma_start3A_707 = arith.constant 16 : i32
        %dma_start3A_708 = tpu.memref_slice %arg13[%dma_start3A_707] : memref<544xi32, #tpu.memory_space<vmem>> -> memref<512xi32, #tpu.memory_space<vmem>>
        %dma_start3A_709 = tpu.memref_slice %arg3[%min3A_703] : memref<4194304xi32, #tpu.memory_space<hbm>> -> memref<512xi32, #tpu.memory_space<hbm>>
        tpu.enqueue_dma source(%dma_start3A_709 : memref<512xi32, #tpu.memory_space<hbm>>) target(%dma_start3A_708 : memref<512xi32, #tpu.memory_space<vmem>>) target_semaphore(%arg21 : memref<!tpu.dma_semaphore, #tpu.memory_space<semaphore_mem>>)
        %dma_start3A_710 = arith.constant 0 : i32
        %dma_start3A_711 = tpu.memref_slice %arg15[%dma_start3A_710] : memref<528xf32, #tpu.memory_space<vmem>> -> memref<512xf32, #tpu.memory_space<vmem>>
        %dma_start3A_712 = tpu.memref_slice %arg2[%min3A_703] : memref<4194304xf32, #tpu.memory_space<hbm>> -> memref<512xf32, #tpu.memory_space<hbm>>
        %dma_start3A_713 = arith.constant 0 : i32
        %dma_start3A_714 = tpu.memref_slice %arg15[%dma_start3A_713] : memref<528xf32, #tpu.memory_space<vmem>> -> memref<512xf32, #tpu.memory_space<vmem>>
        %dma_start3A_715 = tpu.memref_slice %arg2[%min3A_703] : memref<4194304xf32, #tpu.memory_space<hbm>> -> memref<512xf32, #tpu.memory_space<hbm>>
        tpu.enqueue_dma source(%dma_start3A_715 : memref<512xf32, #tpu.memory_space<hbm>>) target(%dma_start3A_714 : memref<512xf32, #tpu.memory_space<vmem>>) target_semaphore(%arg21 : memref<!tpu.dma_semaphore, #tpu.memory_space<semaphore_mem>>)
        %dma_wait3A_716 = arith.constant 0 : i32
        %dma_wait3A_717 = tpu.memref_slice %arg4[%dma_wait3A_716] : memref<4194304xi32, #tpu.memory_space<hbm>> -> memref<512xi32, #tpu.memory_space<hbm>>
        %dma_wait3A_718 = arith.constant 0 : i32
        %dma_wait3A_719 = tpu.memref_slice %arg4[%dma_wait3A_718] : memref<4194304xi32, #tpu.memory_space<hbm>> -> memref<512xi32, #tpu.memory_space<hbm>>
        tpu.wait_dma2 semaphore(%arg19 : memref<!tpu.dma_semaphore, #tpu.memory_space<semaphore_mem>>) src(%dma_wait3A_719 : memref<512xi32, #tpu.memory_space<hbm>>) dst(%arg9 : memref<512xi32, #tpu.memory_space<vmem>>)
        %dma_start3A_720 = arith.constant 0 : i32
        %dma_start3A_721 = arith.constant 0 : i32
        %dma_start3A_722 = tpu.memref_slice %arg11[%dma_start3A_720, %dma_start3A_721] : memref<512x64xf32, #tpu.memory_space<vmem>> -> memref<128x64xf32, #tpu.memory_space<vmem>>
        %dma_start3A_723 = arith.constant 0 : i32
        %dma_start3A_724 = tpu.memref_slice %arg9[%dma_start3A_723] : memref<512xi32, #tpu.memory_space<vmem>> -> memref<128xi32, #tpu.memory_space<vmem>>
        %dma_start3A_725 = arith.constant 0 : i32
        %dma_start3A_726 = arith.constant 0 : i32
        %dma_start3A_727 = tpu.memref_slice %arg5[%dma_start3A_725, %dma_start3A_726] : memref<65536x64xf32, #tpu.memory_space<hbm>> -> memref<65536x64xf32, #tpu.memory_space<hbm>>
        tpu.enqueue_indirect_dma source(%dma_start3A_727 : memref<65536x64xf32, #tpu.memory_space<hbm>>) target(%dma_start3A_722 : memref<128x64xf32, #tpu.memory_space<vmem>>) offsets(%dma_start3A_724 : memref<128xi32, #tpu.memory_space<vmem>>) semaphore(%arg23 : memref<!tpu.dma_semaphore, #tpu.memory_space<semaphore_mem>>)
        %dma_start3A_728 = arith.constant 128 : i32
        %dma_start3A_729 = arith.constant 0 : i32
        %dma_start3A_730 = tpu.memref_slice %arg11[%dma_start3A_728, %dma_start3A_729] : memref<512x64xf32, #tpu.memory_space<vmem>> -> memref<128x64xf32, #tpu.memory_space<vmem>>
        %dma_start3A_731 = arith.constant 128 : i32
        %dma_start3A_732 = tpu.memref_slice %arg9[%dma_start3A_731] : memref<512xi32, #tpu.memory_space<vmem>> -> memref<128xi32, #tpu.memory_space<vmem>>
        %dma_start3A_733 = arith.constant 0 : i32
        %dma_start3A_734 = arith.constant 0 : i32
        %dma_start3A_735 = tpu.memref_slice %arg5[%dma_start3A_733, %dma_start3A_734] : memref<65536x64xf32, #tpu.memory_space<hbm>> -> memref<65536x64xf32, #tpu.memory_space<hbm>>
        tpu.enqueue_indirect_dma source(%dma_start3A_735 : memref<65536x64xf32, #tpu.memory_space<hbm>>) target(%dma_start3A_730 : memref<128x64xf32, #tpu.memory_space<vmem>>) offsets(%dma_start3A_732 : memref<128xi32, #tpu.memory_space<vmem>>) semaphore(%arg23 : memref<!tpu.dma_semaphore, #tpu.memory_space<semaphore_mem>>)
        %dma_start3A_736 = arith.constant 256 : i32
        %dma_start3A_737 = arith.constant 0 : i32
        %dma_start3A_738 = tpu.memref_slice %arg11[%dma_start3A_736, %dma_start3A_737] : memref<512x64xf32, #tpu.memory_space<vmem>> -> memref<128x64xf32, #tpu.memory_space<vmem>>
        %dma_start3A_739 = arith.constant 256 : i32
        %dma_start3A_740 = tpu.memref_slice %arg9[%dma_start3A_739] : memref<512xi32, #tpu.memory_space<vmem>> -> memref<128xi32, #tpu.memory_space<vmem>>
        %dma_start3A_741 = arith.constant 0 : i32
        %dma_start3A_742 = arith.constant 0 : i32
        %dma_start3A_743 = tpu.memref_slice %arg5[%dma_start3A_741, %dma_start3A_742] : memref<65536x64xf32, #tpu.memory_space<hbm>> -> memref<65536x64xf32, #tpu.memory_space<hbm>>
        tpu.enqueue_indirect_dma source(%dma_start3A_743 : memref<65536x64xf32, #tpu.memory_space<hbm>>) target(%dma_start3A_738 : memref<128x64xf32, #tpu.memory_space<vmem>>) offsets(%dma_start3A_740 : memref<128xi32, #tpu.memory_space<vmem>>) semaphore(%arg23 : memref<!tpu.dma_semaphore, #tpu.memory_space<semaphore_mem>>)
        %dma_start3A_744 = arith.constant 384 : i32
        %dma_start3A_745 = arith.constant 0 : i32
        %dma_start3A_746 = tpu.memref_slice %arg11[%dma_start3A_744, %dma_start3A_745] : memref<512x64xf32, #tpu.memory_space<vmem>> -> memref<128x64xf32, #tpu.memory_space<vmem>>
        %dma_start3A_747 = arith.constant 384 : i32
        %dma_start3A_748 = tpu.memref_slice %arg9[%dma_start3A_747] : memref<512xi32, #tpu.memory_space<vmem>> -> memref<128xi32, #tpu.memory_space<vmem>>
        %dma_start3A_749 = arith.constant 0 : i32
        %dma_start3A_750 = arith.constant 0 : i32
        %dma_start3A_751 = tpu.memref_slice %arg5[%dma_start3A_749, %dma_start3A_750] : memref<65536x64xf32, #tpu.memory_space<hbm>> -> memref<65536x64xf32, #tpu.memory_space<hbm>>
        tpu.enqueue_indirect_dma source(%dma_start3A_751 : memref<65536x64xf32, #tpu.memory_space<hbm>>) target(%dma_start3A_746 : memref<128x64xf32, #tpu.memory_space<vmem>>) offsets(%dma_start3A_748 : memref<128xi32, #tpu.memory_space<vmem>>) semaphore(%arg23 : memref<!tpu.dma_semaphore, #tpu.memory_space<semaphore_mem>>)
        scf.yield %parallel_loop3A_693#0, %parallel_loop3A_693#1, %parallel_loop3A_693#2, %parallel_loop3A_693#3 : vector<16xf32>, vector<16xf32>, vector<16xf32>, vector<16xf32>
      }
      %dma_wait3A_287 = arith.constant 0 : i32
      %dma_wait3A_288 = arith.constant 0 : i32
      %dma_wait3A_289 = tpu.memref_slice %arg10[%dma_wait3A_287, %dma_wait3A_288] : memref<512x64xf32, #tpu.memory_space<vmem>> -> memref<128x64xf32, #tpu.memory_space<vmem>>
      %dma_wait3A_290 = arith.constant 0 : i32
      %dma_wait3A_291 = tpu.memref_slice %arg8[%dma_wait3A_290] : memref<512xi32, #tpu.memory_space<vmem>> -> memref<128xi32, #tpu.memory_space<vmem>>
      %dma_wait3A_292 = arith.constant 0 : i32
      %dma_wait3A_293 = arith.constant 0 : i32
      %dma_wait3A_294 = tpu.memref_slice %arg5[%dma_wait3A_292, %dma_wait3A_293] : memref<65536x64xf32, #tpu.memory_space<hbm>> -> memref<65536x64xf32, #tpu.memory_space<hbm>>
      tpu.wait_indirect_dma semaphore(%arg22 : memref<!tpu.dma_semaphore, #tpu.memory_space<semaphore_mem>>) src(%dma_wait3A_294 : memref<65536x64xf32, #tpu.memory_space<hbm>>) dst(%dma_wait3A_289 : memref<128x64xf32, #tpu.memory_space<vmem>>)
      %dma_wait3A_295 = arith.constant 128 : i32
      %dma_wait3A_296 = arith.constant 0 : i32
      %dma_wait3A_297 = tpu.memref_slice %arg10[%dma_wait3A_295, %dma_wait3A_296] : memref<512x64xf32, #tpu.memory_space<vmem>> -> memref<128x64xf32, #tpu.memory_space<vmem>>
      %dma_wait3A_298 = arith.constant 0 : i32
      %dma_wait3A_299 = tpu.memref_slice %arg8[%dma_wait3A_298] : memref<512xi32, #tpu.memory_space<vmem>> -> memref<128xi32, #tpu.memory_space<vmem>>
      %dma_wait3A_300 = arith.constant 0 : i32
      %dma_wait3A_301 = arith.constant 0 : i32
      %dma_wait3A_302 = tpu.memref_slice %arg5[%dma_wait3A_300, %dma_wait3A_301] : memref<65536x64xf32, #tpu.memory_space<hbm>> -> memref<65536x64xf32, #tpu.memory_space<hbm>>
      tpu.wait_indirect_dma semaphore(%arg22 : memref<!tpu.dma_semaphore, #tpu.memory_space<semaphore_mem>>) src(%dma_wait3A_302 : memref<65536x64xf32, #tpu.memory_space<hbm>>) dst(%dma_wait3A_297 : memref<128x64xf32, #tpu.memory_space<vmem>>)
      %dma_wait3A_303 = arith.constant 256 : i32
      %dma_wait3A_304 = arith.constant 0 : i32
      %dma_wait3A_305 = tpu.memref_slice %arg10[%dma_wait3A_303, %dma_wait3A_304] : memref<512x64xf32, #tpu.memory_space<vmem>> -> memref<128x64xf32, #tpu.memory_space<vmem>>
      %dma_wait3A_306 = arith.constant 0 : i32
      %dma_wait3A_307 = tpu.memref_slice %arg8[%dma_wait3A_306] : memref<512xi32, #tpu.memory_space<vmem>> -> memref<128xi32, #tpu.memory_space<vmem>>
      %dma_wait3A_308 = arith.constant 0 : i32
      %dma_wait3A_309 = arith.constant 0 : i32
      %dma_wait3A_310 = tpu.memref_slice %arg5[%dma_wait3A_308, %dma_wait3A_309] : memref<65536x64xf32, #tpu.memory_space<hbm>> -> memref<65536x64xf32, #tpu.memory_space<hbm>>
      tpu.wait_indirect_dma semaphore(%arg22 : memref<!tpu.dma_semaphore, #tpu.memory_space<semaphore_mem>>) src(%dma_wait3A_310 : memref<65536x64xf32, #tpu.memory_space<hbm>>) dst(%dma_wait3A_305 : memref<128x64xf32, #tpu.memory_space<vmem>>)
      %dma_wait3A_311 = arith.constant 384 : i32
      %dma_wait3A_312 = arith.constant 0 : i32
      %dma_wait3A_313 = tpu.memref_slice %arg10[%dma_wait3A_311, %dma_wait3A_312] : memref<512x64xf32, #tpu.memory_space<vmem>> -> memref<128x64xf32, #tpu.memory_space<vmem>>
      %dma_wait3A_314 = arith.constant 0 : i32
      %dma_wait3A_315 = tpu.memref_slice %arg8[%dma_wait3A_314] : memref<512xi32, #tpu.memory_space<vmem>> -> memref<128xi32, #tpu.memory_space<vmem>>
      %dma_wait3A_316 = arith.constant 0 : i32
      %dma_wait3A_317 = arith.constant 0 : i32
      %dma_wait3A_318 = tpu.memref_slice %arg5[%dma_wait3A_316, %dma_wait3A_317] : memref<65536x64xf32, #tpu.memory_space<hbm>> -> memref<65536x64xf32, #tpu.memory_space<hbm>>
      tpu.wait_indirect_dma semaphore(%arg22 : memref<!tpu.dma_semaphore, #tpu.memory_space<semaphore_mem>>) src(%dma_wait3A_318 : memref<65536x64xf32, #tpu.memory_space<hbm>>) dst(%dma_wait3A_313 : memref<128x64xf32, #tpu.memory_space<vmem>>)
      %dma_wait3A_319 = arith.constant 0 : i32
      %dma_wait3A_320 = arith.constant 0 : i32
      %dma_wait3A_321 = tpu.memref_slice %arg11[%dma_wait3A_319, %dma_wait3A_320] : memref<512x64xf32, #tpu.memory_space<vmem>> -> memref<128x64xf32, #tpu.memory_space<vmem>>
      %dma_wait3A_322 = arith.constant 0 : i32
      %dma_wait3A_323 = tpu.memref_slice %arg9[%dma_wait3A_322] : memref<512xi32, #tpu.memory_space<vmem>> -> memref<128xi32, #tpu.memory_space<vmem>>
      %dma_wait3A_324 = arith.constant 0 : i32
      %dma_wait3A_325 = arith.constant 0 : i32
      %dma_wait3A_326 = tpu.memref_slice %arg5[%dma_wait3A_324, %dma_wait3A_325] : memref<65536x64xf32, #tpu.memory_space<hbm>> -> memref<65536x64xf32, #tpu.memory_space<hbm>>
      tpu.wait_indirect_dma semaphore(%arg23 : memref<!tpu.dma_semaphore, #tpu.memory_space<semaphore_mem>>) src(%dma_wait3A_326 : memref<65536x64xf32, #tpu.memory_space<hbm>>) dst(%dma_wait3A_321 : memref<128x64xf32, #tpu.memory_space<vmem>>)
      %dma_wait3A_327 = arith.constant 128 : i32
      %dma_wait3A_328 = arith.constant 0 : i32
      %dma_wait3A_329 = tpu.memref_slice %arg11[%dma_wait3A_327, %dma_wait3A_328] : memref<512x64xf32, #tpu.memory_space<vmem>> -> memref<128x64xf32, #tpu.memory_space<vmem>>
      %dma_wait3A_330 = arith.constant 0 : i32
      %dma_wait3A_331 = tpu.memref_slice %arg9[%dma_wait3A_330] : memref<512xi32, #tpu.memory_space<vmem>> -> memref<128xi32, #tpu.memory_space<vmem>>
      %dma_wait3A_332 = arith.constant 0 : i32
      %dma_wait3A_333 = arith.constant 0 : i32
      %dma_wait3A_334 = tpu.memref_slice %arg5[%dma_wait3A_332, %dma_wait3A_333] : memref<65536x64xf32, #tpu.memory_space<hbm>> -> memref<65536x64xf32, #tpu.memory_space<hbm>>
      tpu.wait_indirect_dma semaphore(%arg23 : memref<!tpu.dma_semaphore, #tpu.memory_space<semaphore_mem>>) src(%dma_wait3A_334 : memref<65536x64xf32, #tpu.memory_space<hbm>>) dst(%dma_wait3A_329 : memref<128x64xf32, #tpu.memory_space<vmem>>)
      %dma_wait3A_335 = arith.constant 256 : i32
      %dma_wait3A_336 = arith.constant 0 : i32
      %dma_wait3A_337 = tpu.memref_slice %arg11[%dma_wait3A_335, %dma_wait3A_336] : memref<512x64xf32, #tpu.memory_space<vmem>> -> memref<128x64xf32, #tpu.memory_space<vmem>>
      %dma_wait3A_338 = arith.constant 0 : i32
      %dma_wait3A_339 = tpu.memref_slice %arg9[%dma_wait3A_338] : memref<512xi32, #tpu.memory_space<vmem>> -> memref<128xi32, #tpu.memory_space<vmem>>
      %dma_wait3A_340 = arith.constant 0 : i32
      %dma_wait3A_341 = arith.constant 0 : i32
      %dma_wait3A_342 = tpu.memref_slice %arg5[%dma_wait3A_340, %dma_wait3A_341] : memref<65536x64xf32, #tpu.memory_space<hbm>> -> memref<65536x64xf32, #tpu.memory_space<hbm>>
      tpu.wait_indirect_dma semaphore(%arg23 : memref<!tpu.dma_semaphore, #tpu.memory_space<semaphore_mem>>) src(%dma_wait3A_342 : memref<65536x64xf32, #tpu.memory_space<hbm>>) dst(%dma_wait3A_337 : memref<128x64xf32, #tpu.memory_space<vmem>>)
      %dma_wait3A_343 = arith.constant 384 : i32
      %dma_wait3A_344 = arith.constant 0 : i32
      %dma_wait3A_345 = tpu.memref_slice %arg11[%dma_wait3A_343, %dma_wait3A_344] : memref<512x64xf32, #tpu.memory_space<vmem>> -> memref<128x64xf32, #tpu.memory_space<vmem>>
      %dma_wait3A_346 = arith.constant 0 : i32
      %dma_wait3A_347 = tpu.memref_slice %arg9[%dma_wait3A_346] : memref<512xi32, #tpu.memory_space<vmem>> -> memref<128xi32, #tpu.memory_space<vmem>>
      %dma_wait3A_348 = arith.constant 0 : i32
      %dma_wait3A_349 = arith.constant 0 : i32
      %dma_wait3A_350 = tpu.memref_slice %arg5[%dma_wait3A_348, %dma_wait3A_349] : memref<65536x64xf32, #tpu.memory_space<hbm>> -> memref<65536x64xf32, #tpu.memory_space<hbm>>
      tpu.wait_indirect_dma semaphore(%arg23 : memref<!tpu.dma_semaphore, #tpu.memory_space<semaphore_mem>>) src(%dma_wait3A_350 : memref<65536x64xf32, #tpu.memory_space<hbm>>) dst(%dma_wait3A_345 : memref<128x64xf32, #tpu.memory_space<vmem>>)
      %dma_wait3A_351 = arith.constant 16 : i32
      %dma_wait3A_352 = tpu.memref_slice %arg12[%dma_wait3A_351] : memref<544xi32, #tpu.memory_space<vmem>> -> memref<512xi32, #tpu.memory_space<vmem>>
      %dma_wait3A_353 = arith.constant 0 : i32
      %dma_wait3A_354 = tpu.memref_slice %arg3[%dma_wait3A_353] : memref<4194304xi32, #tpu.memory_space<hbm>> -> memref<512xi32, #tpu.memory_space<hbm>>
      %dma_wait3A_355 = arith.constant 16 : i32
      %dma_wait3A_356 = tpu.memref_slice %arg12[%dma_wait3A_355] : memref<544xi32, #tpu.memory_space<vmem>> -> memref<512xi32, #tpu.memory_space<vmem>>
      %dma_wait3A_357 = arith.constant 0 : i32
      %dma_wait3A_358 = tpu.memref_slice %arg3[%dma_wait3A_357] : memref<4194304xi32, #tpu.memory_space<hbm>> -> memref<512xi32, #tpu.memory_space<hbm>>
      tpu.wait_dma2 semaphore(%arg20 : memref<!tpu.dma_semaphore, #tpu.memory_space<semaphore_mem>>) src(%dma_wait3A_358 : memref<512xi32, #tpu.memory_space<hbm>>) dst(%dma_wait3A_356 : memref<512xi32, #tpu.memory_space<vmem>>)
      %dma_wait3A_359 = arith.constant 0 : i32
      %dma_wait3A_360 = tpu.memref_slice %arg14[%dma_wait3A_359] : memref<528xf32, #tpu.memory_space<vmem>> -> memref<512xf32, #tpu.memory_space<vmem>>
      %dma_wait3A_361 = arith.constant 0 : i32
      %dma_wait3A_362 = tpu.memref_slice %arg2[%dma_wait3A_361] : memref<4194304xf32, #tpu.memory_space<hbm>> -> memref<512xf32, #tpu.memory_space<hbm>>
      %dma_wait3A_363 = arith.constant 0 : i32
      %dma_wait3A_364 = tpu.memref_slice %arg14[%dma_wait3A_363] : memref<528xf32, #tpu.memory_space<vmem>> -> memref<512xf32, #tpu.memory_space<vmem>>
      %dma_wait3A_365 = arith.constant 0 : i32
      %dma_wait3A_366 = tpu.memref_slice %arg2[%dma_wait3A_365] : memref<4194304xf32, #tpu.memory_space<hbm>> -> memref<512xf32, #tpu.memory_space<hbm>>
      tpu.wait_dma2 semaphore(%arg20 : memref<!tpu.dma_semaphore, #tpu.memory_space<semaphore_mem>>) src(%dma_wait3A_366 : memref<512xf32, #tpu.memory_space<hbm>>) dst(%dma_wait3A_364 : memref<512xf32, #tpu.memory_space<vmem>>)
      %dma_wait3A_367 = arith.constant 16 : i32
      %dma_wait3A_368 = tpu.memref_slice %arg13[%dma_wait3A_367] : memref<544xi32, #tpu.memory_space<vmem>> -> memref<512xi32, #tpu.memory_space<vmem>>
      %dma_wait3A_369 = arith.constant 0 : i32
      %dma_wait3A_370 = tpu.memref_slice %arg3[%dma_wait3A_369] : memref<4194304xi32, #tpu.memory_space<hbm>> -> memref<512xi32, #tpu.memory_space<hbm>>
      %dma_wait3A_371 = arith.constant 16 : i32
      %dma_wait3A_372 = tpu.memref_slice %arg13[%dma_wait3A_371] : memref<544xi32, #tpu.memory_space<vmem>> -> memref<512xi32, #tpu.memory_space<vmem>>
      %dma_wait3A_373 = arith.constant 0 : i32
      %dma_wait3A_374 = tpu.memref_slice %arg3[%dma_wait3A_373] : memref<4194304xi32, #tpu.memory_space<hbm>> -> memref<512xi32, #tpu.memory_space<hbm>>
      tpu.wait_dma2 semaphore(%arg21 : memref<!tpu.dma_semaphore, #tpu.memory_space<semaphore_mem>>) src(%dma_wait3A_374 : memref<512xi32, #tpu.memory_space<hbm>>) dst(%dma_wait3A_372 : memref<512xi32, #tpu.memory_space<vmem>>)
      %dma_wait3A_375 = arith.constant 0 : i32
      %dma_wait3A_376 = tpu.memref_slice %arg15[%dma_wait3A_375] : memref<528xf32, #tpu.memory_space<vmem>> -> memref<512xf32, #tpu.memory_space<vmem>>
      %dma_wait3A_377 = arith.constant 0 : i32
      %dma_wait3A_378 = tpu.memref_slice %arg2[%dma_wait3A_377] : memref<4194304xf32, #tpu.memory_space<hbm>> -> memref<512xf32, #tpu.memory_space<hbm>>
      %dma_wait3A_379 = arith.constant 0 : i32
      %dma_wait3A_380 = tpu.memref_slice %arg15[%dma_wait3A_379] : memref<528xf32, #tpu.memory_space<vmem>> -> memref<512xf32, #tpu.memory_space<vmem>>
      %dma_wait3A_381 = arith.constant 0 : i32
      %dma_wait3A_382 = tpu.memref_slice %arg2[%dma_wait3A_381] : memref<4194304xf32, #tpu.memory_space<hbm>> -> memref<512xf32, #tpu.memory_space<hbm>>
      tpu.wait_dma2 semaphore(%arg21 : memref<!tpu.dma_semaphore, #tpu.memory_space<semaphore_mem>>) src(%dma_wait3A_382 : memref<512xf32, #tpu.memory_space<hbm>>) dst(%dma_wait3A_380 : memref<512xf32, #tpu.memory_space<vmem>>)
      "tpu.region"() ({
        %run_scoped3A = tpu.sem_alloc : memref<!tpu.dma_semaphore, #tpu.memory_space<semaphore_mem>>
        %dma_start3A_384 = arith.constant 0 : i32
        %dma_start3A_385 = arith.constant 0 : i32
        %dma_start3A_386 = tpu.memref_slice %arg16[%dma_start3A_384, %dma_start3A_385] : memref<513x64xf32, #tpu.memory_space<vmem>> -> memref<512x64xf32, #tpu.memory_space<vmem>>
        %dma_start3A_387 = arith.constant 0 : i32
        %dma_start3A_388 = tpu.memref_slice %arg7[%mul3A_48, %dma_start3A_387] : memref<65536x64xf32, #tpu.memory_space<hbm>> -> memref<512x64xf32, #tpu.memory_space<hbm>>
        %dma_start3A_389 = arith.constant 0 : i32
        %dma_start3A_390 = tpu.memref_slice %arg7[%mul3A_48, %dma_start3A_389] : memref<65536x64xf32, #tpu.memory_space<hbm>> -> memref<512x64xf32, #tpu.memory_space<hbm>>
        %dma_start3A_391 = arith.constant 0 : i32
        %dma_start3A_392 = arith.constant 0 : i32
        %dma_start3A_393 = tpu.memref_slice %arg16[%dma_start3A_391, %dma_start3A_392] : memref<513x64xf32, #tpu.memory_space<vmem>> -> memref<512x64xf32, #tpu.memory_space<vmem>>
        tpu.enqueue_dma source(%dma_start3A_393 : memref<512x64xf32, #tpu.memory_space<vmem>>) target(%dma_start3A_390 : memref<512x64xf32, #tpu.memory_space<hbm>>) target_semaphore(%run_scoped3A : memref<!tpu.dma_semaphore, #tpu.memory_space<semaphore_mem>>)
        %dma_wait3A_394 = arith.constant 0 : i32
        %dma_wait3A_395 = arith.constant 0 : i32
        %dma_wait3A_396 = tpu.memref_slice %arg16[%dma_wait3A_394, %dma_wait3A_395] : memref<513x64xf32, #tpu.memory_space<vmem>> -> memref<512x64xf32, #tpu.memory_space<vmem>>
        %dma_wait3A_397 = arith.constant 0 : i32
        %dma_wait3A_398 = tpu.memref_slice %arg7[%mul3A_48, %dma_wait3A_397] : memref<65536x64xf32, #tpu.memory_space<hbm>> -> memref<512x64xf32, #tpu.memory_space<hbm>>
        %dma_wait3A_399 = arith.constant 0 : i32
        %dma_wait3A_400 = tpu.memref_slice %arg7[%mul3A_48, %dma_wait3A_399] : memref<65536x64xf32, #tpu.memory_space<hbm>> -> memref<512x64xf32, #tpu.memory_space<hbm>>
        %dma_wait3A_401 = arith.constant 0 : i32
        %dma_wait3A_402 = arith.constant 0 : i32
        %dma_wait3A_403 = tpu.memref_slice %arg16[%dma_wait3A_401, %dma_wait3A_402] : memref<513x64xf32, #tpu.memory_space<vmem>> -> memref<512x64xf32, #tpu.memory_space<vmem>>
        tpu.wait_dma2 semaphore(%run_scoped3A : memref<!tpu.dma_semaphore, #tpu.memory_space<semaphore_mem>>) src(%dma_wait3A_403 : memref<512x64xf32, #tpu.memory_space<vmem>>) dst(%dma_wait3A_400 : memref<512x64xf32, #tpu.memory_space<hbm>>)
        tpu.yield
      }) : () -> ()
      %scan3A_383 = arith.constant 0 : i32
      scf.yield %scan3A_383 : i32
    }
    %scan3A_41 = arith.constant 4 : i32
    return
  }
}

</mosaic_0001>

<sc_bundles>
// kernel: _sc_spmm.3.cloned.1.call-start
scs
__scs_entry_jumppad:
0x0: {  	(pc) =	sbr.rel $0x88, $3  }
0x1: {  	(tag) =	ssettag $0x0;
	lr =	simm.s32 $0x1  }
0x2: {  	[smem:$0x3F9C] =	sst lr;
	_ =	strace $0xD0000000  }
0x3: {  	_ = 	snop  }
0x4: {  	_ = 	snop  }
0x5: {  	_ = 	snop  }
0x6: {  	_ = 	snop  }
0x7: {  	_ = 	snop  }
__scs_overlays_trampoline_lowered:
0x8: {  	[smem:$0x3FAB] =	sst s0  }
0x9: {  	[smem:$0x3FAC] =	sst s1  }
0xa: {  	[smem:$0x3FAD] =	sst s2  }
0xb: {  	[smem:$0x3FAE] =	sst s3  }
0xc: {  	[smem:$0x3FAF] =	sst s4  }
0xd: {  	[smem:$0x3FB0] =	sst s5  }
0xe: {  	[smem:$0x3FB1] =	sst s6  }
0xf: {  	[smem:$0x3FB2] =	sst s7  }
0x10: {  	[smem:$0x3FB3] =	sst s8  }
0x11: {  	[smem:$0x3FB4] =	sst s9;
	s0 =	simm.s32 @!p0 $0x0  }
0x12: {  	s1 =	sld [smem:$0x3F9A];
	s0 =	simm.s32 @p0 $0x1  }
0x13: {  	[smem:$0x3FB5] =	sst s0;
	s0 =	simm.s32 @!p1 $0x0  }
0x14: {  	s2 =	sld [smem:$0x3F99];
	s0 =	simm.s32 @p1 $0x1  }
0x15: {  	[smem:$0x3FB6] =	sst s0;
	s0 =	simm.s32 @!p2 $0x0  }
0x16: {  	s3 =	sld [smem:$0x3FDB];
	s0 =	simm.s32 @p2 $0x1  }
0x17: {  	s4 =	simm.s32 $0x1BF5;
	[smem:$0x3FB8] =	sst s0  }
0x18: {  	s0 =	sld [smem:$0x3F9B];
	_ =	swait.ge [sflag:s4], $0x0  }
0x19: {  	s7 =	sld [smem:$0x3F9C]  }
0x1a: {  	s8 =	sadd.s32 $0xFFFFE003, lr  }
0x1b: {  	s9 =	sadd.s32 $0xFFFFFEF7, lr;
	s5 =	simm.s32 $0xFFFFFFFF;
	p2 =	slt.u32 s8, $0xFFFFF086  }
0x1c: {  	p1 =	slt.u32 s9, $0xF7A;
	s5 =	simm.s32 @!p2 $0x0  }
0x1d: {  	s5 =	simm.s32 @p1 $0x1;
	p0 =	seq.s32 s7, s2  }
0x1e: {  	s7 =	smul.u32 @!p0 $0xF7A, s2;
	p2 =	seq.s32 @!p0 s5, $0x0  }
0x1f: {  	s9 =	smul.u32 $0xF7A, s1;
	s8 =	simm.s32 @!p0 $0x1BF5;
	p2 =	por !p2, p0  }
0x20: {  	[sflag:s8] =	ssyncset.s32 @!p0 $0xFFFFF086;
	s6 =	sadd.s32 @!p0 s3, s7;
	s7 =	simm.s32 @!p0 $0x108  }
0x21: {  	s3 =	sadd.s32 s3, s9;
	s6 =	sadd.s32 @!p0 $0x88, s6;
	s7 =	simm.s32 @p2 $0x1082  }
0x22: {  	[simem:s7], [sflag:s8] =	dma.local @!p0 [hbm:s6], $0xF7A  }
0x23: {  	s9 =	sor.u32 $0xD0000000, s2;
	s6 =	simm.s32 $0x108;
	_ =	swait.ge @!p0 [sflag:s8], $0x0  }
0x24: {  	s3 =	sadd.s32 $0x88, s3;
	s6 =	simm.s32 @!p1 $0x1082;
	[sflag:s4] =	ssyncset.s32 $0xFFFFF086  }
0x25: {  	[simem:s6], [sflag:s4] =	dma.local [hbm:s3], $0xF7A  }
0x26: {  	[smem:$0x3F9C] =	sst s1;
	(tag) =	ssettag s2;
	_ =	strace s9  }
0x27: {  	s1 =	sld [smem:$0x3FAC]  }
0x28: {  	s2 =	sld [smem:$0x3FAD]  }
0x29: {  	s4 =	sld [smem:$0x3FAF]  }
0x2a: {  	p0 =	seq.s32 s5, $0x0;
	s5 =	sld [smem:$0x3FB0]  }
0x2b: {  	s6 =	sld [smem:$0x3FB1]  }
0x2c: {  	s7 =	sld [smem:$0x3FB2]  }
0x2d: {  	s3 =	simm.s32 $0x108;
	s8 =	sld [smem:$0x3FB3]  }
0x2e: {  	s3 =	simm.s32 @!p0 $0x1082;
	s9 =	sld [smem:$0x3FB4]  }
0x2f: {  	lr =	sadd.s32 s0, s3;
	s0 =	sld [smem:$0x3FAB]  }
0x30: {  	s3 =	sld [smem:$0x3FAE]  }
0x31: {  	[smem:$0x3FB7] =	sst s10  }
0x32: {  	s10 =	sld [smem:$0x3FB5];
	_ =	sdelay $0x3  }
0x33: {  	p0 =	seq.s32 s10, $0x1;
	s10 =	sld [smem:$0x3FB7];
	_ =	sdelay $0x3  }
0x34: {  	[smem:$0x3FB7] =	sst s10  }
0x35: {  	s10 =	sld [smem:$0x3FB6];
	_ =	sdelay $0x3  }
0x36: {  	p1 =	seq.s32 s10, $0x1;
	s10 =	sld [smem:$0x3FB7];
	_ =	sdelay $0x3  }
0x37: {  	[smem:$0x3FB7] =	sst s10  }
0x38: {  	s10 =	sld [smem:$0x3FB8]  }
0x39: {  	_ = 	snop;
	(pc) =	sbr.ind lr, $3  }
0x3a: {  	_ = 	snop  }
0x3b: {  	_ = 	snop  }
0x3c: {  	p2 =	seq.s32 s10, $0x1;
	s10 =	sld [smem:$0x3FB7]  }
0x3d: {  	_ =	shalt  }
0x3e: {  	_ =	shalt  }
0x3f: {  	_ =	shalt  }
0x40: {  	_ =	shalt  }
0x41: {  	_ =	shalt  }
0x42: {  	_ =	shalt  }
0x43: {  	_ =	shalt  }
0x44: {  	_ =	shalt  }
0x45: {  	_ =	shalt  }
0x46: {  	_ =	shalt  }
0x47: {  	_ =	shalt  }
0x48: {  	_ =	shalt  }
0x49: {  	_ =	shalt  }
0x4a: {  	_ =	shalt  }
0x4b: {  	_ =	shalt  }
0x4c: {  	_ =	shalt  }
0x4d: {  	_ =	shalt  }
0x4e: {  	_ =	shalt  }
0x4f: {  	_ =	shalt  }
0x50: {  	_ =	shalt  }
0x51: {  	_ =	shalt  }
0x52: {  	_ =	shalt  }
0x53: {  	_ =	shalt  }
0x54: {  	_ =	shalt  }
0x55: {  	_ =	shalt  }
0x56: {  	_ =	shalt  }
0x57: {  	_ =	shalt  }
0x58: {  	_ =	shalt  }
0x59: {  	_ =	shalt  }
0x5a: {  	_ =	shalt  }
0x5b: {  	_ =	shalt  }
0x5c: {  	_ =	shalt  }
0x5d: {  	_ =	shalt  }
0x5e: {  	_ =	shalt  }
0x5f: {  	_ =	shalt  }
0x60: {  	_ =	shalt  }
0x61: {  	_ =	shalt  }
0x62: {  	_ =	shalt  }
0x63: {  	_ =	shalt  }
0x64: {  	_ =	shalt  }
0x65: {  	_ =	shalt  }
0x66: {  	_ =	shalt  }
0x67: {  	_ =	shalt  }
0x68: {  	_ =	shalt  }
0x69: {  	_ =	shalt  }
0x6a: {  	_ =	shalt  }
0x6b: {  	_ =	shalt  }
0x6c: {  	_ =	shalt  }
0x6d: {  	_ =	shalt  }
0x6e: {  	_ =	shalt  }
0x6f: {  	_ =	shalt  }
0x70: {  	_ =	shalt  }
0x71: {  	_ =	shalt  }
0x72: {  	_ =	shalt  }
0x73: {  	_ =	shalt  }
0x74: {  	_ =	shalt  }
0x75: {  	_ =	shalt  }
0x76: {  	_ =	shalt  }
0x77: {  	_ =	shalt  }
0x78: {  	_ =	shalt  }
0x79: {  	_ =	shalt  }
0x7a: {  	_ =	shalt  }
0x7b: {  	_ =	shalt  }
0x7c: {  	_ =	shalt  }
0x7d: {  	_ =	shalt  }
0x7e: {  	_ =	shalt  }
0x7f: {  	_ =	shalt  }
0x80: {  	_ =	shalt  }
0x81: {  	_ =	shalt  }
0x82: {  	_ =	shalt  }
0x83: {  	_ =	shalt  }
0x84: {  	_ =	shalt  }
0x85: {  	_ =	shalt  }
0x86: {  	_ =	shalt  }
0x87: {  	_ =	shalt  }
.Lfunc_end0:
.L_simem_size_0:
called_computation_lowered:
.L_overlay_start_0:
0x88: {  	s2 =	sld [smem:$0x3FD9]  }
0x89: {  	s3 =	sld [smem:$0x3FFE];
	_ =	sdelay $0x1  }
0x8a: {  	s1 =	srdreg.scid  }
0x8b: {  	s0 =	sand.u32 $0x1, s1  }
0x8c: {  	s17 =	sshll.u32 s0, $0xA;
	s2 =	sadd.s32 s3, s2  }
0x8d: {  	s2 =	sadd.s32 s2, s17  }
0x8e: {  	[smem:$0x3FC3] =	sst s2  }
0x8f: {  	_ = 	snop  }
0x90: {  	s2 =	sld [smem:$0x3FC9]  }
0x91: {  	s18 =	sld [smem:$0x3FC8]  }
0x92: {  	s4 =	sld [smem:$0x3FC7]  }
0x93: {  	s5 =	sld [smem:$0x3FC5]  }
0x94: {  	s6 =	sld [smem:$0x3FD0];
	(tm) =	ssettm $0x1  }
0x95: {  	s7 =	sld [smem:$0x3FFB];
	_ =	sdelay $0x3  }
0x96: {  	_ =	strace s7  }
0x97: {  	s7 =	sld [smem:$0x3FFC];
	_ =	sdelay $0x3  }
0x98: {  	_ =	strace s7  }
0x99: {  	s7 =	sld [smem:$0x3FFD];
	_ =	sdelay $0x3  }
0x9a: {  	_ =	strace s7  }
0x9b: {  	_ =	strace $0x8FFFFFFF  }
0x9c: {  	s19 =	sld [smem:$0x3FDB];
	_ =	sdelay $0x1  }
0x9d: {  	s8 =	simm.s32 $_scs_section_size  }
0x9e: {  	s9 =	simm.s32 $_size__tile_overlayer_lowered;
	s10 =	simm.s32 $_tile_overlayer_lowered  }
0x9f: {  	s22 =	simm.s32 $0x1BFF;
	s21 =	sshll.u32 s10, $0x1;
	s7 =	sadd.s32 s8, s19  }
0xa0: {  	s11 =	simm.s32 $0x0;
	s20 =	sshll.u32 s9, $0x1;
	s9 =	sadd.s32 s21, s7  }
0xa1: {  	[timem:s11], [sflag:s22] =	dma.local [hbm:s9], s20  }
0xa2: {  	_ =	swait.ge [sflag:s22], s20  }
0xa3: {  	s8 =	ssub.s32 $0x0, s20;
	[sflag:s22] =	ssyncset.done $0x0  }
0xa4: {  	[sflag:s22] =	ssyncadd.s32 s8;
	_ =	sdelay $0x1  }
0xa5: {  	s23 =	simm.s32 $0x1B8B  }
0xa6: {  	_ =	swait.ge [sflag:s23], $0x1  }
0xa7: {  	[sflag:s23] =	ssyncset.done $0x0  }
0xa8: {  	s25 =	simm.s32 $0x1B8E;
	s24 =	sld [smem:$0x3FFE];
	[sflag:s23] =	ssyncadd.s32 $0xFFFFFFFF  }
0xa9: {  	s26 =	simm.s32 $execute0_lowered;
	[smem:$0x3FD2] =	sst s25  }
0xaa: {  	s9 =	sshll.u32 s26, $0x1;
	_ =	strace $0x80000046;
	[dreg:$0x1] =	wrdreg $0xFFFFFFFF  }
0xab: {  	s28 =	simm.s32 $_size_execute0_lowered;
	s7 =	sadd.s32 s7, s9;
	[dreg:$0x0] =	wrdreg $0x0  }
0xac: {  	s9 =	sshll.u32 s28, $0x1;
	[dreg:$0x2] =	wrdreg s7  }
0xad: {  	[dreg:$0x3] =	wrdreg s9  }
0xae: {  	[dreg:$0x4] =	wrdreg $0xC0  }
0xaf: {  	_ =	task [dreg:s11], $0x5FFFF  }
0xb0: {  	[dreg:$0x1] =	wrdreg $0xFFFFFFFF  }
0xb1: {  	[dreg:$0x0] =	wrdreg $0x60  }
0xb2: {  	[dreg:$0x2] =	wrdreg s2  }
0xb3: {  	[dreg:$0x3] =	wrdreg s18  }
0xb4: {  	[dreg:$0x4] =	wrdreg s4  }
0xb5: {  	[dreg:$0x5] =	wrdreg s6  }
0xb6: {  	[dreg:$0x6] =	wrdreg s5  }
0xb7: {  	[dreg:$0x7] =	wrdreg s24  }
0xb8: {  	[dreg:$0x8] =	wrdreg $0x9  }
0xb9: {  	_ =	task.clear_ibuf [dreg:s11], $0x9FFFF;
	_ =	strace $0x90000046  }
0xba: {  	s29 =	simm.s32 $0x9;
	_ =	strace $0x80000048  }
0xbb: {  	_ =	swait.ge [sflag:s29], $0x1  }
0xbc: {  	[sflag:s29] =	ssyncadd.s32 $0xFFFFFFFF  }
0xbd: {  	_ =	strace $0x90000048  }
0xbe: {  	_ =	sfence  }
0xbf: {  	s30 =	sld [smem:$0x0];
	_ =	sdelay $0x2  }
0xc0: {  	s31 =	sshll.u32 s1, $0xD;
	s1 =	sshrl.u32 s1, $0x2  }
0xc1: {  	s3 =	sand.u32 $0x4000, s31;
	s1 =	sadd.s32 s1, s30  }
0xc2: {  	s0 =	sor.u32 s3, s0;
	s1 =	sshll.u32 s1, $0x11  }
0xc3: {  	s0 =	sor.u32 s1, s0  }
0xc4: {  	s0 =	sadd.s32 $0x8F2B, s0  }
0xc5: {  	[sflag:s0] =	ssyncadd.remote.s32 $0x1  }
0xc6: {  	_ =	sfence.sel $0xFFFF  }
0xc7: {  	[dreg:$0x0] =	wrdreg $0xFFFFFFFF;
	(pc) =	sbr.abs _section_cstart, $3  }
0xc8: {  	[dreg:$0x1] =	wrdreg $0xFFFFFFFF  }
0xc9: {  	_ =	task.clear_ibuf [dreg:s11], $0x2FFFF;
	_ =	strace $0x9FFFFFFF  }
0xca: {  	(tm) =	ssettm $0x7FFFFFFF  }
0xcb: {  	_ =	shalt  }
tec
execute0_lowered:
.L_overlay_start_1:
0x0: {  	(tag) =	ssettag $0x1  }
0x1: {  	s31 =	rddreg [dreg:$0x0]  }
0x2: {  	s2 =	rddreg [dreg:$0x1]  }
0x3: {  	s3 =	rddreg [dreg:$0x2]  }
0x4: {  	s0 =	srdreg.scid;
	s4 =	rddreg [dreg:$0x3]  }
0x5: {  	s11 =	stileid.u32;
	s5 =	rddreg [dreg:$0x4]  }
0x6: {  	s7 =	rddreg [dreg:$0x5];
	s6 =	simm.s32 $0x0;
	s8 =	simm.s32 $0x1  }
0x7: {  	s17 =	simm.s32 $0x10410;
	s20 =	simm.s32 $0x80;
	s28 =	simm.s32 $0x2  }
0x8: {  	s12 =	simm.s32 $0x5;
	s0 =	sand.u32 $0x1, s0;
	s1 =	sshll.u32 s11, $0x1  }
0x9: {  	[smem:$0x7FF] =	sst s6;
	s7 =	sadd.s32 $0x400, s7;
	s1 =	sor.u32 s0, s1  }
0xa: {  	p1 =	seq.s32 s0, $0x1;
	s9 =	ssub.s32 $0x2, s0;
	_ =	strace $0x80000047  }
0xb: {  	[dreg:$0x7] =	wrdreg s7;
	s0 =	sshll.u32 s0, $0x2;
	p0 =	seq.s32 s1, $0x0  }
0xc: {  	s7 =	simm.s32 $0x3;
	s10 =	sshrl.u32 s9, $0x1;
	p0 =	por !p0, !p1  }
0xd: {  	[dreg:$0x9] =	wrdreg s0;
	s29 =	sshll.u32 s1, $0xB;
	p0 =	por !p0, !p0  }
.Ltmp0:
0xe: {  	s1 =	simm.s32 $0x0;
	s8 =	simm.s32 @!p0 $0x0;
	(pc) =	sbr.rel .LBB2_1-.Ltmp0, $4  }
0xf: {  	s25 =	ssub.s32 s9, s10;
	[dreg:$0xa] =	wrdreg s29;
	s8 =	ssub.s32 s11, s8  }
0x10: {  	s10 =	simm.s32 $0x6;
	s30 =	smax.u32 s25, $0x1;
	s26 =	sand.u32 $0x1FFFFFFF, s8  }
0x11: {  	v0 =	vlaneseq.u32;
	[dreg:$0xb] =	wrdreg s30;
	s11 =	simm.s32 $0x4;
	s5 =	sadd.s32 s5, s26  }
0x12: {  	v1 =	vimm.f32 $0.0e+00;
	v2 =	vadd.s32 $0x1, v0;
	s8 =	simm.s32 $0x1;
	s26 =	simm.s32 $0x200;
	[dreg:$0x8] =	wrdreg s5  }
.LBB2_15:
0x13: {  	s1 =	rddreg [dreg:$0xc]  }
0x14: {  	s0 =	rddreg [dreg:$0xb];
	s1 =	sadd.s32 $0x1, s1  }
0x15: {  	p0 =	sne.s32 s1, s0  }
.Ltmp1:
0x16: {  	_ = 	snop;
	(pc) =	sbr.rel @!p0 .LBB2_16-.Ltmp1, $1  }
0x17: {  	_ =	sdelay $0x3  }
.LBB2_1:
0x18: {  	[dreg:$0xc] =	wrdreg s1  }
0x19: {  	s0 =	rddreg [dreg:$0x8]  }
.Ltmp2:
0x1a: {  	s29 =	simm.s32 $0x18CA0;
	s30 =	simm.s32 $0x7;
	(pc) =	sbr.rel .LBB2_2-.Ltmp2, $4  }
0x1b: {  	[tilespmem:s29], [sflag:$0x7] =	stream.linear.gather [hbm4b:s0+s6], $0x10, $0x38;
	[tilespmem:$0x18CB0] =	vst v63  }
0x1c: {  	_ =	swait.ge [sflag:s30], $0x10  }
0x1d: {  	[sflag:s30] =	ssyncset.done $0x0  }
0x1e: {  	s19 =	simm.s32 $0x0;
	[sflag:s30] =	ssyncadd.s32 $0xFFFFFFF0  }
.LBB2_14:
0x1f: {  	_ =	swait.ge [sflag:s12], $0x2000  }
0x20: {  	[sflag:s12] =	ssyncset.done $0x0  }
0x21: {  	[sflag:s12] =	ssyncadd.s32 $0xFFFFE000  }
0x22: {  	_ =	swait.ge [sflag:s12], $0x2000  }
0x23: {  	[sflag:s12] =	ssyncset.done $0x0  }
0x24: {  	[sflag:s12] =	ssyncadd.s32 $0xFFFFE000  }
0x25: {  	_ =	swait.ge [sflag:s12], $0x2000  }
0x26: {  	[sflag:s12] =	ssyncset.done $0x0  }
0x27: {  	[sflag:s12] =	ssyncadd.s32 $0xFFFFE000  }
0x28: {  	_ =	swait.ge [sflag:s12], $0x2000  }
0x29: {  	[sflag:s12] =	ssyncset.done $0x0  }
0x2a: {  	[sflag:s12] =	ssyncadd.s32 $0xFFFFE000  }
0x2b: {  	_ =	swait.ge [sflag:s10], $0x2000  }
0x2c: {  	[sflag:s10] =	ssyncset.done $0x0  }
0x2d: {  	[sflag:s10] =	ssyncadd.s32 $0xFFFFE000  }
0x2e: {  	_ =	swait.ge [sflag:s10], $0x2000  }
0x2f: {  	[sflag:s10] =	ssyncset.done $0x0  }
0x30: {  	[sflag:s10] =	ssyncadd.s32 $0xFFFFE000  }
0x31: {  	_ =	swait.ge [sflag:s10], $0x2000  }
0x32: {  	[sflag:s10] =	ssyncset.done $0x0  }
0x33: {  	[sflag:s10] =	ssyncadd.s32 $0xFFFFE000  }
0x34: {  	_ =	swait.ge [sflag:s10], $0x2000  }
0x35: {  	[sflag:s10] =	ssyncset.done $0x0  }
0x36: {  	[sflag:s10] =	ssyncadd.s32 $0xFFFFE000  }
0x37: {  	_ =	swait.ge [sflag:s7], $0x200  }
0x38: {  	[sflag:s7] =	ssyncset.done $0x0  }
0x39: {  	[sflag:s7] =	ssyncadd.s32 $0xFFFFFE00  }
0x3a: {  	_ =	swait.ge [sflag:s7], $0x200  }
0x3b: {  	[sflag:s7] =	ssyncset.done $0x0  }
0x3c: {  	[sflag:s7] =	ssyncadd.s32 $0xFFFFFE00  }
0x3d: {  	_ =	swait.ge [sflag:s11], $0x200  }
0x3e: {  	[sflag:s11] =	ssyncset.done $0x0  }
0x3f: {  	[sflag:s11] =	ssyncadd.s32 $0xFFFFFE00  }
0x40: {  	_ =	swait.ge [sflag:s11], $0x200  }
0x41: {  	s29 =	simm.s32 $0x10C60;
	s0 =	rddreg [dreg:$0xe]  }
0x42: {  	[sflag:s11] =	ssyncset.done $0x0;
	s1 =	rddreg [dreg:$0x7];
	s0 =	sshll.u32 s0, $0x3  }
0x43: {  	s30 =	simm.s32 $0x7;
	[sflag:s11] =	ssyncadd.s32 $0xFFFFFE00;
	s0 =	sadd.s32 s1, s0  }
0x44: {  	[hbm4b:s0+s6] =	stream.linear.scatter [tilespmem:s29], [sflag:$0x7], $0x8000, $0x38;
	[tilespmem:$0x18CB0] =	vst v63  }
0x45: {  	_ =	swait.ge [sflag:s30], $0x8000  }
0x46: {  	s19 =	rddreg [dreg:$0xd]  }
0x47: {  	s19 =	sadd.s32 $0x1, s19  }
0x48: {  	p0 =	sne.s32 s19, $0x4  }
.Ltmp3:
0x49: {  	_ = 	snop;
	(pc) =	sbr.rel @!p0 .LBB2_15-.Ltmp3, $3  }
0x4a: {  	_ =	sdelay $0x1  }
0x4b: {  	[sflag:s30] =	ssyncset.done $0x0  }
0x4c: {  	[sflag:s30] =	ssyncadd.s32 $0xFFFF8000  }
.LBB2_2:
0x4d: {  	v3 =	vld [tilespmem:$0x18CA0];
	s1 =	simm.s32 $0x100;
	s0 =	simm.s32 $0x0  }
.LBB2_3:
0x4e: {  	p0 =	sne.s32 s1, $0x20000;
	[tilespmem:s0+$0x10C90] =	vst v1;
	s5 =	smov.u32 s1;
	s1 =	sadd.s32 $0x100, s1  }
.Ltmp4:
0x4f: {  	[tilespmem:s0+$0x10C80] =	vst v1;
	(pc) =	sbr.rel @p0 .LBB2_3-.Ltmp4, $3  }
0x50: {  	[tilespmem:s0+$0x10C60] =	vst v1  }
0x51: {  	[tilespmem:s0+$0x10C70] =	vst v1;
	_ =	sdelay $0x1  }
0x52: {  	s0 =	sshra.s32 s5, $0x2  }
0x53: {  	s1 =	rddreg [dreg:$0x9]  }
0x54: {  	s1 =	sadd.s32 s1, s19  }
0x55: {  	v4 =	vmov s1  }
0x56: {  	vm0 =	veq.s32 v4, v0  }
0x57: {  	v4 =	vnsel vm0, $0x0, v3  }
0x58: {  	(xrf0) =	vadd.scan.msk.s32 $0xffff, v4;
	_ =	sdelay $0x5  }
0x59: {  	v4, _, _ =	vpop (xrf0)  }
0x5a: {  	(v2sf) =	vpush v4, $0xF;
	_ =	sdelay $0x3  }
0x5b: {  	s1 =	sadd.s32 $0x1, s1  }
0x5c: {  	v4 =	vmov s1  }
0x5d: {  	vm15 =	veq.s32 v4, v0  }
0x5e: {  	v3 =	vnsel vm15, $0x0, v3  }
0x5f: {  	(xrf0) =	vadd.scan.msk.s32 $0xffff, v3;
	_ =	sdelay $0x5  }
0x60: {  	v3, _, _ =	vpop (xrf0)  }
0x61: {  	s14 =	spop (v2sf);
	(v2sf) =	vpush v3, $0xF  }
0x62: {  	s15 =	sand.u32 $0x1FF, s14  }
0x63: {  	s5 =	sshra.s32 s14, $0x1F;
	p0 =	slt.s32 s14, $0x1;
	p1 =	sne.s32 s15, $0x0  }
0x64: {  	s16 =	sshrl.u32 s5, $0x17;
	p0 =	por !p0, !p1  }
0x65: {  	s5 =	simm.s32 $0x1;
	s1 =	sadd.s32 s16, s14;
	p0 =	por !p0, !p0  }
0x66: {  	s1 =	sshra.s32 s1, $0x9;
	s5 =	simm.s32 @!p0 $0x0  }
0x67: {  	s1 =	ssub.s32 s1, s5  }
0x68: {  	[tilespmem:s0+$0x10C90] =	vst v1;
	s15 =	sshll.u32 s1, $0x9  }
0x69: {  	[tilespmem:s0+$0x10C80] =	vst v1;
	p0 =	slt.s32 s15, $0x3FFE00;
	s5 =	smov.u32 s15  }
0x6a: {  	[tilespmem:s0+$0x10C60] =	vst v1;
	s23 =	simm.s32 $0x10840;
	s9 =	simm.s32 $0x10630;
	s5 =	simm.s32 @!p0 $0x3FFE00  }
0x6b: {  	[tilespmem:s0+$0x10C70] =	vst v1;
	s29 =	simm.s32 $0x10A50;
	s0 =	sadd.s32 $0x200, s15;
	s5 =	sshrl.u32 s5, $0x3  }
0x6c: {  	s16 =	simm.s32 $0x0;
	p0 =	slt.s32 s0, $0x3FFE00;
	s18 =	sadd.s32 s3, s5  }
0x6d: {  	[tilespmem:s16], [sflag:$0x1] =	stream.linear.gather [hbm4b:s18+s16], $0x200, $0x38;
	[tilespmem:$0x18CB0] =	vst v63  }
0x6e: {  	s13 =	simm.s32 $0x2400;
	s0 =	simm.s32 @!p0 $0x3FFE00;
	s21 =	sadd.s32 s2, s5  }
0x6f: {  	[tilespmem:s17], [sflag:$0x3] =	stream.linear.gather [hbm4b:s21+s16], $0x200, $0x38;
	[tilespmem:$0x18CB0] =	vst v63  }
0x70: {  	s22 =	sadd.s32 s31, s5;
	s0 =	sshrl.u32 s0, $0x3;
	s18 =	spop (v2sf)  }
0x71: {  	[tilespmem:s23], [sflag:$0x3] =	stream.linear.gather [hbm4b:s22+s16], $0x200, $0x38;
	[tilespmem:$0x18CB0] =	vst v63  }
0x72: {  	s24 =	sadd.s32 s3, s0;
	s25 =	sadd.s32 s2, s0;
	s30 =	sadd.s32 $0x1FF, s18  }
0x73: {  	[tilespmem:s26], [sflag:$0x2] =	stream.linear.gather [hbm4b:s24+s16], $0x200, $0x38;
	[tilespmem:$0x18CB0] =	vst v63  }
0x74: {  	s0 =	sadd.s32 s31, s0;
	s21 =	simm.s32 $0x400;
	s23 =	sand.u32 $0x1FF, s30  }
0x75: {  	[tilespmem:s9], [sflag:$0x4] =	stream.linear.gather [hbm4b:s25+s16], $0x200, $0x38;
	[tilespmem:$0x18CB0] =	vst v63  }
0x76: {  	s22 =	sshra.s32 s30, $0x1F;
	p5 =	slt.s32 s30, $0x1;
	p6 =	sne.s32 s23, $0x0  }
0x77: {  	[tilespmem:s29], [sflag:$0x4] =	stream.linear.gather [hbm4b:s0+s16], $0x200, $0x38;
	[tilespmem:$0x18CB0] =	vst v63  }
0x78: {  	s5 =	sshrl.u32 s22, $0x17;
	p0 =	por !p5, !p6;
	_ =	swait.ge [sflag:s8], $0x200  }
0x79: {  	s24 =	simm.s32 $0x100;
	p0 =	por !p0, !p0;
	[sflag:s8] =	ssyncset.done $0x0  }
0x7a: {  	s0 =	sadd.s32 s5, s30;
	s5 =	simm.s32 $0x1;
	[sflag:s8] =	ssyncadd.s32 $0xFFFFFE00  }
0x7b: {  	[tilespmem:s21], [sflag:$0x5] =	stream.indirect.gather [hbm4b:s4+s20], $0x40, s16, s20, $0xb8;
	[tilespmem:$0x18CB0] =	vst v63  }
0x7c: {  	s22 =	simm.s32 $0x300;
	s0 =	sshra.s32 s0, $0x9;
	s5 =	simm.s32 @!p0 $0x0  }
0x7d: {  	[tilespmem:s13], [sflag:$0x5] =	stream.indirect.gather [hbm4b:s4+s20], $0x40, s20, s20, $0xb8;
	[tilespmem:$0x18CB0] =	vst v63  }
0x7e: {  	s23 =	simm.s32 $0xC400;
	s25 =	simm.s32 $0x4400;
	s0 =	ssub.s32 s0, s5  }
0x7f: {  	[tilespmem:s25], [sflag:$0x5] =	stream.indirect.gather [hbm4b:s4+s20], $0x40, s24, s20, $0xb8;
	[tilespmem:$0x18CB0] =	vst v63  }
0x80: {  	s29 =	simm.s32 $0x180;
	s30 =	simm.s32 $0x6400;
	s0 =	ssub.s32 s0, s1  }
0x81: {  	[tilespmem:s30], [sflag:$0x5] =	stream.indirect.gather [hbm4b:s4+s20], $0x40, s29, s20, $0xb8;
	[tilespmem:$0x18CB0] =	vst v63  }
0x82: {  	s9 =	simm.s32 $0x8400;
	p0 =	sgt.s32 s0, $0x0;
	_ =	swait.ge [sflag:s28], $0x200  }
0x83: {  	s21 =	simm.s32 $0xA400;
	s0 =	simm.s32 @!p0 $0x0;
	[sflag:s28] =	ssyncset.done $0x0  }
0x84: {  	s13 =	simm.s32 $0x280;
	s0 =	sadd.s32 $0x1, s0;
	[sflag:s28] =	ssyncadd.s32 $0xFFFFFE00  }
0x85: {  	[tilespmem:s9], [sflag:$0x6] =	stream.indirect.gather [hbm4b:s4+s20], $0x40, s26, s20, $0xb8;
	[tilespmem:$0x18CB0] =	vst v63  }
0x86: {  	s0 =	sshrl.u32 s0, $0x1;
	s24 =	sshll.u32 s19, $0x9;
	s25 =	simm.s32 $0x380  }
0x87: {  	[tilespmem:s21], [sflag:$0x6] =	stream.indirect.gather [hbm4b:s4+s20], $0x40, s13, s20, $0xb8;
	[tilespmem:$0x18CB0] =	vst v63  }
.Ltmp5:
0x88: {  	s29 =	simm.s32 $0xE400;
	s30 =	rddreg [dreg:$0xa];
	(pc) =	sbr.rel .LBB2_5-.Ltmp5, $4  }
0x89: {  	[dreg:$0xd] =	wrdreg s19;
	s19 =	ssub.s32 s14, s15;
	s1 =	sadd.s32 s30, s24  }
0x8a: {  	[tilespmem:s23], [sflag:$0x6] =	stream.indirect.gather [hbm4b:s4+s20], $0x40, s22, s20, $0xb8;
	[tilespmem:$0x18CB0] =	vst v63  }
0x8b: {  	v14 =	vimm.f32 $0.0e+00;
	v15 =	vimm.f32 $0.0e+00;
	[dreg:$0xe] =	wrdreg s1;
	s21 =	smax.u32 s0, $0x1;
	s22 =	sadd.s32 $0xFFFFFE00, s19  }
0x8c: {  	v18 =	vimm.f32 $0.0e+00;
	v17 =	vimm.f32 $0.0e+00;
	v3 =	vmov s1;
	[tilespmem:s29], [sflag:$0x6] =	stream.indirect.gather [hbm4b:s4+s20], $0x40, s25, s20, $0xb8;
	[tilespmem:$0x18CB0] =	vst v63  }
.LBB2_12:
0x8d: {  	(v2sf) =	vpush v19, $0x4;
	_ =	sdelay $0x6  }
0x8e: {  	[tilespmem:s1+$0x10C70] =	vst v37  }
0x8f: {  	(v2sf) =	vpush v19, $0x6;
	[tilespmem:s13+$0x10C60] =	vst v42  }
0x90: {  	s0 =	spop (v2sf);
	v5 =	vmul.f32 v40, v33;
	[tilespmem:s13+$0x10C70] =	vst v41  }
0x91: {  	v6 =	vadd.f32 v30, v43;
	[tilespmem:s13+$0x10C80] =	vst v39;
	s26 =	spop (v2sf)  }
0x92: {  	v15 =	vadd.f32 v38, v15;
	v28 =	vmul.f32 v35, v11;
	[tilespmem:s13+$0x10C90] =	vst v40;
	v5 =	vadd.f32 v34, v5;
	s5 =	spop (v2sf)  }
0x93: {  	v19 =	vmul.f32 v32, v23;
	[tilespmem:s5+$0x10C80] =	vst v6  }
0x94: {  	v58 =	vmul.f32 v15, v11;
	v28 =	vadd.f32 v29, v28;
	v6 =	vmul.f32 v6, v11;
	[tilespmem:s5+$0x10C90] =	vst v5  }
0x95: {  	v17 =	vmul.f32 v17, v23;
	[tilespmem:s5+$0x10C60] =	vst v35;
	v5 =	vmul.f32 v5, v11  }
0x96: {  	v59 =	vadd.f32 v19, v58;
	v19 =	vmul.f32 v28, v16;
	[tilespmem:s5+$0x10C70] =	vst v15;
	v6 =	vadd.f32 v27, v6;
	s29 =	spop (v2sf)  }
0x97: {  	v15 =	vmul.f32 v25, v13;
	v13 =	vmul.f32 v22, v13;
	v5 =	vadd.f32 v17, v5;
	[tilespmem:s29+$0x10C60] =	vst v28  }
0x98: {  	v11 =	vmul.f32 v59, v16;
	v17 =	vmul.f32 v6, v16;
	[tilespmem:s29+$0x10C70] =	vst v59  }
0x99: {  	v19 =	vadd.f32 v36, v19;
	[tilespmem:s29+$0x10C90] =	vst v5  }
0x9a: {  	v11 =	vadd.f32 v13, v11;
	v60 =	vadd.f32 v18, v17;
	v5 =	vmul.f32 v5, v16;
	[tilespmem:s29+$0x10C80] =	vst v6  }
0x9b: {  	v13 =	vmul.f32 v19, v24;
	v16 =	vmul.f32 v21, v26;
	[tilespmem:s26+$0x10C60] =	vst v19  }
0x9c: {  	v17 =	vmul.f32 v20, v26;
	v18 =	vmul.f32 v11, v24;
	[tilespmem:s26+$0x10C80] =	vst v60;
	v5 =	vadd.f32 v15, v5  }
0x9d: {  	v6 =	vmul.f32 v60, v24;
	[tilespmem:s26+$0x10C70] =	vst v11;
	v15 =	vmul.f32 v31, v26;
	v13 =	vadd.f32 v16, v13  }
0x9e: {  	v9 =	vmul.f32 v9, v26;
	s30 =	spop (v2sf);
	v61 =	vadd.f32 v17, v18;
	[tilespmem:s26+$0x10C90] =	vst v5;
	v5 =	vmul.f32 v5, v24  }
0x9f: {  	v10 =	vmul.f32 v10, v12;
	v6 =	vadd.f32 v15, v6;
	v15 =	vmul.f32 v13, v4;
	[tilespmem:s30+$0x10C60] =	vst v13  }
0xa0: {  	v8 =	vmul.f32 v8, v12;
	v62 =	vmul.f32 v61, v4;
	[tilespmem:s30+$0x10C70] =	vst v61;
	v5 =	vadd.f32 v9, v5  }
0xa1: {  	[tilespmem:s30+$0x10C80] =	vst v6;
	v6 =	vmul.f32 v6, v4;
	v17 =	vadd.f32 v10, v15  }
0xa2: {  	v63 =	vmul.f32 v14, v12;
	v18 =	vadd.f32 v8, v62;
	[tilespmem:s30+$0x10C90] =	vst v5;
	v4 =	vmul.f32 v5, v4  }
0xa3: {  	v15 =	vadd.f32 v7, v6;
	[tilespmem:s0+$0x10C60] =	vst v17  }
0xa4: {  	[tilespmem:s0+$0x10C70] =	vst v18;
	v14 =	vadd.f32 v63, v4  }
0xa5: {  	[tilespmem:s0+$0x10C80] =	vst v15  }
0xa6: {  	s26 =	simm.s32 $0x200;
	[tilespmem:s0+$0x10C90] =	vst v14  }
.LBB2_13:
0xa7: {  	v4 =	vld [tilespmem:$0x10820];
	_ =	sdelay $0x4  }
0xa8: {  	s0 =	sadd.s32 s2, s24;
	s1 =	simm.s32 $0x10630;
	[tilespmem:$0x10400] =	vst v4  }
0xa9: {  	[tilespmem:s1], [sflag:$0x4] =	stream.linear.gather [hbm4b:s0+s6], $0x200, $0x38;
	[tilespmem:$0x18CB0] =	vst v63  }
0xaa: {  	s5 =	simm.s32 $0x10A50;
	s1 =	sadd.s32 s31, s24  }
0xab: {  	[tilespmem:s5], [sflag:$0x4] =	stream.linear.gather [hbm4b:s1+s6], $0x200, $0x38;
	[tilespmem:$0x18CB0] =	vst v63  }
0xac: {  	_ =	swait.ge [sflag:s28], $0x200  }
0xad: {  	[sflag:s28] =	ssyncset.done $0x0  }
0xae: {  	s9 =	simm.s32 $0x8400;
	s16 =	sadd.s32 $0x1, s16;
	[sflag:s28] =	ssyncadd.s32 $0xFFFFFE00  }
0xaf: {  	[tilespmem:s9], [sflag:$0x6] =	stream.indirect.gather [hbm4b:s4+s20], $0x40, s26, s20, $0xb8;
	[tilespmem:$0x18CB0] =	vst v63  }
0xb0: {  	s13 =	simm.s32 $0x280;
	s23 =	simm.s32 $0xA400;
	p0 =	seq.s32 s16, s21  }
0xb1: {  	[tilespmem:s23], [sflag:$0x6] =	stream.indirect.gather [hbm4b:s4+s20], $0x40, s13, s20, $0xb8;
	[tilespmem:$0x18CB0] =	vst v63  }
.Ltmp6:
0xb2: {  	_ = 	snop;
	(pc) =	sbr.rel @p0 .LBB2_14-.Ltmp6, $4  }
0xb3: {  	s25 =	simm.s32 $0xC400;
	s29 =	simm.s32 $0x380;
	s24 =	simm.s32 $0x300  }
0xb4: {  	[tilespmem:s25], [sflag:$0x6] =	stream.indirect.gather [hbm4b:s4+s20], $0x40, s24, s20, $0xb8;
	[tilespmem:$0x18CB0] =	vst v63  }
0xb5: {  	s30 =	simm.s32 $0xE400;
	s19 =	sadd.s32 $0xFFFFFC00, s19;
	s22 =	sadd.s32 $0xFFFFFC00, s22  }
0xb6: {  	[tilespmem:s30], [sflag:$0x6] =	stream.indirect.gather [hbm4b:s4+s20], $0x40, s29, s20, $0xb8;
	[tilespmem:$0x18CB0] =	vst v63  }
.LBB2_5:
0xb7: {  	_ =	swait.ge [sflag:s12], $0x2000  }
0xb8: {  	[sflag:s12] =	ssyncset.done $0x0  }
0xb9: {  	[sflag:s12] =	ssyncadd.s32 $0xFFFFE000  }
0xba: {  	_ =	swait.ge [sflag:s12], $0x2000  }
0xbb: {  	[sflag:s12] =	ssyncset.done $0x0  }
0xbc: {  	s0 =	sshll.u32 s16, $0xA;
	[sflag:s12] =	ssyncadd.s32 $0xFFFFE000  }
0xbd: {  	s23 =	sadd.s32 s15, s0;
	_ =	swait.ge [sflag:s12], $0x2000  }
0xbe: {  	s0 =	sadd.s32 $0x400, s23;
	[sflag:s12] =	ssyncset.done $0x0  }
0xbf: {  	p0 =	slt.s32 s0, $0x3FFE00;
	[sflag:s12] =	ssyncadd.s32 $0xFFFFE000  }
0xc0: {  	s0 =	simm.s32 @!p0 $0x3FFE00;
	_ =	swait.ge [sflag:s12], $0x2000  }
0xc1: {  	s24 =	sshrl.u32 s0, $0x3;
	[sflag:s12] =	ssyncset.done $0x0  }
0xc2: {  	s0 =	sadd.s32 s3, s24;
	[sflag:s12] =	ssyncadd.s32 $0xFFFFE000  }
0xc3: {  	[tilespmem:s6], [sflag:$0x1] =	stream.linear.gather [hbm4b:s0+s6], $0x200, $0x38;
	[tilespmem:$0x18CB0] =	vst v63  }
0xc4: {  	s0 =	ssub.s32 s14, s23  }
0xc5: {  	p0 =	sgt.s32 s0, $0x0  }
0xc6: {  	p1 =	slt.s32 s0, $0x1;
	s0 =	simm.s32 @!p0 $0x0  }
0xc7: {  	s1 =	smin.u32 s0, $0x200  }
0xc8: {  	s0 =	ssub.s32 s18, s23;
	s5 =	sand.u32 $0x7, s1  }
0xc9: {  	p0 =	sgt.s32 s0, $0x0;
	p2 =	sne.s32 s5, $0x0  }
0xca: {  	s0 =	simm.s32 @!p0 $0x0;
	p6 =	por !p1, !p2  }
0xcb: {  	s9 =	smin.u32 s0, $0x200;
	s0 =	simm.s32 $0x1;
	p0 =	por !p6, !p6  }
0xcc: {  	s30 =	sshrl.u32 s1, $0x3;
	s13 =	sadd.s32 $0x7, s9;
	s0 =	simm.s32 @!p0 $0x0  }
0xcd: {  	s25 =	sshrl.u32 s13, $0x3;
	s0 =	ssub.s32 s30, s0  }
0xce: {  	_ =	swait.ge [sflag:s7], $0x200;
	p1 =	sge.s32 s0, s25  }
.Ltmp7:
0xcf: {  	[sflag:s7] =	ssyncset.done $0x0;
	(pc) =	sbr.rel @p1 .LBB2_9-.Ltmp7, $4  }
0xd0: {  	[sflag:s7] =	ssyncadd.s32 $0xFFFFFE00  }
0xd1: {  	_ =	swait.ge [sflag:s7], $0x200  }
0xd2: {  	[sflag:s7] =	ssyncset.done $0x0  }
0xd3: {  	[sflag:s7] =	ssyncadd.s32 $0xFFFFFE00  }
0xd4: {  	p1 =	sgt.s32 s19, $0x0;
	s5 =	smov.u32 s19  }
0xd5: {  	s5 =	simm.s32 @!p1 $0x0  }
0xd6: {  	s13 =	simm.s32 $0xFFFFFFFF;
	s5 =	smin.u32 s5, $0x200  }
0xd7: {  	s13 =	simm.s32 @!p0 $0x0;
	s5 =	sshrl.u32 s5, $0x3  }
0xd8: {  	s13 =	sadd.s32 s13, s5  }
0xd9: {  	s5 =	sshll.u32 s13, $0x5  }
0xda: {  	s26 =	sshll.u32 s13, $0xB;
	s29 =	sshra.s32 s5, $0x2  }
0xdb: {  	v6 =	vmov s9;
	s26 =	sshra.s32 s26, $0x2;
	s9 =	sadd.s32 $0x10411, s29  }
0xdc: {  	s26 =	sadd.s32 $0x500, s26;
	v4 =	vld [tilespmem:s9+$0xFFFFFFFE]  }
0xdd: {  	v7 =	vld [tilespmem:s26+$0xFFFFFF00]  }
0xde: {  	v16 =	vld [tilespmem:s26+$0xE0]  }
0xdf: {  	v24 =	vld [tilespmem:s26+$0x40]  }
0xe0: {  	s5 =	sadd.s32 $0x10840, s29;
	v9 =	vld [tilespmem:s9+$0x0]  }
0xe1: {  	v11 =	vld [tilespmem:s5+$0x0]  }
0xe2: {  	v12 =	vld [tilespmem:s9+$0xFFFFFFFF]  }
0xe3: {  	v19 =	vld [tilespmem:s26+$0xFFFFFF10]  }
0xe4: {  	v26 =	vld [tilespmem:s26+$0xFFFFFF90]  }
0xe5: {  	s29 =	sshll.u32 s13, $0x3;
	v25 =	vld [tilespmem:s26+$0xFFFFFF80]  }
0xe6: {  	v5 =	vmov s1;
	v27 =	vld [tilespmem:s26+$0xFFFFFFC0];
	v8 =	vadd.s32 s29, v0  }
0xe7: {  	v20 =	vld [tilespmem:s26+$0xFFFFFF30];
	v10 =	vadd.s32 s29, v2;
	vm0 =	vge.s32 v8, v5;
	vm1 =	vlt.s32 v8, v6  }
0xe8: {  	v22 =	vld [tilespmem:s26+$0xFFFFFF20];
	vm14 =	vge.s32 v10, v6;
	vm0 =	vmand vm0, vm1  }
0xe9: {  	v23 =	vld [tilespmem:s26+$0xFFFFFF50];
	vm2 =	vne.s32 v12, v9;
	v28 =	vnsel vm0, $0x0, v11;
	vm15 =	veq.s32 v12, v4  }
0xea: {  	v30 =	vld [tilespmem:s26+$0xFFFFFF40];
	v4 =	vsub.s32 v12, v3;
	vm1 =	vmor vm14, vm2;
	v21 =	vbroadcast v28, $0x0  }
0xeb: {  	v33 =	vld [tilespmem:s26+$0xFFFFFF70];
	v13 =	vbroadcast v28, $0x5;
	v44 =	vsel vm15, $0x3F800000, v1;
	vm0 =	vmand vm1, vm0  }
0xec: {  	v34 =	vld [tilespmem:s26+$0xFFFFFF60];
	v12 =	vbroadcast v28, $0x7;
	v38 =	vbroadcast v28, $0x1;
	v4 =	vnsel vm0, $0x200, v4  }
0xed: {  	v37 =	vld [tilespmem:s26+$0xFFFFFFA0];
	v47 =	vbroadcast v28, $0x2;
	v11 =	vbroadcast v44, $0x4;
	v4 =	vshll.u32 v4, $0x8  }
0xee: {  	v39 =	vld [tilespmem:s26+$0xFFFFFFE0];
	v32 =	vbroadcast v44, $0x0;
	v31 =	vmul.f32 v19, v21;
	v19 =	vshra.s32 v4, $0x2  }
0xef: {  	v45 =	vld [tilespmem:s26+$0x60];
	v35 =	vbroadcast v44, $0x1;
	v46 =	vbroadcast v44, $0x2;
	(v2sf) =	vpush v19, $0x0  }
0xf0: {  	v57 =	vld [tilespmem:s26+$0xFFFFFFD0];
	v29 =	vmul.f32 v21, v7;
	v36 =	vmul.f32 v20, v21  }
0xf1: {  	v51 =	vld [tilespmem:s26+$0x20];
	v7 =	vmul.f32 v16, v12;
	v40 =	vmul.f32 v22, v21  }
0xf2: {  	v53 =	vld [tilespmem:s26+$0xFFFFFFF0];
	v41 =	vmul.f32 v30, v38;
	v42 =	vmul.f32 v33, v38;
	(v2sf) =	vpush v19, $0x2  }
0xf3: {  	v59 =	vld [tilespmem:s26+$0x0];
	v43 =	vmul.f32 v23, v38;
	v34 =	vmul.f32 v34, v38;
	(v2sf) =	vpush v19, $0x1  }
0xf4: {  	v8 =	vld [tilespmem:s26+$0xD0];
	v16 =	vbroadcast v44, $0x5;
	v23 =	vbroadcast v28, $0x4  }
0xf5: {  	v30 =	vld [tilespmem:s26+$0xFFFFFFB0];
	v48 =	vmul.f32 v37, v47;
	v50 =	vmul.f32 v25, v47  }
0xf6: {  	v10 =	vld [tilespmem:s26+$0xC0];
	v33 =	vbroadcast v44, $0x3;
	v15 =	vmul.f32 v32, v15  }
0xf7: {  	v9 =	vld [tilespmem:s26+$0xB0];
	v56 =	vmul.f32 v32, v17;
	v18 =	vmul.f32 v32, v18  }
0xf8: {  	v20 =	vld [tilespmem:s26+$0x90];
	v14 =	vmul.f32 v32, v14;
	v4 =	vbroadcast v44, $0x7;
	v15 =	vadd.f32 v40, v15  }
0xf9: {  	v21 =	vld [tilespmem:s26+$0x80];
	v49 =	vadd.f32 v29, v56;
	v29 =	vbroadcast v28, $0x3;
	v18 =	vadd.f32 v31, v18  }
0xfa: {  	v22 =	vld [tilespmem:s26+$0x50];
	v36 =	vadd.f32 v36, v14;
	v52 =	vmul.f32 v30, v47;
	v31 =	vmul.f32 v15, v35  }
0xfb: {  	v25 =	vld [tilespmem:s26+$0x70];
	v58 =	vmul.f32 v49, v35;
	v30 =	vmul.f32 v39, v29;
	(v2sf) =	vpush v19, $0x7  }
0xfc: {  	v17 =	vld [tilespmem:s26+$0x30];
	v54 =	vmul.f32 v27, v29;
	v60 =	vmul.f32 v18, v35;
	v61 =	vadd.f32 v34, v31  }
0xfd: {  	v32 =	vld [tilespmem:s26+$0x10];
	v38 =	vmul.f32 v57, v29;
	v40 =	vadd.f32 v41, v58;
	v34 =	vmul.f32 v53, v29  }
0xfe: {  	v14 =	vld [tilespmem:s26+$0xF0];
	v37 =	vadd.f32 v43, v60;
	v29 =	vmul.f32 v36, v35;
	v63 =	vmul.f32 v61, v46;
	s1 =	spop (v2sf)  }
0xff: {  	s30 =	sadd.s32 $0x1, s0;
	v31 =	vld [tilespmem:s26+$0xA0];
	(v2sf) =	vpush v19, $0x5;
	[tilespmem:s1+$0x10C80] =	vst v15;
	v15 =	vmul.f32 v26, v47;
	v26 =	vmul.f32 v40, v46  }
0x100: {  	p0 =	slt.u32 s30, s25;
	v35 =	vadd.f32 v42, v29;
	v62 =	vmul.f32 v37, v46;
	v39 =	vadd.f32 v48, v63;
	[tilespmem:s1+$0x10C70] =	vst v18  }
.Ltmp8:
0x101: {  	v27 =	vmul.f32 v51, v23;
	v29 =	vmul.f32 v59, v23;
	s13 =	spop (v2sf);
	[tilespmem:s1+$0x10C90] =	vst v36;
	v42 =	vadd.f32 v50, v26;
	(pc) =	sbr.rel @!p0 .LBB2_8-.Ltmp8, $4  }
0x102: {  	v43 =	vmul.f32 v39, v33;
	[tilespmem:s1+$0x10C60] =	vst v49;
	s1 =	spop (v2sf);
	v41 =	vadd.f32 v15, v62;
	v15 =	vmul.f32 v35, v46  }
0x103: {  	v36 =	vmul.f32 v24, v13;
	(v2sf) =	vpush v19, $0x3;
	[tilespmem:s1+$0x10C60] =	vst v40;
	v24 =	vmul.f32 v42, v33  }
0x104: {  	s17 =	smov.u32 s3;
	s3 =	smov.u32 s2;
	v18 =	vmul.f32 v45, v13;
	[tilespmem:s1+$0x10C80] =	vst v61;
	v40 =	vadd.f32 v52, v15;
	v15 =	vmul.f32 v41, v33  }
0x105: {  	s2 =	smov.u32 s31;
	s31 =	sadd.s32 $0x8, s5;
	s5 =	sadd.s32 $0x8, s9;
	[tilespmem:s1+$0x10C90] =	vst v35;
	v26 =	vbroadcast v28, $0x6;
	v35 =	vadd.f32 v54, v24;
	v24 =	vbroadcast v44, $0x6  }
.LBB2_7:
0x106: {  	v28 =	vld [tilespmem:s5+$0xFFFFFFFE];
	s30 =	sadd.s32 $0x1, s30;
	v44 =	vmul.f32 v32, v23;
	v38 =	vadd.f32 v38, v15;
	v33 =	vmul.f32 v40, v33;
	s26 =	sadd.s32 $0x200, s26;
	s29 =	sadd.s32 $0x8, s29  }
0x107: {  	v45 =	vld [tilespmem:s26+$0xFFFFFF00];
	p0 =	slt.u32 s30, s25;
	v21 =	vmul.f32 v21, v26;
	v46 =	vmul.f32 v35, v11;
	(v2sf) =	vpush v19, $0x4  }
0x108: {  	v15 =	vadd.s32 s29, v0;
	v20 =	vmul.f32 v20, v26;
	v47 =	vld [tilespmem:s26+$0xE0];
	v48 =	vmul.f32 v38, v11  }
0x109: {  	v32 =	vmul.f32 v8, v12;
	vm0 =	vge.s32 v15, v5;
	vm1 =	vlt.s32 v15, v6;
	v15 =	vld [tilespmem:s26+$0x40]  }
0x10a: {  	v49 =	vmul.f32 v25, v13;
	v50 =	vmul.f32 v31, v26;
	vm0 =	vmand vm0, vm1;
	v8 =	vld [tilespmem:s5+$0x0];
	s0 =	spop (v2sf)  }
0x10b: {  	v25 =	vmul.f32 v10, v12;
	v46 =	vadd.f32 v29, v46;
	v44 =	vadd.f32 v44, v48;
	v31 =	vld [tilespmem:s31+$0x0]  }
0x10c: {  	v17 =	vmul.f32 v17, v23;
	v10 =	vmul.f32 v22, v13;
	v48 =	vld [tilespmem:s5+$0xFFFFFFFF];
	[tilespmem:s1+$0x10C70] =	vst v37;
	(v2sf) =	vpush v19, $0x6  }
0x10d: {  	v13 =	vadd.s32 s29, v2;
	v22 =	vmul.f32 v46, v16;
	v23 =	vmul.f32 v44, v16;
	v19 =	vld [tilespmem:s26+$0xFFFFFF10];
	[tilespmem:s13+$0x10C60] =	vst v42  }
0x10e: {  	v33 =	vadd.f32 v34, v33;
	v37 =	vmul.f32 v9, v26;
	v9 =	vadd.f32 v30, v43;
	v29 =	vld [tilespmem:s26+$0xFFFFFF90];
	[tilespmem:s13+$0x10C70] =	vst v41;
	s9 =	spop (v2sf)  }
0x10f: {  	vm1 =	vge.s32 v13, v6;
	v22 =	vadd.f32 v36, v22;
	v23 =	vadd.f32 v10, v23;
	v30 =	vld [tilespmem:s26+$0xFFFFFF80];
	[tilespmem:s13+$0x10C80] =	vst v39  }
0x110: {  	v14 =	vmul.f32 v14, v12;
	v12 =	vmul.f32 v9, v11;
	v26 =	vnsel vm0, $0x0, v31;
	v31 =	vld [tilespmem:s26+$0xFFFFFFC0];
	[tilespmem:s13+$0x10C90] =	vst v40  }
0x111: {  	vm2 =	veq.s32 v48, v28;
	v34 =	vbroadcast v26, $0x0;
	v36 =	vld [tilespmem:s26+$0xFFFFFF30];
	v13 =	vbroadcast v26, $0x5  }
0x112: {  	v39 =	vmul.f32 v23, v24;
	v28 =	vsel vm2, $0x3F800000, v1;
	vm2 =	vne.s32 v48, v8;
	v8 =	vld [tilespmem:s26+$0xD0];
	s1 =	spop (v2sf)  }
0x113: {  	v27 =	vadd.f32 v27, v12;
	v40 =	vmul.f32 v34, v45;
	v10 =	vld [tilespmem:s26+$0xC0];
	v41 =	vbroadcast v28, $0x4;
	[tilespmem:s1+$0x10C80] =	vst v9  }
0x114: {  	v12 =	vsub.s32 v48, v3;
	v42 =	vmul.f32 v19, v34;
	v43 =	vbroadcast v28, $0x0;
	v9 =	vld [tilespmem:s26+$0xB0];
	[tilespmem:s1+$0x10C90] =	vst v33  }
0x115: {  	vm1 =	vmor vm1, vm2;
	v19 =	vmul.f32 v33, v11;
	v33 =	vmul.f32 v22, v24;
	v45 =	vld [tilespmem:s26+$0xFFFFFF20];
	[tilespmem:s1+$0x10C60] =	vst v35;
	v11 =	vmovc v41  }
0x116: {  	vm0 =	vmand vm1, vm0;
	v35 =	vbroadcast v28, $0x1;
	v41 =	vld [tilespmem:s26+$0xFFFFFF50];
	[tilespmem:s1+$0x10C70] =	vst v38;
	v38 =	vadd.f32 v20, v39;
	s1 =	spop (v2sf)  }
0x117: {  	v12 =	vnsel vm0, $0x200, v12;
	v17 =	vadd.f32 v17, v19;
	v36 =	vmul.f32 v36, v34;
	v39 =	vld [tilespmem:s26+$0xFFFFFFA0];
	[tilespmem:s1+$0x10C60] =	vst v46  }
0x118: {  	v19 =	vshll.u32 v12, $0x8;
	v20 =	vmul.f32 v27, v16;
	v33 =	vadd.f32 v21, v33;
	v46 =	vld [tilespmem:s26+$0xFFFFFF40];
	[tilespmem:s1+$0x10C70] =	vst v44  }
0x119: {  	v12 =	vbroadcast v26, $0x7;
	v19 =	vshra.s32 v19, $0x2;
	v16 =	vmul.f32 v17, v16;
	v44 =	vld [tilespmem:s26+$0xFFFFFF70];
	[tilespmem:s1+$0x10C90] =	vst v17  }
0x11a: {  	v51 =	vbroadcast v28, $0x7;
	v17 =	vadd.f32 v18, v20;
	v48 =	vld [tilespmem:s26+$0xFFFFFFE0];
	(v2sf) =	vpush v19, $0x0;
	[tilespmem:s1+$0x10C80] =	vst v27  }
0x11b: {  	v47 =	vmul.f32 v47, v12;
	v18 =	vbroadcast v26, $0x1;
	v16 =	vadd.f32 v49, v16;
	v27 =	vld [tilespmem:s26+$0xFFFFFF60];
	[tilespmem:s9+$0x10C60] =	vst v22;
	s1 =	spop (v2sf)  }
0x11c: {  	v34 =	vmul.f32 v45, v34;
	v20 =	vld [tilespmem:s26+$0x90];
	(v2sf) =	vpush v19, $0x2;
	[tilespmem:s9+$0x10C80] =	vst v17;
	v17 =	vmul.f32 v17, v24  }
0x11d: {  	v24 =	vmul.f32 v16, v24;
	v45 =	vmul.f32 v46, v18;
	v21 =	vld [tilespmem:s26+$0x80];
	[tilespmem:s9+$0x10C90] =	vst v16  }
0x11e: {  	v16 =	vmul.f32 v33, v4;
	v44 =	vmul.f32 v44, v18;
	v46 =	vld [tilespmem:s26+$0x60];
	[tilespmem:s9+$0x10C70] =	vst v23;
	v23 =	vadd.f32 v50, v17  }
0x11f: {  	v49 =	vbroadcast v28, $0x2;
	v41 =	vmul.f32 v41, v18;
	v22 =	vld [tilespmem:s26+$0x50];
	(v2sf) =	vpush v19, $0x1;
	[tilespmem:s1+$0x10C60] =	vst v33  }
0x120: {  	v18 =	vmul.f32 v27, v18;
	v17 =	vld [tilespmem:s26+$0x30];
	[tilespmem:s1+$0x10C80] =	vst v23;
	v27 =	vadd.f32 v25, v16;
	v25 =	vmul.f32 v38, v4  }
0x121: {  	v24 =	vadd.f32 v37, v24;
	v16 =	vbroadcast v28, $0x5;
	v33 =	vmul.f32 v23, v4;
	v50 =	vld [tilespmem:s26+$0xFFFFFFD0];
	[tilespmem:s1+$0x10C70] =	vst v38  }
0x122: {  	v52 =	vbroadcast v26, $0x2;
	v37 =	vld [tilespmem:s26+$0xFFFFFFB0];
	v38 =	vmul.f32 v43, v27;
	v53 =	vadd.f32 v32, v25  }
0x123: {  	v23 =	vbroadcast v26, $0x4;
	v57 =	vadd.f32 v7, v33;
	v25 =	vld [tilespmem:s26+$0x70];
	[tilespmem:s1+$0x10C90] =	vst v24;
	v24 =	vmul.f32 v24, v4;
	v4 =	vmovc v51  }
0x124: {  	v39 =	vmul.f32 v39, v52;
	v51 =	vld [tilespmem:s26+$0x0];
	v40 =	vadd.f32 v40, v38;
	v38 =	vmul.f32 v43, v53;
	[tilespmem:s0+$0x10C60] =	vst v27  }
0x125: {  	v54 =	vmul.f32 v30, v52;
	v27 =	vmul.f32 v43, v57;
	v32 =	vld [tilespmem:s26+$0x10];
	v24 =	vadd.f32 v14, v24;
	[tilespmem:s0+$0x10C80] =	vst v57  }
0x126: {  	v55 =	vbroadcast v26, $0x3;
	v33 =	vbroadcast v28, $0x3;
	v7 =	vmov v47;
	v56 =	vld [tilespmem:s26+$0x20];
	[tilespmem:s0+$0x10C70] =	vst v53  }
0x127: {  	v27 =	vadd.f32 v34, v27;
	v34 =	vmul.f32 v40, v35;
	v47 =	vmul.f32 v37, v52;
	v37 =	vld [tilespmem:s26+$0xFFFFFFF0];
	[tilespmem:s0+$0x10C90] =	vst v24  }
0x128: {  	v30 =	vmul.f32 v48, v55;
	v42 =	vadd.f32 v42, v38;
	v24 =	vmul.f32 v43, v24;
	v14 =	vld [tilespmem:s26+$0xF0]  }
0x129: {  	v48 =	vmul.f32 v31, v55;
	v43 =	vmul.f32 v27, v35;
	v31 =	vld [tilespmem:s26+$0xA0];
	s0 =	spop (v2sf);
	(v2sf) =	vpush v19, $0x7  }
0x12a: {  	v38 =	vmul.f32 v50, v55;
	v24 =	vadd.f32 v36, v24;
	v36 =	vmul.f32 v42, v35;
	[tilespmem:s0+$0x10C80] =	vst v27  }
0x12b: {  	v43 =	vadd.f32 v18, v43;
	v27 =	vmul.f32 v56, v23;
	[tilespmem:s0+$0x10C70] =	vst v42;
	v42 =	vadd.f32 v45, v34;
	s13 =	spop (v2sf)  }
0x12c: {  	v18 =	vmul.f32 v24, v35;
	v34 =	vmul.f32 v37, v55;
	[tilespmem:s0+$0x10C90] =	vst v24;
	v37 =	vadd.f32 v41, v36  }
0x12d: {  	v24 =	vmul.f32 v29, v52;
	[tilespmem:s0+$0x10C60] =	vst v40;
	v35 =	vmul.f32 v42, v49;
	(v2sf) =	vpush v19, $0x5  }
0x12e: {  	v40 =	vadd.f32 v44, v18;
	v44 =	vmul.f32 v43, v49;
	v36 =	vmul.f32 v37, v49;
	s1 =	spop (v2sf)  }
.Ltmp9:
0x12f: {  	v29 =	vmul.f32 v51, v23;
	v18 =	vmul.f32 v46, v13;
	[tilespmem:s1+$0x10C60] =	vst v42;
	v42 =	vadd.f32 v54, v35;
	(pc) =	sbr.rel @p0 .LBB2_7-.Ltmp9, $4  }
0x130: {  	v39 =	vadd.f32 v39, v44;
	[tilespmem:s1+$0x10C80] =	vst v43;
	v41 =	vadd.f32 v24, v36;
	v24 =	vmul.f32 v40, v49  }
0x131: {  	v36 =	vmul.f32 v15, v13;
	[tilespmem:s1+$0x10C90] =	vst v40;
	v35 =	vmul.f32 v42, v33;
	(v2sf) =	vpush v19, $0x3  }
0x132: {  	v43 =	vmul.f32 v39, v33;
	v40 =	vadd.f32 v47, v24;
	v15 =	vmul.f32 v41, v33  }
0x133: {  	s31 =	sadd.s32 $0x8, s31;
	s5 =	sadd.s32 $0x8, s5;
	v26 =	vbroadcast v26, $0x6;
	v24 =	vbroadcast v28, $0x6;
	v35 =	vadd.f32 v48, v35  }
.LBB2_8:
0x134: {  	_ = 	snop  }
0x135: {  	(v2sf) =	vpush v19, $0x4;
	_ =	sdelay $0x6  }
0x136: {  	[tilespmem:s1+$0x10C70] =	vst v37  }
0x137: {  	(v2sf) =	vpush v19, $0x6;
	[tilespmem:s13+$0x10C60] =	vst v42  }
0x138: {  	v5 =	vmul.f32 v40, v33;
	[tilespmem:s13+$0x10C70] =	vst v41;
	s0 =	spop (v2sf)  }
0x139: {  	v6 =	vadd.f32 v30, v43;
	[tilespmem:s13+$0x10C80] =	vst v39;
	s26 =	spop (v2sf)  }
0x13a: {  	v15 =	vadd.f32 v38, v15;
	[tilespmem:s13+$0x10C90] =	vst v40;
	v28 =	vmul.f32 v35, v11;
	v5 =	vadd.f32 v34, v5;
	s5 =	spop (v2sf)  }
0x13b: {  	v17 =	vmul.f32 v17, v23;
	[tilespmem:s5+$0x10C80] =	vst v6  }
0x13c: {  	v19 =	vmul.f32 v32, v23;
	v58 =	vmul.f32 v15, v11;
	v28 =	vadd.f32 v29, v28;
	[tilespmem:s5+$0x10C90] =	vst v5  }
0x13d: {  	v6 =	vmul.f32 v6, v11;
	[tilespmem:s5+$0x10C60] =	vst v35;
	v5 =	vmul.f32 v5, v11  }
0x13e: {  	v59 =	vadd.f32 v19, v58;
	v19 =	vmul.f32 v28, v16;
	[tilespmem:s5+$0x10C70] =	vst v15;
	s29 =	spop (v2sf)  }
0x13f: {  	v15 =	vmul.f32 v25, v13;
	v6 =	vadd.f32 v27, v6;
	v5 =	vadd.f32 v17, v5;
	[tilespmem:s29+$0x10C60] =	vst v28  }
0x140: {  	v13 =	vmul.f32 v22, v13;
	v11 =	vmul.f32 v59, v16;
	[tilespmem:s29+$0x10C70] =	vst v59  }
0x141: {  	v19 =	vadd.f32 v36, v19;
	v17 =	vmul.f32 v6, v16;
	[tilespmem:s29+$0x10C90] =	vst v5  }
0x142: {  	v11 =	vadd.f32 v13, v11;
	v5 =	vmul.f32 v5, v16;
	[tilespmem:s29+$0x10C80] =	vst v6  }
0x143: {  	v13 =	vmul.f32 v19, v24;
	v16 =	vmul.f32 v21, v26;
	[tilespmem:s26+$0x10C60] =	vst v19;
	v60 =	vadd.f32 v18, v17  }
0x144: {  	[tilespmem:s26+$0x10C70] =	vst v11;
	v5 =	vadd.f32 v15, v5;
	v17 =	vmul.f32 v20, v26;
	v18 =	vmul.f32 v11, v24  }
0x145: {  	v15 =	vmul.f32 v31, v26;
	v13 =	vadd.f32 v16, v13;
	[tilespmem:s26+$0x10C80] =	vst v60;
	v6 =	vmul.f32 v60, v24  }
0x146: {  	v9 =	vmul.f32 v9, v26;
	s30 =	spop (v2sf);
	[tilespmem:s26+$0x10C90] =	vst v5;
	v5 =	vmul.f32 v5, v24;
	v61 =	vadd.f32 v17, v18  }
0x147: {  	v10 =	vmul.f32 v10, v12;
	[tilespmem:s30+$0x10C60] =	vst v13;
	v6 =	vadd.f32 v15, v6;
	v15 =	vmul.f32 v13, v4  }
0x148: {  	v8 =	vmul.f32 v8, v12;
	v5 =	vadd.f32 v9, v5;
	v62 =	vmul.f32 v61, v4;
	[tilespmem:s30+$0x10C70] =	vst v61  }
0x149: {  	[tilespmem:s30+$0x10C80] =	vst v6;
	v6 =	vmul.f32 v6, v4;
	v17 =	vadd.f32 v10, v15  }
0x14a: {  	v63 =	vmul.f32 v14, v12;
	[tilespmem:s30+$0x10C90] =	vst v5;
	v4 =	vmul.f32 v5, v4;
	v18 =	vadd.f32 v8, v62  }
0x14b: {  	v15 =	vadd.f32 v7, v6;
	[tilespmem:s0+$0x10C60] =	vst v17  }
0x14c: {  	v14 =	vadd.f32 v63, v4;
	[tilespmem:s0+$0x10C70] =	vst v18  }
0x14d: {  	s31 =	smov.u32 s2;
	s2 =	smov.u32 s3;
	[tilespmem:s0+$0x10C80] =	vst v15  }
0x14e: {  	s3 =	smov.u32 s17;
	s17 =	simm.s32 $0x10410;
	s26 =	simm.s32 $0x200;
	[tilespmem:s0+$0x10C90] =	vst v14  }
.LBB2_9:
0x14f: {  	v4 =	vld [tilespmem:$0x10600];
	_ =	sdelay $0x4  }
0x150: {  	s0 =	sadd.s32 s2, s24;
	[tilespmem:$0x10620] =	vst v4  }
0x151: {  	[tilespmem:s17], [sflag:$0x3] =	stream.linear.gather [hbm4b:s0+s6], $0x200, $0x38;
	[tilespmem:$0x18CB0] =	vst v63  }
0x152: {  	s30 =	sadd.s32 s31, s24;
	s1 =	simm.s32 $0x10840  }
0x153: {  	[tilespmem:s1], [sflag:$0x3] =	stream.linear.gather [hbm4b:s30+s6], $0x200, $0x38;
	[tilespmem:$0x18CB0] =	vst v63  }
0x154: {  	_ =	swait.ge [sflag:s8], $0x200  }
0x155: {  	[sflag:s8] =	ssyncset.done $0x0  }
0x156: {  	s1 =	simm.s32 $0x400;
	[sflag:s8] =	ssyncadd.s32 $0xFFFFFE00  }
0x157: {  	[tilespmem:s1], [sflag:$0x5] =	stream.indirect.gather [hbm4b:s4+s20], $0x40, s6, s20, $0xb8;
	[tilespmem:$0x18CB0] =	vst v63  }
0x158: {  	s5 =	simm.s32 $0x2400  }
0x159: {  	[tilespmem:s5], [sflag:$0x5] =	stream.indirect.gather [hbm4b:s4+s20], $0x40, s20, s20, $0xb8;
	[tilespmem:$0x18CB0] =	vst v63  }
0x15a: {  	s9 =	simm.s32 $0x100;
	s13 =	simm.s32 $0x4400  }
0x15b: {  	[tilespmem:s13], [sflag:$0x5] =	stream.indirect.gather [hbm4b:s4+s20], $0x40, s9, s20, $0xb8;
	[tilespmem:$0x18CB0] =	vst v63  }
0x15c: {  	s24 =	simm.s32 $0x180;
	s25 =	simm.s32 $0x6400  }
0x15d: {  	[tilespmem:s25], [sflag:$0x5] =	stream.indirect.gather [hbm4b:s4+s20], $0x40, s24, s20, $0xb8;
	[tilespmem:$0x18CB0] =	vst v63  }
0x15e: {  	_ =	swait.ge [sflag:s10], $0x2000  }
0x15f: {  	[sflag:s10] =	ssyncset.done $0x0  }
0x160: {  	[sflag:s10] =	ssyncadd.s32 $0xFFFFE000  }
0x161: {  	_ =	swait.ge [sflag:s10], $0x2000  }
0x162: {  	[sflag:s10] =	ssyncset.done $0x0  }
0x163: {  	[sflag:s10] =	ssyncadd.s32 $0xFFFFE000  }
0x164: {  	s0 =	sadd.s32 $0x600, s23;
	_ =	swait.ge [sflag:s10], $0x2000  }
0x165: {  	s29 =	sadd.s32 $0x200, s23;
	p0 =	slt.s32 s0, $0x3FFE00;
	[sflag:s10] =	ssyncset.done $0x0  }
0x166: {  	s0 =	simm.s32 @!p0 $0x3FFE00;
	s1 =	ssub.s32 s14, s29;
	[sflag:s10] =	ssyncadd.s32 $0xFFFFE000  }
0x167: {  	p0 =	sgt.s32 s1, $0x0;
	p1 =	slt.s32 s1, $0x1;
	_ =	swait.ge [sflag:s10], $0x2000  }
0x168: {  	s1 =	simm.s32 @!p0 $0x0;
	s24 =	sshrl.u32 s0, $0x3;
	[sflag:s10] =	ssyncset.done $0x0  }
0x169: {  	s1 =	smin.u32 s1, $0x200;
	s0 =	sadd.s32 s3, s24;
	[sflag:s10] =	ssyncadd.s32 $0xFFFFE000  }
0x16a: {  	[tilespmem:s26], [sflag:$0x2] =	stream.linear.gather [hbm4b:s0+s6], $0x200, $0x38;
	[tilespmem:$0x18CB0] =	vst v63  }
0x16b: {  	s5 =	sand.u32 $0x7, s1;
	s0 =	ssub.s32 s18, s29  }
0x16c: {  	p2 =	sne.s32 s5, $0x0;
	p0 =	sgt.s32 s0, $0x0  }
0x16d: {  	p6 =	por !p1, !p2;
	s0 =	simm.s32 @!p0 $0x0  }
0x16e: {  	p0 =	por !p6, !p6;
	s9 =	smin.u32 s0, $0x200;
	s0 =	simm.s32 $0x1  }
0x16f: {  	s30 =	sshrl.u32 s1, $0x3;
	s0 =	simm.s32 @!p0 $0x0;
	s13 =	sadd.s32 $0x7, s9  }
0x170: {  	s0 =	ssub.s32 s30, s0;
	s23 =	sshrl.u32 s13, $0x3  }
0x171: {  	_ =	swait.ge [sflag:s11], $0x200;
	p1 =	slt.s32 s0, s23  }
.Ltmp10:
0x172: {  	[sflag:s11] =	ssyncset.done $0x0;
	(pc) =	sbr.rel @!p1 .LBB2_13-.Ltmp10, $4  }
0x173: {  	[sflag:s11] =	ssyncadd.s32 $0xFFFFFE00  }
0x174: {  	_ =	swait.ge [sflag:s11], $0x200  }
0x175: {  	[sflag:s11] =	ssyncset.done $0x0  }
0x176: {  	[sflag:s11] =	ssyncadd.s32 $0xFFFFFE00  }
0x177: {  	p1 =	sgt.s32 s22, $0x0;
	s5 =	smov.u32 s22  }
0x178: {  	s5 =	simm.s32 @!p1 $0x0  }
0x179: {  	s13 =	simm.s32 $0xFFFFFFFF;
	s5 =	smin.u32 s5, $0x200  }
0x17a: {  	s13 =	simm.s32 @!p0 $0x0;
	s5 =	sshrl.u32 s5, $0x3  }
0x17b: {  	s13 =	sadd.s32 s13, s5  }
0x17c: {  	s5 =	sshll.u32 s13, $0x5  }
0x17d: {  	s25 =	sshll.u32 s13, $0xB;
	s26 =	sshra.s32 s5, $0x2  }
0x17e: {  	v6 =	vmov s9;
	s25 =	sshra.s32 s25, $0x2;
	s9 =	sadd.s32 $0x10631, s26  }
0x17f: {  	s25 =	sadd.s32 $0x8500, s25;
	v4 =	vld [tilespmem:s9+$0xFFFFFFFE]  }
0x180: {  	v7 =	vld [tilespmem:s25+$0xFFFFFF00]  }
0x181: {  	v16 =	vld [tilespmem:s25+$0xE0]  }
0x182: {  	v24 =	vld [tilespmem:s25+$0x40]  }
0x183: {  	s5 =	sadd.s32 $0x10A50, s26;
	v9 =	vld [tilespmem:s9+$0x0]  }
0x184: {  	v11 =	vld [tilespmem:s5+$0x0]  }
0x185: {  	v12 =	vld [tilespmem:s9+$0xFFFFFFFF]  }
0x186: {  	v19 =	vld [tilespmem:s25+$0xFFFFFF10]  }
0x187: {  	v26 =	vld [tilespmem:s25+$0xFFFFFF90]  }
0x188: {  	s26 =	sshll.u32 s13, $0x3;
	v25 =	vld [tilespmem:s25+$0xFFFFFF80]  }
0x189: {  	v5 =	vmov s1;
	v27 =	vld [tilespmem:s25+$0xFFFFFFC0];
	v8 =	vadd.s32 s26, v0  }
0x18a: {  	v20 =	vld [tilespmem:s25+$0xFFFFFF30];
	v10 =	vadd.s32 s26, v2;
	vm0 =	vge.s32 v8, v5;
	vm1 =	vlt.s32 v8, v6  }
0x18b: {  	v22 =	vld [tilespmem:s25+$0xFFFFFF20];
	vm14 =	vge.s32 v10, v6;
	vm0 =	vmand vm0, vm1;
	vm2 =	vne.s32 v12, v9  }
0x18c: {  	v23 =	vld [tilespmem:s25+$0xFFFFFF50];
	v28 =	vnsel vm0, $0x0, v11;
	vm15 =	veq.s32 v12, v4;
	v4 =	vsub.s32 v12, v3  }
0x18d: {  	v30 =	vld [tilespmem:s25+$0xFFFFFF40];
	vm1 =	vmor vm14, vm2;
	v21 =	vbroadcast v28, $0x0;
	v13 =	vbroadcast v28, $0x5  }
0x18e: {  	v33 =	vld [tilespmem:s25+$0xFFFFFF70];
	v44 =	vsel vm15, $0x3F800000, v1;
	v12 =	vbroadcast v28, $0x7;
	vm0 =	vmand vm1, vm0  }
0x18f: {  	v34 =	vld [tilespmem:s25+$0xFFFFFF60];
	v38 =	vbroadcast v28, $0x1;
	v47 =	vbroadcast v28, $0x2;
	v4 =	vnsel vm0, $0x200, v4  }
0x190: {  	v37 =	vld [tilespmem:s25+$0xFFFFFFA0];
	v11 =	vbroadcast v44, $0x4;
	v32 =	vbroadcast v44, $0x0;
	v4 =	vshll.u32 v4, $0x8  }
0x191: {  	v39 =	vld [tilespmem:s25+$0xFFFFFFE0];
	v35 =	vbroadcast v44, $0x1;
	v31 =	vmul.f32 v19, v21;
	v19 =	vshra.s32 v4, $0x2  }
0x192: {  	v45 =	vld [tilespmem:s25+$0x60];
	v46 =	vbroadcast v44, $0x2;
	v29 =	vmul.f32 v21, v7;
	(v2sf) =	vpush v19, $0x0  }
0x193: {  	v57 =	vld [tilespmem:s25+$0xFFFFFFD0];
	v36 =	vmul.f32 v20, v21;
	v7 =	vmul.f32 v16, v12  }
0x194: {  	v51 =	vld [tilespmem:s25+$0x20];
	v40 =	vmul.f32 v22, v21;
	v41 =	vmul.f32 v30, v38  }
0x195: {  	v53 =	vld [tilespmem:s25+$0xFFFFFFF0];
	v42 =	vmul.f32 v33, v38;
	v43 =	vmul.f32 v23, v38;
	(v2sf) =	vpush v19, $0x2  }
0x196: {  	v59 =	vld [tilespmem:s25+$0x0];
	v34 =	vmul.f32 v34, v38;
	v16 =	vbroadcast v44, $0x5;
	(v2sf) =	vpush v19, $0x1  }
0x197: {  	v8 =	vld [tilespmem:s25+$0xD0];
	v23 =	vbroadcast v28, $0x4;
	v15 =	vmul.f32 v32, v15  }
0x198: {  	v30 =	vld [tilespmem:s25+$0xFFFFFFB0];
	v48 =	vmul.f32 v37, v47;
	v50 =	vmul.f32 v25, v47  }
0x199: {  	v10 =	vld [tilespmem:s25+$0xC0];
	v56 =	vmul.f32 v32, v17;
	v18 =	vmul.f32 v32, v18;
	v15 =	vadd.f32 v40, v15  }
0x19a: {  	v9 =	vld [tilespmem:s25+$0xB0];
	v33 =	vbroadcast v44, $0x3;
	v14 =	vmul.f32 v32, v14  }
0x19b: {  	v20 =	vld [tilespmem:s25+$0x90];
	v49 =	vadd.f32 v29, v56;
	v18 =	vadd.f32 v31, v18;
	v31 =	vmul.f32 v15, v35  }
0x19c: {  	v21 =	vld [tilespmem:s25+$0x80];
	v4 =	vbroadcast v44, $0x7;
	v29 =	vbroadcast v28, $0x3  }
0x19d: {  	v22 =	vld [tilespmem:s25+$0x50];
	v52 =	vmul.f32 v30, v47;
	v58 =	vmul.f32 v49, v35;
	v61 =	vadd.f32 v34, v31  }
0x19e: {  	v25 =	vld [tilespmem:s25+$0x70];
	v30 =	vmul.f32 v39, v29;
	v54 =	vmul.f32 v27, v29;
	(v2sf) =	vpush v19, $0x7  }
0x19f: {  	v17 =	vld [tilespmem:s25+$0x30];
	v36 =	vadd.f32 v36, v14;
	v60 =	vmul.f32 v18, v35;
	v63 =	vmul.f32 v61, v46  }
0x1a0: {  	v32 =	vld [tilespmem:s25+$0x10];
	v38 =	vmul.f32 v57, v29;
	v40 =	vadd.f32 v41, v58;
	v34 =	vmul.f32 v53, v29  }
0x1a1: {  	v14 =	vld [tilespmem:s25+$0xF0];
	v37 =	vadd.f32 v43, v60;
	v29 =	vmul.f32 v36, v35;
	v39 =	vadd.f32 v48, v63;
	s1 =	spop (v2sf)  }
0x1a2: {  	s29 =	sadd.s32 $0x1, s0;
	v31 =	vld [tilespmem:s25+$0xA0];
	(v2sf) =	vpush v19, $0x5;
	[tilespmem:s1+$0x10C80] =	vst v15;
	v15 =	vmul.f32 v26, v47;
	v26 =	vmul.f32 v40, v46  }
0x1a3: {  	p0 =	slt.u32 s29, s23;
	v27 =	vmul.f32 v51, v23;
	v35 =	vadd.f32 v42, v29;
	v62 =	vmul.f32 v37, v46;
	[tilespmem:s1+$0x10C70] =	vst v18  }
.Ltmp11:
0x1a4: {  	v29 =	vmul.f32 v59, v23;
	v43 =	vmul.f32 v39, v33;
	s13 =	spop (v2sf);
	[tilespmem:s1+$0x10C90] =	vst v36;
	v42 =	vadd.f32 v50, v26;
	(pc) =	sbr.rel @!p0 .LBB2_12-.Ltmp11, $4  }
0x1a5: {  	[tilespmem:s1+$0x10C60] =	vst v49;
	(v2sf) =	vpush v19, $0x3;
	s1 =	spop (v2sf);
	v41 =	vadd.f32 v15, v62;
	v15 =	vmul.f32 v35, v46  }
0x1a6: {  	v36 =	vmul.f32 v24, v13;
	[tilespmem:s1+$0x10C60] =	vst v40;
	v24 =	vmul.f32 v42, v33  }
0x1a7: {  	v18 =	vmul.f32 v45, v13;
	[tilespmem:s1+$0x10C80] =	vst v61;
	v40 =	vadd.f32 v52, v15;
	v15 =	vmul.f32 v41, v33  }
0x1a8: {  	s30 =	sadd.s32 $0x8, s5;
	s5 =	sadd.s32 $0x8, s9;
	[tilespmem:s1+$0x10C90] =	vst v35;
	v26 =	vbroadcast v28, $0x6;
	v35 =	vadd.f32 v54, v24;
	v24 =	vbroadcast v44, $0x6  }
.LBB2_11:
0x1a9: {  	v28 =	vld [tilespmem:s5+$0xFFFFFFFE];
	s29 =	sadd.s32 $0x1, s29;
	v44 =	vmul.f32 v32, v23;
	v38 =	vadd.f32 v38, v15;
	v33 =	vmul.f32 v40, v33;
	s25 =	sadd.s32 $0x200, s25;
	s26 =	sadd.s32 $0x8, s26  }
0x1aa: {  	v21 =	vmul.f32 v21, v26;
	v46 =	vmul.f32 v35, v11;
	v45 =	vld [tilespmem:s25+$0xFFFFFF00];
	p0 =	slt.u32 s29, s23;
	(v2sf) =	vpush v19, $0x4  }
0x1ab: {  	v20 =	vmul.f32 v20, v26;
	v15 =	vadd.s32 s26, v0;
	v47 =	vld [tilespmem:s25+$0xE0];
	v48 =	vmul.f32 v38, v11  }
0x1ac: {  	v32 =	vmul.f32 v8, v12;
	vm0 =	vge.s32 v15, v5;
	vm1 =	vlt.s32 v15, v6;
	v15 =	vld [tilespmem:s25+$0x40]  }
0x1ad: {  	v49 =	vmul.f32 v25, v13;
	v50 =	vmul.f32 v31, v26;
	vm0 =	vmand vm0, vm1;
	v8 =	vld [tilespmem:s5+$0x0];
	s0 =	spop (v2sf)  }
0x1ae: {  	v25 =	vmul.f32 v10, v12;
	v46 =	vadd.f32 v29, v46;
	v44 =	vadd.f32 v44, v48;
	v31 =	vld [tilespmem:s30+$0x0]  }
0x1af: {  	v17 =	vmul.f32 v17, v23;
	v10 =	vmul.f32 v22, v13;
	v48 =	vld [tilespmem:s5+$0xFFFFFFFF];
	[tilespmem:s1+$0x10C70] =	vst v37;
	(v2sf) =	vpush v19, $0x6  }
0x1b0: {  	v13 =	vadd.s32 s26, v2;
	v22 =	vmul.f32 v46, v16;
	v23 =	vmul.f32 v44, v16;
	v19 =	vld [tilespmem:s25+$0xFFFFFF10];
	[tilespmem:s13+$0x10C60] =	vst v42  }
0x1b1: {  	v33 =	vadd.f32 v34, v33;
	v37 =	vmul.f32 v9, v26;
	v9 =	vadd.f32 v30, v43;
	v29 =	vld [tilespmem:s25+$0xFFFFFF90];
	[tilespmem:s13+$0x10C70] =	vst v41;
	s9 =	spop (v2sf)  }
0x1b2: {  	vm1 =	vge.s32 v13, v6;
	v22 =	vadd.f32 v36, v22;
	v23 =	vadd.f32 v10, v23;
	v30 =	vld [tilespmem:s25+$0xFFFFFF80];
	[tilespmem:s13+$0x10C80] =	vst v39  }
0x1b3: {  	v14 =	vmul.f32 v14, v12;
	v12 =	vmul.f32 v9, v11;
	v26 =	vnsel vm0, $0x0, v31;
	v31 =	vld [tilespmem:s25+$0xFFFFFFC0];
	[tilespmem:s13+$0x10C90] =	vst v40  }
0x1b4: {  	vm2 =	veq.s32 v48, v28;
	v34 =	vbroadcast v26, $0x0;
	v36 =	vld [tilespmem:s25+$0xFFFFFF30];
	v13 =	vbroadcast v26, $0x5  }
0x1b5: {  	v39 =	vmul.f32 v23, v24;
	v28 =	vsel vm2, $0x3F800000, v1;
	vm2 =	vne.s32 v48, v8;
	v8 =	vld [tilespmem:s25+$0xD0];
	s1 =	spop (v2sf)  }
0x1b6: {  	v27 =	vadd.f32 v27, v12;
	v40 =	vmul.f32 v34, v45;
	v10 =	vld [tilespmem:s25+$0xC0];
	v41 =	vbroadcast v28, $0x4;
	[tilespmem:s1+$0x10C80] =	vst v9  }
0x1b7: {  	v12 =	vsub.s32 v48, v3;
	v42 =	vmul.f32 v19, v34;
	v43 =	vbroadcast v28, $0x0;
	v9 =	vld [tilespmem:s25+$0xB0];
	[tilespmem:s1+$0x10C90] =	vst v33  }
0x1b8: {  	vm1 =	vmor vm1, vm2;
	v19 =	vmul.f32 v33, v11;
	v33 =	vmul.f32 v22, v24;
	v45 =	vld [tilespmem:s25+$0xFFFFFF20];
	[tilespmem:s1+$0x10C60] =	vst v35;
	v11 =	vmovc v41  }
0x1b9: {  	vm0 =	vmand vm1, vm0;
	v35 =	vbroadcast v28, $0x1;
	v41 =	vld [tilespmem:s25+$0xFFFFFF50];
	[tilespmem:s1+$0x10C70] =	vst v38;
	v38 =	vadd.f32 v20, v39;
	s1 =	spop (v2sf)  }
0x1ba: {  	v12 =	vnsel vm0, $0x200, v12;
	v17 =	vadd.f32 v17, v19;
	v36 =	vmul.f32 v36, v34;
	v39 =	vld [tilespmem:s25+$0xFFFFFFA0];
	[tilespmem:s1+$0x10C60] =	vst v46  }
0x1bb: {  	v19 =	vshll.u32 v12, $0x8;
	v20 =	vmul.f32 v27, v16;
	v33 =	vadd.f32 v21, v33;
	v46 =	vld [tilespmem:s25+$0xFFFFFF40];
	[tilespmem:s1+$0x10C70] =	vst v44  }
0x1bc: {  	v12 =	vbroadcast v26, $0x7;
	v19 =	vshra.s32 v19, $0x2;
	v16 =	vmul.f32 v17, v16;
	v44 =	vld [tilespmem:s25+$0xFFFFFF70];
	[tilespmem:s1+$0x10C90] =	vst v17  }
0x1bd: {  	v51 =	vbroadcast v28, $0x7;
	v17 =	vadd.f32 v18, v20;
	v48 =	vld [tilespmem:s25+$0xFFFFFFE0];
	(v2sf) =	vpush v19, $0x0;
	[tilespmem:s1+$0x10C80] =	vst v27  }
0x1be: {  	v47 =	vmul.f32 v47, v12;
	v18 =	vbroadcast v26, $0x1;
	v16 =	vadd.f32 v49, v16;
	v27 =	vld [tilespmem:s25+$0xFFFFFF60];
	[tilespmem:s9+$0x10C60] =	vst v22;
	s1 =	spop (v2sf)  }
0x1bf: {  	v34 =	vmul.f32 v45, v34;
	v20 =	vld [tilespmem:s25+$0x90];
	(v2sf) =	vpush v19, $0x2;
	[tilespmem:s9+$0x10C80] =	vst v17;
	v17 =	vmul.f32 v17, v24  }
0x1c0: {  	v24 =	vmul.f32 v16, v24;
	v45 =	vmul.f32 v46, v18;
	v21 =	vld [tilespmem:s25+$0x80];
	[tilespmem:s9+$0x10C90] =	vst v16  }
0x1c1: {  	v16 =	vmul.f32 v33, v4;
	v44 =	vmul.f32 v44, v18;
	v46 =	vld [tilespmem:s25+$0x60];
	[tilespmem:s9+$0x10C70] =	vst v23;
	v23 =	vadd.f32 v50, v17  }
0x1c2: {  	v49 =	vbroadcast v28, $0x2;
	v41 =	vmul.f32 v41, v18;
	v22 =	vld [tilespmem:s25+$0x50];
	(v2sf) =	vpush v19, $0x1;
	[tilespmem:s1+$0x10C60] =	vst v33  }
0x1c3: {  	v18 =	vmul.f32 v27, v18;
	v17 =	vld [tilespmem:s25+$0x30];
	[tilespmem:s1+$0x10C80] =	vst v23;
	v27 =	vadd.f32 v25, v16;
	v25 =	vmul.f32 v38, v4  }
0x1c4: {  	v24 =	vadd.f32 v37, v24;
	v16 =	vbroadcast v28, $0x5;
	v33 =	vmul.f32 v23, v4;
	v50 =	vld [tilespmem:s25+$0xFFFFFFD0];
	[tilespmem:s1+$0x10C70] =	vst v38  }
0x1c5: {  	v52 =	vbroadcast v26, $0x2;
	v37 =	vld [tilespmem:s25+$0xFFFFFFB0];
	v38 =	vmul.f32 v43, v27;
	v53 =	vadd.f32 v32, v25  }
0x1c6: {  	v23 =	vbroadcast v26, $0x4;
	v57 =	vadd.f32 v7, v33;
	v25 =	vld [tilespmem:s25+$0x70];
	[tilespmem:s1+$0x10C90] =	vst v24;
	v24 =	vmul.f32 v24, v4;
	v4 =	vmovc v51  }
0x1c7: {  	v39 =	vmul.f32 v39, v52;
	v51 =	vld [tilespmem:s25+$0x0];
	v40 =	vadd.f32 v40, v38;
	v38 =	vmul.f32 v43, v53;
	[tilespmem:s0+$0x10C60] =	vst v27  }
0x1c8: {  	v54 =	vmul.f32 v30, v52;
	v27 =	vmul.f32 v43, v57;
	v32 =	vld [tilespmem:s25+$0x10];
	v24 =	vadd.f32 v14, v24;
	[tilespmem:s0+$0x10C80] =	vst v57  }
0x1c9: {  	v55 =	vbroadcast v26, $0x3;
	v33 =	vbroadcast v28, $0x3;
	v7 =	vmov v47;
	v56 =	vld [tilespmem:s25+$0x20];
	[tilespmem:s0+$0x10C70] =	vst v53  }
0x1ca: {  	v27 =	vadd.f32 v34, v27;
	v34 =	vmul.f32 v40, v35;
	v47 =	vmul.f32 v37, v52;
	v37 =	vld [tilespmem:s25+$0xFFFFFFF0];
	[tilespmem:s0+$0x10C90] =	vst v24  }
0x1cb: {  	v30 =	vmul.f32 v48, v55;
	v42 =	vadd.f32 v42, v38;
	v24 =	vmul.f32 v43, v24;
	v14 =	vld [tilespmem:s25+$0xF0]  }
0x1cc: {  	v48 =	vmul.f32 v31, v55;
	v43 =	vmul.f32 v27, v35;
	v31 =	vld [tilespmem:s25+$0xA0];
	s0 =	spop (v2sf);
	(v2sf) =	vpush v19, $0x7  }
0x1cd: {  	v38 =	vmul.f32 v50, v55;
	v24 =	vadd.f32 v36, v24;
	v36 =	vmul.f32 v42, v35;
	[tilespmem:s0+$0x10C80] =	vst v27  }
0x1ce: {  	v43 =	vadd.f32 v18, v43;
	v27 =	vmul.f32 v56, v23;
	[tilespmem:s0+$0x10C70] =	vst v42;
	v42 =	vadd.f32 v45, v34;
	s13 =	spop (v2sf)  }
0x1cf: {  	v18 =	vmul.f32 v24, v35;
	v34 =	vmul.f32 v37, v55;
	[tilespmem:s0+$0x10C90] =	vst v24;
	v37 =	vadd.f32 v41, v36  }
0x1d0: {  	v24 =	vmul.f32 v29, v52;
	[tilespmem:s0+$0x10C60] =	vst v40;
	v35 =	vmul.f32 v42, v49;
	(v2sf) =	vpush v19, $0x5  }
0x1d1: {  	v40 =	vadd.f32 v44, v18;
	v44 =	vmul.f32 v43, v49;
	v36 =	vmul.f32 v37, v49;
	s1 =	spop (v2sf)  }
.Ltmp12:
0x1d2: {  	v29 =	vmul.f32 v51, v23;
	v18 =	vmul.f32 v46, v13;
	[tilespmem:s1+$0x10C60] =	vst v42;
	v42 =	vadd.f32 v54, v35;
	(pc) =	sbr.rel @p0 .LBB2_11-.Ltmp12, $4  }
0x1d3: {  	v39 =	vadd.f32 v39, v44;
	[tilespmem:s1+$0x10C80] =	vst v43;
	v41 =	vadd.f32 v24, v36;
	v24 =	vmul.f32 v40, v49  }
0x1d4: {  	v36 =	vmul.f32 v15, v13;
	[tilespmem:s1+$0x10C90] =	vst v40;
	v35 =	vmul.f32 v42, v33;
	(v2sf) =	vpush v19, $0x3  }
0x1d5: {  	v43 =	vmul.f32 v39, v33;
	v40 =	vadd.f32 v47, v24;
	v15 =	vmul.f32 v41, v33  }
0x1d6: {  	s30 =	sadd.s32 $0x8, s30;
	s5 =	sadd.s32 $0x8, s5;
	v26 =	vbroadcast v26, $0x6;
	v24 =	vbroadcast v28, $0x6;
	v35 =	vadd.f32 v48, v35  }
.Ltmp13:
0x1d7: {  	_ = 	snop;
	(pc) =	sbr.rel .LBB2_12-.Ltmp13, $1  }
0x1d8: {  	_ =	sdelay $0x3  }
.LBB2_16:
0x1d9: {  	_ =	sfence.sel $0x180000  }
0x1da: {  	[bflag:$0x0] =	sbarrier.arrive $0xFFFF  }
0x1db: {  	_ =	strace $0x90000047  }
0x1dc: {  	s0 =	stileid.u32;
	[bflag:$0x2] =	sbarrier.arrive $0xFFFF  }
0x1dd: {  	p0 =	sne.s32 s0, $0x0;
	s0 =	rddreg [dreg:$0x6]  }
0x1de: {  	s0 =	sadd.s32 @!p0 $0x100000, s0  }
0x1df: {  	[sflag:s0] =	ssyncadd.tile.s32 @!p0 $0x1;
	_ =	shalt  }
.Lfunc_end2:
_tile_overlayer_lowered:
.L_overlay_start_2:
0x1e0: {  	(tag) =	ssettag $0x2  }
0x1e1: {  	s0 =	rddreg [dreg:$0x0];
	s2 =	stileid.u32  }
0x1e2: {  	s1 =	rddreg [dreg:$0x1];
	p0 =	sne.s32 s2, $0x0  }
0x1e3: {  	s3 =	rddreg [dreg:$0x2];
	[bflag:$0x3] =	sbarrier.arrive $0xFFFF;
	s2 =	simm.s32 @!p0 $0x1C07  }
0x1e4: {  	[timem:s3], [sflag:s2] =	dma.local @!p0 [hbm:s0], s1  }
0x1e5: {  	s0 =	simm.s32 @!p0 $0x7  }
0x1e6: {  	_ =	swait.ge @!p0 [sflag:s0], s1  }
0x1e7: {  	s1 =	ssub.s32 @!p0 $0x0, s1;
	[sflag:s0] =	ssyncset.done @!p0 $0x0  }
0x1e8: {  	[sflag:s0] =	ssyncadd.s32 @!p0 s1  }
0x1e9: {  	[bflag:$0x3] =	sbarrier.arrive $0xFFFF  }
0x1ea: {  	_ =	shalt  }

</sc_bundles>
